<compile_context>
chip_gen: v7x
topology: tpu7x:2x2x1
jax: 0.10.2.dev20260603
libtpu: 0.0.44.dev20260713+nightly
codegen_flags: <defaults>
</compile_context>

<pallas_src>
import functools

import jax
import jax.numpy as jnp
from jax import lax
from jax.experimental import pallas as pl
from jax.experimental.pallas import tpu as pltpu
from jax.experimental.pallas import tpu_sc as plsc

T = 2048
D = 1024
DFF = 4096
E = 8
TOPK = 2

BLK = 512
NPAD = T * TOPK + E * BLK
NB = NPAD // BLK

_info = plsc.get_sparse_core_info()
_NC, _NS = _info.num_cores, _info.num_subcores
NW = _NC * _NS

GCHUNK = 64
GROWS = NPAD // NW
CCHUNK = 32
TOKW = T // NW


def _sc_gather(src_token3d, input_batch):
    mesh = plsc.VectorSubcoreMesh(core_axis_name="c", subcore_axis_name="s")
    nchunk = GROWS // GCHUNK

    @functools.partial(
        pl.kernel, mesh=mesh,
        out_type=jax.ShapeDtypeStruct((NPAD, D), jnp.float32),
        scratch_types=[
            pltpu.VMEM((nchunk, GCHUNK), jnp.int32),
            pltpu.VMEM((GCHUNK, D), jnp.float32),
            pltpu.SemaphoreType.DMA,
        ],
    )
    def k(tok_hbm, inp_hbm, out_hbm, idx_v, rows_v, sem):
        wid = lax.axis_index("s") * _NC + lax.axis_index("c")
        pltpu.sync_copy(tok_hbm.at[wid], idx_v)
        for c in range(nchunk):
            pltpu.async_copy(inp_hbm.at[idx_v.at[c]], rows_v, sem).wait()
            pltpu.sync_copy(
                rows_v, out_hbm.at[pl.ds(wid * GROWS + c * GCHUNK, GCHUNK)])

    return k(src_token3d, input_batch)


def _tc_expert_mlp(block_expert, block_active, x_sorted, prob_col, w1, w2):

    FJ = 4
    FB = DFF // FJ

    def body(be_ref, act_ref, x_ref, p_ref, w1_ref, w2_ref, out_ref):
        i = pl.program_id(0)
        j = pl.program_id(1)

        @pl.when(act_ref[i] == 1)
        def _():
            xs = (x_ref[...] * p_ref[...]).astype(jnp.bfloat16)
            h = jnp.dot(xs, w1_ref[0].astype(jnp.bfloat16),
                        preferred_element_type=jnp.float32)
            h = jnp.maximum(h, 0.0).astype(jnp.bfloat16)
            part = jnp.dot(h, w2_ref[0].astype(jnp.bfloat16),
                           preferred_element_type=jnp.float32)

            @pl.when(j == 0)
            def _():
                out_ref[...] = part

            @pl.when(j != 0)
            def _():
                out_ref[...] += part

    def _jj(i, j):
        return jnp.where(i % 2 == 0, j, FJ - 1 - j)

    grid_spec = pltpu.PrefetchScalarGridSpec(
        num_scalar_prefetch=2,
        grid=(NB, FJ),
        in_specs=[
            pl.BlockSpec((BLK, D), lambda i, j, be, act: (i, 0)),
            pl.BlockSpec((BLK, 1), lambda i, j, be, act: (i, 0)),
            pl.BlockSpec((1, D, FB),
                         lambda i, j, be, act: (be[i], 0, _jj(i, j))),
            pl.BlockSpec((1, FB, D),
                         lambda i, j, be, act: (be[i], _jj(i, j), 0)),
        ],
        out_specs=pl.BlockSpec((BLK, D), lambda i, j, be, act: (i, 0)),
    )
    return pl.pallas_call(
        body,
        grid_spec=grid_spec,
        out_shape=jax.ShapeDtypeStruct((NPAD, D), jnp.float32),
    )(block_expert, block_active, x_sorted, prob_col, w1, w2)


def _sc_combine(y_sorted, dest_a2d, dest_b2d):
    mesh = plsc.VectorSubcoreMesh(core_axis_name="c", subcore_axis_name="s")
    nchunk = TOKW // CCHUNK

    @functools.partial(
        pl.kernel, mesh=mesh,
        out_type=jax.ShapeDtypeStruct((T, D), jnp.float32),
        scratch_types=[
            pltpu.VMEM((nchunk, CCHUNK), jnp.int32),
            pltpu.VMEM((nchunk, CCHUNK), jnp.int32),
            pltpu.VMEM((CCHUNK, D), jnp.float32),
            pltpu.VMEM((CCHUNK, D), jnp.float32),
            pltpu.SemaphoreType.DMA,
            pltpu.SemaphoreType.DMA,
        ],
    )
    def k(y_hbm, da_hbm, db_hbm, out_hbm, ia_v, ib_v, ra_v, rb_v, sa, sb):
        wid = lax.axis_index("s") * _NC + lax.axis_index("c")
        pltpu.sync_copy(da_hbm.at[wid], ia_v)
        pltpu.sync_copy(db_hbm.at[wid], ib_v)
        for c in range(nchunk):
            cpa = pltpu.async_copy(y_hbm.at[ia_v.at[c]], ra_v, sa)
            cpb = pltpu.async_copy(y_hbm.at[ib_v.at[c]], rb_v, sb)
            cpa.wait()
            cpb.wait()

            def add_row(r, _):
                for q in range(D // 16):
                    sl = pl.ds(q * 16, 16)
                    ra_v[r, sl] = ra_v[r, sl] + rb_v[r, sl]
                return 0

            lax.fori_loop(0, CCHUNK, add_row, 0)
            pltpu.sync_copy(
                ra_v, out_hbm.at[pl.ds(wid * TOKW + c * CCHUNK, CCHUNK)])

    return k(y_sorted, dest_a2d, dest_b2d)


def kernel(input_batch, probabilities, indices, W1, W2):
    flat_e = indices.reshape(-1).astype(jnp.int32)
    tok = jnp.arange(T * TOPK, dtype=jnp.int32) // TOPK
    onehot = (flat_e[:, None] == jnp.arange(E, dtype=jnp.int32)[None, :])
    onehot = onehot.astype(jnp.int32)
    counts = onehot.sum(axis=0)
    aligned = ((counts + BLK - 1) // BLK) * BLK
    ends = jnp.cumsum(aligned)
    starts = ends - aligned
    csum = jnp.cumsum(onehot, axis=0)
    rank_i = (csum * onehot).sum(axis=1) - 1
    start_i = (starts[None, :] * onehot).sum(axis=1)
    dest = start_i + rank_i
    pad_spread = jnp.arange(NPAD, dtype=jnp.int32) % T
    flat_p = probabilities.reshape(-1).astype(jnp.float32)
    pairs = jnp.stack([tok, lax.bitcast_convert_type(flat_p, jnp.int32)],
                      axis=1)
    init = jnp.stack([pad_spread, jnp.zeros((NPAD,), jnp.int32)], axis=1)
    packed = init.at[dest].set(pairs)
    src_token = packed[:, 0]
    row_prob = lax.bitcast_convert_type(packed[:, 1], jnp.float32)
    block_base = jnp.arange(NB, dtype=jnp.int32) * BLK
    block_expert = jnp.minimum(
        (block_base[:, None] >= ends[None, :]).sum(axis=1), E - 1
    ).astype(jnp.int32)
    block_active = (block_base < ends[E - 1]).astype(jnp.int32)

    x_sorted = _sc_gather(src_token.reshape(NW, -1, GCHUNK), input_batch)
    y_sorted = _tc_expert_mlp(block_expert, block_active, x_sorted,
                              row_prob[:, None], W1, W2)
    d2 = dest.reshape(T, TOPK)
    out = _sc_combine(
        y_sorted,
        d2[:, 0].reshape(NW, -1, CCHUNK),
        d2[:, 1].reshape(NW, -1, CCHUNK))

    total_loss = jnp.zeros((), dtype=jnp.float32)
    return (out, total_loss)

# --- scband reference (transcript-rebuilt; emitter-appended) ---
"""Pipeline reference for scband-mixture-of-experts-13211319402878 (READ-ONLY COPY).

The authoritative reference and input builder live on the scoring server;
editing this copy changes nothing except your own understanding.
"""

import jax, jax.numpy as jnp
import numpy as np

T = 2048      # tokens (batch=1, seq=2048)
D = 1024      # d_model / input_dim / output_dim
DFF = 4096    # expert hidden dim
E = 8         # num_experts
TOPK = 2      # top_k


def setup_inputs(seed: int = 0) -> dict:
    key = jax.random.key(seed)
    k1, k2, k3, k4 = jax.random.split(key, 4)
    input_batch = jax.random.normal(k1, (T, D), dtype=jnp.float32)
    # Router-style logits -> softmax -> top-k gives distinct expert indices per token
    router_logits = jax.random.normal(k2, (T, E), dtype=jnp.float32)
    full_probs = jax.nn.softmax(router_logits, axis=-1)
    probabilities, indices = jax.lax.top_k(full_probs, TOPK)
    # Expert parameters: bias-free 2-layer MLPs, stacked [E, D, DFF] and [E, DFF, D]
    W1 = jax.random.normal(k3, (E, D, DFF), dtype=jnp.float32) * (1.0 / np.sqrt(D))
    W2 = jax.random.normal(k4, (E, DFF, D), dtype=jnp.float32) * (1.0 / np.sqrt(DFF))
    return {"input_batch": input_batch, "probabilities": probabilities,
            "indices": indices, "W1": W1, "W2": W2}


def reference(input_batch, probabilities, indices, W1, W2):
    # Faithful translation of MixtureOfExperts.forward with externally supplied
    # (probabilities, indices): sampler disabled, weighting BEFORE_EXPERTS,
    # compute_expert_mixture_flag=True, top_k < num_experts.
    T_ = input_batch.shape[0]
    E_ = W1.shape[0]
    output = jnp.zeros((T_, W2.shape[2]), dtype=input_batch.dtype)
    for e in range(E_):
        mask = (indices == e).astype(jnp.float32)   # [T, top_k]
        # __get_expert_probabilities (BEFORE_EXPERTS, top_k > 1)
        p_full = (probabilities * mask).sum(axis=-1)
        # __compute_expert_output: apply probabilities before expert; tokens not
        # routed to this expert have p_full == 0 and contribute exactly zero
        x_e = input_batch * p_full[:, None]
        h = jax.nn.relu(x_e @ W1[e])
        out_e = h @ W2[e]
        # __compute_expert_mixture: accumulate expert outputs into token rows
        output = output + out_e
    total_loss = jnp.array(0.0, dtype=jnp.float32)  # sampler_loss + expert_loss
    return (output, total_loss)

if __name__ == "__main__":
    import jax
    _d = setup_inputs()
    print(jax.jit(kernel)(*tuple(_d.values())))

</pallas_src>

<mosaic_0001>
#map = affine_map<(d0, d1) -> (0, 0, 0)>
#map1 = affine_map<(d0, d1) -> (0, 0)>
module attributes {stable_mosaic.version = 14 : i64} {
  func.func @k(%arg0: i32, %arg1: i32, %arg2: memref<32x4x64xi32, #tpu.memory_space<hbm>>, %arg3: memref<2048x1024xf32, #tpu.memory_space<hbm>>, %arg4: memref<8192x1024xf32, #tpu.memory_space<hbm>>, %arg5: memref<4x64xi32, #tpu.memory_space<vmem>>, %arg6: memref<64x1024xf32, #tpu.memory_space<vmem>>, %arg7: memref<!tpu.dma_semaphore, #tpu.memory_space<semaphore_mem>>) attributes {dimension_semantics = [#tpu.dimension_semantics<core_parallel>, #tpu.dimension_semantics<subcore_parallel>], iteration_bounds = array<i64: 2, 16>, scalar_prefetch = 0 : i64, scratch_operands = 3 : i64, tpu.core_type = #tpu.core_type<sc_vector_subcore>, window_params = [{transform_indices = #map}, {transform_indices = #map1}, {transform_indices = #map1}]} {
    %mul3A = arith.constant 2 : i32
    %mul3A_0 = arith.muli %arg1, %mul3A : i32
    %add3A = arith.addi %mul3A_0, %arg0 : i32
    "tpu.region"() ({
      %run_scoped3A = tpu.sem_alloc : memref<!tpu.dma_semaphore, #tpu.memory_space<semaphore_mem>>
      %dma_start3A_71 = arith.constant 0 : i32
      %dma_start3A_72 = arith.constant 0 : i32
      %dma_start3A_73 = tpu.memref_slice %arg2[%add3A, %dma_start3A_71, %dma_start3A_72] : memref<32x4x64xi32, #tpu.memory_space<hbm>> -> memref<1x4x64xi32, #tpu.memory_space<hbm>>
      %dma_start3A_74 = tpu.memref_squeeze %dma_start3A_73 : memref<1x4x64xi32, #tpu.memory_space<hbm>> -> memref<4x64xi32, #tpu.memory_space<hbm>>
      %dma_start3A_75 = arith.constant 0 : i32
      %dma_start3A_76 = arith.constant 0 : i32
      %dma_start3A_77 = tpu.memref_slice %arg2[%add3A, %dma_start3A_75, %dma_start3A_76] : memref<32x4x64xi32, #tpu.memory_space<hbm>> -> memref<1x4x64xi32, #tpu.memory_space<hbm>>
      %dma_start3A_78 = tpu.memref_squeeze %dma_start3A_77 : memref<1x4x64xi32, #tpu.memory_space<hbm>> -> memref<4x64xi32, #tpu.memory_space<hbm>>
      tpu.enqueue_dma source(%dma_start3A_78 : memref<4x64xi32, #tpu.memory_space<hbm>>) target(%arg5 : memref<4x64xi32, #tpu.memory_space<vmem>>) target_semaphore(%run_scoped3A : memref<!tpu.dma_semaphore, #tpu.memory_space<semaphore_mem>>)
      %dma_wait3A_79 = arith.constant 0 : i32
      %dma_wait3A_80 = arith.constant 0 : i32
      %dma_wait3A_81 = tpu.memref_slice %arg2[%add3A, %dma_wait3A_79, %dma_wait3A_80] : memref<32x4x64xi32, #tpu.memory_space<hbm>> -> memref<1x4x64xi32, #tpu.memory_space<hbm>>
      %dma_wait3A_82 = tpu.memref_squeeze %dma_wait3A_81 : memref<1x4x64xi32, #tpu.memory_space<hbm>> -> memref<4x64xi32, #tpu.memory_space<hbm>>
      %dma_wait3A_83 = arith.constant 0 : i32
      %dma_wait3A_84 = arith.constant 0 : i32
      %dma_wait3A_85 = tpu.memref_slice %arg2[%add3A, %dma_wait3A_83, %dma_wait3A_84] : memref<32x4x64xi32, #tpu.memory_space<hbm>> -> memref<1x4x64xi32, #tpu.memory_space<hbm>>
      %dma_wait3A_86 = tpu.memref_squeeze %dma_wait3A_85 : memref<1x4x64xi32, #tpu.memory_space<hbm>> -> memref<4x64xi32, #tpu.memory_space<hbm>>
      tpu.wait_dma2 semaphore(%run_scoped3A : memref<!tpu.dma_semaphore, #tpu.memory_space<semaphore_mem>>) src(%dma_wait3A_86 : memref<4x64xi32, #tpu.memory_space<hbm>>) dst(%arg5 : memref<4x64xi32, #tpu.memory_space<vmem>>)
      tpu.yield
    }) : () -> ()
    %dma_start3A = arith.constant 0 : i32
    %dma_start3A_1 = arith.constant 0 : i32
    %dma_start3A_2 = tpu.memref_slice %arg5[%dma_start3A, %dma_start3A_1] : memref<4x64xi32, #tpu.memory_space<vmem>> -> memref<1x64xi32, #tpu.memory_space<vmem>>
    %dma_start3A_3 = tpu.memref_squeeze %dma_start3A_2 : memref<1x64xi32, #tpu.memory_space<vmem>> -> memref<64xi32, #tpu.memory_space<vmem>>
    %dma_start3A_4 = arith.constant 0 : i32
    %dma_start3A_5 = arith.constant 0 : i32
    %dma_start3A_6 = tpu.memref_slice %arg3[%dma_start3A_4, %dma_start3A_5] : memref<2048x1024xf32, #tpu.memory_space<hbm>> -> memref<2048x1024xf32, #tpu.memory_space<hbm>>
    tpu.enqueue_indirect_dma source(%dma_start3A_6 : memref<2048x1024xf32, #tpu.memory_space<hbm>>) target(%arg6 : memref<64x1024xf32, #tpu.memory_space<vmem>>) offsets(%dma_start3A_3 : memref<64xi32, #tpu.memory_space<vmem>>) semaphore(%arg7 : memref<!tpu.dma_semaphore, #tpu.memory_space<semaphore_mem>>)
    %dma_wait3A = arith.constant 0 : i32
    %dma_wait3A_7 = arith.constant 0 : i32
    %dma_wait3A_8 = tpu.memref_slice %arg5[%dma_wait3A, %dma_wait3A_7] : memref<4x64xi32, #tpu.memory_space<vmem>> -> memref<1x64xi32, #tpu.memory_space<vmem>>
    %dma_wait3A_9 = tpu.memref_squeeze %dma_wait3A_8 : memref<1x64xi32, #tpu.memory_space<vmem>> -> memref<64xi32, #tpu.memory_space<vmem>>
    %dma_wait3A_10 = arith.constant 0 : i32
    %dma_wait3A_11 = arith.constant 0 : i32
    %dma_wait3A_12 = tpu.memref_slice %arg3[%dma_wait3A_10, %dma_wait3A_11] : memref<2048x1024xf32, #tpu.memory_space<hbm>> -> memref<2048x1024xf32, #tpu.memory_space<hbm>>
    tpu.wait_indirect_dma semaphore(%arg7 : memref<!tpu.dma_semaphore, #tpu.memory_space<semaphore_mem>>) src(%dma_wait3A_12 : memref<2048x1024xf32, #tpu.memory_space<hbm>>) dst(%arg6 : memref<64x1024xf32, #tpu.memory_space<vmem>>)
    %mul3A_13 = arith.constant 256 : i32
    %mul3A_14 = arith.muli %add3A, %mul3A_13 : i32
    %add3A_15 = arith.constant 0 : i32
    %add3A_16 = arith.addi %mul3A_14, %add3A_15 : i32
    "tpu.region"() ({
      %run_scoped3A = tpu.sem_alloc : memref<!tpu.dma_semaphore, #tpu.memory_space<semaphore_mem>>
      %dma_start3A_71 = arith.constant 0 : i32
      %dma_start3A_72 = tpu.memref_slice %arg4[%add3A_16, %dma_start3A_71] : memref<8192x1024xf32, #tpu.memory_space<hbm>> -> memref<64x1024xf32, #tpu.memory_space<hbm>>
      %dma_start3A_73 = arith.constant 0 : i32
      %dma_start3A_74 = tpu.memref_slice %arg4[%add3A_16, %dma_start3A_73] : memref<8192x1024xf32, #tpu.memory_space<hbm>> -> memref<64x1024xf32, #tpu.memory_space<hbm>>
      tpu.enqueue_dma source(%arg6 : memref<64x1024xf32, #tpu.memory_space<vmem>>) target(%dma_start3A_74 : memref<64x1024xf32, #tpu.memory_space<hbm>>) target_semaphore(%run_scoped3A : memref<!tpu.dma_semaphore, #tpu.memory_space<semaphore_mem>>)
      %dma_wait3A_75 = arith.constant 0 : i32
      %dma_wait3A_76 = tpu.memref_slice %arg4[%add3A_16, %dma_wait3A_75] : memref<8192x1024xf32, #tpu.memory_space<hbm>> -> memref<64x1024xf32, #tpu.memory_space<hbm>>
      %dma_wait3A_77 = arith.constant 0 : i32
      %dma_wait3A_78 = tpu.memref_slice %arg4[%add3A_16, %dma_wait3A_77] : memref<8192x1024xf32, #tpu.memory_space<hbm>> -> memref<64x1024xf32, #tpu.memory_space<hbm>>
      tpu.wait_dma2 semaphore(%run_scoped3A : memref<!tpu.dma_semaphore, #tpu.memory_space<semaphore_mem>>) src(%arg6 : memref<64x1024xf32, #tpu.memory_space<vmem>>) dst(%dma_wait3A_78 : memref<64x1024xf32, #tpu.memory_space<hbm>>)
      tpu.yield
    }) : () -> ()
    %dma_start3A_17 = arith.constant 1 : i32
    %dma_start3A_18 = arith.constant 0 : i32
    %dma_start3A_19 = tpu.memref_slice %arg5[%dma_start3A_17, %dma_start3A_18] : memref<4x64xi32, #tpu.memory_space<vmem>> -> memref<1x64xi32, #tpu.memory_space<vmem>>
    %dma_start3A_20 = tpu.memref_squeeze %dma_start3A_19 : memref<1x64xi32, #tpu.memory_space<vmem>> -> memref<64xi32, #tpu.memory_space<vmem>>
    %dma_start3A_21 = arith.constant 0 : i32
    %dma_start3A_22 = arith.constant 0 : i32
    %dma_start3A_23 = tpu.memref_slice %arg3[%dma_start3A_21, %dma_start3A_22] : memref<2048x1024xf32, #tpu.memory_space<hbm>> -> memref<2048x1024xf32, #tpu.memory_space<hbm>>
    tpu.enqueue_indirect_dma source(%dma_start3A_23 : memref<2048x1024xf32, #tpu.memory_space<hbm>>) target(%arg6 : memref<64x1024xf32, #tpu.memory_space<vmem>>) offsets(%dma_start3A_20 : memref<64xi32, #tpu.memory_space<vmem>>) semaphore(%arg7 : memref<!tpu.dma_semaphore, #tpu.memory_space<semaphore_mem>>)
    %dma_wait3A_24 = arith.constant 1 : i32
    %dma_wait3A_25 = arith.constant 0 : i32
    %dma_wait3A_26 = tpu.memref_slice %arg5[%dma_wait3A_24, %dma_wait3A_25] : memref<4x64xi32, #tpu.memory_space<vmem>> -> memref<1x64xi32, #tpu.memory_space<vmem>>
    %dma_wait3A_27 = tpu.memref_squeeze %dma_wait3A_26 : memref<1x64xi32, #tpu.memory_space<vmem>> -> memref<64xi32, #tpu.memory_space<vmem>>
    %dma_wait3A_28 = arith.constant 0 : i32
    %dma_wait3A_29 = arith.constant 0 : i32
    %dma_wait3A_30 = tpu.memref_slice %arg3[%dma_wait3A_28, %dma_wait3A_29] : memref<2048x1024xf32, #tpu.memory_space<hbm>> -> memref<2048x1024xf32, #tpu.memory_space<hbm>>
    tpu.wait_indirect_dma semaphore(%arg7 : memref<!tpu.dma_semaphore, #tpu.memory_space<semaphore_mem>>) src(%dma_wait3A_30 : memref<2048x1024xf32, #tpu.memory_space<hbm>>) dst(%arg6 : memref<64x1024xf32, #tpu.memory_space<vmem>>)
    %mul3A_31 = arith.constant 256 : i32
    %mul3A_32 = arith.muli %add3A, %mul3A_31 : i32
    %add3A_33 = arith.constant 64 : i32
    %add3A_34 = arith.addi %mul3A_32, %add3A_33 : i32
    "tpu.region"() ({
      %run_scoped3A = tpu.sem_alloc : memref<!tpu.dma_semaphore, #tpu.memory_space<semaphore_mem>>
      %dma_start3A_71 = arith.constant 0 : i32
      %dma_start3A_72 = tpu.memref_slice %arg4[%add3A_34, %dma_start3A_71] : memref<8192x1024xf32, #tpu.memory_space<hbm>> -> memref<64x1024xf32, #tpu.memory_space<hbm>>
      %dma_start3A_73 = arith.constant 0 : i32
      %dma_start3A_74 = tpu.memref_slice %arg4[%add3A_34, %dma_start3A_73] : memref<8192x1024xf32, #tpu.memory_space<hbm>> -> memref<64x1024xf32, #tpu.memory_space<hbm>>
      tpu.enqueue_dma source(%arg6 : memref<64x1024xf32, #tpu.memory_space<vmem>>) target(%dma_start3A_74 : memref<64x1024xf32, #tpu.memory_space<hbm>>) target_semaphore(%run_scoped3A : memref<!tpu.dma_semaphore, #tpu.memory_space<semaphore_mem>>)
      %dma_wait3A_75 = arith.constant 0 : i32
      %dma_wait3A_76 = tpu.memref_slice %arg4[%add3A_34, %dma_wait3A_75] : memref<8192x1024xf32, #tpu.memory_space<hbm>> -> memref<64x1024xf32, #tpu.memory_space<hbm>>
      %dma_wait3A_77 = arith.constant 0 : i32
      %dma_wait3A_78 = tpu.memref_slice %arg4[%add3A_34, %dma_wait3A_77] : memref<8192x1024xf32, #tpu.memory_space<hbm>> -> memref<64x1024xf32, #tpu.memory_space<hbm>>
      tpu.wait_dma2 semaphore(%run_scoped3A : memref<!tpu.dma_semaphore, #tpu.memory_space<semaphore_mem>>) src(%arg6 : memref<64x1024xf32, #tpu.memory_space<vmem>>) dst(%dma_wait3A_78 : memref<64x1024xf32, #tpu.memory_space<hbm>>)
      tpu.yield
    }) : () -> ()
    %dma_start3A_35 = arith.constant 2 : i32
    %dma_start3A_36 = arith.constant 0 : i32
    %dma_start3A_37 = tpu.memref_slice %arg5[%dma_start3A_35, %dma_start3A_36] : memref<4x64xi32, #tpu.memory_space<vmem>> -> memref<1x64xi32, #tpu.memory_space<vmem>>
    %dma_start3A_38 = tpu.memref_squeeze %dma_start3A_37 : memref<1x64xi32, #tpu.memory_space<vmem>> -> memref<64xi32, #tpu.memory_space<vmem>>
    %dma_start3A_39 = arith.constant 0 : i32
    %dma_start3A_40 = arith.constant 0 : i32
    %dma_start3A_41 = tpu.memref_slice %arg3[%dma_start3A_39, %dma_start3A_40] : memref<2048x1024xf32, #tpu.memory_space<hbm>> -> memref<2048x1024xf32, #tpu.memory_space<hbm>>
    tpu.enqueue_indirect_dma source(%dma_start3A_41 : memref<2048x1024xf32, #tpu.memory_space<hbm>>) target(%arg6 : memref<64x1024xf32, #tpu.memory_space<vmem>>) offsets(%dma_start3A_38 : memref<64xi32, #tpu.memory_space<vmem>>) semaphore(%arg7 : memref<!tpu.dma_semaphore, #tpu.memory_space<semaphore_mem>>)
    %dma_wait3A_42 = arith.constant 2 : i32
    %dma_wait3A_43 = arith.constant 0 : i32
    %dma_wait3A_44 = tpu.memref_slice %arg5[%dma_wait3A_42, %dma_wait3A_43] : memref<4x64xi32, #tpu.memory_space<vmem>> -> memref<1x64xi32, #tpu.memory_space<vmem>>
    %dma_wait3A_45 = tpu.memref_squeeze %dma_wait3A_44 : memref<1x64xi32, #tpu.memory_space<vmem>> -> memref<64xi32, #tpu.memory_space<vmem>>
    %dma_wait3A_46 = arith.constant 0 : i32
    %dma_wait3A_47 = arith.constant 0 : i32
    %dma_wait3A_48 = tpu.memref_slice %arg3[%dma_wait3A_46, %dma_wait3A_47] : memref<2048x1024xf32, #tpu.memory_space<hbm>> -> memref<2048x1024xf32, #tpu.memory_space<hbm>>
    tpu.wait_indirect_dma semaphore(%arg7 : memref<!tpu.dma_semaphore, #tpu.memory_space<semaphore_mem>>) src(%dma_wait3A_48 : memref<2048x1024xf32, #tpu.memory_space<hbm>>) dst(%arg6 : memref<64x1024xf32, #tpu.memory_space<vmem>>)
    %mul3A_49 = arith.constant 256 : i32
    %mul3A_50 = arith.muli %add3A, %mul3A_49 : i32
    %add3A_51 = arith.constant 128 : i32
    %add3A_52 = arith.addi %mul3A_50, %add3A_51 : i32
    "tpu.region"() ({
      %run_scoped3A = tpu.sem_alloc : memref<!tpu.dma_semaphore, #tpu.memory_space<semaphore_mem>>
      %dma_start3A_71 = arith.constant 0 : i32
      %dma_start3A_72 = tpu.memref_slice %arg4[%add3A_52, %dma_start3A_71] : memref<8192x1024xf32, #tpu.memory_space<hbm>> -> memref<64x1024xf32, #tpu.memory_space<hbm>>
      %dma_start3A_73 = arith.constant 0 : i32
      %dma_start3A_74 = tpu.memref_slice %arg4[%add3A_52, %dma_start3A_73] : memref<8192x1024xf32, #tpu.memory_space<hbm>> -> memref<64x1024xf32, #tpu.memory_space<hbm>>
      tpu.enqueue_dma source(%arg6 : memref<64x1024xf32, #tpu.memory_space<vmem>>) target(%dma_start3A_74 : memref<64x1024xf32, #tpu.memory_space<hbm>>) target_semaphore(%run_scoped3A : memref<!tpu.dma_semaphore, #tpu.memory_space<semaphore_mem>>)
      %dma_wait3A_75 = arith.constant 0 : i32
      %dma_wait3A_76 = tpu.memref_slice %arg4[%add3A_52, %dma_wait3A_75] : memref<8192x1024xf32, #tpu.memory_space<hbm>> -> memref<64x1024xf32, #tpu.memory_space<hbm>>
      %dma_wait3A_77 = arith.constant 0 : i32
      %dma_wait3A_78 = tpu.memref_slice %arg4[%add3A_52, %dma_wait3A_77] : memref<8192x1024xf32, #tpu.memory_space<hbm>> -> memref<64x1024xf32, #tpu.memory_space<hbm>>
      tpu.wait_dma2 semaphore(%run_scoped3A : memref<!tpu.dma_semaphore, #tpu.memory_space<semaphore_mem>>) src(%arg6 : memref<64x1024xf32, #tpu.memory_space<vmem>>) dst(%dma_wait3A_78 : memref<64x1024xf32, #tpu.memory_space<hbm>>)
      tpu.yield
    }) : () -> ()
    %dma_start3A_53 = arith.constant 3 : i32
    %dma_start3A_54 = arith.constant 0 : i32
    %dma_start3A_55 = tpu.memref_slice %arg5[%dma_start3A_53, %dma_start3A_54] : memref<4x64xi32, #tpu.memory_space<vmem>> -> memref<1x64xi32, #tpu.memory_space<vmem>>
    %dma_start3A_56 = tpu.memref_squeeze %dma_start3A_55 : memref<1x64xi32, #tpu.memory_space<vmem>> -> memref<64xi32, #tpu.memory_space<vmem>>
    %dma_start3A_57 = arith.constant 0 : i32
    %dma_start3A_58 = arith.constant 0 : i32
    %dma_start3A_59 = tpu.memref_slice %arg3[%dma_start3A_57, %dma_start3A_58] : memref<2048x1024xf32, #tpu.memory_space<hbm>> -> memref<2048x1024xf32, #tpu.memory_space<hbm>>
    tpu.enqueue_indirect_dma source(%dma_start3A_59 : memref<2048x1024xf32, #tpu.memory_space<hbm>>) target(%arg6 : memref<64x1024xf32, #tpu.memory_space<vmem>>) offsets(%dma_start3A_56 : memref<64xi32, #tpu.memory_space<vmem>>) semaphore(%arg7 : memref<!tpu.dma_semaphore, #tpu.memory_space<semaphore_mem>>)
    %dma_wait3A_60 = arith.constant 3 : i32
    %dma_wait3A_61 = arith.constant 0 : i32
    %dma_wait3A_62 = tpu.memref_slice %arg5[%dma_wait3A_60, %dma_wait3A_61] : memref<4x64xi32, #tpu.memory_space<vmem>> -> memref<1x64xi32, #tpu.memory_space<vmem>>
    %dma_wait3A_63 = tpu.memref_squeeze %dma_wait3A_62 : memref<1x64xi32, #tpu.memory_space<vmem>> -> memref<64xi32, #tpu.memory_space<vmem>>
    %dma_wait3A_64 = arith.constant 0 : i32
    %dma_wait3A_65 = arith.constant 0 : i32
    %dma_wait3A_66 = tpu.memref_slice %arg3[%dma_wait3A_64, %dma_wait3A_65] : memref<2048x1024xf32, #tpu.memory_space<hbm>> -> memref<2048x1024xf32, #tpu.memory_space<hbm>>
    tpu.wait_indirect_dma semaphore(%arg7 : memref<!tpu.dma_semaphore, #tpu.memory_space<semaphore_mem>>) src(%dma_wait3A_66 : memref<2048x1024xf32, #tpu.memory_space<hbm>>) dst(%arg6 : memref<64x1024xf32, #tpu.memory_space<vmem>>)
    %mul3A_67 = arith.constant 256 : i32
    %mul3A_68 = arith.muli %add3A, %mul3A_67 : i32
    %add3A_69 = arith.constant 192 : i32
    %add3A_70 = arith.addi %mul3A_68, %add3A_69 : i32
    "tpu.region"() ({
      %run_scoped3A = tpu.sem_alloc : memref<!tpu.dma_semaphore, #tpu.memory_space<semaphore_mem>>
      %dma_start3A_71 = arith.constant 0 : i32
      %dma_start3A_72 = tpu.memref_slice %arg4[%add3A_70, %dma_start3A_71] : memref<8192x1024xf32, #tpu.memory_space<hbm>> -> memref<64x1024xf32, #tpu.memory_space<hbm>>
      %dma_start3A_73 = arith.constant 0 : i32
      %dma_start3A_74 = tpu.memref_slice %arg4[%add3A_70, %dma_start3A_73] : memref<8192x1024xf32, #tpu.memory_space<hbm>> -> memref<64x1024xf32, #tpu.memory_space<hbm>>
      tpu.enqueue_dma source(%arg6 : memref<64x1024xf32, #tpu.memory_space<vmem>>) target(%dma_start3A_74 : memref<64x1024xf32, #tpu.memory_space<hbm>>) target_semaphore(%run_scoped3A : memref<!tpu.dma_semaphore, #tpu.memory_space<semaphore_mem>>)
      %dma_wait3A_75 = arith.constant 0 : i32
      %dma_wait3A_76 = tpu.memref_slice %arg4[%add3A_70, %dma_wait3A_75] : memref<8192x1024xf32, #tpu.memory_space<hbm>> -> memref<64x1024xf32, #tpu.memory_space<hbm>>
      %dma_wait3A_77 = arith.constant 0 : i32
      %dma_wait3A_78 = tpu.memref_slice %arg4[%add3A_70, %dma_wait3A_77] : memref<8192x1024xf32, #tpu.memory_space<hbm>> -> memref<64x1024xf32, #tpu.memory_space<hbm>>
      tpu.wait_dma2 semaphore(%run_scoped3A : memref<!tpu.dma_semaphore, #tpu.memory_space<semaphore_mem>>) src(%arg6 : memref<64x1024xf32, #tpu.memory_space<vmem>>) dst(%dma_wait3A_78 : memref<64x1024xf32, #tpu.memory_space<hbm>>)
      tpu.yield
    }) : () -> ()
    return
  }
}

#map = affine_map<(d0, d1) -> (0, 0)>
#map1 = affine_map<(d0, d1) -> (0, 0, 0)>
module attributes {stable_mosaic.version = 14 : i64} {
  func.func @k(%arg0: i32, %arg1: i32, %arg2: memref<8192x1024xf32, #tpu.memory_space<hbm>>, %arg3: memref<32x2x32xi32, #tpu.memory_space<hbm>>, %arg4: memref<32x2x32xi32, #tpu.memory_space<hbm>>, %arg5: memref<2048x1024xf32, #tpu.memory_space<hbm>>, %arg6: memref<2x32xi32, #tpu.memory_space<vmem>>, %arg7: memref<2x32xi32, #tpu.memory_space<vmem>>, %arg8: memref<32x1024xf32, #tpu.memory_space<vmem>>, %arg9: memref<32x1024xf32, #tpu.memory_space<vmem>>, %arg10: memref<!tpu.dma_semaphore, #tpu.memory_space<semaphore_mem>>, %arg11: memref<!tpu.dma_semaphore, #tpu.memory_space<semaphore_mem>>) attributes {dimension_semantics = [#tpu.dimension_semantics<core_parallel>, #tpu.dimension_semantics<subcore_parallel>], iteration_bounds = array<i64: 2, 16>, scalar_prefetch = 0 : i64, scratch_operands = 6 : i64, tpu.core_type = #tpu.core_type<sc_vector_subcore>, window_params = [{transform_indices = #map}, {transform_indices = #map1}, {transform_indices = #map1}, {transform_indices = #map}]} {
    %mul3A = arith.constant 2 : i32
    %mul3A_0 = arith.muli %arg1, %mul3A : i32
    %add3A = arith.addi %mul3A_0, %arg0 : i32
    "tpu.region"() ({
      %run_scoped3A = tpu.sem_alloc : memref<!tpu.dma_semaphore, #tpu.memory_space<semaphore_mem>>
      %dma_start3A_76 = arith.constant 0 : i32
      %dma_start3A_77 = arith.constant 0 : i32
      %dma_start3A_78 = tpu.memref_slice %arg3[%add3A, %dma_start3A_76, %dma_start3A_77] : memref<32x2x32xi32, #tpu.memory_space<hbm>> -> memref<1x2x32xi32, #tpu.memory_space<hbm>>
      %dma_start3A_79 = tpu.memref_squeeze %dma_start3A_78 : memref<1x2x32xi32, #tpu.memory_space<hbm>> -> memref<2x32xi32, #tpu.memory_space<hbm>>
      %dma_start3A_80 = arith.constant 0 : i32
      %dma_start3A_81 = arith.constant 0 : i32
      %dma_start3A_82 = tpu.memref_slice %arg3[%add3A, %dma_start3A_80, %dma_start3A_81] : memref<32x2x32xi32, #tpu.memory_space<hbm>> -> memref<1x2x32xi32, #tpu.memory_space<hbm>>
      %dma_start3A_83 = tpu.memref_squeeze %dma_start3A_82 : memref<1x2x32xi32, #tpu.memory_space<hbm>> -> memref<2x32xi32, #tpu.memory_space<hbm>>
      tpu.enqueue_dma source(%dma_start3A_83 : memref<2x32xi32, #tpu.memory_space<hbm>>) target(%arg6 : memref<2x32xi32, #tpu.memory_space<vmem>>) target_semaphore(%run_scoped3A : memref<!tpu.dma_semaphore, #tpu.memory_space<semaphore_mem>>)
      %dma_wait3A_84 = arith.constant 0 : i32
      %dma_wait3A_85 = arith.constant 0 : i32
      %dma_wait3A_86 = tpu.memref_slice %arg3[%add3A, %dma_wait3A_84, %dma_wait3A_85] : memref<32x2x32xi32, #tpu.memory_space<hbm>> -> memref<1x2x32xi32, #tpu.memory_space<hbm>>
      %dma_wait3A_87 = tpu.memref_squeeze %dma_wait3A_86 : memref<1x2x32xi32, #tpu.memory_space<hbm>> -> memref<2x32xi32, #tpu.memory_space<hbm>>
      %dma_wait3A_88 = arith.constant 0 : i32
      %dma_wait3A_89 = arith.constant 0 : i32
      %dma_wait3A_90 = tpu.memref_slice %arg3[%add3A, %dma_wait3A_88, %dma_wait3A_89] : memref<32x2x32xi32, #tpu.memory_space<hbm>> -> memref<1x2x32xi32, #tpu.memory_space<hbm>>
      %dma_wait3A_91 = tpu.memref_squeeze %dma_wait3A_90 : memref<1x2x32xi32, #tpu.memory_space<hbm>> -> memref<2x32xi32, #tpu.memory_space<hbm>>
      tpu.wait_dma2 semaphore(%run_scoped3A : memref<!tpu.dma_semaphore, #tpu.memory_space<semaphore_mem>>) src(%dma_wait3A_91 : memref<2x32xi32, #tpu.memory_space<hbm>>) dst(%arg6 : memref<2x32xi32, #tpu.memory_space<vmem>>)
      tpu.yield
    }) : () -> ()
    "tpu.region"() ({
      %run_scoped3A = tpu.sem_alloc : memref<!tpu.dma_semaphore, #tpu.memory_space<semaphore_mem>>
      %dma_start3A_76 = arith.constant 0 : i32
      %dma_start3A_77 = arith.constant 0 : i32
      %dma_start3A_78 = tpu.memref_slice %arg4[%add3A, %dma_start3A_76, %dma_start3A_77] : memref<32x2x32xi32, #tpu.memory_space<hbm>> -> memref<1x2x32xi32, #tpu.memory_space<hbm>>
      %dma_start3A_79 = tpu.memref_squeeze %dma_start3A_78 : memref<1x2x32xi32, #tpu.memory_space<hbm>> -> memref<2x32xi32, #tpu.memory_space<hbm>>
      %dma_start3A_80 = arith.constant 0 : i32
      %dma_start3A_81 = arith.constant 0 : i32
      %dma_start3A_82 = tpu.memref_slice %arg4[%add3A, %dma_start3A_80, %dma_start3A_81] : memref<32x2x32xi32, #tpu.memory_space<hbm>> -> memref<1x2x32xi32, #tpu.memory_space<hbm>>
      %dma_start3A_83 = tpu.memref_squeeze %dma_start3A_82 : memref<1x2x32xi32, #tpu.memory_space<hbm>> -> memref<2x32xi32, #tpu.memory_space<hbm>>
      tpu.enqueue_dma source(%dma_start3A_83 : memref<2x32xi32, #tpu.memory_space<hbm>>) target(%arg7 : memref<2x32xi32, #tpu.memory_space<vmem>>) target_semaphore(%run_scoped3A : memref<!tpu.dma_semaphore, #tpu.memory_space<semaphore_mem>>)
      %dma_wait3A_84 = arith.constant 0 : i32
      %dma_wait3A_85 = arith.constant 0 : i32
      %dma_wait3A_86 = tpu.memref_slice %arg4[%add3A, %dma_wait3A_84, %dma_wait3A_85] : memref<32x2x32xi32, #tpu.memory_space<hbm>> -> memref<1x2x32xi32, #tpu.memory_space<hbm>>
      %dma_wait3A_87 = tpu.memref_squeeze %dma_wait3A_86 : memref<1x2x32xi32, #tpu.memory_space<hbm>> -> memref<2x32xi32, #tpu.memory_space<hbm>>
      %dma_wait3A_88 = arith.constant 0 : i32
      %dma_wait3A_89 = arith.constant 0 : i32
      %dma_wait3A_90 = tpu.memref_slice %arg4[%add3A, %dma_wait3A_88, %dma_wait3A_89] : memref<32x2x32xi32, #tpu.memory_space<hbm>> -> memref<1x2x32xi32, #tpu.memory_space<hbm>>
      %dma_wait3A_91 = tpu.memref_squeeze %dma_wait3A_90 : memref<1x2x32xi32, #tpu.memory_space<hbm>> -> memref<2x32xi32, #tpu.memory_space<hbm>>
      tpu.wait_dma2 semaphore(%run_scoped3A : memref<!tpu.dma_semaphore, #tpu.memory_space<semaphore_mem>>) src(%dma_wait3A_91 : memref<2x32xi32, #tpu.memory_space<hbm>>) dst(%arg7 : memref<2x32xi32, #tpu.memory_space<vmem>>)
      tpu.yield
    }) : () -> ()
    %dma_start3A = arith.constant 0 : i32
    %dma_start3A_1 = arith.constant 0 : i32
    %dma_start3A_2 = tpu.memref_slice %arg6[%dma_start3A, %dma_start3A_1] : memref<2x32xi32, #tpu.memory_space<vmem>> -> memref<1x32xi32, #tpu.memory_space<vmem>>
    %dma_start3A_3 = tpu.memref_squeeze %dma_start3A_2 : memref<1x32xi32, #tpu.memory_space<vmem>> -> memref<32xi32, #tpu.memory_space<vmem>>
    %dma_start3A_4 = arith.constant 0 : i32
    %dma_start3A_5 = arith.constant 0 : i32
    %dma_start3A_6 = tpu.memref_slice %arg2[%dma_start3A_4, %dma_start3A_5] : memref<8192x1024xf32, #tpu.memory_space<hbm>> -> memref<8192x1024xf32, #tpu.memory_space<hbm>>
    tpu.enqueue_indirect_dma source(%dma_start3A_6 : memref<8192x1024xf32, #tpu.memory_space<hbm>>) target(%arg8 : memref<32x1024xf32, #tpu.memory_space<vmem>>) offsets(%dma_start3A_3 : memref<32xi32, #tpu.memory_space<vmem>>) semaphore(%arg10 : memref<!tpu.dma_semaphore, #tpu.memory_space<semaphore_mem>>)
    %dma_start3A_7 = arith.constant 0 : i32
    %dma_start3A_8 = arith.constant 0 : i32
    %dma_start3A_9 = tpu.memref_slice %arg7[%dma_start3A_7, %dma_start3A_8] : memref<2x32xi32, #tpu.memory_space<vmem>> -> memref<1x32xi32, #tpu.memory_space<vmem>>
    %dma_start3A_10 = tpu.memref_squeeze %dma_start3A_9 : memref<1x32xi32, #tpu.memory_space<vmem>> -> memref<32xi32, #tpu.memory_space<vmem>>
    %dma_start3A_11 = arith.constant 0 : i32
    %dma_start3A_12 = arith.constant 0 : i32
    %dma_start3A_13 = tpu.memref_slice %arg2[%dma_start3A_11, %dma_start3A_12] : memref<8192x1024xf32, #tpu.memory_space<hbm>> -> memref<8192x1024xf32, #tpu.memory_space<hbm>>
    tpu.enqueue_indirect_dma source(%dma_start3A_13 : memref<8192x1024xf32, #tpu.memory_space<hbm>>) target(%arg9 : memref<32x1024xf32, #tpu.memory_space<vmem>>) offsets(%dma_start3A_10 : memref<32xi32, #tpu.memory_space<vmem>>) semaphore(%arg11 : memref<!tpu.dma_semaphore, #tpu.memory_space<semaphore_mem>>)
    %dma_wait3A = arith.constant 0 : i32
    %dma_wait3A_14 = arith.constant 0 : i32
    %dma_wait3A_15 = tpu.memref_slice %arg6[%dma_wait3A, %dma_wait3A_14] : memref<2x32xi32, #tpu.memory_space<vmem>> -> memref<1x32xi32, #tpu.memory_space<vmem>>
    %dma_wait3A_16 = tpu.memref_squeeze %dma_wait3A_15 : memref<1x32xi32, #tpu.memory_space<vmem>> -> memref<32xi32, #tpu.memory_space<vmem>>
    %dma_wait3A_17 = arith.constant 0 : i32
    %dma_wait3A_18 = arith.constant 0 : i32
    %dma_wait3A_19 = tpu.memref_slice %arg2[%dma_wait3A_17, %dma_wait3A_18] : memref<8192x1024xf32, #tpu.memory_space<hbm>> -> memref<8192x1024xf32, #tpu.memory_space<hbm>>
    tpu.wait_indirect_dma semaphore(%arg10 : memref<!tpu.dma_semaphore, #tpu.memory_space<semaphore_mem>>) src(%dma_wait3A_19 : memref<8192x1024xf32, #tpu.memory_space<hbm>>) dst(%arg8 : memref<32x1024xf32, #tpu.memory_space<vmem>>)
    %dma_wait3A_20 = arith.constant 0 : i32
    %dma_wait3A_21 = arith.constant 0 : i32
    %dma_wait3A_22 = tpu.memref_slice %arg7[%dma_wait3A_20, %dma_wait3A_21] : memref<2x32xi32, #tpu.memory_space<vmem>> -> memref<1x32xi32, #tpu.memory_space<vmem>>
    %dma_wait3A_23 = tpu.memref_squeeze %dma_wait3A_22 : memref<1x32xi32, #tpu.memory_space<vmem>> -> memref<32xi32, #tpu.memory_space<vmem>>
    %dma_wait3A_24 = arith.constant 0 : i32
    %dma_wait3A_25 = arith.constant 0 : i32
    %dma_wait3A_26 = tpu.memref_slice %arg2[%dma_wait3A_24, %dma_wait3A_25] : memref<8192x1024xf32, #tpu.memory_space<hbm>> -> memref<8192x1024xf32, #tpu.memory_space<hbm>>
    tpu.wait_indirect_dma semaphore(%arg11 : memref<!tpu.dma_semaphore, #tpu.memory_space<semaphore_mem>>) src(%dma_wait3A_26 : memref<8192x1024xf32, #tpu.memory_space<hbm>>) dst(%arg9 : memref<32x1024xf32, #tpu.memory_space<vmem>>)
    %scan3A = arith.constant 0 : i32
    %scan3A_27 = arith.constant 0 : i32
    %scan3A_28 = arith.constant 32 : i32
    %scan3A_29 = arith.addi %scan3A_27, %scan3A_28 : i32
    %scan3A_30 = arith.constant 1 : i32
    %scan3A_31 = scf.for %scan3A_76 = %scan3A_27 to %scan3A_29 step %scan3A_30 iter_args(%scan3A_77 = %scan3A) -> (i32)  : i32 {
      %get3A = arith.index_cast %scan3A_76 : i32 to index
      %get3A_78 = arith.constant 0 : index
      %get3A_79 = tpu.vector_load %arg8[%get3A, %get3A_78] {strides = array<i32>} : memref<32x1024xf32, #tpu.memory_space<vmem>>, vector<1x16xf32>,
      %get3A_80 = vector.shape_cast %get3A_79 : vector<1x16xf32> to vector<16xf32>
      %get3A_81 = arith.index_cast %scan3A_76 : i32 to index
      %get3A_82 = arith.constant 0 : index
      %get3A_83 = tpu.vector_load %arg9[%get3A_81, %get3A_82] {strides = array<i32>} : memref<32x1024xf32, #tpu.memory_space<vmem>>, vector<1x16xf32>,
      %get3A_84 = vector.shape_cast %get3A_83 : vector<1x16xf32> to vector<16xf32>
      %add3A_85 = arith.addf %get3A_80, %get3A_84 : vector<16xf32>
      %swap3A = arith.index_cast %scan3A_76 : i32 to index
      %swap3A_86 = arith.constant 0 : index
      %swap3A_87 = tpu.vector_load %arg8[%swap3A, %swap3A_86] {strides = array<i32>} : memref<32x1024xf32, #tpu.memory_space<vmem>>, vector<1x16xf32>,
      %swap3A_88 = vector.shape_cast %swap3A_87 : vector<1x16xf32> to vector<16xf32>
      %swap3A_89 = vector.shape_cast %add3A_85 : vector<16xf32> to vector<1x16xf32>
      tpu.vector_store %arg8[%swap3A, %swap3A_86], %swap3A_89 {strides = array<i32>} : memref<32x1024xf32, #tpu.memory_space<vmem>>, vector<1x16xf32>,
      %get3A_90 = arith.index_cast %scan3A_76 : i32 to index
      %get3A_91 = arith.constant 16 : index
      %get3A_92 = tpu.vector_load %arg8[%get3A_90, %get3A_91] {strides = array<i32>} : memref<32x1024xf32, #tpu.memory_space<vmem>>, vector<1x16xf32>,
      %get3A_93 = vector.shape_cast %get3A_92 : vector<1x16xf32> to vector<16xf32>
      %get3A_94 = arith.index_cast %scan3A_76 : i32 to index
      %get3A_95 = arith.constant 16 : index
      %get3A_96 = tpu.vector_load %arg9[%get3A_94, %get3A_95] {strides = array<i32>} : memref<32x1024xf32, #tpu.memory_space<vmem>>, vector<1x16xf32>,
      %get3A_97 = vector.shape_cast %get3A_96 : vector<1x16xf32> to vector<16xf32>
      %add3A_98 = arith.addf %get3A_93, %get3A_97 : vector<16xf32>
      %swap3A_99 = arith.index_cast %scan3A_76 : i32 to index
      %swap3A_100 = arith.constant 16 : index
      %swap3A_101 = tpu.vector_load %arg8[%swap3A_99, %swap3A_100] {strides = array<i32>} : memref<32x1024xf32, #tpu.memory_space<vmem>>, vector<1x16xf32>,
      %swap3A_102 = vector.shape_cast %swap3A_101 : vector<1x16xf32> to vector<16xf32>
      %swap3A_103 = vector.shape_cast %add3A_98 : vector<16xf32> to vector<1x16xf32>
      tpu.vector_store %arg8[%swap3A_99, %swap3A_100], %swap3A_103 {strides = array<i32>} : memref<32x1024xf32, #tpu.memory_space<vmem>>, vector<1x16xf32>,
      %get3A_104 = arith.index_cast %scan3A_76 : i32 to index
      %get3A_105 = arith.constant 32 : index
      %get3A_106 = tpu.vector_load %arg8[%get3A_104, %get3A_105] {strides = array<i32>} : memref<32x1024xf32, #tpu.memory_space<vmem>>, vector<1x16xf32>,
      %get3A_107 = vector.shape_cast %get3A_106 : vector<1x16xf32> to vector<16xf32>
      %get3A_108 = arith.index_cast %scan3A_76 : i32 to index
      %get3A_109 = arith.constant 32 : index
      %get3A_110 = tpu.vector_load %arg9[%get3A_108, %get3A_109] {strides = array<i32>} : memref<32x1024xf32, #tpu.memory_space<vmem>>, vector<1x16xf32>,
      %get3A_111 = vector.shape_cast %get3A_110 : vector<1x16xf32> to vector<16xf32>
      %add3A_112 = arith.addf %get3A_107, %get3A_111 : vector<16xf32>
      %swap3A_113 = arith.index_cast %scan3A_76 : i32 to index
      %swap3A_114 = arith.constant 32 : index
      %swap3A_115 = tpu.vector_load %arg8[%swap3A_113, %swap3A_114] {strides = array<i32>} : memref<32x1024xf32, #tpu.memory_space<vmem>>, vector<1x16xf32>,
      %swap3A_116 = vector.shape_cast %swap3A_115 : vector<1x16xf32> to vector<16xf32>
      %swap3A_117 = vector.shape_cast %add3A_112 : vector<16xf32> to vector<1x16xf32>
      tpu.vector_store %arg8[%swap3A_113, %swap3A_114], %swap3A_117 {strides = array<i32>} : memref<32x1024xf32, #tpu.memory_space<vmem>>, vector<1x16xf32>,
      %get3A_118 = arith.index_cast %scan3A_76 : i32 to index
      %get3A_119 = arith.constant 48 : index
      %get3A_120 = tpu.vector_load %arg8[%get3A_118, %get3A_119] {strides = array<i32>} : memref<32x1024xf32, #tpu.memory_space<vmem>>, vector<1x16xf32>,
      %get3A_121 = vector.shape_cast %get3A_120 : vector<1x16xf32> to vector<16xf32>
      %get3A_122 = arith.index_cast %scan3A_76 : i32 to index
      %get3A_123 = arith.constant 48 : index
      %get3A_124 = tpu.vector_load %arg9[%get3A_122, %get3A_123] {strides = array<i32>} : memref<32x1024xf32, #tpu.memory_space<vmem>>, vector<1x16xf32>,
      %get3A_125 = vector.shape_cast %get3A_124 : vector<1x16xf32> to vector<16xf32>
      %add3A_126 = arith.addf %get3A_121, %get3A_125 : vector<16xf32>
      %swap3A_127 = arith.index_cast %scan3A_76 : i32 to index
      %swap3A_128 = arith.constant 48 : index
      %swap3A_129 = tpu.vector_load %arg8[%swap3A_127, %swap3A_128] {strides = array<i32>} : memref<32x1024xf32, #tpu.memory_space<vmem>>, vector<1x16xf32>,
      %swap3A_130 = vector.shape_cast %swap3A_129 : vector<1x16xf32> to vector<16xf32>
      %swap3A_131 = vector.shape_cast %add3A_126 : vector<16xf32> to vector<1x16xf32>
      tpu.vector_store %arg8[%swap3A_127, %swap3A_128], %swap3A_131 {strides = array<i32>} : memref<32x1024xf32, #tpu.memory_space<vmem>>, vector<1x16xf32>,
      %get3A_132 = arith.index_cast %scan3A_76 : i32 to index
      %get3A_133 = arith.constant 64 : index
      %get3A_134 = tpu.vector_load %arg8[%get3A_132, %get3A_133] {strides = array<i32>} : memref<32x1024xf32, #tpu.memory_space<vmem>>, vector<1x16xf32>,
      %get3A_135 = vector.shape_cast %get3A_134 : vector<1x16xf32> to vector<16xf32>
      %get3A_136 = arith.index_cast %scan3A_76 : i32 to index
      %get3A_137 = arith.constant 64 : index
      %get3A_138 = tpu.vector_load %arg9[%get3A_136, %get3A_137] {strides = array<i32>} : memref<32x1024xf32, #tpu.memory_space<vmem>>, vector<1x16xf32>,
      %get3A_139 = vector.shape_cast %get3A_138 : vector<1x16xf32> to vector<16xf32>
      %add3A_140 = arith.addf %get3A_135, %get3A_139 : vector<16xf32>
      %swap3A_141 = arith.index_cast %scan3A_76 : i32 to index
      %swap3A_142 = arith.constant 64 : index
      %swap3A_143 = tpu.vector_load %arg8[%swap3A_141, %swap3A_142] {strides = array<i32>} : memref<32x1024xf32, #tpu.memory_space<vmem>>, vector<1x16xf32>,
      %swap3A_144 = vector.shape_cast %swap3A_143 : vector<1x16xf32> to vector<16xf32>
      %swap3A_145 = vector.shape_cast %add3A_140 : vector<16xf32> to vector<1x16xf32>
      tpu.vector_store %arg8[%swap3A_141, %swap3A_142], %swap3A_145 {strides = array<i32>} : memref<32x1024xf32, #tpu.memory_space<vmem>>, vector<1x16xf32>,
      %get3A_146 = arith.index_cast %scan3A_76 : i32 to index
      %get3A_147 = arith.constant 80 : index
      %get3A_148 = tpu.vector_load %arg8[%get3A_146, %get3A_147] {strides = array<i32>} : memref<32x1024xf32, #tpu.memory_space<vmem>>, vector<1x16xf32>,
      %get3A_149 = vector.shape_cast %get3A_148 : vector<1x16xf32> to vector<16xf32>
      %get3A_150 = arith.index_cast %scan3A_76 : i32 to index
      %get3A_151 = arith.constant 80 : index
      %get3A_152 = tpu.vector_load %arg9[%get3A_150, %get3A_151] {strides = array<i32>} : memref<32x1024xf32, #tpu.memory_space<vmem>>, vector<1x16xf32>,
      %get3A_153 = vector.shape_cast %get3A_152 : vector<1x16xf32> to vector<16xf32>
      %add3A_154 = arith.addf %get3A_149, %get3A_153 : vector<16xf32>
      %swap3A_155 = arith.index_cast %scan3A_76 : i32 to index
      %swap3A_156 = arith.constant 80 : index
      %swap3A_157 = tpu.vector_load %arg8[%swap3A_155, %swap3A_156] {strides = array<i32>} : memref<32x1024xf32, #tpu.memory_space<vmem>>, vector<1x16xf32>,
      %swap3A_158 = vector.shape_cast %swap3A_157 : vector<1x16xf32> to vector<16xf32>
      %swap3A_159 = vector.shape_cast %add3A_154 : vector<16xf32> to vector<1x16xf32>
      tpu.vector_store %arg8[%swap3A_155, %swap3A_156], %swap3A_159 {strides = array<i32>} : memref<32x1024xf32, #tpu.memory_space<vmem>>, vector<1x16xf32>,
      %get3A_160 = arith.index_cast %scan3A_76 : i32 to index
      %get3A_161 = arith.constant 96 : index
      %get3A_162 = tpu.vector_load %arg8[%get3A_160, %get3A_161] {strides = array<i32>} : memref<32x1024xf32, #tpu.memory_space<vmem>>, vector<1x16xf32>,
      %get3A_163 = vector.shape_cast %get3A_162 : vector<1x16xf32> to vector<16xf32>
      %get3A_164 = arith.index_cast %scan3A_76 : i32 to index
      %get3A_165 = arith.constant 96 : index
      %get3A_166 = tpu.vector_load %arg9[%get3A_164, %get3A_165] {strides = array<i32>} : memref<32x1024xf32, #tpu.memory_space<vmem>>, vector<1x16xf32>,
      %get3A_167 = vector.shape_cast %get3A_166 : vector<1x16xf32> to vector<16xf32>
      %add3A_168 = arith.addf %get3A_163, %get3A_167 : vector<16xf32>
      %swap3A_169 = arith.index_cast %scan3A_76 : i32 to index
      %swap3A_170 = arith.constant 96 : index
      %swap3A_171 = tpu.vector_load %arg8[%swap3A_169, %swap3A_170] {strides = array<i32>} : memref<32x1024xf32, #tpu.memory_space<vmem>>, vector<1x16xf32>,
      %swap3A_172 = vector.shape_cast %swap3A_171 : vector<1x16xf32> to vector<16xf32>
      %swap3A_173 = vector.shape_cast %add3A_168 : vector<16xf32> to vector<1x16xf32>
      tpu.vector_store %arg8[%swap3A_169, %swap3A_170], %swap3A_173 {strides = array<i32>} : memref<32x1024xf32, #tpu.memory_space<vmem>>, vector<1x16xf32>,
      %get3A_174 = arith.index_cast %scan3A_76 : i32 to index
      %get3A_175 = arith.constant 112 : index
      %get3A_176 = tpu.vector_load %arg8[%get3A_174, %get3A_175] {strides = array<i32>} : memref<32x1024xf32, #tpu.memory_space<vmem>>, vector<1x16xf32>,
      %get3A_177 = vector.shape_cast %get3A_176 : vector<1x16xf32> to vector<16xf32>
      %get3A_178 = arith.index_cast %scan3A_76 : i32 to index
      %get3A_179 = arith.constant 112 : index
      %get3A_180 = tpu.vector_load %arg9[%get3A_178, %get3A_179] {strides = array<i32>} : memref<32x1024xf32, #tpu.memory_space<vmem>>, vector<1x16xf32>,
      %get3A_181 = vector.shape_cast %get3A_180 : vector<1x16xf32> to vector<16xf32>
      %add3A_182 = arith.addf %get3A_177, %get3A_181 : vector<16xf32>
      %swap3A_183 = arith.index_cast %scan3A_76 : i32 to index
      %swap3A_184 = arith.constant 112 : index
      %swap3A_185 = tpu.vector_load %arg8[%swap3A_183, %swap3A_184] {strides = array<i32>} : memref<32x1024xf32, #tpu.memory_space<vmem>>, vector<1x16xf32>,
      %swap3A_186 = vector.shape_cast %swap3A_185 : vector<1x16xf32> to vector<16xf32>
      %swap3A_187 = vector.shape_cast %add3A_182 : vector<16xf32> to vector<1x16xf32>
      tpu.vector_store %arg8[%swap3A_183, %swap3A_184], %swap3A_187 {strides = array<i32>} : memref<32x1024xf32, #tpu.memory_space<vmem>>, vector<1x16xf32>,
      %get3A_188 = arith.index_cast %scan3A_76 : i32 to index
      %get3A_189 = arith.constant 128 : index
      %get3A_190 = tpu.vector_load %arg8[%get3A_188, %get3A_189] {strides = array<i32>} : memref<32x1024xf32, #tpu.memory_space<vmem>>, vector<1x16xf32>,
      %get3A_191 = vector.shape_cast %get3A_190 : vector<1x16xf32> to vector<16xf32>
      %get3A_192 = arith.index_cast %scan3A_76 : i32 to index
      %get3A_193 = arith.constant 128 : index
      %get3A_194 = tpu.vector_load %arg9[%get3A_192, %get3A_193] {strides = array<i32>} : memref<32x1024xf32, #tpu.memory_space<vmem>>, vector<1x16xf32>,
      %get3A_195 = vector.shape_cast %get3A_194 : vector<1x16xf32> to vector<16xf32>
      %add3A_196 = arith.addf %get3A_191, %get3A_195 : vector<16xf32>
      %swap3A_197 = arith.index_cast %scan3A_76 : i32 to index
      %swap3A_198 = arith.constant 128 : index
      %swap3A_199 = tpu.vector_load %arg8[%swap3A_197, %swap3A_198] {strides = array<i32>} : memref<32x1024xf32, #tpu.memory_space<vmem>>, vector<1x16xf32>,
      %swap3A_200 = vector.shape_cast %swap3A_199 : vector<1x16xf32> to vector<16xf32>
      %swap3A_201 = vector.shape_cast %add3A_196 : vector<16xf32> to vector<1x16xf32>
      tpu.vector_store %arg8[%swap3A_197, %swap3A_198], %swap3A_201 {strides = array<i32>} : memref<32x1024xf32, #tpu.memory_space<vmem>>, vector<1x16xf32>,
      %get3A_202 = arith.index_cast %scan3A_76 : i32 to index
      %get3A_203 = arith.constant 144 : index
      %get3A_204 = tpu.vector_load %arg8[%get3A_202, %get3A_203] {strides = array<i32>} : memref<32x1024xf32, #tpu.memory_space<vmem>>, vector<1x16xf32>,
      %get3A_205 = vector.shape_cast %get3A_204 : vector<1x16xf32> to vector<16xf32>
      %get3A_206 = arith.index_cast %scan3A_76 : i32 to index
      %get3A_207 = arith.constant 144 : index
      %get3A_208 = tpu.vector_load %arg9[%get3A_206, %get3A_207] {strides = array<i32>} : memref<32x1024xf32, #tpu.memory_space<vmem>>, vector<1x16xf32>,
      %get3A_209 = vector.shape_cast %get3A_208 : vector<1x16xf32> to vector<16xf32>
      %add3A_210 = arith.addf %get3A_205, %get3A_209 : vector<16xf32>
      %swap3A_211 = arith.index_cast %scan3A_76 : i32 to index
      %swap3A_212 = arith.constant 144 : index
      %swap3A_213 = tpu.vector_load %arg8[%swap3A_211, %swap3A_212] {strides = array<i32>} : memref<32x1024xf32, #tpu.memory_space<vmem>>, vector<1x16xf32>,
      %swap3A_214 = vector.shape_cast %swap3A_213 : vector<1x16xf32> to vector<16xf32>
      %swap3A_215 = vector.shape_cast %add3A_210 : vector<16xf32> to vector<1x16xf32>
      tpu.vector_store %arg8[%swap3A_211, %swap3A_212], %swap3A_215 {strides = array<i32>} : memref<32x1024xf32, #tpu.memory_space<vmem>>, vector<1x16xf32>,
      %get3A_216 = arith.index_cast %scan3A_76 : i32 to index
      %get3A_217 = arith.constant 160 : index
      %get3A_218 = tpu.vector_load %arg8[%get3A_216, %get3A_217] {strides = array<i32>} : memref<32x1024xf32, #tpu.memory_space<vmem>>, vector<1x16xf32>,
      %get3A_219 = vector.shape_cast %get3A_218 : vector<1x16xf32> to vector<16xf32>
      %get3A_220 = arith.index_cast %scan3A_76 : i32 to index
      %get3A_221 = arith.constant 160 : index
      %get3A_222 = tpu.vector_load %arg9[%get3A_220, %get3A_221] {strides = array<i32>} : memref<32x1024xf32, #tpu.memory_space<vmem>>, vector<1x16xf32>,
      %get3A_223 = vector.shape_cast %get3A_222 : vector<1x16xf32> to vector<16xf32>
      %add3A_224 = arith.addf %get3A_219, %get3A_223 : vector<16xf32>
      %swap3A_225 = arith.index_cast %scan3A_76 : i32 to index
      %swap3A_226 = arith.constant 160 : index
      %swap3A_227 = tpu.vector_load %arg8[%swap3A_225, %swap3A_226] {strides = array<i32>} : memref<32x1024xf32, #tpu.memory_space<vmem>>, vector<1x16xf32>,
      %swap3A_228 = vector.shape_cast %swap3A_227 : vector<1x16xf32> to vector<16xf32>
      %swap3A_229 = vector.shape_cast %add3A_224 : vector<16xf32> to vector<1x16xf32>
      tpu.vector_store %arg8[%swap3A_225, %swap3A_226], %swap3A_229 {strides = array<i32>} : memref<32x1024xf32, #tpu.memory_space<vmem>>, vector<1x16xf32>,
      %get3A_230 = arith.index_cast %scan3A_76 : i32 to index
      %get3A_231 = arith.constant 176 : index
      %get3A_232 = tpu.vector_load %arg8[%get3A_230, %get3A_231] {strides = array<i32>} : memref<32x1024xf32, #tpu.memory_space<vmem>>, vector<1x16xf32>,
      %get3A_233 = vector.shape_cast %get3A_232 : vector<1x16xf32> to vector<16xf32>
      %get3A_234 = arith.index_cast %scan3A_76 : i32 to index
      %get3A_235 = arith.constant 176 : index
      %get3A_236 = tpu.vector_load %arg9[%get3A_234, %get3A_235] {strides = array<i32>} : memref<32x1024xf32, #tpu.memory_space<vmem>>, vector<1x16xf32>,
      %get3A_237 = vector.shape_cast %get3A_236 : vector<1x16xf32> to vector<16xf32>
      %add3A_238 = arith.addf %get3A_233, %get3A_237 : vector<16xf32>
      %swap3A_239 = arith.index_cast %scan3A_76 : i32 to index
      %swap3A_240 = arith.constant 176 : index
      %swap3A_241 = tpu.vector_load %arg8[%swap3A_239, %swap3A_240] {strides = array<i32>} : memref<32x1024xf32, #tpu.memory_space<vmem>>, vector<1x16xf32>,
      %swap3A_242 = vector.shape_cast %swap3A_241 : vector<1x16xf32> to vector<16xf32>
      %swap3A_243 = vector.shape_cast %add3A_238 : vector<16xf32> to vector<1x16xf32>
      tpu.vector_store %arg8[%swap3A_239, %swap3A_240], %swap3A_243 {strides = array<i32>} : memref<32x1024xf32, #tpu.memory_space<vmem>>, vector<1x16xf32>,
      %get3A_244 = arith.index_cast %scan3A_76 : i32 to index
      %get3A_245 = arith.constant 192 : index
      %get3A_246 = tpu.vector_load %arg8[%get3A_244, %get3A_245] {strides = array<i32>} : memref<32x1024xf32, #tpu.memory_space<vmem>>, vector<1x16xf32>,
      %get3A_247 = vector.shape_cast %get3A_246 : vector<1x16xf32> to vector<16xf32>
      %get3A_248 = arith.index_cast %scan3A_76 : i32 to index
      %get3A_249 = arith.constant 192 : index
      %get3A_250 = tpu.vector_load %arg9[%get3A_248, %get3A_249] {strides = array<i32>} : memref<32x1024xf32, #tpu.memory_space<vmem>>, vector<1x16xf32>,
      %get3A_251 = vector.shape_cast %get3A_250 : vector<1x16xf32> to vector<16xf32>
      %add3A_252 = arith.addf %get3A_247, %get3A_251 : vector<16xf32>
      %swap3A_253 = arith.index_cast %scan3A_76 : i32 to index
      %swap3A_254 = arith.constant 192 : index
      %swap3A_255 = tpu.vector_load %arg8[%swap3A_253, %swap3A_254] {strides = array<i32>} : memref<32x1024xf32, #tpu.memory_space<vmem>>, vector<1x16xf32>,
      %swap3A_256 = vector.shape_cast %swap3A_255 : vector<1x16xf32> to vector<16xf32>
      %swap3A_257 = vector.shape_cast %add3A_252 : vector<16xf32> to vector<1x16xf32>
      tpu.vector_store %arg8[%swap3A_253, %swap3A_254], %swap3A_257 {strides = array<i32>} : memref<32x1024xf32, #tpu.memory_space<vmem>>, vector<1x16xf32>,
      %get3A_258 = arith.index_cast %scan3A_76 : i32 to index
      %get3A_259 = arith.constant 208 : index
      %get3A_260 = tpu.vector_load %arg8[%get3A_258, %get3A_259] {strides = array<i32>} : memref<32x1024xf32, #tpu.memory_space<vmem>>, vector<1x16xf32>,
      %get3A_261 = vector.shape_cast %get3A_260 : vector<1x16xf32> to vector<16xf32>
      %get3A_262 = arith.index_cast %scan3A_76 : i32 to index
      %get3A_263 = arith.constant 208 : index
      %get3A_264 = tpu.vector_load %arg9[%get3A_262, %get3A_263] {strides = array<i32>} : memref<32x1024xf32, #tpu.memory_space<vmem>>, vector<1x16xf32>,
      %get3A_265 = vector.shape_cast %get3A_264 : vector<1x16xf32> to vector<16xf32>
      %add3A_266 = arith.addf %get3A_261, %get3A_265 : vector<16xf32>
      %swap3A_267 = arith.index_cast %scan3A_76 : i32 to index
      %swap3A_268 = arith.constant 208 : index
      %swap3A_269 = tpu.vector_load %arg8[%swap3A_267, %swap3A_268] {strides = array<i32>} : memref<32x1024xf32, #tpu.memory_space<vmem>>, vector<1x16xf32>,
      %swap3A_270 = vector.shape_cast %swap3A_269 : vector<1x16xf32> to vector<16xf32>
      %swap3A_271 = vector.shape_cast %add3A_266 : vector<16xf32> to vector<1x16xf32>
      tpu.vector_store %arg8[%swap3A_267, %swap3A_268], %swap3A_271 {strides = array<i32>} : memref<32x1024xf32, #tpu.memory_space<vmem>>, vector<1x16xf32>,
      %get3A_272 = arith.index_cast %scan3A_76 : i32 to index
      %get3A_273 = arith.constant 224 : index
      %get3A_274 = tpu.vector_load %arg8[%get3A_272, %get3A_273] {strides = array<i32>} : memref<32x1024xf32, #tpu.memory_space<vmem>>, vector<1x16xf32>,
      %get3A_275 = vector.shape_cast %get3A_274 : vector<1x16xf32> to vector<16xf32>
      %get3A_276 = arith.index_cast %scan3A_76 : i32 to index
      %get3A_277 = arith.constant 224 : index
      %get3A_278 = tpu.vector_load %arg9[%get3A_276, %get3A_277] {strides = array<i32>} : memref<32x1024xf32, #tpu.memory_space<vmem>>, vector<1x16xf32>,
      %get3A_279 = vector.shape_cast %get3A_278 : vector<1x16xf32> to vector<16xf32>
      %add3A_280 = arith.addf %get3A_275, %get3A_279 : vector<16xf32>
      %swap3A_281 = arith.index_cast %scan3A_76 : i32 to index
      %swap3A_282 = arith.constant 224 : index
      %swap3A_283 = tpu.vector_load %arg8[%swap3A_281, %swap3A_282] {strides = array<i32>} : memref<32x1024xf32, #tpu.memory_space<vmem>>, vector<1x16xf32>,
      %swap3A_284 = vector.shape_cast %swap3A_283 : vector<1x16xf32> to vector<16xf32>
      %swap3A_285 = vector.shape_cast %add3A_280 : vector<16xf32> to vector<1x16xf32>
      tpu.vector_store %arg8[%swap3A_281, %swap3A_282], %swap3A_285 {strides = array<i32>} : memref<32x1024xf32, #tpu.memory_space<vmem>>, vector<1x16xf32>,
      %get3A_286 = arith.index_cast %scan3A_76 : i32 to index
      %get3A_287 = arith.constant 240 : index
      %get3A_288 = tpu.vector_load %arg8[%get3A_286, %get3A_287] {strides = array<i32>} : memref<32x1024xf32, #tpu.memory_space<vmem>>, vector<1x16xf32>,
      %get3A_289 = vector.shape_cast %get3A_288 : vector<1x16xf32> to vector<16xf32>
      %get3A_290 = arith.index_cast %scan3A_76 : i32 to index
      %get3A_291 = arith.constant 240 : index
      %get3A_292 = tpu.vector_load %arg9[%get3A_290, %get3A_291] {strides = array<i32>} : memref<32x1024xf32, #tpu.memory_space<vmem>>, vector<1x16xf32>,
      %get3A_293 = vector.shape_cast %get3A_292 : vector<1x16xf32> to vector<16xf32>
      %add3A_294 = arith.addf %get3A_289, %get3A_293 : vector<16xf32>
      %swap3A_295 = arith.index_cast %scan3A_76 : i32 to index
      %swap3A_296 = arith.constant 240 : index
      %swap3A_297 = tpu.vector_load %arg8[%swap3A_295, %swap3A_296] {strides = array<i32>} : memref<32x1024xf32, #tpu.memory_space<vmem>>, vector<1x16xf32>,
      %swap3A_298 = vector.shape_cast %swap3A_297 : vector<1x16xf32> to vector<16xf32>
      %swap3A_299 = vector.shape_cast %add3A_294 : vector<16xf32> to vector<1x16xf32>
      tpu.vector_store %arg8[%swap3A_295, %swap3A_296], %swap3A_299 {strides = array<i32>} : memref<32x1024xf32, #tpu.memory_space<vmem>>, vector<1x16xf32>,
      %get3A_300 = arith.index_cast %scan3A_76 : i32 to index
      %get3A_301 = arith.constant 256 : index
      %get3A_302 = tpu.vector_load %arg8[%get3A_300, %get3A_301] {strides = array<i32>} : memref<32x1024xf32, #tpu.memory_space<vmem>>, vector<1x16xf32>,
      %get3A_303 = vector.shape_cast %get3A_302 : vector<1x16xf32> to vector<16xf32>
      %get3A_304 = arith.index_cast %scan3A_76 : i32 to index
      %get3A_305 = arith.constant 256 : index
      %get3A_306 = tpu.vector_load %arg9[%get3A_304, %get3A_305] {strides = array<i32>} : memref<32x1024xf32, #tpu.memory_space<vmem>>, vector<1x16xf32>,
      %get3A_307 = vector.shape_cast %get3A_306 : vector<1x16xf32> to vector<16xf32>
      %add3A_308 = arith.addf %get3A_303, %get3A_307 : vector<16xf32>
      %swap3A_309 = arith.index_cast %scan3A_76 : i32 to index
      %swap3A_310 = arith.constant 256 : index
      %swap3A_311 = tpu.vector_load %arg8[%swap3A_309, %swap3A_310] {strides = array<i32>} : memref<32x1024xf32, #tpu.memory_space<vmem>>, vector<1x16xf32>,
      %swap3A_312 = vector.shape_cast %swap3A_311 : vector<1x16xf32> to vector<16xf32>
      %swap3A_313 = vector.shape_cast %add3A_308 : vector<16xf32> to vector<1x16xf32>
      tpu.vector_store %arg8[%swap3A_309, %swap3A_310], %swap3A_313 {strides = array<i32>} : memref<32x1024xf32, #tpu.memory_space<vmem>>, vector<1x16xf32>,
      %get3A_314 = arith.index_cast %scan3A_76 : i32 to index
      %get3A_315 = arith.constant 272 : index
      %get3A_316 = tpu.vector_load %arg8[%get3A_314, %get3A_315] {strides = array<i32>} : memref<32x1024xf32, #tpu.memory_space<vmem>>, vector<1x16xf32>,
      %get3A_317 = vector.shape_cast %get3A_316 : vector<1x16xf32> to vector<16xf32>
      %get3A_318 = arith.index_cast %scan3A_76 : i32 to index
      %get3A_319 = arith.constant 272 : index
      %get3A_320 = tpu.vector_load %arg9[%get3A_318, %get3A_319] {strides = array<i32>} : memref<32x1024xf32, #tpu.memory_space<vmem>>, vector<1x16xf32>,
      %get3A_321 = vector.shape_cast %get3A_320 : vector<1x16xf32> to vector<16xf32>
      %add3A_322 = arith.addf %get3A_317, %get3A_321 : vector<16xf32>
      %swap3A_323 = arith.index_cast %scan3A_76 : i32 to index
      %swap3A_324 = arith.constant 272 : index
      %swap3A_325 = tpu.vector_load %arg8[%swap3A_323, %swap3A_324] {strides = array<i32>} : memref<32x1024xf32, #tpu.memory_space<vmem>>, vector<1x16xf32>,
      %swap3A_326 = vector.shape_cast %swap3A_325 : vector<1x16xf32> to vector<16xf32>
      %swap3A_327 = vector.shape_cast %add3A_322 : vector<16xf32> to vector<1x16xf32>
      tpu.vector_store %arg8[%swap3A_323, %swap3A_324], %swap3A_327 {strides = array<i32>} : memref<32x1024xf32, #tpu.memory_space<vmem>>, vector<1x16xf32>,
      %get3A_328 = arith.index_cast %scan3A_76 : i32 to index
      %get3A_329 = arith.constant 288 : index
      %get3A_330 = tpu.vector_load %arg8[%get3A_328, %get3A_329] {strides = array<i32>} : memref<32x1024xf32, #tpu.memory_space<vmem>>, vector<1x16xf32>,
      %get3A_331 = vector.shape_cast %get3A_330 : vector<1x16xf32> to vector<16xf32>
      %get3A_332 = arith.index_cast %scan3A_76 : i32 to index
      %get3A_333 = arith.constant 288 : index
      %get3A_334 = tpu.vector_load %arg9[%get3A_332, %get3A_333] {strides = array<i32>} : memref<32x1024xf32, #tpu.memory_space<vmem>>, vector<1x16xf32>,
      %get3A_335 = vector.shape_cast %get3A_334 : vector<1x16xf32> to vector<16xf32>
      %add3A_336 = arith.addf %get3A_331, %get3A_335 : vector<16xf32>
      %swap3A_337 = arith.index_cast %scan3A_76 : i32 to index
      %swap3A_338 = arith.constant 288 : index
      %swap3A_339 = tpu.vector_load %arg8[%swap3A_337, %swap3A_338] {strides = array<i32>} : memref<32x1024xf32, #tpu.memory_space<vmem>>, vector<1x16xf32>,
      %swap3A_340 = vector.shape_cast %swap3A_339 : vector<1x16xf32> to vector<16xf32>
      %swap3A_341 = vector.shape_cast %add3A_336 : vector<16xf32> to vector<1x16xf32>
      tpu.vector_store %arg8[%swap3A_337, %swap3A_338], %swap3A_341 {strides = array<i32>} : memref<32x1024xf32, #tpu.memory_space<vmem>>, vector<1x16xf32>,
      %get3A_342 = arith.index_cast %scan3A_76 : i32 to index
      %get3A_343 = arith.constant 304 : index
      %get3A_344 = tpu.vector_load %arg8[%get3A_342, %get3A_343] {strides = array<i32>} : memref<32x1024xf32, #tpu.memory_space<vmem>>, vector<1x16xf32>,
      %get3A_345 = vector.shape_cast %get3A_344 : vector<1x16xf32> to vector<16xf32>
      %get3A_346 = arith.index_cast %scan3A_76 : i32 to index
      %get3A_347 = arith.constant 304 : index
      %get3A_348 = tpu.vector_load %arg9[%get3A_346, %get3A_347] {strides = array<i32>} : memref<32x1024xf32, #tpu.memory_space<vmem>>, vector<1x16xf32>,
      %get3A_349 = vector.shape_cast %get3A_348 : vector<1x16xf32> to vector<16xf32>
      %add3A_350 = arith.addf %get3A_345, %get3A_349 : vector<16xf32>
      %swap3A_351 = arith.index_cast %scan3A_76 : i32 to index
      %swap3A_352 = arith.constant 304 : index
      %swap3A_353 = tpu.vector_load %arg8[%swap3A_351, %swap3A_352] {strides = array<i32>} : memref<32x1024xf32, #tpu.memory_space<vmem>>, vector<1x16xf32>,
      %swap3A_354 = vector.shape_cast %swap3A_353 : vector<1x16xf32> to vector<16xf32>
      %swap3A_355 = vector.shape_cast %add3A_350 : vector<16xf32> to vector<1x16xf32>
      tpu.vector_store %arg8[%swap3A_351, %swap3A_352], %swap3A_355 {strides = array<i32>} : memref<32x1024xf32, #tpu.memory_space<vmem>>, vector<1x16xf32>,
      %get3A_356 = arith.index_cast %scan3A_76 : i32 to index
      %get3A_357 = arith.constant 320 : index
      %get3A_358 = tpu.vector_load %arg8[%get3A_356, %get3A_357] {strides = array<i32>} : memref<32x1024xf32, #tpu.memory_space<vmem>>, vector<1x16xf32>,
      %get3A_359 = vector.shape_cast %get3A_358 : vector<1x16xf32> to vector<16xf32>
      %get3A_360 = arith.index_cast %scan3A_76 : i32 to index
      %get3A_361 = arith.constant 320 : index
      %get3A_362 = tpu.vector_load %arg9[%get3A_360, %get3A_361] {strides = array<i32>} : memref<32x1024xf32, #tpu.memory_space<vmem>>, vector<1x16xf32>,
      %get3A_363 = vector.shape_cast %get3A_362 : vector<1x16xf32> to vector<16xf32>
      %add3A_364 = arith.addf %get3A_359, %get3A_363 : vector<16xf32>
      %swap3A_365 = arith.index_cast %scan3A_76 : i32 to index
      %swap3A_366 = arith.constant 320 : index
      %swap3A_367 = tpu.vector_load %arg8[%swap3A_365, %swap3A_366] {strides = array<i32>} : memref<32x1024xf32, #tpu.memory_space<vmem>>, vector<1x16xf32>,
      %swap3A_368 = vector.shape_cast %swap3A_367 : vector<1x16xf32> to vector<16xf32>
      %swap3A_369 = vector.shape_cast %add3A_364 : vector<16xf32> to vector<1x16xf32>
      tpu.vector_store %arg8[%swap3A_365, %swap3A_366], %swap3A_369 {strides = array<i32>} : memref<32x1024xf32, #tpu.memory_space<vmem>>, vector<1x16xf32>,
      %get3A_370 = arith.index_cast %scan3A_76 : i32 to index
      %get3A_371 = arith.constant 336 : index
      %get3A_372 = tpu.vector_load %arg8[%get3A_370, %get3A_371] {strides = array<i32>} : memref<32x1024xf32, #tpu.memory_space<vmem>>, vector<1x16xf32>,
      %get3A_373 = vector.shape_cast %get3A_372 : vector<1x16xf32> to vector<16xf32>
      %get3A_374 = arith.index_cast %scan3A_76 : i32 to index
      %get3A_375 = arith.constant 336 : index
      %get3A_376 = tpu.vector_load %arg9[%get3A_374, %get3A_375] {strides = array<i32>} : memref<32x1024xf32, #tpu.memory_space<vmem>>, vector<1x16xf32>,
      %get3A_377 = vector.shape_cast %get3A_376 : vector<1x16xf32> to vector<16xf32>
      %add3A_378 = arith.addf %get3A_373, %get3A_377 : vector<16xf32>
      %swap3A_379 = arith.index_cast %scan3A_76 : i32 to index
      %swap3A_380 = arith.constant 336 : index
      %swap3A_381 = tpu.vector_load %arg8[%swap3A_379, %swap3A_380] {strides = array<i32>} : memref<32x1024xf32, #tpu.memory_space<vmem>>, vector<1x16xf32>,
      %swap3A_382 = vector.shape_cast %swap3A_381 : vector<1x16xf32> to vector<16xf32>
      %swap3A_383 = vector.shape_cast %add3A_378 : vector<16xf32> to vector<1x16xf32>
      tpu.vector_store %arg8[%swap3A_379, %swap3A_380], %swap3A_383 {strides = array<i32>} : memref<32x1024xf32, #tpu.memory_space<vmem>>, vector<1x16xf32>,
      %get3A_384 = arith.index_cast %scan3A_76 : i32 to index
      %get3A_385 = arith.constant 352 : index
      %get3A_386 = tpu.vector_load %arg8[%get3A_384, %get3A_385] {strides = array<i32>} : memref<32x1024xf32, #tpu.memory_space<vmem>>, vector<1x16xf32>,
      %get3A_387 = vector.shape_cast %get3A_386 : vector<1x16xf32> to vector<16xf32>
      %get3A_388 = arith.index_cast %scan3A_76 : i32 to index
      %get3A_389 = arith.constant 352 : index
      %get3A_390 = tpu.vector_load %arg9[%get3A_388, %get3A_389] {strides = array<i32>} : memref<32x1024xf32, #tpu.memory_space<vmem>>, vector<1x16xf32>,
      %get3A_391 = vector.shape_cast %get3A_390 : vector<1x16xf32> to vector<16xf32>
      %add3A_392 = arith.addf %get3A_387, %get3A_391 : vector<16xf32>
      %swap3A_393 = arith.index_cast %scan3A_76 : i32 to index
      %swap3A_394 = arith.constant 352 : index
      %swap3A_395 = tpu.vector_load %arg8[%swap3A_393, %swap3A_394] {strides = array<i32>} : memref<32x1024xf32, #tpu.memory_space<vmem>>, vector<1x16xf32>,
      %swap3A_396 = vector.shape_cast %swap3A_395 : vector<1x16xf32> to vector<16xf32>
      %swap3A_397 = vector.shape_cast %add3A_392 : vector<16xf32> to vector<1x16xf32>
      tpu.vector_store %arg8[%swap3A_393, %swap3A_394], %swap3A_397 {strides = array<i32>} : memref<32x1024xf32, #tpu.memory_space<vmem>>, vector<1x16xf32>,
      %get3A_398 = arith.index_cast %scan3A_76 : i32 to index
      %get3A_399 = arith.constant 368 : index
      %get3A_400 = tpu.vector_load %arg8[%get3A_398, %get3A_399] {strides = array<i32>} : memref<32x1024xf32, #tpu.memory_space<vmem>>, vector<1x16xf32>,
      %get3A_401 = vector.shape_cast %get3A_400 : vector<1x16xf32> to vector<16xf32>
      %get3A_402 = arith.index_cast %scan3A_76 : i32 to index
      %get3A_403 = arith.constant 368 : index
      %get3A_404 = tpu.vector_load %arg9[%get3A_402, %get3A_403] {strides = array<i32>} : memref<32x1024xf32, #tpu.memory_space<vmem>>, vector<1x16xf32>,
      %get3A_405 = vector.shape_cast %get3A_404 : vector<1x16xf32> to vector<16xf32>
      %add3A_406 = arith.addf %get3A_401, %get3A_405 : vector<16xf32>
      %swap3A_407 = arith.index_cast %scan3A_76 : i32 to index
      %swap3A_408 = arith.constant 368 : index
      %swap3A_409 = tpu.vector_load %arg8[%swap3A_407, %swap3A_408] {strides = array<i32>} : memref<32x1024xf32, #tpu.memory_space<vmem>>, vector<1x16xf32>,
      %swap3A_410 = vector.shape_cast %swap3A_409 : vector<1x16xf32> to vector<16xf32>
      %swap3A_411 = vector.shape_cast %add3A_406 : vector<16xf32> to vector<1x16xf32>
      tpu.vector_store %arg8[%swap3A_407, %swap3A_408], %swap3A_411 {strides = array<i32>} : memref<32x1024xf32, #tpu.memory_space<vmem>>, vector<1x16xf32>,
      %get3A_412 = arith.index_cast %scan3A_76 : i32 to index
      %get3A_413 = arith.constant 384 : index
      %get3A_414 = tpu.vector_load %arg8[%get3A_412, %get3A_413] {strides = array<i32>} : memref<32x1024xf32, #tpu.memory_space<vmem>>, vector<1x16xf32>,
      %get3A_415 = vector.shape_cast %get3A_414 : vector<1x16xf32> to vector<16xf32>
      %get3A_416 = arith.index_cast %scan3A_76 : i32 to index
      %get3A_417 = arith.constant 384 : index
      %get3A_418 = tpu.vector_load %arg9[%get3A_416, %get3A_417] {strides = array<i32>} : memref<32x1024xf32, #tpu.memory_space<vmem>>, vector<1x16xf32>,
      %get3A_419 = vector.shape_cast %get3A_418 : vector<1x16xf32> to vector<16xf32>
      %add3A_420 = arith.addf %get3A_415, %get3A_419 : vector<16xf32>
      %swap3A_421 = arith.index_cast %scan3A_76 : i32 to index
      %swap3A_422 = arith.constant 384 : index
      %swap3A_423 = tpu.vector_load %arg8[%swap3A_421, %swap3A_422] {strides = array<i32>} : memref<32x1024xf32, #tpu.memory_space<vmem>>, vector<1x16xf32>,
      %swap3A_424 = vector.shape_cast %swap3A_423 : vector<1x16xf32> to vector<16xf32>
      %swap3A_425 = vector.shape_cast %add3A_420 : vector<16xf32> to vector<1x16xf32>
      tpu.vector_store %arg8[%swap3A_421, %swap3A_422], %swap3A_425 {strides = array<i32>} : memref<32x1024xf32, #tpu.memory_space<vmem>>, vector<1x16xf32>,
      %get3A_426 = arith.index_cast %scan3A_76 : i32 to index
      %get3A_427 = arith.constant 400 : index
      %get3A_428 = tpu.vector_load %arg8[%get3A_426, %get3A_427] {strides = array<i32>} : memref<32x1024xf32, #tpu.memory_space<vmem>>, vector<1x16xf32>,
      %get3A_429 = vector.shape_cast %get3A_428 : vector<1x16xf32> to vector<16xf32>
      %get3A_430 = arith.index_cast %scan3A_76 : i32 to index
      %get3A_431 = arith.constant 400 : index
      %get3A_432 = tpu.vector_load %arg9[%get3A_430, %get3A_431] {strides = array<i32>} : memref<32x1024xf32, #tpu.memory_space<vmem>>, vector<1x16xf32>,
      %get3A_433 = vector.shape_cast %get3A_432 : vector<1x16xf32> to vector<16xf32>
      %add3A_434 = arith.addf %get3A_429, %get3A_433 : vector<16xf32>
      %swap3A_435 = arith.index_cast %scan3A_76 : i32 to index
      %swap3A_436 = arith.constant 400 : index
      %swap3A_437 = tpu.vector_load %arg8[%swap3A_435, %swap3A_436] {strides = array<i32>} : memref<32x1024xf32, #tpu.memory_space<vmem>>, vector<1x16xf32>,
      %swap3A_438 = vector.shape_cast %swap3A_437 : vector<1x16xf32> to vector<16xf32>
      %swap3A_439 = vector.shape_cast %add3A_434 : vector<16xf32> to vector<1x16xf32>
      tpu.vector_store %arg8[%swap3A_435, %swap3A_436], %swap3A_439 {strides = array<i32>} : memref<32x1024xf32, #tpu.memory_space<vmem>>, vector<1x16xf32>,
      %get3A_440 = arith.index_cast %scan3A_76 : i32 to index
      %get3A_441 = arith.constant 416 : index
      %get3A_442 = tpu.vector_load %arg8[%get3A_440, %get3A_441] {strides = array<i32>} : memref<32x1024xf32, #tpu.memory_space<vmem>>, vector<1x16xf32>,
      %get3A_443 = vector.shape_cast %get3A_442 : vector<1x16xf32> to vector<16xf32>
      %get3A_444 = arith.index_cast %scan3A_76 : i32 to index
      %get3A_445 = arith.constant 416 : index
      %get3A_446 = tpu.vector_load %arg9[%get3A_444, %get3A_445] {strides = array<i32>} : memref<32x1024xf32, #tpu.memory_space<vmem>>, vector<1x16xf32>,
      %get3A_447 = vector.shape_cast %get3A_446 : vector<1x16xf32> to vector<16xf32>
      %add3A_448 = arith.addf %get3A_443, %get3A_447 : vector<16xf32>
      %swap3A_449 = arith.index_cast %scan3A_76 : i32 to index
      %swap3A_450 = arith.constant 416 : index
      %swap3A_451 = tpu.vector_load %arg8[%swap3A_449, %swap3A_450] {strides = array<i32>} : memref<32x1024xf32, #tpu.memory_space<vmem>>, vector<1x16xf32>,
      %swap3A_452 = vector.shape_cast %swap3A_451 : vector<1x16xf32> to vector<16xf32>
      %swap3A_453 = vector.shape_cast %add3A_448 : vector<16xf32> to vector<1x16xf32>
      tpu.vector_store %arg8[%swap3A_449, %swap3A_450], %swap3A_453 {strides = array<i32>} : memref<32x1024xf32, #tpu.memory_space<vmem>>, vector<1x16xf32>,
      %get3A_454 = arith.index_cast %scan3A_76 : i32 to index
      %get3A_455 = arith.constant 432 : index
      %get3A_456 = tpu.vector_load %arg8[%get3A_454, %get3A_455] {strides = array<i32>} : memref<32x1024xf32, #tpu.memory_space<vmem>>, vector<1x16xf32>,
      %get3A_457 = vector.shape_cast %get3A_456 : vector<1x16xf32> to vector<16xf32>
      %get3A_458 = arith.index_cast %scan3A_76 : i32 to index
      %get3A_459 = arith.constant 432 : index
      %get3A_460 = tpu.vector_load %arg9[%get3A_458, %get3A_459] {strides = array<i32>} : memref<32x1024xf32, #tpu.memory_space<vmem>>, vector<1x16xf32>,
      %get3A_461 = vector.shape_cast %get3A_460 : vector<1x16xf32> to vector<16xf32>
      %add3A_462 = arith.addf %get3A_457, %get3A_461 : vector<16xf32>
      %swap3A_463 = arith.index_cast %scan3A_76 : i32 to index
      %swap3A_464 = arith.constant 432 : index
      %swap3A_465 = tpu.vector_load %arg8[%swap3A_463, %swap3A_464] {strides = array<i32>} : memref<32x1024xf32, #tpu.memory_space<vmem>>, vector<1x16xf32>,
      %swap3A_466 = vector.shape_cast %swap3A_465 : vector<1x16xf32> to vector<16xf32>
      %swap3A_467 = vector.shape_cast %add3A_462 : vector<16xf32> to vector<1x16xf32>
      tpu.vector_store %arg8[%swap3A_463, %swap3A_464], %swap3A_467 {strides = array<i32>} : memref<32x1024xf32, #tpu.memory_space<vmem>>, vector<1x16xf32>,
      %get3A_468 = arith.index_cast %scan3A_76 : i32 to index
      %get3A_469 = arith.constant 448 : index
      %get3A_470 = tpu.vector_load %arg8[%get3A_468, %get3A_469] {strides = array<i32>} : memref<32x1024xf32, #tpu.memory_space<vmem>>, vector<1x16xf32>,
      %get3A_471 = vector.shape_cast %get3A_470 : vector<1x16xf32> to vector<16xf32>
      %get3A_472 = arith.index_cast %scan3A_76 : i32 to index
      %get3A_473 = arith.constant 448 : index
      %get3A_474 = tpu.vector_load %arg9[%get3A_472, %get3A_473] {strides = array<i32>} : memref<32x1024xf32, #tpu.memory_space<vmem>>, vector<1x16xf32>,
      %get3A_475 = vector.shape_cast %get3A_474 : vector<1x16xf32> to vector<16xf32>
      %add3A_476 = arith.addf %get3A_471, %get3A_475 : vector<16xf32>
      %swap3A_477 = arith.index_cast %scan3A_76 : i32 to index
      %swap3A_478 = arith.constant 448 : index
      %swap3A_479 = tpu.vector_load %arg8[%swap3A_477, %swap3A_478] {strides = array<i32>} : memref<32x1024xf32, #tpu.memory_space<vmem>>, vector<1x16xf32>,
      %swap3A_480 = vector.shape_cast %swap3A_479 : vector<1x16xf32> to vector<16xf32>
      %swap3A_481 = vector.shape_cast %add3A_476 : vector<16xf32> to vector<1x16xf32>
      tpu.vector_store %arg8[%swap3A_477, %swap3A_478], %swap3A_481 {strides = array<i32>} : memref<32x1024xf32, #tpu.memory_space<vmem>>, vector<1x16xf32>,
      %get3A_482 = arith.index_cast %scan3A_76 : i32 to index
      %get3A_483 = arith.constant 464 : index
      %get3A_484 = tpu.vector_load %arg8[%get3A_482, %get3A_483] {strides = array<i32>} : memref<32x1024xf32, #tpu.memory_space<vmem>>, vector<1x16xf32>,
      %get3A_485 = vector.shape_cast %get3A_484 : vector<1x16xf32> to vector<16xf32>
      %get3A_486 = arith.index_cast %scan3A_76 : i32 to index
      %get3A_487 = arith.constant 464 : index
      %get3A_488 = tpu.vector_load %arg9[%get3A_486, %get3A_487] {strides = array<i32>} : memref<32x1024xf32, #tpu.memory_space<vmem>>, vector<1x16xf32>,
      %get3A_489 = vector.shape_cast %get3A_488 : vector<1x16xf32> to vector<16xf32>
      %add3A_490 = arith.addf %get3A_485, %get3A_489 : vector<16xf32>
      %swap3A_491 = arith.index_cast %scan3A_76 : i32 to index
      %swap3A_492 = arith.constant 464 : index
      %swap3A_493 = tpu.vector_load %arg8[%swap3A_491, %swap3A_492] {strides = array<i32>} : memref<32x1024xf32, #tpu.memory_space<vmem>>, vector<1x16xf32>,
      %swap3A_494 = vector.shape_cast %swap3A_493 : vector<1x16xf32> to vector<16xf32>
      %swap3A_495 = vector.shape_cast %add3A_490 : vector<16xf32> to vector<1x16xf32>
      tpu.vector_store %arg8[%swap3A_491, %swap3A_492], %swap3A_495 {strides = array<i32>} : memref<32x1024xf32, #tpu.memory_space<vmem>>, vector<1x16xf32>,
      %get3A_496 = arith.index_cast %scan3A_76 : i32 to index
      %get3A_497 = arith.constant 480 : index
      %get3A_498 = tpu.vector_load %arg8[%get3A_496, %get3A_497] {strides = array<i32>} : memref<32x1024xf32, #tpu.memory_space<vmem>>, vector<1x16xf32>,
      %get3A_499 = vector.shape_cast %get3A_498 : vector<1x16xf32> to vector<16xf32>
      %get3A_500 = arith.index_cast %scan3A_76 : i32 to index
      %get3A_501 = arith.constant 480 : index
      %get3A_502 = tpu.vector_load %arg9[%get3A_500, %get3A_501] {strides = array<i32>} : memref<32x1024xf32, #tpu.memory_space<vmem>>, vector<1x16xf32>,
      %get3A_503 = vector.shape_cast %get3A_502 : vector<1x16xf32> to vector<16xf32>
      %add3A_504 = arith.addf %get3A_499, %get3A_503 : vector<16xf32>
      %swap3A_505 = arith.index_cast %scan3A_76 : i32 to index
      %swap3A_506 = arith.constant 480 : index
      %swap3A_507 = tpu.vector_load %arg8[%swap3A_505, %swap3A_506] {strides = array<i32>} : memref<32x1024xf32, #tpu.memory_space<vmem>>, vector<1x16xf32>,
      %swap3A_508 = vector.shape_cast %swap3A_507 : vector<1x16xf32> to vector<16xf32>
      %swap3A_509 = vector.shape_cast %add3A_504 : vector<16xf32> to vector<1x16xf32>
      tpu.vector_store %arg8[%swap3A_505, %swap3A_506], %swap3A_509 {strides = array<i32>} : memref<32x1024xf32, #tpu.memory_space<vmem>>, vector<1x16xf32>,
      %get3A_510 = arith.index_cast %scan3A_76 : i32 to index
      %get3A_511 = arith.constant 496 : index
      %get3A_512 = tpu.vector_load %arg8[%get3A_510, %get3A_511] {strides = array<i32>} : memref<32x1024xf32, #tpu.memory_space<vmem>>, vector<1x16xf32>,
      %get3A_513 = vector.shape_cast %get3A_512 : vector<1x16xf32> to vector<16xf32>
      %get3A_514 = arith.index_cast %scan3A_76 : i32 to index
      %get3A_515 = arith.constant 496 : index
      %get3A_516 = tpu.vector_load %arg9[%get3A_514, %get3A_515] {strides = array<i32>} : memref<32x1024xf32, #tpu.memory_space<vmem>>, vector<1x16xf32>,
      %get3A_517 = vector.shape_cast %get3A_516 : vector<1x16xf32> to vector<16xf32>
      %add3A_518 = arith.addf %get3A_513, %get3A_517 : vector<16xf32>
      %swap3A_519 = arith.index_cast %scan3A_76 : i32 to index
      %swap3A_520 = arith.constant 496 : index
      %swap3A_521 = tpu.vector_load %arg8[%swap3A_519, %swap3A_520] {strides = array<i32>} : memref<32x1024xf32, #tpu.memory_space<vmem>>, vector<1x16xf32>,
      %swap3A_522 = vector.shape_cast %swap3A_521 : vector<1x16xf32> to vector<16xf32>
      %swap3A_523 = vector.shape_cast %add3A_518 : vector<16xf32> to vector<1x16xf32>
      tpu.vector_store %arg8[%swap3A_519, %swap3A_520], %swap3A_523 {strides = array<i32>} : memref<32x1024xf32, #tpu.memory_space<vmem>>, vector<1x16xf32>,
      %get3A_524 = arith.index_cast %scan3A_76 : i32 to index
      %get3A_525 = arith.constant 512 : index
      %get3A_526 = tpu.vector_load %arg8[%get3A_524, %get3A_525] {strides = array<i32>} : memref<32x1024xf32, #tpu.memory_space<vmem>>, vector<1x16xf32>,
      %get3A_527 = vector.shape_cast %get3A_526 : vector<1x16xf32> to vector<16xf32>
      %get3A_528 = arith.index_cast %scan3A_76 : i32 to index
      %get3A_529 = arith.constant 512 : index
      %get3A_530 = tpu.vector_load %arg9[%get3A_528, %get3A_529] {strides = array<i32>} : memref<32x1024xf32, #tpu.memory_space<vmem>>, vector<1x16xf32>,
      %get3A_531 = vector.shape_cast %get3A_530 : vector<1x16xf32> to vector<16xf32>
      %add3A_532 = arith.addf %get3A_527, %get3A_531 : vector<16xf32>
      %swap3A_533 = arith.index_cast %scan3A_76 : i32 to index
      %swap3A_534 = arith.constant 512 : index
      %swap3A_535 = tpu.vector_load %arg8[%swap3A_533, %swap3A_534] {strides = array<i32>} : memref<32x1024xf32, #tpu.memory_space<vmem>>, vector<1x16xf32>,
      %swap3A_536 = vector.shape_cast %swap3A_535 : vector<1x16xf32> to vector<16xf32>
      %swap3A_537 = vector.shape_cast %add3A_532 : vector<16xf32> to vector<1x16xf32>
      tpu.vector_store %arg8[%swap3A_533, %swap3A_534], %swap3A_537 {strides = array<i32>} : memref<32x1024xf32, #tpu.memory_space<vmem>>, vector<1x16xf32>,
      %get3A_538 = arith.index_cast %scan3A_76 : i32 to index
      %get3A_539 = arith.constant 528 : index
      %get3A_540 = tpu.vector_load %arg8[%get3A_538, %get3A_539] {strides = array<i32>} : memref<32x1024xf32, #tpu.memory_space<vmem>>, vector<1x16xf32>,
      %get3A_541 = vector.shape_cast %get3A_540 : vector<1x16xf32> to vector<16xf32>
      %get3A_542 = arith.index_cast %scan3A_76 : i32 to index
      %get3A_543 = arith.constant 528 : index
      %get3A_544 = tpu.vector_load %arg9[%get3A_542, %get3A_543] {strides = array<i32>} : memref<32x1024xf32, #tpu.memory_space<vmem>>, vector<1x16xf32>,
      %get3A_545 = vector.shape_cast %get3A_544 : vector<1x16xf32> to vector<16xf32>
      %add3A_546 = arith.addf %get3A_541, %get3A_545 : vector<16xf32>
      %swap3A_547 = arith.index_cast %scan3A_76 : i32 to index
      %swap3A_548 = arith.constant 528 : index
      %swap3A_549 = tpu.vector_load %arg8[%swap3A_547, %swap3A_548] {strides = array<i32>} : memref<32x1024xf32, #tpu.memory_space<vmem>>, vector<1x16xf32>,
      %swap3A_550 = vector.shape_cast %swap3A_549 : vector<1x16xf32> to vector<16xf32>
      %swap3A_551 = vector.shape_cast %add3A_546 : vector<16xf32> to vector<1x16xf32>
      tpu.vector_store %arg8[%swap3A_547, %swap3A_548], %swap3A_551 {strides = array<i32>} : memref<32x1024xf32, #tpu.memory_space<vmem>>, vector<1x16xf32>,
      %get3A_552 = arith.index_cast %scan3A_76 : i32 to index
      %get3A_553 = arith.constant 544 : index
      %get3A_554 = tpu.vector_load %arg8[%get3A_552, %get3A_553] {strides = array<i32>} : memref<32x1024xf32, #tpu.memory_space<vmem>>, vector<1x16xf32>,
      %get3A_555 = vector.shape_cast %get3A_554 : vector<1x16xf32> to vector<16xf32>
      %get3A_556 = arith.index_cast %scan3A_76 : i32 to index
      %get3A_557 = arith.constant 544 : index
      %get3A_558 = tpu.vector_load %arg9[%get3A_556, %get3A_557] {strides = array<i32>} : memref<32x1024xf32, #tpu.memory_space<vmem>>, vector<1x16xf32>,
      %get3A_559 = vector.shape_cast %get3A_558 : vector<1x16xf32> to vector<16xf32>
      %add3A_560 = arith.addf %get3A_555, %get3A_559 : vector<16xf32>
      %swap3A_561 = arith.index_cast %scan3A_76 : i32 to index
      %swap3A_562 = arith.constant 544 : index
      %swap3A_563 = tpu.vector_load %arg8[%swap3A_561, %swap3A_562] {strides = array<i32>} : memref<32x1024xf32, #tpu.memory_space<vmem>>, vector<1x16xf32>,
      %swap3A_564 = vector.shape_cast %swap3A_563 : vector<1x16xf32> to vector<16xf32>
      %swap3A_565 = vector.shape_cast %add3A_560 : vector<16xf32> to vector<1x16xf32>
      tpu.vector_store %arg8[%swap3A_561, %swap3A_562], %swap3A_565 {strides = array<i32>} : memref<32x1024xf32, #tpu.memory_space<vmem>>, vector<1x16xf32>,
      %get3A_566 = arith.index_cast %scan3A_76 : i32 to index
      %get3A_567 = arith.constant 560 : index
      %get3A_568 = tpu.vector_load %arg8[%get3A_566, %get3A_567] {strides = array<i32>} : memref<32x1024xf32, #tpu.memory_space<vmem>>, vector<1x16xf32>,
      %get3A_569 = vector.shape_cast %get3A_568 : vector<1x16xf32> to vector<16xf32>
      %get3A_570 = arith.index_cast %scan3A_76 : i32 to index
      %get3A_571 = arith.constant 560 : index
      %get3A_572 = tpu.vector_load %arg9[%get3A_570, %get3A_571] {strides = array<i32>} : memref<32x1024xf32, #tpu.memory_space<vmem>>, vector<1x16xf32>,
      %get3A_573 = vector.shape_cast %get3A_572 : vector<1x16xf32> to vector<16xf32>
      %add3A_574 = arith.addf %get3A_569, %get3A_573 : vector<16xf32>
      %swap3A_575 = arith.index_cast %scan3A_76 : i32 to index
      %swap3A_576 = arith.constant 560 : index
      %swap3A_577 = tpu.vector_load %arg8[%swap3A_575, %swap3A_576] {strides = array<i32>} : memref<32x1024xf32, #tpu.memory_space<vmem>>, vector<1x16xf32>,
      %swap3A_578 = vector.shape_cast %swap3A_577 : vector<1x16xf32> to vector<16xf32>
      %swap3A_579 = vector.shape_cast %add3A_574 : vector<16xf32> to vector<1x16xf32>
      tpu.vector_store %arg8[%swap3A_575, %swap3A_576], %swap3A_579 {strides = array<i32>} : memref<32x1024xf32, #tpu.memory_space<vmem>>, vector<1x16xf32>,
      %get3A_580 = arith.index_cast %scan3A_76 : i32 to index
      %get3A_581 = arith.constant 576 : index
      %get3A_582 = tpu.vector_load %arg8[%get3A_580, %get3A_581] {strides = array<i32>} : memref<32x1024xf32, #tpu.memory_space<vmem>>, vector<1x16xf32>,
      %get3A_583 = vector.shape_cast %get3A_582 : vector<1x16xf32> to vector<16xf32>
      %get3A_584 = arith.index_cast %scan3A_76 : i32 to index
      %get3A_585 = arith.constant 576 : index
      %get3A_586 = tpu.vector_load %arg9[%get3A_584, %get3A_585] {strides = array<i32>} : memref<32x1024xf32, #tpu.memory_space<vmem>>, vector<1x16xf32>,
      %get3A_587 = vector.shape_cast %get3A_586 : vector<1x16xf32> to vector<16xf32>
      %add3A_588 = arith.addf %get3A_583, %get3A_587 : vector<16xf32>
      %swap3A_589 = arith.index_cast %scan3A_76 : i32 to index
      %swap3A_590 = arith.constant 576 : index
      %swap3A_591 = tpu.vector_load %arg8[%swap3A_589, %swap3A_590] {strides = array<i32>} : memref<32x1024xf32, #tpu.memory_space<vmem>>, vector<1x16xf32>,
      %swap3A_592 = vector.shape_cast %swap3A_591 : vector<1x16xf32> to vector<16xf32>
      %swap3A_593 = vector.shape_cast %add3A_588 : vector<16xf32> to vector<1x16xf32>
      tpu.vector_store %arg8[%swap3A_589, %swap3A_590], %swap3A_593 {strides = array<i32>} : memref<32x1024xf32, #tpu.memory_space<vmem>>, vector<1x16xf32>,
      %get3A_594 = arith.index_cast %scan3A_76 : i32 to index
      %get3A_595 = arith.constant 592 : index
      %get3A_596 = tpu.vector_load %arg8[%get3A_594, %get3A_595] {strides = array<i32>} : memref<32x1024xf32, #tpu.memory_space<vmem>>, vector<1x16xf32>,
      %get3A_597 = vector.shape_cast %get3A_596 : vector<1x16xf32> to vector<16xf32>
      %get3A_598 = arith.index_cast %scan3A_76 : i32 to index
      %get3A_599 = arith.constant 592 : index
      %get3A_600 = tpu.vector_load %arg9[%get3A_598, %get3A_599] {strides = array<i32>} : memref<32x1024xf32, #tpu.memory_space<vmem>>, vector<1x16xf32>,
      %get3A_601 = vector.shape_cast %get3A_600 : vector<1x16xf32> to vector<16xf32>
      %add3A_602 = arith.addf %get3A_597, %get3A_601 : vector<16xf32>
      %swap3A_603 = arith.index_cast %scan3A_76 : i32 to index
      %swap3A_604 = arith.constant 592 : index
      %swap3A_605 = tpu.vector_load %arg8[%swap3A_603, %swap3A_604] {strides = array<i32>} : memref<32x1024xf32, #tpu.memory_space<vmem>>, vector<1x16xf32>,
      %swap3A_606 = vector.shape_cast %swap3A_605 : vector<1x16xf32> to vector<16xf32>
      %swap3A_607 = vector.shape_cast %add3A_602 : vector<16xf32> to vector<1x16xf32>
      tpu.vector_store %arg8[%swap3A_603, %swap3A_604], %swap3A_607 {strides = array<i32>} : memref<32x1024xf32, #tpu.memory_space<vmem>>, vector<1x16xf32>,
      %get3A_608 = arith.index_cast %scan3A_76 : i32 to index
      %get3A_609 = arith.constant 608 : index
      %get3A_610 = tpu.vector_load %arg8[%get3A_608, %get3A_609] {strides = array<i32>} : memref<32x1024xf32, #tpu.memory_space<vmem>>, vector<1x16xf32>,
      %get3A_611 = vector.shape_cast %get3A_610 : vector<1x16xf32> to vector<16xf32>
      %get3A_612 = arith.index_cast %scan3A_76 : i32 to index
      %get3A_613 = arith.constant 608 : index
      %get3A_614 = tpu.vector_load %arg9[%get3A_612, %get3A_613] {strides = array<i32>} : memref<32x1024xf32, #tpu.memory_space<vmem>>, vector<1x16xf32>,
      %get3A_615 = vector.shape_cast %get3A_614 : vector<1x16xf32> to vector<16xf32>
      %add3A_616 = arith.addf %get3A_611, %get3A_615 : vector<16xf32>
      %swap3A_617 = arith.index_cast %scan3A_76 : i32 to index
      %swap3A_618 = arith.constant 608 : index
      %swap3A_619 = tpu.vector_load %arg8[%swap3A_617, %swap3A_618] {strides = array<i32>} : memref<32x1024xf32, #tpu.memory_space<vmem>>, vector<1x16xf32>,
      %swap3A_620 = vector.shape_cast %swap3A_619 : vector<1x16xf32> to vector<16xf32>
      %swap3A_621 = vector.shape_cast %add3A_616 : vector<16xf32> to vector<1x16xf32>
      tpu.vector_store %arg8[%swap3A_617, %swap3A_618], %swap3A_621 {strides = array<i32>} : memref<32x1024xf32, #tpu.memory_space<vmem>>, vector<1x16xf32>,
      %get3A_622 = arith.index_cast %scan3A_76 : i32 to index
      %get3A_623 = arith.constant 624 : index
      %get3A_624 = tpu.vector_load %arg8[%get3A_622, %get3A_623] {strides = array<i32>} : memref<32x1024xf32, #tpu.memory_space<vmem>>, vector<1x16xf32>,
      %get3A_625 = vector.shape_cast %get3A_624 : vector<1x16xf32> to vector<16xf32>
      %get3A_626 = arith.index_cast %scan3A_76 : i32 to index
      %get3A_627 = arith.constant 624 : index
      %get3A_628 = tpu.vector_load %arg9[%get3A_626, %get3A_627] {strides = array<i32>} : memref<32x1024xf32, #tpu.memory_space<vmem>>, vector<1x16xf32>,
      %get3A_629 = vector.shape_cast %get3A_628 : vector<1x16xf32> to vector<16xf32>
      %add3A_630 = arith.addf %get3A_625, %get3A_629 : vector<16xf32>
      %swap3A_631 = arith.index_cast %scan3A_76 : i32 to index
      %swap3A_632 = arith.constant 624 : index
      %swap3A_633 = tpu.vector_load %arg8[%swap3A_631, %swap3A_632] {strides = array<i32>} : memref<32x1024xf32, #tpu.memory_space<vmem>>, vector<1x16xf32>,
      %swap3A_634 = vector.shape_cast %swap3A_633 : vector<1x16xf32> to vector<16xf32>
      %swap3A_635 = vector.shape_cast %add3A_630 : vector<16xf32> to vector<1x16xf32>
      tpu.vector_store %arg8[%swap3A_631, %swap3A_632], %swap3A_635 {strides = array<i32>} : memref<32x1024xf32, #tpu.memory_space<vmem>>, vector<1x16xf32>,
      %get3A_636 = arith.index_cast %scan3A_76 : i32 to index
      %get3A_637 = arith.constant 640 : index
      %get3A_638 = tpu.vector_load %arg8[%get3A_636, %get3A_637] {strides = array<i32>} : memref<32x1024xf32, #tpu.memory_space<vmem>>, vector<1x16xf32>,
      %get3A_639 = vector.shape_cast %get3A_638 : vector<1x16xf32> to vector<16xf32>
      %get3A_640 = arith.index_cast %scan3A_76 : i32 to index
      %get3A_641 = arith.constant 640 : index
      %get3A_642 = tpu.vector_load %arg9[%get3A_640, %get3A_641] {strides = array<i32>} : memref<32x1024xf32, #tpu.memory_space<vmem>>, vector<1x16xf32>,
      %get3A_643 = vector.shape_cast %get3A_642 : vector<1x16xf32> to vector<16xf32>
      %add3A_644 = arith.addf %get3A_639, %get3A_643 : vector<16xf32>
      %swap3A_645 = arith.index_cast %scan3A_76 : i32 to index
      %swap3A_646 = arith.constant 640 : index
      %swap3A_647 = tpu.vector_load %arg8[%swap3A_645, %swap3A_646] {strides = array<i32>} : memref<32x1024xf32, #tpu.memory_space<vmem>>, vector<1x16xf32>,
      %swap3A_648 = vector.shape_cast %swap3A_647 : vector<1x16xf32> to vector<16xf32>
      %swap3A_649 = vector.shape_cast %add3A_644 : vector<16xf32> to vector<1x16xf32>
      tpu.vector_store %arg8[%swap3A_645, %swap3A_646], %swap3A_649 {strides = array<i32>} : memref<32x1024xf32, #tpu.memory_space<vmem>>, vector<1x16xf32>,
      %get3A_650 = arith.index_cast %scan3A_76 : i32 to index
      %get3A_651 = arith.constant 656 : index
      %get3A_652 = tpu.vector_load %arg8[%get3A_650, %get3A_651] {strides = array<i32>} : memref<32x1024xf32, #tpu.memory_space<vmem>>, vector<1x16xf32>,
      %get3A_653 = vector.shape_cast %get3A_652 : vector<1x16xf32> to vector<16xf32>
      %get3A_654 = arith.index_cast %scan3A_76 : i32 to index
      %get3A_655 = arith.constant 656 : index
      %get3A_656 = tpu.vector_load %arg9[%get3A_654, %get3A_655] {strides = array<i32>} : memref<32x1024xf32, #tpu.memory_space<vmem>>, vector<1x16xf32>,
      %get3A_657 = vector.shape_cast %get3A_656 : vector<1x16xf32> to vector<16xf32>
      %add3A_658 = arith.addf %get3A_653, %get3A_657 : vector<16xf32>
      %swap3A_659 = arith.index_cast %scan3A_76 : i32 to index
      %swap3A_660 = arith.constant 656 : index
      %swap3A_661 = tpu.vector_load %arg8[%swap3A_659, %swap3A_660] {strides = array<i32>} : memref<32x1024xf32, #tpu.memory_space<vmem>>, vector<1x16xf32>,
      %swap3A_662 = vector.shape_cast %swap3A_661 : vector<1x16xf32> to vector<16xf32>
      %swap3A_663 = vector.shape_cast %add3A_658 : vector<16xf32> to vector<1x16xf32>
      tpu.vector_store %arg8[%swap3A_659, %swap3A_660], %swap3A_663 {strides = array<i32>} : memref<32x1024xf32, #tpu.memory_space<vmem>>, vector<1x16xf32>,
      %get3A_664 = arith.index_cast %scan3A_76 : i32 to index
      %get3A_665 = arith.constant 672 : index
      %get3A_666 = tpu.vector_load %arg8[%get3A_664, %get3A_665] {strides = array<i32>} : memref<32x1024xf32, #tpu.memory_space<vmem>>, vector<1x16xf32>,
      %get3A_667 = vector.shape_cast %get3A_666 : vector<1x16xf32> to vector<16xf32>
      %get3A_668 = arith.index_cast %scan3A_76 : i32 to index
      %get3A_669 = arith.constant 672 : index
      %get3A_670 = tpu.vector_load %arg9[%get3A_668, %get3A_669] {strides = array<i32>} : memref<32x1024xf32, #tpu.memory_space<vmem>>, vector<1x16xf32>,
      %get3A_671 = vector.shape_cast %get3A_670 : vector<1x16xf32> to vector<16xf32>
      %add3A_672 = arith.addf %get3A_667, %get3A_671 : vector<16xf32>
      %swap3A_673 = arith.index_cast %scan3A_76 : i32 to index
      %swap3A_674 = arith.constant 672 : index
      %swap3A_675 = tpu.vector_load %arg8[%swap3A_673, %swap3A_674] {strides = array<i32>} : memref<32x1024xf32, #tpu.memory_space<vmem>>, vector<1x16xf32>,
      %swap3A_676 = vector.shape_cast %swap3A_675 : vector<1x16xf32> to vector<16xf32>
      %swap3A_677 = vector.shape_cast %add3A_672 : vector<16xf32> to vector<1x16xf32>
      tpu.vector_store %arg8[%swap3A_673, %swap3A_674], %swap3A_677 {strides = array<i32>} : memref<32x1024xf32, #tpu.memory_space<vmem>>, vector<1x16xf32>,
      %get3A_678 = arith.index_cast %scan3A_76 : i32 to index
      %get3A_679 = arith.constant 688 : index
      %get3A_680 = tpu.vector_load %arg8[%get3A_678, %get3A_679] {strides = array<i32>} : memref<32x1024xf32, #tpu.memory_space<vmem>>, vector<1x16xf32>,
      %get3A_681 = vector.shape_cast %get3A_680 : vector<1x16xf32> to vector<16xf32>
      %get3A_682 = arith.index_cast %scan3A_76 : i32 to index
      %get3A_683 = arith.constant 688 : index
      %get3A_684 = tpu.vector_load %arg9[%get3A_682, %get3A_683] {strides = array<i32>} : memref<32x1024xf32, #tpu.memory_space<vmem>>, vector<1x16xf32>,
      %get3A_685 = vector.shape_cast %get3A_684 : vector<1x16xf32> to vector<16xf32>
      %add3A_686 = arith.addf %get3A_681, %get3A_685 : vector<16xf32>
      %swap3A_687 = arith.index_cast %scan3A_76 : i32 to index
      %swap3A_688 = arith.constant 688 : index
      %swap3A_689 = tpu.vector_load %arg8[%swap3A_687, %swap3A_688] {strides = array<i32>} : memref<32x1024xf32, #tpu.memory_space<vmem>>, vector<1x16xf32>,
      %swap3A_690 = vector.shape_cast %swap3A_689 : vector<1x16xf32> to vector<16xf32>
      %swap3A_691 = vector.shape_cast %add3A_686 : vector<16xf32> to vector<1x16xf32>
      tpu.vector_store %arg8[%swap3A_687, %swap3A_688], %swap3A_691 {strides = array<i32>} : memref<32x1024xf32, #tpu.memory_space<vmem>>, vector<1x16xf32>,
      %get3A_692 = arith.index_cast %scan3A_76 : i32 to index
      %get3A_693 = arith.constant 704 : index
      %get3A_694 = tpu.vector_load %arg8[%get3A_692, %get3A_693] {strides = array<i32>} : memref<32x1024xf32, #tpu.memory_space<vmem>>, vector<1x16xf32>,
      %get3A_695 = vector.shape_cast %get3A_694 : vector<1x16xf32> to vector<16xf32>
      %get3A_696 = arith.index_cast %scan3A_76 : i32 to index
      %get3A_697 = arith.constant 704 : index
      %get3A_698 = tpu.vector_load %arg9[%get3A_696, %get3A_697] {strides = array<i32>} : memref<32x1024xf32, #tpu.memory_space<vmem>>, vector<1x16xf32>,
      %get3A_699 = vector.shape_cast %get3A_698 : vector<1x16xf32> to vector<16xf32>
      %add3A_700 = arith.addf %get3A_695, %get3A_699 : vector<16xf32>
      %swap3A_701 = arith.index_cast %scan3A_76 : i32 to index
      %swap3A_702 = arith.constant 704 : index
      %swap3A_703 = tpu.vector_load %arg8[%swap3A_701, %swap3A_702] {strides = array<i32>} : memref<32x1024xf32, #tpu.memory_space<vmem>>, vector<1x16xf32>,
      %swap3A_704 = vector.shape_cast %swap3A_703 : vector<1x16xf32> to vector<16xf32>
      %swap3A_705 = vector.shape_cast %add3A_700 : vector<16xf32> to vector<1x16xf32>
      tpu.vector_store %arg8[%swap3A_701, %swap3A_702], %swap3A_705 {strides = array<i32>} : memref<32x1024xf32, #tpu.memory_space<vmem>>, vector<1x16xf32>,
      %get3A_706 = arith.index_cast %scan3A_76 : i32 to index
      %get3A_707 = arith.constant 720 : index
      %get3A_708 = tpu.vector_load %arg8[%get3A_706, %get3A_707] {strides = array<i32>} : memref<32x1024xf32, #tpu.memory_space<vmem>>, vector<1x16xf32>,
      %get3A_709 = vector.shape_cast %get3A_708 : vector<1x16xf32> to vector<16xf32>
      %get3A_710 = arith.index_cast %scan3A_76 : i32 to index
      %get3A_711 = arith.constant 720 : index
      %get3A_712 = tpu.vector_load %arg9[%get3A_710, %get3A_711] {strides = array<i32>} : memref<32x1024xf32, #tpu.memory_space<vmem>>, vector<1x16xf32>,
      %get3A_713 = vector.shape_cast %get3A_712 : vector<1x16xf32> to vector<16xf32>
      %add3A_714 = arith.addf %get3A_709, %get3A_713 : vector<16xf32>
      %swap3A_715 = arith.index_cast %scan3A_76 : i32 to index
      %swap3A_716 = arith.constant 720 : index
      %swap3A_717 = tpu.vector_load %arg8[%swap3A_715, %swap3A_716] {strides = array<i32>} : memref<32x1024xf32, #tpu.memory_space<vmem>>, vector<1x16xf32>,
      %swap3A_718 = vector.shape_cast %swap3A_717 : vector<1x16xf32> to vector<16xf32>
      %swap3A_719 = vector.shape_cast %add3A_714 : vector<16xf32> to vector<1x16xf32>
      tpu.vector_store %arg8[%swap3A_715, %swap3A_716], %swap3A_719 {strides = array<i32>} : memref<32x1024xf32, #tpu.memory_space<vmem>>, vector<1x16xf32>,
      %get3A_720 = arith.index_cast %scan3A_76 : i32 to index
      %get3A_721 = arith.constant 736 : index
      %get3A_722 = tpu.vector_load %arg8[%get3A_720, %get3A_721] {strides = array<i32>} : memref<32x1024xf32, #tpu.memory_space<vmem>>, vector<1x16xf32>,
      %get3A_723 = vector.shape_cast %get3A_722 : vector<1x16xf32> to vector<16xf32>
      %get3A_724 = arith.index_cast %scan3A_76 : i32 to index
      %get3A_725 = arith.constant 736 : index
      %get3A_726 = tpu.vector_load %arg9[%get3A_724, %get3A_725] {strides = array<i32>} : memref<32x1024xf32, #tpu.memory_space<vmem>>, vector<1x16xf32>,
      %get3A_727 = vector.shape_cast %get3A_726 : vector<1x16xf32> to vector<16xf32>
      %add3A_728 = arith.addf %get3A_723, %get3A_727 : vector<16xf32>
      %swap3A_729 = arith.index_cast %scan3A_76 : i32 to index
      %swap3A_730 = arith.constant 736 : index
      %swap3A_731 = tpu.vector_load %arg8[%swap3A_729, %swap3A_730] {strides = array<i32>} : memref<32x1024xf32, #tpu.memory_space<vmem>>, vector<1x16xf32>,
      %swap3A_732 = vector.shape_cast %swap3A_731 : vector<1x16xf32> to vector<16xf32>
      %swap3A_733 = vector.shape_cast %add3A_728 : vector<16xf32> to vector<1x16xf32>
      tpu.vector_store %arg8[%swap3A_729, %swap3A_730], %swap3A_733 {strides = array<i32>} : memref<32x1024xf32, #tpu.memory_space<vmem>>, vector<1x16xf32>,
      %get3A_734 = arith.index_cast %scan3A_76 : i32 to index
      %get3A_735 = arith.constant 752 : index
      %get3A_736 = tpu.vector_load %arg8[%get3A_734, %get3A_735] {strides = array<i32>} : memref<32x1024xf32, #tpu.memory_space<vmem>>, vector<1x16xf32>,
      %get3A_737 = vector.shape_cast %get3A_736 : vector<1x16xf32> to vector<16xf32>
      %get3A_738 = arith.index_cast %scan3A_76 : i32 to index
      %get3A_739 = arith.constant 752 : index
      %get3A_740 = tpu.vector_load %arg9[%get3A_738, %get3A_739] {strides = array<i32>} : memref<32x1024xf32, #tpu.memory_space<vmem>>, vector<1x16xf32>,
      %get3A_741 = vector.shape_cast %get3A_740 : vector<1x16xf32> to vector<16xf32>
      %add3A_742 = arith.addf %get3A_737, %get3A_741 : vector<16xf32>
      %swap3A_743 = arith.index_cast %scan3A_76 : i32 to index
      %swap3A_744 = arith.constant 752 : index
      %swap3A_745 = tpu.vector_load %arg8[%swap3A_743, %swap3A_744] {strides = array<i32>} : memref<32x1024xf32, #tpu.memory_space<vmem>>, vector<1x16xf32>,
      %swap3A_746 = vector.shape_cast %swap3A_745 : vector<1x16xf32> to vector<16xf32>
      %swap3A_747 = vector.shape_cast %add3A_742 : vector<16xf32> to vector<1x16xf32>
      tpu.vector_store %arg8[%swap3A_743, %swap3A_744], %swap3A_747 {strides = array<i32>} : memref<32x1024xf32, #tpu.memory_space<vmem>>, vector<1x16xf32>,
      %get3A_748 = arith.index_cast %scan3A_76 : i32 to index
      %get3A_749 = arith.constant 768 : index
      %get3A_750 = tpu.vector_load %arg8[%get3A_748, %get3A_749] {strides = array<i32>} : memref<32x1024xf32, #tpu.memory_space<vmem>>, vector<1x16xf32>,
      %get3A_751 = vector.shape_cast %get3A_750 : vector<1x16xf32> to vector<16xf32>
      %get3A_752 = arith.index_cast %scan3A_76 : i32 to index
      %get3A_753 = arith.constant 768 : index
      %get3A_754 = tpu.vector_load %arg9[%get3A_752, %get3A_753] {strides = array<i32>} : memref<32x1024xf32, #tpu.memory_space<vmem>>, vector<1x16xf32>,
      %get3A_755 = vector.shape_cast %get3A_754 : vector<1x16xf32> to vector<16xf32>
      %add3A_756 = arith.addf %get3A_751, %get3A_755 : vector<16xf32>
      %swap3A_757 = arith.index_cast %scan3A_76 : i32 to index
      %swap3A_758 = arith.constant 768 : index
      %swap3A_759 = tpu.vector_load %arg8[%swap3A_757, %swap3A_758] {strides = array<i32>} : memref<32x1024xf32, #tpu.memory_space<vmem>>, vector<1x16xf32>,
      %swap3A_760 = vector.shape_cast %swap3A_759 : vector<1x16xf32> to vector<16xf32>
      %swap3A_761 = vector.shape_cast %add3A_756 : vector<16xf32> to vector<1x16xf32>
      tpu.vector_store %arg8[%swap3A_757, %swap3A_758], %swap3A_761 {strides = array<i32>} : memref<32x1024xf32, #tpu.memory_space<vmem>>, vector<1x16xf32>,
      %get3A_762 = arith.index_cast %scan3A_76 : i32 to index
      %get3A_763 = arith.constant 784 : index
      %get3A_764 = tpu.vector_load %arg8[%get3A_762, %get3A_763] {strides = array<i32>} : memref<32x1024xf32, #tpu.memory_space<vmem>>, vector<1x16xf32>,
      %get3A_765 = vector.shape_cast %get3A_764 : vector<1x16xf32> to vector<16xf32>
      %get3A_766 = arith.index_cast %scan3A_76 : i32 to index
      %get3A_767 = arith.constant 784 : index
      %get3A_768 = tpu.vector_load %arg9[%get3A_766, %get3A_767] {strides = array<i32>} : memref<32x1024xf32, #tpu.memory_space<vmem>>, vector<1x16xf32>,
      %get3A_769 = vector.shape_cast %get3A_768 : vector<1x16xf32> to vector<16xf32>
      %add3A_770 = arith.addf %get3A_765, %get3A_769 : vector<16xf32>
      %swap3A_771 = arith.index_cast %scan3A_76 : i32 to index
      %swap3A_772 = arith.constant 784 : index
      %swap3A_773 = tpu.vector_load %arg8[%swap3A_771, %swap3A_772] {strides = array<i32>} : memref<32x1024xf32, #tpu.memory_space<vmem>>, vector<1x16xf32>,
      %swap3A_774 = vector.shape_cast %swap3A_773 : vector<1x16xf32> to vector<16xf32>
      %swap3A_775 = vector.shape_cast %add3A_770 : vector<16xf32> to vector<1x16xf32>
      tpu.vector_store %arg8[%swap3A_771, %swap3A_772], %swap3A_775 {strides = array<i32>} : memref<32x1024xf32, #tpu.memory_space<vmem>>, vector<1x16xf32>,
      %get3A_776 = arith.index_cast %scan3A_76 : i32 to index
      %get3A_777 = arith.constant 800 : index
      %get3A_778 = tpu.vector_load %arg8[%get3A_776, %get3A_777] {strides = array<i32>} : memref<32x1024xf32, #tpu.memory_space<vmem>>, vector<1x16xf32>,
      %get3A_779 = vector.shape_cast %get3A_778 : vector<1x16xf32> to vector<16xf32>
      %get3A_780 = arith.index_cast %scan3A_76 : i32 to index
      %get3A_781 = arith.constant 800 : index
      %get3A_782 = tpu.vector_load %arg9[%get3A_780, %get3A_781] {strides = array<i32>} : memref<32x1024xf32, #tpu.memory_space<vmem>>, vector<1x16xf32>,
      %get3A_783 = vector.shape_cast %get3A_782 : vector<1x16xf32> to vector<16xf32>
      %add3A_784 = arith.addf %get3A_779, %get3A_783 : vector<16xf32>
      %swap3A_785 = arith.index_cast %scan3A_76 : i32 to index
      %swap3A_786 = arith.constant 800 : index
      %swap3A_787 = tpu.vector_load %arg8[%swap3A_785, %swap3A_786] {strides = array<i32>} : memref<32x1024xf32, #tpu.memory_space<vmem>>, vector<1x16xf32>,
      %swap3A_788 = vector.shape_cast %swap3A_787 : vector<1x16xf32> to vector<16xf32>
      %swap3A_789 = vector.shape_cast %add3A_784 : vector<16xf32> to vector<1x16xf32>
      tpu.vector_store %arg8[%swap3A_785, %swap3A_786], %swap3A_789 {strides = array<i32>} : memref<32x1024xf32, #tpu.memory_space<vmem>>, vector<1x16xf32>,
      %get3A_790 = arith.index_cast %scan3A_76 : i32 to index
      %get3A_791 = arith.constant 816 : index
      %get3A_792 = tpu.vector_load %arg8[%get3A_790, %get3A_791] {strides = array<i32>} : memref<32x1024xf32, #tpu.memory_space<vmem>>, vector<1x16xf32>,
      %get3A_793 = vector.shape_cast %get3A_792 : vector<1x16xf32> to vector<16xf32>
      %get3A_794 = arith.index_cast %scan3A_76 : i32 to index
      %get3A_795 = arith.constant 816 : index
      %get3A_796 = tpu.vector_load %arg9[%get3A_794, %get3A_795] {strides = array<i32>} : memref<32x1024xf32, #tpu.memory_space<vmem>>, vector<1x16xf32>,
      %get3A_797 = vector.shape_cast %get3A_796 : vector<1x16xf32> to vector<16xf32>
      %add3A_798 = arith.addf %get3A_793, %get3A_797 : vector<16xf32>
      %swap3A_799 = arith.index_cast %scan3A_76 : i32 to index
      %swap3A_800 = arith.constant 816 : index
      %swap3A_801 = tpu.vector_load %arg8[%swap3A_799, %swap3A_800] {strides = array<i32>} : memref<32x1024xf32, #tpu.memory_space<vmem>>, vector<1x16xf32>,
      %swap3A_802 = vector.shape_cast %swap3A_801 : vector<1x16xf32> to vector<16xf32>
      %swap3A_803 = vector.shape_cast %add3A_798 : vector<16xf32> to vector<1x16xf32>
      tpu.vector_store %arg8[%swap3A_799, %swap3A_800], %swap3A_803 {strides = array<i32>} : memref<32x1024xf32, #tpu.memory_space<vmem>>, vector<1x16xf32>,
      %get3A_804 = arith.index_cast %scan3A_76 : i32 to index
      %get3A_805 = arith.constant 832 : index
      %get3A_806 = tpu.vector_load %arg8[%get3A_804, %get3A_805] {strides = array<i32>} : memref<32x1024xf32, #tpu.memory_space<vmem>>, vector<1x16xf32>,
      %get3A_807 = vector.shape_cast %get3A_806 : vector<1x16xf32> to vector<16xf32>
      %get3A_808 = arith.index_cast %scan3A_76 : i32 to index
      %get3A_809 = arith.constant 832 : index
      %get3A_810 = tpu.vector_load %arg9[%get3A_808, %get3A_809] {strides = array<i32>} : memref<32x1024xf32, #tpu.memory_space<vmem>>, vector<1x16xf32>,
      %get3A_811 = vector.shape_cast %get3A_810 : vector<1x16xf32> to vector<16xf32>
      %add3A_812 = arith.addf %get3A_807, %get3A_811 : vector<16xf32>
      %swap3A_813 = arith.index_cast %scan3A_76 : i32 to index
      %swap3A_814 = arith.constant 832 : index
      %swap3A_815 = tpu.vector_load %arg8[%swap3A_813, %swap3A_814] {strides = array<i32>} : memref<32x1024xf32, #tpu.memory_space<vmem>>, vector<1x16xf32>,
      %swap3A_816 = vector.shape_cast %swap3A_815 : vector<1x16xf32> to vector<16xf32>
      %swap3A_817 = vector.shape_cast %add3A_812 : vector<16xf32> to vector<1x16xf32>
      tpu.vector_store %arg8[%swap3A_813, %swap3A_814], %swap3A_817 {strides = array<i32>} : memref<32x1024xf32, #tpu.memory_space<vmem>>, vector<1x16xf32>,
      %get3A_818 = arith.index_cast %scan3A_76 : i32 to index
      %get3A_819 = arith.constant 848 : index
      %get3A_820 = tpu.vector_load %arg8[%get3A_818, %get3A_819] {strides = array<i32>} : memref<32x1024xf32, #tpu.memory_space<vmem>>, vector<1x16xf32>,
      %get3A_821 = vector.shape_cast %get3A_820 : vector<1x16xf32> to vector<16xf32>
      %get3A_822 = arith.index_cast %scan3A_76 : i32 to index
      %get3A_823 = arith.constant 848 : index
      %get3A_824 = tpu.vector_load %arg9[%get3A_822, %get3A_823] {strides = array<i32>} : memref<32x1024xf32, #tpu.memory_space<vmem>>, vector<1x16xf32>,
      %get3A_825 = vector.shape_cast %get3A_824 : vector<1x16xf32> to vector<16xf32>
      %add3A_826 = arith.addf %get3A_821, %get3A_825 : vector<16xf32>
      %swap3A_827 = arith.index_cast %scan3A_76 : i32 to index
      %swap3A_828 = arith.constant 848 : index
      %swap3A_829 = tpu.vector_load %arg8[%swap3A_827, %swap3A_828] {strides = array<i32>} : memref<32x1024xf32, #tpu.memory_space<vmem>>, vector<1x16xf32>,
      %swap3A_830 = vector.shape_cast %swap3A_829 : vector<1x16xf32> to vector<16xf32>
      %swap3A_831 = vector.shape_cast %add3A_826 : vector<16xf32> to vector<1x16xf32>
      tpu.vector_store %arg8[%swap3A_827, %swap3A_828], %swap3A_831 {strides = array<i32>} : memref<32x1024xf32, #tpu.memory_space<vmem>>, vector<1x16xf32>,
      %get3A_832 = arith.index_cast %scan3A_76 : i32 to index
      %get3A_833 = arith.constant 864 : index
      %get3A_834 = tpu.vector_load %arg8[%get3A_832, %get3A_833] {strides = array<i32>} : memref<32x1024xf32, #tpu.memory_space<vmem>>, vector<1x16xf32>,
      %get3A_835 = vector.shape_cast %get3A_834 : vector<1x16xf32> to vector<16xf32>
      %get3A_836 = arith.index_cast %scan3A_76 : i32 to index
      %get3A_837 = arith.constant 864 : index
      %get3A_838 = tpu.vector_load %arg9[%get3A_836, %get3A_837] {strides = array<i32>} : memref<32x1024xf32, #tpu.memory_space<vmem>>, vector<1x16xf32>,
      %get3A_839 = vector.shape_cast %get3A_838 : vector<1x16xf32> to vector<16xf32>
      %add3A_840 = arith.addf %get3A_835, %get3A_839 : vector<16xf32>
      %swap3A_841 = arith.index_cast %scan3A_76 : i32 to index
      %swap3A_842 = arith.constant 864 : index
      %swap3A_843 = tpu.vector_load %arg8[%swap3A_841, %swap3A_842] {strides = array<i32>} : memref<32x1024xf32, #tpu.memory_space<vmem>>, vector<1x16xf32>,
      %swap3A_844 = vector.shape_cast %swap3A_843 : vector<1x16xf32> to vector<16xf32>
      %swap3A_845 = vector.shape_cast %add3A_840 : vector<16xf32> to vector<1x16xf32>
      tpu.vector_store %arg8[%swap3A_841, %swap3A_842], %swap3A_845 {strides = array<i32>} : memref<32x1024xf32, #tpu.memory_space<vmem>>, vector<1x16xf32>,
      %get3A_846 = arith.index_cast %scan3A_76 : i32 to index
      %get3A_847 = arith.constant 880 : index
      %get3A_848 = tpu.vector_load %arg8[%get3A_846, %get3A_847] {strides = array<i32>} : memref<32x1024xf32, #tpu.memory_space<vmem>>, vector<1x16xf32>,
      %get3A_849 = vector.shape_cast %get3A_848 : vector<1x16xf32> to vector<16xf32>
      %get3A_850 = arith.index_cast %scan3A_76 : i32 to index
      %get3A_851 = arith.constant 880 : index
      %get3A_852 = tpu.vector_load %arg9[%get3A_850, %get3A_851] {strides = array<i32>} : memref<32x1024xf32, #tpu.memory_space<vmem>>, vector<1x16xf32>,
      %get3A_853 = vector.shape_cast %get3A_852 : vector<1x16xf32> to vector<16xf32>
      %add3A_854 = arith.addf %get3A_849, %get3A_853 : vector<16xf32>
      %swap3A_855 = arith.index_cast %scan3A_76 : i32 to index
      %swap3A_856 = arith.constant 880 : index
      %swap3A_857 = tpu.vector_load %arg8[%swap3A_855, %swap3A_856] {strides = array<i32>} : memref<32x1024xf32, #tpu.memory_space<vmem>>, vector<1x16xf32>,
      %swap3A_858 = vector.shape_cast %swap3A_857 : vector<1x16xf32> to vector<16xf32>
      %swap3A_859 = vector.shape_cast %add3A_854 : vector<16xf32> to vector<1x16xf32>
      tpu.vector_store %arg8[%swap3A_855, %swap3A_856], %swap3A_859 {strides = array<i32>} : memref<32x1024xf32, #tpu.memory_space<vmem>>, vector<1x16xf32>,
      %get3A_860 = arith.index_cast %scan3A_76 : i32 to index
      %get3A_861 = arith.constant 896 : index
      %get3A_862 = tpu.vector_load %arg8[%get3A_860, %get3A_861] {strides = array<i32>} : memref<32x1024xf32, #tpu.memory_space<vmem>>, vector<1x16xf32>,
      %get3A_863 = vector.shape_cast %get3A_862 : vector<1x16xf32> to vector<16xf32>
      %get3A_864 = arith.index_cast %scan3A_76 : i32 to index
      %get3A_865 = arith.constant 896 : index
      %get3A_866 = tpu.vector_load %arg9[%get3A_864, %get3A_865] {strides = array<i32>} : memref<32x1024xf32, #tpu.memory_space<vmem>>, vector<1x16xf32>,
      %get3A_867 = vector.shape_cast %get3A_866 : vector<1x16xf32> to vector<16xf32>
      %add3A_868 = arith.addf %get3A_863, %get3A_867 : vector<16xf32>
      %swap3A_869 = arith.index_cast %scan3A_76 : i32 to index
      %swap3A_870 = arith.constant 896 : index
      %swap3A_871 = tpu.vector_load %arg8[%swap3A_869, %swap3A_870] {strides = array<i32>} : memref<32x1024xf32, #tpu.memory_space<vmem>>, vector<1x16xf32>,
      %swap3A_872 = vector.shape_cast %swap3A_871 : vector<1x16xf32> to vector<16xf32>
      %swap3A_873 = vector.shape_cast %add3A_868 : vector<16xf32> to vector<1x16xf32>
      tpu.vector_store %arg8[%swap3A_869, %swap3A_870], %swap3A_873 {strides = array<i32>} : memref<32x1024xf32, #tpu.memory_space<vmem>>, vector<1x16xf32>,
      %get3A_874 = arith.index_cast %scan3A_76 : i32 to index
      %get3A_875 = arith.constant 912 : index
      %get3A_876 = tpu.vector_load %arg8[%get3A_874, %get3A_875] {strides = array<i32>} : memref<32x1024xf32, #tpu.memory_space<vmem>>, vector<1x16xf32>,
      %get3A_877 = vector.shape_cast %get3A_876 : vector<1x16xf32> to vector<16xf32>
      %get3A_878 = arith.index_cast %scan3A_76 : i32 to index
      %get3A_879 = arith.constant 912 : index
      %get3A_880 = tpu.vector_load %arg9[%get3A_878, %get3A_879] {strides = array<i32>} : memref<32x1024xf32, #tpu.memory_space<vmem>>, vector<1x16xf32>,
      %get3A_881 = vector.shape_cast %get3A_880 : vector<1x16xf32> to vector<16xf32>
      %add3A_882 = arith.addf %get3A_877, %get3A_881 : vector<16xf32>
      %swap3A_883 = arith.index_cast %scan3A_76 : i32 to index
      %swap3A_884 = arith.constant 912 : index
      %swap3A_885 = tpu.vector_load %arg8[%swap3A_883, %swap3A_884] {strides = array<i32>} : memref<32x1024xf32, #tpu.memory_space<vmem>>, vector<1x16xf32>,
      %swap3A_886 = vector.shape_cast %swap3A_885 : vector<1x16xf32> to vector<16xf32>
      %swap3A_887 = vector.shape_cast %add3A_882 : vector<16xf32> to vector<1x16xf32>
      tpu.vector_store %arg8[%swap3A_883, %swap3A_884], %swap3A_887 {strides = array<i32>} : memref<32x1024xf32, #tpu.memory_space<vmem>>, vector<1x16xf32>,
      %get3A_888 = arith.index_cast %scan3A_76 : i32 to index
      %get3A_889 = arith.constant 928 : index
      %get3A_890 = tpu.vector_load %arg8[%get3A_888, %get3A_889] {strides = array<i32>} : memref<32x1024xf32, #tpu.memory_space<vmem>>, vector<1x16xf32>,
      %get3A_891 = vector.shape_cast %get3A_890 : vector<1x16xf32> to vector<16xf32>
      %get3A_892 = arith.index_cast %scan3A_76 : i32 to index
      %get3A_893 = arith.constant 928 : index
      %get3A_894 = tpu.vector_load %arg9[%get3A_892, %get3A_893] {strides = array<i32>} : memref<32x1024xf32, #tpu.memory_space<vmem>>, vector<1x16xf32>,
      %get3A_895 = vector.shape_cast %get3A_894 : vector<1x16xf32> to vector<16xf32>
      %add3A_896 = arith.addf %get3A_891, %get3A_895 : vector<16xf32>
      %swap3A_897 = arith.index_cast %scan3A_76 : i32 to index
      %swap3A_898 = arith.constant 928 : index
      %swap3A_899 = tpu.vector_load %arg8[%swap3A_897, %swap3A_898] {strides = array<i32>} : memref<32x1024xf32, #tpu.memory_space<vmem>>, vector<1x16xf32>,
      %swap3A_900 = vector.shape_cast %swap3A_899 : vector<1x16xf32> to vector<16xf32>
      %swap3A_901 = vector.shape_cast %add3A_896 : vector<16xf32> to vector<1x16xf32>
      tpu.vector_store %arg8[%swap3A_897, %swap3A_898], %swap3A_901 {strides = array<i32>} : memref<32x1024xf32, #tpu.memory_space<vmem>>, vector<1x16xf32>,
      %get3A_902 = arith.index_cast %scan3A_76 : i32 to index
      %get3A_903 = arith.constant 944 : index
      %get3A_904 = tpu.vector_load %arg8[%get3A_902, %get3A_903] {strides = array<i32>} : memref<32x1024xf32, #tpu.memory_space<vmem>>, vector<1x16xf32>,
      %get3A_905 = vector.shape_cast %get3A_904 : vector<1x16xf32> to vector<16xf32>
      %get3A_906 = arith.index_cast %scan3A_76 : i32 to index
      %get3A_907 = arith.constant 944 : index
      %get3A_908 = tpu.vector_load %arg9[%get3A_906, %get3A_907] {strides = array<i32>} : memref<32x1024xf32, #tpu.memory_space<vmem>>, vector<1x16xf32>,
      %get3A_909 = vector.shape_cast %get3A_908 : vector<1x16xf32> to vector<16xf32>
      %add3A_910 = arith.addf %get3A_905, %get3A_909 : vector<16xf32>
      %swap3A_911 = arith.index_cast %scan3A_76 : i32 to index
      %swap3A_912 = arith.constant 944 : index
      %swap3A_913 = tpu.vector_load %arg8[%swap3A_911, %swap3A_912] {strides = array<i32>} : memref<32x1024xf32, #tpu.memory_space<vmem>>, vector<1x16xf32>,
      %swap3A_914 = vector.shape_cast %swap3A_913 : vector<1x16xf32> to vector<16xf32>
      %swap3A_915 = vector.shape_cast %add3A_910 : vector<16xf32> to vector<1x16xf32>
      tpu.vector_store %arg8[%swap3A_911, %swap3A_912], %swap3A_915 {strides = array<i32>} : memref<32x1024xf32, #tpu.memory_space<vmem>>, vector<1x16xf32>,
      %get3A_916 = arith.index_cast %scan3A_76 : i32 to index
      %get3A_917 = arith.constant 960 : index
      %get3A_918 = tpu.vector_load %arg8[%get3A_916, %get3A_917] {strides = array<i32>} : memref<32x1024xf32, #tpu.memory_space<vmem>>, vector<1x16xf32>,
      %get3A_919 = vector.shape_cast %get3A_918 : vector<1x16xf32> to vector<16xf32>
      %get3A_920 = arith.index_cast %scan3A_76 : i32 to index
      %get3A_921 = arith.constant 960 : index
      %get3A_922 = tpu.vector_load %arg9[%get3A_920, %get3A_921] {strides = array<i32>} : memref<32x1024xf32, #tpu.memory_space<vmem>>, vector<1x16xf32>,
      %get3A_923 = vector.shape_cast %get3A_922 : vector<1x16xf32> to vector<16xf32>
      %add3A_924 = arith.addf %get3A_919, %get3A_923 : vector<16xf32>
      %swap3A_925 = arith.index_cast %scan3A_76 : i32 to index
      %swap3A_926 = arith.constant 960 : index
      %swap3A_927 = tpu.vector_load %arg8[%swap3A_925, %swap3A_926] {strides = array<i32>} : memref<32x1024xf32, #tpu.memory_space<vmem>>, vector<1x16xf32>,
      %swap3A_928 = vector.shape_cast %swap3A_927 : vector<1x16xf32> to vector<16xf32>
      %swap3A_929 = vector.shape_cast %add3A_924 : vector<16xf32> to vector<1x16xf32>
      tpu.vector_store %arg8[%swap3A_925, %swap3A_926], %swap3A_929 {strides = array<i32>} : memref<32x1024xf32, #tpu.memory_space<vmem>>, vector<1x16xf32>,
      %get3A_930 = arith.index_cast %scan3A_76 : i32 to index
      %get3A_931 = arith.constant 976 : index
      %get3A_932 = tpu.vector_load %arg8[%get3A_930, %get3A_931] {strides = array<i32>} : memref<32x1024xf32, #tpu.memory_space<vmem>>, vector<1x16xf32>,
      %get3A_933 = vector.shape_cast %get3A_932 : vector<1x16xf32> to vector<16xf32>
      %get3A_934 = arith.index_cast %scan3A_76 : i32 to index
      %get3A_935 = arith.constant 976 : index
      %get3A_936 = tpu.vector_load %arg9[%get3A_934, %get3A_935] {strides = array<i32>} : memref<32x1024xf32, #tpu.memory_space<vmem>>, vector<1x16xf32>,
      %get3A_937 = vector.shape_cast %get3A_936 : vector<1x16xf32> to vector<16xf32>
      %add3A_938 = arith.addf %get3A_933, %get3A_937 : vector<16xf32>
      %swap3A_939 = arith.index_cast %scan3A_76 : i32 to index
      %swap3A_940 = arith.constant 976 : index
      %swap3A_941 = tpu.vector_load %arg8[%swap3A_939, %swap3A_940] {strides = array<i32>} : memref<32x1024xf32, #tpu.memory_space<vmem>>, vector<1x16xf32>,
      %swap3A_942 = vector.shape_cast %swap3A_941 : vector<1x16xf32> to vector<16xf32>
      %swap3A_943 = vector.shape_cast %add3A_938 : vector<16xf32> to vector<1x16xf32>
      tpu.vector_store %arg8[%swap3A_939, %swap3A_940], %swap3A_943 {strides = array<i32>} : memref<32x1024xf32, #tpu.memory_space<vmem>>, vector<1x16xf32>,
      %get3A_944 = arith.index_cast %scan3A_76 : i32 to index
      %get3A_945 = arith.constant 992 : index
      %get3A_946 = tpu.vector_load %arg8[%get3A_944, %get3A_945] {strides = array<i32>} : memref<32x1024xf32, #tpu.memory_space<vmem>>, vector<1x16xf32>,
      %get3A_947 = vector.shape_cast %get3A_946 : vector<1x16xf32> to vector<16xf32>
      %get3A_948 = arith.index_cast %scan3A_76 : i32 to index
      %get3A_949 = arith.constant 992 : index
      %get3A_950 = tpu.vector_load %arg9[%get3A_948, %get3A_949] {strides = array<i32>} : memref<32x1024xf32, #tpu.memory_space<vmem>>, vector<1x16xf32>,
      %get3A_951 = vector.shape_cast %get3A_950 : vector<1x16xf32> to vector<16xf32>
      %add3A_952 = arith.addf %get3A_947, %get3A_951 : vector<16xf32>
      %swap3A_953 = arith.index_cast %scan3A_76 : i32 to index
      %swap3A_954 = arith.constant 992 : index
      %swap3A_955 = tpu.vector_load %arg8[%swap3A_953, %swap3A_954] {strides = array<i32>} : memref<32x1024xf32, #tpu.memory_space<vmem>>, vector<1x16xf32>,
      %swap3A_956 = vector.shape_cast %swap3A_955 : vector<1x16xf32> to vector<16xf32>
      %swap3A_957 = vector.shape_cast %add3A_952 : vector<16xf32> to vector<1x16xf32>
      tpu.vector_store %arg8[%swap3A_953, %swap3A_954], %swap3A_957 {strides = array<i32>} : memref<32x1024xf32, #tpu.memory_space<vmem>>, vector<1x16xf32>,
      %get3A_958 = arith.index_cast %scan3A_76 : i32 to index
      %get3A_959 = arith.constant 1008 : index
      %get3A_960 = tpu.vector_load %arg8[%get3A_958, %get3A_959] {strides = array<i32>} : memref<32x1024xf32, #tpu.memory_space<vmem>>, vector<1x16xf32>,
      %get3A_961 = vector.shape_cast %get3A_960 : vector<1x16xf32> to vector<16xf32>
      %get3A_962 = arith.index_cast %scan3A_76 : i32 to index
      %get3A_963 = arith.constant 1008 : index
      %get3A_964 = tpu.vector_load %arg9[%get3A_962, %get3A_963] {strides = array<i32>} : memref<32x1024xf32, #tpu.memory_space<vmem>>, vector<1x16xf32>,
      %get3A_965 = vector.shape_cast %get3A_964 : vector<1x16xf32> to vector<16xf32>
      %add3A_966 = arith.addf %get3A_961, %get3A_965 : vector<16xf32>
      %swap3A_967 = arith.index_cast %scan3A_76 : i32 to index
      %swap3A_968 = arith.constant 1008 : index
      %swap3A_969 = tpu.vector_load %arg8[%swap3A_967, %swap3A_968] {strides = array<i32>} : memref<32x1024xf32, #tpu.memory_space<vmem>>, vector<1x16xf32>,
      %swap3A_970 = vector.shape_cast %swap3A_969 : vector<1x16xf32> to vector<16xf32>
      %swap3A_971 = vector.shape_cast %add3A_966 : vector<16xf32> to vector<1x16xf32>
      tpu.vector_store %arg8[%swap3A_967, %swap3A_968], %swap3A_971 {strides = array<i32>} : memref<32x1024xf32, #tpu.memory_space<vmem>>, vector<1x16xf32>,
      %scan3A_972 = arith.constant 0 : i32
      scf.yield %scan3A_972 : i32
    }
    %scan3A_32 = arith.constant 32 : i32
    %mul3A_33 = arith.constant 64 : i32
    %mul3A_34 = arith.muli %add3A, %mul3A_33 : i32
    %add3A_35 = arith.constant 0 : i32
    %add3A_36 = arith.addi %mul3A_34, %add3A_35 : i32
    "tpu.region"() ({
      %run_scoped3A = tpu.sem_alloc : memref<!tpu.dma_semaphore, #tpu.memory_space<semaphore_mem>>
      %dma_start3A_76 = arith.constant 0 : i32
      %dma_start3A_77 = tpu.memref_slice %arg5[%add3A_36, %dma_start3A_76] : memref<2048x1024xf32, #tpu.memory_space<hbm>> -> memref<32x1024xf32, #tpu.memory_space<hbm>>
      %dma_start3A_78 = arith.constant 0 : i32
      %dma_start3A_79 = tpu.memref_slice %arg5[%add3A_36, %dma_start3A_78] : memref<2048x1024xf32, #tpu.memory_space<hbm>> -> memref<32x1024xf32, #tpu.memory_space<hbm>>
      tpu.enqueue_dma source(%arg8 : memref<32x1024xf32, #tpu.memory_space<vmem>>) target(%dma_start3A_79 : memref<32x1024xf32, #tpu.memory_space<hbm>>) target_semaphore(%run_scoped3A : memref<!tpu.dma_semaphore, #tpu.memory_space<semaphore_mem>>)
      %dma_wait3A_80 = arith.constant 0 : i32
      %dma_wait3A_81 = tpu.memref_slice %arg5[%add3A_36, %dma_wait3A_80] : memref<2048x1024xf32, #tpu.memory_space<hbm>> -> memref<32x1024xf32, #tpu.memory_space<hbm>>
      %dma_wait3A_82 = arith.constant 0 : i32
      %dma_wait3A_83 = tpu.memref_slice %arg5[%add3A_36, %dma_wait3A_82] : memref<2048x1024xf32, #tpu.memory_space<hbm>> -> memref<32x1024xf32, #tpu.memory_space<hbm>>
      tpu.wait_dma2 semaphore(%run_scoped3A : memref<!tpu.dma_semaphore, #tpu.memory_space<semaphore_mem>>) src(%arg8 : memref<32x1024xf32, #tpu.memory_space<vmem>>) dst(%dma_wait3A_83 : memref<32x1024xf32, #tpu.memory_space<hbm>>)
      tpu.yield
    }) : () -> ()
    %dma_start3A_37 = arith.constant 1 : i32
    %dma_start3A_38 = arith.constant 0 : i32
    %dma_start3A_39 = tpu.memref_slice %arg6[%dma_start3A_37, %dma_start3A_38] : memref<2x32xi32, #tpu.memory_space<vmem>> -> memref<1x32xi32, #tpu.memory_space<vmem>>
    %dma_start3A_40 = tpu.memref_squeeze %dma_start3A_39 : memref<1x32xi32, #tpu.memory_space<vmem>> -> memref<32xi32, #tpu.memory_space<vmem>>
    %dma_start3A_41 = arith.constant 0 : i32
    %dma_start3A_42 = arith.constant 0 : i32
    %dma_start3A_43 = tpu.memref_slice %arg2[%dma_start3A_41, %dma_start3A_42] : memref<8192x1024xf32, #tpu.memory_space<hbm>> -> memref<8192x1024xf32, #tpu.memory_space<hbm>>
    tpu.enqueue_indirect_dma source(%dma_start3A_43 : memref<8192x1024xf32, #tpu.memory_space<hbm>>) target(%arg8 : memref<32x1024xf32, #tpu.memory_space<vmem>>) offsets(%dma_start3A_40 : memref<32xi32, #tpu.memory_space<vmem>>) semaphore(%arg10 : memref<!tpu.dma_semaphore, #tpu.memory_space<semaphore_mem>>)
    %dma_start3A_44 = arith.constant 1 : i32
    %dma_start3A_45 = arith.constant 0 : i32
    %dma_start3A_46 = tpu.memref_slice %arg7[%dma_start3A_44, %dma_start3A_45] : memref<2x32xi32, #tpu.memory_space<vmem>> -> memref<1x32xi32, #tpu.memory_space<vmem>>
    %dma_start3A_47 = tpu.memref_squeeze %dma_start3A_46 : memref<1x32xi32, #tpu.memory_space<vmem>> -> memref<32xi32, #tpu.memory_space<vmem>>
    %dma_start3A_48 = arith.constant 0 : i32
    %dma_start3A_49 = arith.constant 0 : i32
    %dma_start3A_50 = tpu.memref_slice %arg2[%dma_start3A_48, %dma_start3A_49] : memref<8192x1024xf32, #tpu.memory_space<hbm>> -> memref<8192x1024xf32, #tpu.memory_space<hbm>>
    tpu.enqueue_indirect_dma source(%dma_start3A_50 : memref<8192x1024xf32, #tpu.memory_space<hbm>>) target(%arg9 : memref<32x1024xf32, #tpu.memory_space<vmem>>) offsets(%dma_start3A_47 : memref<32xi32, #tpu.memory_space<vmem>>) semaphore(%arg11 : memref<!tpu.dma_semaphore, #tpu.memory_space<semaphore_mem>>)
    %dma_wait3A_51 = arith.constant 1 : i32
    %dma_wait3A_52 = arith.constant 0 : i32
    %dma_wait3A_53 = tpu.memref_slice %arg6[%dma_wait3A_51, %dma_wait3A_52] : memref<2x32xi32, #tpu.memory_space<vmem>> -> memref<1x32xi32, #tpu.memory_space<vmem>>
    %dma_wait3A_54 = tpu.memref_squeeze %dma_wait3A_53 : memref<1x32xi32, #tpu.memory_space<vmem>> -> memref<32xi32, #tpu.memory_space<vmem>>
    %dma_wait3A_55 = arith.constant 0 : i32
    %dma_wait3A_56 = arith.constant 0 : i32
    %dma_wait3A_57 = tpu.memref_slice %arg2[%dma_wait3A_55, %dma_wait3A_56] : memref<8192x1024xf32, #tpu.memory_space<hbm>> -> memref<8192x1024xf32, #tpu.memory_space<hbm>>
    tpu.wait_indirect_dma semaphore(%arg10 : memref<!tpu.dma_semaphore, #tpu.memory_space<semaphore_mem>>) src(%dma_wait3A_57 : memref<8192x1024xf32, #tpu.memory_space<hbm>>) dst(%arg8 : memref<32x1024xf32, #tpu.memory_space<vmem>>)
    %dma_wait3A_58 = arith.constant 1 : i32
    %dma_wait3A_59 = arith.constant 0 : i32
    %dma_wait3A_60 = tpu.memref_slice %arg7[%dma_wait3A_58, %dma_wait3A_59] : memref<2x32xi32, #tpu.memory_space<vmem>> -> memref<1x32xi32, #tpu.memory_space<vmem>>
    %dma_wait3A_61 = tpu.memref_squeeze %dma_wait3A_60 : memref<1x32xi32, #tpu.memory_space<vmem>> -> memref<32xi32, #tpu.memory_space<vmem>>
    %dma_wait3A_62 = arith.constant 0 : i32
    %dma_wait3A_63 = arith.constant 0 : i32
    %dma_wait3A_64 = tpu.memref_slice %arg2[%dma_wait3A_62, %dma_wait3A_63] : memref<8192x1024xf32, #tpu.memory_space<hbm>> -> memref<8192x1024xf32, #tpu.memory_space<hbm>>
    tpu.wait_indirect_dma semaphore(%arg11 : memref<!tpu.dma_semaphore, #tpu.memory_space<semaphore_mem>>) src(%dma_wait3A_64 : memref<8192x1024xf32, #tpu.memory_space<hbm>>) dst(%arg9 : memref<32x1024xf32, #tpu.memory_space<vmem>>)
    %scan3A_65 = arith.constant 0 : i32
    %scan3A_66 = arith.constant 0 : i32
    %scan3A_67 = arith.constant 32 : i32
    %scan3A_68 = arith.addi %scan3A_66, %scan3A_67 : i32
    %scan3A_69 = arith.constant 1 : i32
    %scan3A_70 = scf.for %scan3A_76 = %scan3A_66 to %scan3A_68 step %scan3A_69 iter_args(%scan3A_77 = %scan3A_65) -> (i32)  : i32 {
      %get3A = arith.index_cast %scan3A_76 : i32 to index
      %get3A_78 = arith.constant 0 : index
      %get3A_79 = tpu.vector_load %arg8[%get3A, %get3A_78] {strides = array<i32>} : memref<32x1024xf32, #tpu.memory_space<vmem>>, vector<1x16xf32>,
      %get3A_80 = vector.shape_cast %get3A_79 : vector<1x16xf32> to vector<16xf32>
      %get3A_81 = arith.index_cast %scan3A_76 : i32 to index
      %get3A_82 = arith.constant 0 : index
      %get3A_83 = tpu.vector_load %arg9[%get3A_81, %get3A_82] {strides = array<i32>} : memref<32x1024xf32, #tpu.memory_space<vmem>>, vector<1x16xf32>,
      %get3A_84 = vector.shape_cast %get3A_83 : vector<1x16xf32> to vector<16xf32>
      %add3A_85 = arith.addf %get3A_80, %get3A_84 : vector<16xf32>
      %swap3A = arith.index_cast %scan3A_76 : i32 to index
      %swap3A_86 = arith.constant 0 : index
      %swap3A_87 = tpu.vector_load %arg8[%swap3A, %swap3A_86] {strides = array<i32>} : memref<32x1024xf32, #tpu.memory_space<vmem>>, vector<1x16xf32>,
      %swap3A_88 = vector.shape_cast %swap3A_87 : vector<1x16xf32> to vector<16xf32>
      %swap3A_89 = vector.shape_cast %add3A_85 : vector<16xf32> to vector<1x16xf32>
      tpu.vector_store %arg8[%swap3A, %swap3A_86], %swap3A_89 {strides = array<i32>} : memref<32x1024xf32, #tpu.memory_space<vmem>>, vector<1x16xf32>,
      %get3A_90 = arith.index_cast %scan3A_76 : i32 to index
      %get3A_91 = arith.constant 16 : index
      %get3A_92 = tpu.vector_load %arg8[%get3A_90, %get3A_91] {strides = array<i32>} : memref<32x1024xf32, #tpu.memory_space<vmem>>, vector<1x16xf32>,
      %get3A_93 = vector.shape_cast %get3A_92 : vector<1x16xf32> to vector<16xf32>
      %get3A_94 = arith.index_cast %scan3A_76 : i32 to index
      %get3A_95 = arith.constant 16 : index
      %get3A_96 = tpu.vector_load %arg9[%get3A_94, %get3A_95] {strides = array<i32>} : memref<32x1024xf32, #tpu.memory_space<vmem>>, vector<1x16xf32>,
      %get3A_97 = vector.shape_cast %get3A_96 : vector<1x16xf32> to vector<16xf32>
      %add3A_98 = arith.addf %get3A_93, %get3A_97 : vector<16xf32>
      %swap3A_99 = arith.index_cast %scan3A_76 : i32 to index
      %swap3A_100 = arith.constant 16 : index
      %swap3A_101 = tpu.vector_load %arg8[%swap3A_99, %swap3A_100] {strides = array<i32>} : memref<32x1024xf32, #tpu.memory_space<vmem>>, vector<1x16xf32>,
      %swap3A_102 = vector.shape_cast %swap3A_101 : vector<1x16xf32> to vector<16xf32>
      %swap3A_103 = vector.shape_cast %add3A_98 : vector<16xf32> to vector<1x16xf32>
      tpu.vector_store %arg8[%swap3A_99, %swap3A_100], %swap3A_103 {strides = array<i32>} : memref<32x1024xf32, #tpu.memory_space<vmem>>, vector<1x16xf32>,
      %get3A_104 = arith.index_cast %scan3A_76 : i32 to index
      %get3A_105 = arith.constant 32 : index
      %get3A_106 = tpu.vector_load %arg8[%get3A_104, %get3A_105] {strides = array<i32>} : memref<32x1024xf32, #tpu.memory_space<vmem>>, vector<1x16xf32>,
      %get3A_107 = vector.shape_cast %get3A_106 : vector<1x16xf32> to vector<16xf32>
      %get3A_108 = arith.index_cast %scan3A_76 : i32 to index
      %get3A_109 = arith.constant 32 : index
      %get3A_110 = tpu.vector_load %arg9[%get3A_108, %get3A_109] {strides = array<i32>} : memref<32x1024xf32, #tpu.memory_space<vmem>>, vector<1x16xf32>,
      %get3A_111 = vector.shape_cast %get3A_110 : vector<1x16xf32> to vector<16xf32>
      %add3A_112 = arith.addf %get3A_107, %get3A_111 : vector<16xf32>
      %swap3A_113 = arith.index_cast %scan3A_76 : i32 to index
      %swap3A_114 = arith.constant 32 : index
      %swap3A_115 = tpu.vector_load %arg8[%swap3A_113, %swap3A_114] {strides = array<i32>} : memref<32x1024xf32, #tpu.memory_space<vmem>>, vector<1x16xf32>,
      %swap3A_116 = vector.shape_cast %swap3A_115 : vector<1x16xf32> to vector<16xf32>
      %swap3A_117 = vector.shape_cast %add3A_112 : vector<16xf32> to vector<1x16xf32>
      tpu.vector_store %arg8[%swap3A_113, %swap3A_114], %swap3A_117 {strides = array<i32>} : memref<32x1024xf32, #tpu.memory_space<vmem>>, vector<1x16xf32>,
      %get3A_118 = arith.index_cast %scan3A_76 : i32 to index
      %get3A_119 = arith.constant 48 : index
      %get3A_120 = tpu.vector_load %arg8[%get3A_118, %get3A_119] {strides = array<i32>} : memref<32x1024xf32, #tpu.memory_space<vmem>>, vector<1x16xf32>,
      %get3A_121 = vector.shape_cast %get3A_120 : vector<1x16xf32> to vector<16xf32>
      %get3A_122 = arith.index_cast %scan3A_76 : i32 to index
      %get3A_123 = arith.constant 48 : index
      %get3A_124 = tpu.vector_load %arg9[%get3A_122, %get3A_123] {strides = array<i32>} : memref<32x1024xf32, #tpu.memory_space<vmem>>, vector<1x16xf32>,
      %get3A_125 = vector.shape_cast %get3A_124 : vector<1x16xf32> to vector<16xf32>
      %add3A_126 = arith.addf %get3A_121, %get3A_125 : vector<16xf32>
      %swap3A_127 = arith.index_cast %scan3A_76 : i32 to index
      %swap3A_128 = arith.constant 48 : index
      %swap3A_129 = tpu.vector_load %arg8[%swap3A_127, %swap3A_128] {strides = array<i32>} : memref<32x1024xf32, #tpu.memory_space<vmem>>, vector<1x16xf32>,
      %swap3A_130 = vector.shape_cast %swap3A_129 : vector<1x16xf32> to vector<16xf32>
      %swap3A_131 = vector.shape_cast %add3A_126 : vector<16xf32> to vector<1x16xf32>
      tpu.vector_store %arg8[%swap3A_127, %swap3A_128], %swap3A_131 {strides = array<i32>} : memref<32x1024xf32, #tpu.memory_space<vmem>>, vector<1x16xf32>,
      %get3A_132 = arith.index_cast %scan3A_76 : i32 to index
      %get3A_133 = arith.constant 64 : index
      %get3A_134 = tpu.vector_load %arg8[%get3A_132, %get3A_133] {strides = array<i32>} : memref<32x1024xf32, #tpu.memory_space<vmem>>, vector<1x16xf32>,
      %get3A_135 = vector.shape_cast %get3A_134 : vector<1x16xf32> to vector<16xf32>
      %get3A_136 = arith.index_cast %scan3A_76 : i32 to index
      %get3A_137 = arith.constant 64 : index
      %get3A_138 = tpu.vector_load %arg9[%get3A_136, %get3A_137] {strides = array<i32>} : memref<32x1024xf32, #tpu.memory_space<vmem>>, vector<1x16xf32>,
      %get3A_139 = vector.shape_cast %get3A_138 : vector<1x16xf32> to vector<16xf32>
      %add3A_140 = arith.addf %get3A_135, %get3A_139 : vector<16xf32>
      %swap3A_141 = arith.index_cast %scan3A_76 : i32 to index
      %swap3A_142 = arith.constant 64 : index
      %swap3A_143 = tpu.vector_load %arg8[%swap3A_141, %swap3A_142] {strides = array<i32>} : memref<32x1024xf32, #tpu.memory_space<vmem>>, vector<1x16xf32>,
      %swap3A_144 = vector.shape_cast %swap3A_143 : vector<1x16xf32> to vector<16xf32>
      %swap3A_145 = vector.shape_cast %add3A_140 : vector<16xf32> to vector<1x16xf32>
      tpu.vector_store %arg8[%swap3A_141, %swap3A_142], %swap3A_145 {strides = array<i32>} : memref<32x1024xf32, #tpu.memory_space<vmem>>, vector<1x16xf32>,
      %get3A_146 = arith.index_cast %scan3A_76 : i32 to index
      %get3A_147 = arith.constant 80 : index
      %get3A_148 = tpu.vector_load %arg8[%get3A_146, %get3A_147] {strides = array<i32>} : memref<32x1024xf32, #tpu.memory_space<vmem>>, vector<1x16xf32>,
      %get3A_149 = vector.shape_cast %get3A_148 : vector<1x16xf32> to vector<16xf32>
      %get3A_150 = arith.index_cast %scan3A_76 : i32 to index
      %get3A_151 = arith.constant 80 : index
      %get3A_152 = tpu.vector_load %arg9[%get3A_150, %get3A_151] {strides = array<i32>} : memref<32x1024xf32, #tpu.memory_space<vmem>>, vector<1x16xf32>,
      %get3A_153 = vector.shape_cast %get3A_152 : vector<1x16xf32> to vector<16xf32>
      %add3A_154 = arith.addf %get3A_149, %get3A_153 : vector<16xf32>
      %swap3A_155 = arith.index_cast %scan3A_76 : i32 to index
      %swap3A_156 = arith.constant 80 : index
      %swap3A_157 = tpu.vector_load %arg8[%swap3A_155, %swap3A_156] {strides = array<i32>} : memref<32x1024xf32, #tpu.memory_space<vmem>>, vector<1x16xf32>,
      %swap3A_158 = vector.shape_cast %swap3A_157 : vector<1x16xf32> to vector<16xf32>
      %swap3A_159 = vector.shape_cast %add3A_154 : vector<16xf32> to vector<1x16xf32>
      tpu.vector_store %arg8[%swap3A_155, %swap3A_156], %swap3A_159 {strides = array<i32>} : memref<32x1024xf32, #tpu.memory_space<vmem>>, vector<1x16xf32>,
      %get3A_160 = arith.index_cast %scan3A_76 : i32 to index
      %get3A_161 = arith.constant 96 : index
      %get3A_162 = tpu.vector_load %arg8[%get3A_160, %get3A_161] {strides = array<i32>} : memref<32x1024xf32, #tpu.memory_space<vmem>>, vector<1x16xf32>,
      %get3A_163 = vector.shape_cast %get3A_162 : vector<1x16xf32> to vector<16xf32>
      %get3A_164 = arith.index_cast %scan3A_76 : i32 to index
      %get3A_165 = arith.constant 96 : index
      %get3A_166 = tpu.vector_load %arg9[%get3A_164, %get3A_165] {strides = array<i32>} : memref<32x1024xf32, #tpu.memory_space<vmem>>, vector<1x16xf32>,
      %get3A_167 = vector.shape_cast %get3A_166 : vector<1x16xf32> to vector<16xf32>
      %add3A_168 = arith.addf %get3A_163, %get3A_167 : vector<16xf32>
      %swap3A_169 = arith.index_cast %scan3A_76 : i32 to index
      %swap3A_170 = arith.constant 96 : index
      %swap3A_171 = tpu.vector_load %arg8[%swap3A_169, %swap3A_170] {strides = array<i32>} : memref<32x1024xf32, #tpu.memory_space<vmem>>, vector<1x16xf32>,
      %swap3A_172 = vector.shape_cast %swap3A_171 : vector<1x16xf32> to vector<16xf32>
      %swap3A_173 = vector.shape_cast %add3A_168 : vector<16xf32> to vector<1x16xf32>
      tpu.vector_store %arg8[%swap3A_169, %swap3A_170], %swap3A_173 {strides = array<i32>} : memref<32x1024xf32, #tpu.memory_space<vmem>>, vector<1x16xf32>,
      %get3A_174 = arith.index_cast %scan3A_76 : i32 to index
      %get3A_175 = arith.constant 112 : index
      %get3A_176 = tpu.vector_load %arg8[%get3A_174, %get3A_175] {strides = array<i32>} : memref<32x1024xf32, #tpu.memory_space<vmem>>, vector<1x16xf32>,
      %get3A_177 = vector.shape_cast %get3A_176 : vector<1x16xf32> to vector<16xf32>
      %get3A_178 = arith.index_cast %scan3A_76 : i32 to index
      %get3A_179 = arith.constant 112 : index
      %get3A_180 = tpu.vector_load %arg9[%get3A_178, %get3A_179] {strides = array<i32>} : memref<32x1024xf32, #tpu.memory_space<vmem>>, vector<1x16xf32>,
      %get3A_181 = vector.shape_cast %get3A_180 : vector<1x16xf32> to vector<16xf32>
      %add3A_182 = arith.addf %get3A_177, %get3A_181 : vector<16xf32>
      %swap3A_183 = arith.index_cast %scan3A_76 : i32 to index
      %swap3A_184 = arith.constant 112 : index
      %swap3A_185 = tpu.vector_load %arg8[%swap3A_183, %swap3A_184] {strides = array<i32>} : memref<32x1024xf32, #tpu.memory_space<vmem>>, vector<1x16xf32>,
      %swap3A_186 = vector.shape_cast %swap3A_185 : vector<1x16xf32> to vector<16xf32>
      %swap3A_187 = vector.shape_cast %add3A_182 : vector<16xf32> to vector<1x16xf32>
      tpu.vector_store %arg8[%swap3A_183, %swap3A_184], %swap3A_187 {strides = array<i32>} : memref<32x1024xf32, #tpu.memory_space<vmem>>, vector<1x16xf32>,
      %get3A_188 = arith.index_cast %scan3A_76 : i32 to index
      %get3A_189 = arith.constant 128 : index
      %get3A_190 = tpu.vector_load %arg8[%get3A_188, %get3A_189] {strides = array<i32>} : memref<32x1024xf32, #tpu.memory_space<vmem>>, vector<1x16xf32>,
      %get3A_191 = vector.shape_cast %get3A_190 : vector<1x16xf32> to vector<16xf32>
      %get3A_192 = arith.index_cast %scan3A_76 : i32 to index
      %get3A_193 = arith.constant 128 : index
      %get3A_194 = tpu.vector_load %arg9[%get3A_192, %get3A_193] {strides = array<i32>} : memref<32x1024xf32, #tpu.memory_space<vmem>>, vector<1x16xf32>,
      %get3A_195 = vector.shape_cast %get3A_194 : vector<1x16xf32> to vector<16xf32>
      %add3A_196 = arith.addf %get3A_191, %get3A_195 : vector<16xf32>
      %swap3A_197 = arith.index_cast %scan3A_76 : i32 to index
      %swap3A_198 = arith.constant 128 : index
      %swap3A_199 = tpu.vector_load %arg8[%swap3A_197, %swap3A_198] {strides = array<i32>} : memref<32x1024xf32, #tpu.memory_space<vmem>>, vector<1x16xf32>,
      %swap3A_200 = vector.shape_cast %swap3A_199 : vector<1x16xf32> to vector<16xf32>
      %swap3A_201 = vector.shape_cast %add3A_196 : vector<16xf32> to vector<1x16xf32>
      tpu.vector_store %arg8[%swap3A_197, %swap3A_198], %swap3A_201 {strides = array<i32>} : memref<32x1024xf32, #tpu.memory_space<vmem>>, vector<1x16xf32>,
      %get3A_202 = arith.index_cast %scan3A_76 : i32 to index
      %get3A_203 = arith.constant 144 : index
      %get3A_204 = tpu.vector_load %arg8[%get3A_202, %get3A_203] {strides = array<i32>} : memref<32x1024xf32, #tpu.memory_space<vmem>>, vector<1x16xf32>,
      %get3A_205 = vector.shape_cast %get3A_204 : vector<1x16xf32> to vector<16xf32>
      %get3A_206 = arith.index_cast %scan3A_76 : i32 to index
      %get3A_207 = arith.constant 144 : index
      %get3A_208 = tpu.vector_load %arg9[%get3A_206, %get3A_207] {strides = array<i32>} : memref<32x1024xf32, #tpu.memory_space<vmem>>, vector<1x16xf32>,
      %get3A_209 = vector.shape_cast %get3A_208 : vector<1x16xf32> to vector<16xf32>
      %add3A_210 = arith.addf %get3A_205, %get3A_209 : vector<16xf32>
      %swap3A_211 = arith.index_cast %scan3A_76 : i32 to index
      %swap3A_212 = arith.constant 144 : index
      %swap3A_213 = tpu.vector_load %arg8[%swap3A_211, %swap3A_212] {strides = array<i32>} : memref<32x1024xf32, #tpu.memory_space<vmem>>, vector<1x16xf32>,
      %swap3A_214 = vector.shape_cast %swap3A_213 : vector<1x16xf32> to vector<16xf32>
      %swap3A_215 = vector.shape_cast %add3A_210 : vector<16xf32> to vector<1x16xf32>
      tpu.vector_store %arg8[%swap3A_211, %swap3A_212], %swap3A_215 {strides = array<i32>} : memref<32x1024xf32, #tpu.memory_space<vmem>>, vector<1x16xf32>,
      %get3A_216 = arith.index_cast %scan3A_76 : i32 to index
      %get3A_217 = arith.constant 160 : index
      %get3A_218 = tpu.vector_load %arg8[%get3A_216, %get3A_217] {strides = array<i32>} : memref<32x1024xf32, #tpu.memory_space<vmem>>, vector<1x16xf32>,
      %get3A_219 = vector.shape_cast %get3A_218 : vector<1x16xf32> to vector<16xf32>
      %get3A_220 = arith.index_cast %scan3A_76 : i32 to index
      %get3A_221 = arith.constant 160 : index
      %get3A_222 = tpu.vector_load %arg9[%get3A_220, %get3A_221] {strides = array<i32>} : memref<32x1024xf32, #tpu.memory_space<vmem>>, vector<1x16xf32>,
      %get3A_223 = vector.shape_cast %get3A_222 : vector<1x16xf32> to vector<16xf32>
      %add3A_224 = arith.addf %get3A_219, %get3A_223 : vector<16xf32>
      %swap3A_225 = arith.index_cast %scan3A_76 : i32 to index
      %swap3A_226 = arith.constant 160 : index
      %swap3A_227 = tpu.vector_load %arg8[%swap3A_225, %swap3A_226] {strides = array<i32>} : memref<32x1024xf32, #tpu.memory_space<vmem>>, vector<1x16xf32>,
      %swap3A_228 = vector.shape_cast %swap3A_227 : vector<1x16xf32> to vector<16xf32>
      %swap3A_229 = vector.shape_cast %add3A_224 : vector<16xf32> to vector<1x16xf32>
      tpu.vector_store %arg8[%swap3A_225, %swap3A_226], %swap3A_229 {strides = array<i32>} : memref<32x1024xf32, #tpu.memory_space<vmem>>, vector<1x16xf32>,
      %get3A_230 = arith.index_cast %scan3A_76 : i32 to index
      %get3A_231 = arith.constant 176 : index
      %get3A_232 = tpu.vector_load %arg8[%get3A_230, %get3A_231] {strides = array<i32>} : memref<32x1024xf32, #tpu.memory_space<vmem>>, vector<1x16xf32>,
      %get3A_233 = vector.shape_cast %get3A_232 : vector<1x16xf32> to vector<16xf32>
      %get3A_234 = arith.index_cast %scan3A_76 : i32 to index
      %get3A_235 = arith.constant 176 : index
      %get3A_236 = tpu.vector_load %arg9[%get3A_234, %get3A_235] {strides = array<i32>} : memref<32x1024xf32, #tpu.memory_space<vmem>>, vector<1x16xf32>,
      %get3A_237 = vector.shape_cast %get3A_236 : vector<1x16xf32> to vector<16xf32>
      %add3A_238 = arith.addf %get3A_233, %get3A_237 : vector<16xf32>
      %swap3A_239 = arith.index_cast %scan3A_76 : i32 to index
      %swap3A_240 = arith.constant 176 : index
      %swap3A_241 = tpu.vector_load %arg8[%swap3A_239, %swap3A_240] {strides = array<i32>} : memref<32x1024xf32, #tpu.memory_space<vmem>>, vector<1x16xf32>,
      %swap3A_242 = vector.shape_cast %swap3A_241 : vector<1x16xf32> to vector<16xf32>
      %swap3A_243 = vector.shape_cast %add3A_238 : vector<16xf32> to vector<1x16xf32>
      tpu.vector_store %arg8[%swap3A_239, %swap3A_240], %swap3A_243 {strides = array<i32>} : memref<32x1024xf32, #tpu.memory_space<vmem>>, vector<1x16xf32>,
      %get3A_244 = arith.index_cast %scan3A_76 : i32 to index
      %get3A_245 = arith.constant 192 : index
      %get3A_246 = tpu.vector_load %arg8[%get3A_244, %get3A_245] {strides = array<i32>} : memref<32x1024xf32, #tpu.memory_space<vmem>>, vector<1x16xf32>,
      %get3A_247 = vector.shape_cast %get3A_246 : vector<1x16xf32> to vector<16xf32>
      %get3A_248 = arith.index_cast %scan3A_76 : i32 to index
      %get3A_249 = arith.constant 192 : index
      %get3A_250 = tpu.vector_load %arg9[%get3A_248, %get3A_249] {strides = array<i32>} : memref<32x1024xf32, #tpu.memory_space<vmem>>, vector<1x16xf32>,
      %get3A_251 = vector.shape_cast %get3A_250 : vector<1x16xf32> to vector<16xf32>
      %add3A_252 = arith.addf %get3A_247, %get3A_251 : vector<16xf32>
      %swap3A_253 = arith.index_cast %scan3A_76 : i32 to index
      %swap3A_254 = arith.constant 192 : index
      %swap3A_255 = tpu.vector_load %arg8[%swap3A_253, %swap3A_254] {strides = array<i32>} : memref<32x1024xf32, #tpu.memory_space<vmem>>, vector<1x16xf32>,
      %swap3A_256 = vector.shape_cast %swap3A_255 : vector<1x16xf32> to vector<16xf32>
      %swap3A_257 = vector.shape_cast %add3A_252 : vector<16xf32> to vector<1x16xf32>
      tpu.vector_store %arg8[%swap3A_253, %swap3A_254], %swap3A_257 {strides = array<i32>} : memref<32x1024xf32, #tpu.memory_space<vmem>>, vector<1x16xf32>,
      %get3A_258 = arith.index_cast %scan3A_76 : i32 to index
      %get3A_259 = arith.constant 208 : index
      %get3A_260 = tpu.vector_load %arg8[%get3A_258, %get3A_259] {strides = array<i32>} : memref<32x1024xf32, #tpu.memory_space<vmem>>, vector<1x16xf32>,
      %get3A_261 = vector.shape_cast %get3A_260 : vector<1x16xf32> to vector<16xf32>
      %get3A_262 = arith.index_cast %scan3A_76 : i32 to index
      %get3A_263 = arith.constant 208 : index
      %get3A_264 = tpu.vector_load %arg9[%get3A_262, %get3A_263] {strides = array<i32>} : memref<32x1024xf32, #tpu.memory_space<vmem>>, vector<1x16xf32>,
      %get3A_265 = vector.shape_cast %get3A_264 : vector<1x16xf32> to vector<16xf32>
      %add3A_266 = arith.addf %get3A_261, %get3A_265 : vector<16xf32>
      %swap3A_267 = arith.index_cast %scan3A_76 : i32 to index
      %swap3A_268 = arith.constant 208 : index
      %swap3A_269 = tpu.vector_load %arg8[%swap3A_267, %swap3A_268] {strides = array<i32>} : memref<32x1024xf32, #tpu.memory_space<vmem>>, vector<1x16xf32>,
      %swap3A_270 = vector.shape_cast %swap3A_269 : vector<1x16xf32> to vector<16xf32>
      %swap3A_271 = vector.shape_cast %add3A_266 : vector<16xf32> to vector<1x16xf32>
      tpu.vector_store %arg8[%swap3A_267, %swap3A_268], %swap3A_271 {strides = array<i32>} : memref<32x1024xf32, #tpu.memory_space<vmem>>, vector<1x16xf32>,
      %get3A_272 = arith.index_cast %scan3A_76 : i32 to index
      %get3A_273 = arith.constant 224 : index
      %get3A_274 = tpu.vector_load %arg8[%get3A_272, %get3A_273] {strides = array<i32>} : memref<32x1024xf32, #tpu.memory_space<vmem>>, vector<1x16xf32>,
      %get3A_275 = vector.shape_cast %get3A_274 : vector<1x16xf32> to vector<16xf32>
      %get3A_276 = arith.index_cast %scan3A_76 : i32 to index
      %get3A_277 = arith.constant 224 : index
      %get3A_278 = tpu.vector_load %arg9[%get3A_276, %get3A_277] {strides = array<i32>} : memref<32x1024xf32, #tpu.memory_space<vmem>>, vector<1x16xf32>,
      %get3A_279 = vector.shape_cast %get3A_278 : vector<1x16xf32> to vector<16xf32>
      %add3A_280 = arith.addf %get3A_275, %get3A_279 : vector<16xf32>
      %swap3A_281 = arith.index_cast %scan3A_76 : i32 to index
      %swap3A_282 = arith.constant 224 : index
      %swap3A_283 = tpu.vector_load %arg8[%swap3A_281, %swap3A_282] {strides = array<i32>} : memref<32x1024xf32, #tpu.memory_space<vmem>>, vector<1x16xf32>,
      %swap3A_284 = vector.shape_cast %swap3A_283 : vector<1x16xf32> to vector<16xf32>
      %swap3A_285 = vector.shape_cast %add3A_280 : vector<16xf32> to vector<1x16xf32>
      tpu.vector_store %arg8[%swap3A_281, %swap3A_282], %swap3A_285 {strides = array<i32>} : memref<32x1024xf32, #tpu.memory_space<vmem>>, vector<1x16xf32>,
      %get3A_286 = arith.index_cast %scan3A_76 : i32 to index
      %get3A_287 = arith.constant 240 : index
      %get3A_288 = tpu.vector_load %arg8[%get3A_286, %get3A_287] {strides = array<i32>} : memref<32x1024xf32, #tpu.memory_space<vmem>>, vector<1x16xf32>,
      %get3A_289 = vector.shape_cast %get3A_288 : vector<1x16xf32> to vector<16xf32>
      %get3A_290 = arith.index_cast %scan3A_76 : i32 to index
      %get3A_291 = arith.constant 240 : index
      %get3A_292 = tpu.vector_load %arg9[%get3A_290, %get3A_291] {strides = array<i32>} : memref<32x1024xf32, #tpu.memory_space<vmem>>, vector<1x16xf32>,
      %get3A_293 = vector.shape_cast %get3A_292 : vector<1x16xf32> to vector<16xf32>
      %add3A_294 = arith.addf %get3A_289, %get3A_293 : vector<16xf32>
      %swap3A_295 = arith.index_cast %scan3A_76 : i32 to index
      %swap3A_296 = arith.constant 240 : index
      %swap3A_297 = tpu.vector_load %arg8[%swap3A_295, %swap3A_296] {strides = array<i32>} : memref<32x1024xf32, #tpu.memory_space<vmem>>, vector<1x16xf32>,
      %swap3A_298 = vector.shape_cast %swap3A_297 : vector<1x16xf32> to vector<16xf32>
      %swap3A_299 = vector.shape_cast %add3A_294 : vector<16xf32> to vector<1x16xf32>
      tpu.vector_store %arg8[%swap3A_295, %swap3A_296], %swap3A_299 {strides = array<i32>} : memref<32x1024xf32, #tpu.memory_space<vmem>>, vector<1x16xf32>,
      %get3A_300 = arith.index_cast %scan3A_76 : i32 to index
      %get3A_301 = arith.constant 256 : index
      %get3A_302 = tpu.vector_load %arg8[%get3A_300, %get3A_301] {strides = array<i32>} : memref<32x1024xf32, #tpu.memory_space<vmem>>, vector<1x16xf32>,
      %get3A_303 = vector.shape_cast %get3A_302 : vector<1x16xf32> to vector<16xf32>
      %get3A_304 = arith.index_cast %scan3A_76 : i32 to index
      %get3A_305 = arith.constant 256 : index
      %get3A_306 = tpu.vector_load %arg9[%get3A_304, %get3A_305] {strides = array<i32>} : memref<32x1024xf32, #tpu.memory_space<vmem>>, vector<1x16xf32>,
      %get3A_307 = vector.shape_cast %get3A_306 : vector<1x16xf32> to vector<16xf32>
      %add3A_308 = arith.addf %get3A_303, %get3A_307 : vector<16xf32>
      %swap3A_309 = arith.index_cast %scan3A_76 : i32 to index
      %swap3A_310 = arith.constant 256 : index
      %swap3A_311 = tpu.vector_load %arg8[%swap3A_309, %swap3A_310] {strides = array<i32>} : memref<32x1024xf32, #tpu.memory_space<vmem>>, vector<1x16xf32>,
      %swap3A_312 = vector.shape_cast %swap3A_311 : vector<1x16xf32> to vector<16xf32>
      %swap3A_313 = vector.shape_cast %add3A_308 : vector<16xf32> to vector<1x16xf32>
      tpu.vector_store %arg8[%swap3A_309, %swap3A_310], %swap3A_313 {strides = array<i32>} : memref<32x1024xf32, #tpu.memory_space<vmem>>, vector<1x16xf32>,
      %get3A_314 = arith.index_cast %scan3A_76 : i32 to index
      %get3A_315 = arith.constant 272 : index
      %get3A_316 = tpu.vector_load %arg8[%get3A_314, %get3A_315] {strides = array<i32>} : memref<32x1024xf32, #tpu.memory_space<vmem>>, vector<1x16xf32>,
      %get3A_317 = vector.shape_cast %get3A_316 : vector<1x16xf32> to vector<16xf32>
      %get3A_318 = arith.index_cast %scan3A_76 : i32 to index
      %get3A_319 = arith.constant 272 : index
      %get3A_320 = tpu.vector_load %arg9[%get3A_318, %get3A_319] {strides = array<i32>} : memref<32x1024xf32, #tpu.memory_space<vmem>>, vector<1x16xf32>,
      %get3A_321 = vector.shape_cast %get3A_320 : vector<1x16xf32> to vector<16xf32>
      %add3A_322 = arith.addf %get3A_317, %get3A_321 : vector<16xf32>
      %swap3A_323 = arith.index_cast %scan3A_76 : i32 to index
      %swap3A_324 = arith.constant 272 : index
      %swap3A_325 = tpu.vector_load %arg8[%swap3A_323, %swap3A_324] {strides = array<i32>} : memref<32x1024xf32, #tpu.memory_space<vmem>>, vector<1x16xf32>,
      %swap3A_326 = vector.shape_cast %swap3A_325 : vector<1x16xf32> to vector<16xf32>
      %swap3A_327 = vector.shape_cast %add3A_322 : vector<16xf32> to vector<1x16xf32>
      tpu.vector_store %arg8[%swap3A_323, %swap3A_324], %swap3A_327 {strides = array<i32>} : memref<32x1024xf32, #tpu.memory_space<vmem>>, vector<1x16xf32>,
      %get3A_328 = arith.index_cast %scan3A_76 : i32 to index
      %get3A_329 = arith.constant 288 : index
      %get3A_330 = tpu.vector_load %arg8[%get3A_328, %get3A_329] {strides = array<i32>} : memref<32x1024xf32, #tpu.memory_space<vmem>>, vector<1x16xf32>,
      %get3A_331 = vector.shape_cast %get3A_330 : vector<1x16xf32> to vector<16xf32>
      %get3A_332 = arith.index_cast %scan3A_76 : i32 to index
      %get3A_333 = arith.constant 288 : index
      %get3A_334 = tpu.vector_load %arg9[%get3A_332, %get3A_333] {strides = array<i32>} : memref<32x1024xf32, #tpu.memory_space<vmem>>, vector<1x16xf32>,
      %get3A_335 = vector.shape_cast %get3A_334 : vector<1x16xf32> to vector<16xf32>
      %add3A_336 = arith.addf %get3A_331, %get3A_335 : vector<16xf32>
      %swap3A_337 = arith.index_cast %scan3A_76 : i32 to index
      %swap3A_338 = arith.constant 288 : index
      %swap3A_339 = tpu.vector_load %arg8[%swap3A_337, %swap3A_338] {strides = array<i32>} : memref<32x1024xf32, #tpu.memory_space<vmem>>, vector<1x16xf32>,
      %swap3A_340 = vector.shape_cast %swap3A_339 : vector<1x16xf32> to vector<16xf32>
      %swap3A_341 = vector.shape_cast %add3A_336 : vector<16xf32> to vector<1x16xf32>
      tpu.vector_store %arg8[%swap3A_337, %swap3A_338], %swap3A_341 {strides = array<i32>} : memref<32x1024xf32, #tpu.memory_space<vmem>>, vector<1x16xf32>,
      %get3A_342 = arith.index_cast %scan3A_76 : i32 to index
      %get3A_343 = arith.constant 304 : index
      %get3A_344 = tpu.vector_load %arg8[%get3A_342, %get3A_343] {strides = array<i32>} : memref<32x1024xf32, #tpu.memory_space<vmem>>, vector<1x16xf32>,
      %get3A_345 = vector.shape_cast %get3A_344 : vector<1x16xf32> to vector<16xf32>
      %get3A_346 = arith.index_cast %scan3A_76 : i32 to index
      %get3A_347 = arith.constant 304 : index
      %get3A_348 = tpu.vector_load %arg9[%get3A_346, %get3A_347] {strides = array<i32>} : memref<32x1024xf32, #tpu.memory_space<vmem>>, vector<1x16xf32>,
      %get3A_349 = vector.shape_cast %get3A_348 : vector<1x16xf32> to vector<16xf32>
      %add3A_350 = arith.addf %get3A_345, %get3A_349 : vector<16xf32>
      %swap3A_351 = arith.index_cast %scan3A_76 : i32 to index
      %swap3A_352 = arith.constant 304 : index
      %swap3A_353 = tpu.vector_load %arg8[%swap3A_351, %swap3A_352] {strides = array<i32>} : memref<32x1024xf32, #tpu.memory_space<vmem>>, vector<1x16xf32>,
      %swap3A_354 = vector.shape_cast %swap3A_353 : vector<1x16xf32> to vector<16xf32>
      %swap3A_355 = vector.shape_cast %add3A_350 : vector<16xf32> to vector<1x16xf32>
      tpu.vector_store %arg8[%swap3A_351, %swap3A_352], %swap3A_355 {strides = array<i32>} : memref<32x1024xf32, #tpu.memory_space<vmem>>, vector<1x16xf32>,
      %get3A_356 = arith.index_cast %scan3A_76 : i32 to index
      %get3A_357 = arith.constant 320 : index
      %get3A_358 = tpu.vector_load %arg8[%get3A_356, %get3A_357] {strides = array<i32>} : memref<32x1024xf32, #tpu.memory_space<vmem>>, vector<1x16xf32>,
      %get3A_359 = vector.shape_cast %get3A_358 : vector<1x16xf32> to vector<16xf32>
      %get3A_360 = arith.index_cast %scan3A_76 : i32 to index
      %get3A_361 = arith.constant 320 : index
      %get3A_362 = tpu.vector_load %arg9[%get3A_360, %get3A_361] {strides = array<i32>} : memref<32x1024xf32, #tpu.memory_space<vmem>>, vector<1x16xf32>,
      %get3A_363 = vector.shape_cast %get3A_362 : vector<1x16xf32> to vector<16xf32>
      %add3A_364 = arith.addf %get3A_359, %get3A_363 : vector<16xf32>
      %swap3A_365 = arith.index_cast %scan3A_76 : i32 to index
      %swap3A_366 = arith.constant 320 : index
      %swap3A_367 = tpu.vector_load %arg8[%swap3A_365, %swap3A_366] {strides = array<i32>} : memref<32x1024xf32, #tpu.memory_space<vmem>>, vector<1x16xf32>,
      %swap3A_368 = vector.shape_cast %swap3A_367 : vector<1x16xf32> to vector<16xf32>
      %swap3A_369 = vector.shape_cast %add3A_364 : vector<16xf32> to vector<1x16xf32>
      tpu.vector_store %arg8[%swap3A_365, %swap3A_366], %swap3A_369 {strides = array<i32>} : memref<32x1024xf32, #tpu.memory_space<vmem>>, vector<1x16xf32>,
      %get3A_370 = arith.index_cast %scan3A_76 : i32 to index
      %get3A_371 = arith.constant 336 : index
      %get3A_372 = tpu.vector_load %arg8[%get3A_370, %get3A_371] {strides = array<i32>} : memref<32x1024xf32, #tpu.memory_space<vmem>>, vector<1x16xf32>,
      %get3A_373 = vector.shape_cast %get3A_372 : vector<1x16xf32> to vector<16xf32>
      %get3A_374 = arith.index_cast %scan3A_76 : i32 to index
      %get3A_375 = arith.constant 336 : index
      %get3A_376 = tpu.vector_load %arg9[%get3A_374, %get3A_375] {strides = array<i32>} : memref<32x1024xf32, #tpu.memory_space<vmem>>, vector<1x16xf32>,
      %get3A_377 = vector.shape_cast %get3A_376 : vector<1x16xf32> to vector<16xf32>
      %add3A_378 = arith.addf %get3A_373, %get3A_377 : vector<16xf32>
      %swap3A_379 = arith.index_cast %scan3A_76 : i32 to index
      %swap3A_380 = arith.constant 336 : index
      %swap3A_381 = tpu.vector_load %arg8[%swap3A_379, %swap3A_380] {strides = array<i32>} : memref<32x1024xf32, #tpu.memory_space<vmem>>, vector<1x16xf32>,
      %swap3A_382 = vector.shape_cast %swap3A_381 : vector<1x16xf32> to vector<16xf32>
      %swap3A_383 = vector.shape_cast %add3A_378 : vector<16xf32> to vector<1x16xf32>
      tpu.vector_store %arg8[%swap3A_379, %swap3A_380], %swap3A_383 {strides = array<i32>} : memref<32x1024xf32, #tpu.memory_space<vmem>>, vector<1x16xf32>,
      %get3A_384 = arith.index_cast %scan3A_76 : i32 to index
      %get3A_385 = arith.constant 352 : index
      %get3A_386 = tpu.vector_load %arg8[%get3A_384, %get3A_385] {strides = array<i32>} : memref<32x1024xf32, #tpu.memory_space<vmem>>, vector<1x16xf32>,
      %get3A_387 = vector.shape_cast %get3A_386 : vector<1x16xf32> to vector<16xf32>
      %get3A_388 = arith.index_cast %scan3A_76 : i32 to index
      %get3A_389 = arith.constant 352 : index
      %get3A_390 = tpu.vector_load %arg9[%get3A_388, %get3A_389] {strides = array<i32>} : memref<32x1024xf32, #tpu.memory_space<vmem>>, vector<1x16xf32>,
      %get3A_391 = vector.shape_cast %get3A_390 : vector<1x16xf32> to vector<16xf32>
      %add3A_392 = arith.addf %get3A_387, %get3A_391 : vector<16xf32>
      %swap3A_393 = arith.index_cast %scan3A_76 : i32 to index
      %swap3A_394 = arith.constant 352 : index
      %swap3A_395 = tpu.vector_load %arg8[%swap3A_393, %swap3A_394] {strides = array<i32>} : memref<32x1024xf32, #tpu.memory_space<vmem>>, vector<1x16xf32>,
      %swap3A_396 = vector.shape_cast %swap3A_395 : vector<1x16xf32> to vector<16xf32>
      %swap3A_397 = vector.shape_cast %add3A_392 : vector<16xf32> to vector<1x16xf32>
      tpu.vector_store %arg8[%swap3A_393, %swap3A_394], %swap3A_397 {strides = array<i32>} : memref<32x1024xf32, #tpu.memory_space<vmem>>, vector<1x16xf32>,
      %get3A_398 = arith.index_cast %scan3A_76 : i32 to index
      %get3A_399 = arith.constant 368 : index
      %get3A_400 = tpu.vector_load %arg8[%get3A_398, %get3A_399] {strides = array<i32>} : memref<32x1024xf32, #tpu.memory_space<vmem>>, vector<1x16xf32>,
      %get3A_401 = vector.shape_cast %get3A_400 : vector<1x16xf32> to vector<16xf32>
      %get3A_402 = arith.index_cast %scan3A_76 : i32 to index
      %get3A_403 = arith.constant 368 : index
      %get3A_404 = tpu.vector_load %arg9[%get3A_402, %get3A_403] {strides = array<i32>} : memref<32x1024xf32, #tpu.memory_space<vmem>>, vector<1x16xf32>,
      %get3A_405 = vector.shape_cast %get3A_404 : vector<1x16xf32> to vector<16xf32>
      %add3A_406 = arith.addf %get3A_401, %get3A_405 : vector<16xf32>
      %swap3A_407 = arith.index_cast %scan3A_76 : i32 to index
      %swap3A_408 = arith.constant 368 : index
      %swap3A_409 = tpu.vector_load %arg8[%swap3A_407, %swap3A_408] {strides = array<i32>} : memref<32x1024xf32, #tpu.memory_space<vmem>>, vector<1x16xf32>,
      %swap3A_410 = vector.shape_cast %swap3A_409 : vector<1x16xf32> to vector<16xf32>
      %swap3A_411 = vector.shape_cast %add3A_406 : vector<16xf32> to vector<1x16xf32>
      tpu.vector_store %arg8[%swap3A_407, %swap3A_408], %swap3A_411 {strides = array<i32>} : memref<32x1024xf32, #tpu.memory_space<vmem>>, vector<1x16xf32>,
      %get3A_412 = arith.index_cast %scan3A_76 : i32 to index
      %get3A_413 = arith.constant 384 : index
      %get3A_414 = tpu.vector_load %arg8[%get3A_412, %get3A_413] {strides = array<i32>} : memref<32x1024xf32, #tpu.memory_space<vmem>>, vector<1x16xf32>,
      %get3A_415 = vector.shape_cast %get3A_414 : vector<1x16xf32> to vector<16xf32>
      %get3A_416 = arith.index_cast %scan3A_76 : i32 to index
      %get3A_417 = arith.constant 384 : index
      %get3A_418 = tpu.vector_load %arg9[%get3A_416, %get3A_417] {strides = array<i32>} : memref<32x1024xf32, #tpu.memory_space<vmem>>, vector<1x16xf32>,
      %get3A_419 = vector.shape_cast %get3A_418 : vector<1x16xf32> to vector<16xf32>
      %add3A_420 = arith.addf %get3A_415, %get3A_419 : vector<16xf32>
      %swap3A_421 = arith.index_cast %scan3A_76 : i32 to index
      %swap3A_422 = arith.constant 384 : index
      %swap3A_423 = tpu.vector_load %arg8[%swap3A_421, %swap3A_422] {strides = array<i32>} : memref<32x1024xf32, #tpu.memory_space<vmem>>, vector<1x16xf32>,
      %swap3A_424 = vector.shape_cast %swap3A_423 : vector<1x16xf32> to vector<16xf32>
      %swap3A_425 = vector.shape_cast %add3A_420 : vector<16xf32> to vector<1x16xf32>
      tpu.vector_store %arg8[%swap3A_421, %swap3A_422], %swap3A_425 {strides = array<i32>} : memref<32x1024xf32, #tpu.memory_space<vmem>>, vector<1x16xf32>,
      %get3A_426 = arith.index_cast %scan3A_76 : i32 to index
      %get3A_427 = arith.constant 400 : index
      %get3A_428 = tpu.vector_load %arg8[%get3A_426, %get3A_427] {strides = array<i32>} : memref<32x1024xf32, #tpu.memory_space<vmem>>, vector<1x16xf32>,
      %get3A_429 = vector.shape_cast %get3A_428 : vector<1x16xf32> to vector<16xf32>
      %get3A_430 = arith.index_cast %scan3A_76 : i32 to index
      %get3A_431 = arith.constant 400 : index
      %get3A_432 = tpu.vector_load %arg9[%get3A_430, %get3A_431] {strides = array<i32>} : memref<32x1024xf32, #tpu.memory_space<vmem>>, vector<1x16xf32>,
      %get3A_433 = vector.shape_cast %get3A_432 : vector<1x16xf32> to vector<16xf32>
      %add3A_434 = arith.addf %get3A_429, %get3A_433 : vector<16xf32>
      %swap3A_435 = arith.index_cast %scan3A_76 : i32 to index
      %swap3A_436 = arith.constant 400 : index
      %swap3A_437 = tpu.vector_load %arg8[%swap3A_435, %swap3A_436] {strides = array<i32>} : memref<32x1024xf32, #tpu.memory_space<vmem>>, vector<1x16xf32>,
      %swap3A_438 = vector.shape_cast %swap3A_437 : vector<1x16xf32> to vector<16xf32>
      %swap3A_439 = vector.shape_cast %add3A_434 : vector<16xf32> to vector<1x16xf32>
      tpu.vector_store %arg8[%swap3A_435, %swap3A_436], %swap3A_439 {strides = array<i32>} : memref<32x1024xf32, #tpu.memory_space<vmem>>, vector<1x16xf32>,
      %get3A_440 = arith.index_cast %scan3A_76 : i32 to index
      %get3A_441 = arith.constant 416 : index
      %get3A_442 = tpu.vector_load %arg8[%get3A_440, %get3A_441] {strides = array<i32>} : memref<32x1024xf32, #tpu.memory_space<vmem>>, vector<1x16xf32>,
      %get3A_443 = vector.shape_cast %get3A_442 : vector<1x16xf32> to vector<16xf32>
      %get3A_444 = arith.index_cast %scan3A_76 : i32 to index
      %get3A_445 = arith.constant 416 : index
      %get3A_446 = tpu.vector_load %arg9[%get3A_444, %get3A_445] {strides = array<i32>} : memref<32x1024xf32, #tpu.memory_space<vmem>>, vector<1x16xf32>,
      %get3A_447 = vector.shape_cast %get3A_446 : vector<1x16xf32> to vector<16xf32>
      %add3A_448 = arith.addf %get3A_443, %get3A_447 : vector<16xf32>
      %swap3A_449 = arith.index_cast %scan3A_76 : i32 to index
      %swap3A_450 = arith.constant 416 : index
      %swap3A_451 = tpu.vector_load %arg8[%swap3A_449, %swap3A_450] {strides = array<i32>} : memref<32x1024xf32, #tpu.memory_space<vmem>>, vector<1x16xf32>,
      %swap3A_452 = vector.shape_cast %swap3A_451 : vector<1x16xf32> to vector<16xf32>
      %swap3A_453 = vector.shape_cast %add3A_448 : vector<16xf32> to vector<1x16xf32>
      tpu.vector_store %arg8[%swap3A_449, %swap3A_450], %swap3A_453 {strides = array<i32>} : memref<32x1024xf32, #tpu.memory_space<vmem>>, vector<1x16xf32>,
      %get3A_454 = arith.index_cast %scan3A_76 : i32 to index
      %get3A_455 = arith.constant 432 : index
      %get3A_456 = tpu.vector_load %arg8[%get3A_454, %get3A_455] {strides = array<i32>} : memref<32x1024xf32, #tpu.memory_space<vmem>>, vector<1x16xf32>,
      %get3A_457 = vector.shape_cast %get3A_456 : vector<1x16xf32> to vector<16xf32>
      %get3A_458 = arith.index_cast %scan3A_76 : i32 to index
      %get3A_459 = arith.constant 432 : index
      %get3A_460 = tpu.vector_load %arg9[%get3A_458, %get3A_459] {strides = array<i32>} : memref<32x1024xf32, #tpu.memory_space<vmem>>, vector<1x16xf32>,
      %get3A_461 = vector.shape_cast %get3A_460 : vector<1x16xf32> to vector<16xf32>
      %add3A_462 = arith.addf %get3A_457, %get3A_461 : vector<16xf32>
      %swap3A_463 = arith.index_cast %scan3A_76 : i32 to index
      %swap3A_464 = arith.constant 432 : index
      %swap3A_465 = tpu.vector_load %arg8[%swap3A_463, %swap3A_464] {strides = array<i32>} : memref<32x1024xf32, #tpu.memory_space<vmem>>, vector<1x16xf32>,
      %swap3A_466 = vector.shape_cast %swap3A_465 : vector<1x16xf32> to vector<16xf32>
      %swap3A_467 = vector.shape_cast %add3A_462 : vector<16xf32> to vector<1x16xf32>
      tpu.vector_store %arg8[%swap3A_463, %swap3A_464], %swap3A_467 {strides = array<i32>} : memref<32x1024xf32, #tpu.memory_space<vmem>>, vector<1x16xf32>,
      %get3A_468 = arith.index_cast %scan3A_76 : i32 to index
      %get3A_469 = arith.constant 448 : index
      %get3A_470 = tpu.vector_load %arg8[%get3A_468, %get3A_469] {strides = array<i32>} : memref<32x1024xf32, #tpu.memory_space<vmem>>, vector<1x16xf32>,
      %get3A_471 = vector.shape_cast %get3A_470 : vector<1x16xf32> to vector<16xf32>
      %get3A_472 = arith.index_cast %scan3A_76 : i32 to index
      %get3A_473 = arith.constant 448 : index
      %get3A_474 = tpu.vector_load %arg9[%get3A_472, %get3A_473] {strides = array<i32>} : memref<32x1024xf32, #tpu.memory_space<vmem>>, vector<1x16xf32>,
      %get3A_475 = vector.shape_cast %get3A_474 : vector<1x16xf32> to vector<16xf32>
      %add3A_476 = arith.addf %get3A_471, %get3A_475 : vector<16xf32>
      %swap3A_477 = arith.index_cast %scan3A_76 : i32 to index
      %swap3A_478 = arith.constant 448 : index
      %swap3A_479 = tpu.vector_load %arg8[%swap3A_477, %swap3A_478] {strides = array<i32>} : memref<32x1024xf32, #tpu.memory_space<vmem>>, vector<1x16xf32>,
      %swap3A_480 = vector.shape_cast %swap3A_479 : vector<1x16xf32> to vector<16xf32>
      %swap3A_481 = vector.shape_cast %add3A_476 : vector<16xf32> to vector<1x16xf32>
      tpu.vector_store %arg8[%swap3A_477, %swap3A_478], %swap3A_481 {strides = array<i32>} : memref<32x1024xf32, #tpu.memory_space<vmem>>, vector<1x16xf32>,
      %get3A_482 = arith.index_cast %scan3A_76 : i32 to index
      %get3A_483 = arith.constant 464 : index
      %get3A_484 = tpu.vector_load %arg8[%get3A_482, %get3A_483] {strides = array<i32>} : memref<32x1024xf32, #tpu.memory_space<vmem>>, vector<1x16xf32>,
      %get3A_485 = vector.shape_cast %get3A_484 : vector<1x16xf32> to vector<16xf32>
      %get3A_486 = arith.index_cast %scan3A_76 : i32 to index
      %get3A_487 = arith.constant 464 : index
      %get3A_488 = tpu.vector_load %arg9[%get3A_486, %get3A_487] {strides = array<i32>} : memref<32x1024xf32, #tpu.memory_space<vmem>>, vector<1x16xf32>,
      %get3A_489 = vector.shape_cast %get3A_488 : vector<1x16xf32> to vector<16xf32>
      %add3A_490 = arith.addf %get3A_485, %get3A_489 : vector<16xf32>
      %swap3A_491 = arith.index_cast %scan3A_76 : i32 to index
      %swap3A_492 = arith.constant 464 : index
      %swap3A_493 = tpu.vector_load %arg8[%swap3A_491, %swap3A_492] {strides = array<i32>} : memref<32x1024xf32, #tpu.memory_space<vmem>>, vector<1x16xf32>,
      %swap3A_494 = vector.shape_cast %swap3A_493 : vector<1x16xf32> to vector<16xf32>
      %swap3A_495 = vector.shape_cast %add3A_490 : vector<16xf32> to vector<1x16xf32>
      tpu.vector_store %arg8[%swap3A_491, %swap3A_492], %swap3A_495 {strides = array<i32>} : memref<32x1024xf32, #tpu.memory_space<vmem>>, vector<1x16xf32>,
      %get3A_496 = arith.index_cast %scan3A_76 : i32 to index
      %get3A_497 = arith.constant 480 : index
      %get3A_498 = tpu.vector_load %arg8[%get3A_496, %get3A_497] {strides = array<i32>} : memref<32x1024xf32, #tpu.memory_space<vmem>>, vector<1x16xf32>,
      %get3A_499 = vector.shape_cast %get3A_498 : vector<1x16xf32> to vector<16xf32>
      %get3A_500 = arith.index_cast %scan3A_76 : i32 to index
      %get3A_501 = arith.constant 480 : index
      %get3A_502 = tpu.vector_load %arg9[%get3A_500, %get3A_501] {strides = array<i32>} : memref<32x1024xf32, #tpu.memory_space<vmem>>, vector<1x16xf32>,
      %get3A_503 = vector.shape_cast %get3A_502 : vector<1x16xf32> to vector<16xf32>
      %add3A_504 = arith.addf %get3A_499, %get3A_503 : vector<16xf32>
      %swap3A_505 = arith.index_cast %scan3A_76 : i32 to index
      %swap3A_506 = arith.constant 480 : index
      %swap3A_507 = tpu.vector_load %arg8[%swap3A_505, %swap3A_506] {strides = array<i32>} : memref<32x1024xf32, #tpu.memory_space<vmem>>, vector<1x16xf32>,
      %swap3A_508 = vector.shape_cast %swap3A_507 : vector<1x16xf32> to vector<16xf32>
      %swap3A_509 = vector.shape_cast %add3A_504 : vector<16xf32> to vector<1x16xf32>
      tpu.vector_store %arg8[%swap3A_505, %swap3A_506], %swap3A_509 {strides = array<i32>} : memref<32x1024xf32, #tpu.memory_space<vmem>>, vector<1x16xf32>,
      %get3A_510 = arith.index_cast %scan3A_76 : i32 to index
      %get3A_511 = arith.constant 496 : index
      %get3A_512 = tpu.vector_load %arg8[%get3A_510, %get3A_511] {strides = array<i32>} : memref<32x1024xf32, #tpu.memory_space<vmem>>, vector<1x16xf32>,
      %get3A_513 = vector.shape_cast %get3A_512 : vector<1x16xf32> to vector<16xf32>
      %get3A_514 = arith.index_cast %scan3A_76 : i32 to index
      %get3A_515 = arith.constant 496 : index
      %get3A_516 = tpu.vector_load %arg9[%get3A_514, %get3A_515] {strides = array<i32>} : memref<32x1024xf32, #tpu.memory_space<vmem>>, vector<1x16xf32>,
      %get3A_517 = vector.shape_cast %get3A_516 : vector<1x16xf32> to vector<16xf32>
      %add3A_518 = arith.addf %get3A_513, %get3A_517 : vector<16xf32>
      %swap3A_519 = arith.index_cast %scan3A_76 : i32 to index
      %swap3A_520 = arith.constant 496 : index
      %swap3A_521 = tpu.vector_load %arg8[%swap3A_519, %swap3A_520] {strides = array<i32>} : memref<32x1024xf32, #tpu.memory_space<vmem>>, vector<1x16xf32>,
      %swap3A_522 = vector.shape_cast %swap3A_521 : vector<1x16xf32> to vector<16xf32>
      %swap3A_523 = vector.shape_cast %add3A_518 : vector<16xf32> to vector<1x16xf32>
      tpu.vector_store %arg8[%swap3A_519, %swap3A_520], %swap3A_523 {strides = array<i32>} : memref<32x1024xf32, #tpu.memory_space<vmem>>, vector<1x16xf32>,
      %get3A_524 = arith.index_cast %scan3A_76 : i32 to index
      %get3A_525 = arith.constant 512 : index
      %get3A_526 = tpu.vector_load %arg8[%get3A_524, %get3A_525] {strides = array<i32>} : memref<32x1024xf32, #tpu.memory_space<vmem>>, vector<1x16xf32>,
      %get3A_527 = vector.shape_cast %get3A_526 : vector<1x16xf32> to vector<16xf32>
      %get3A_528 = arith.index_cast %scan3A_76 : i32 to index
      %get3A_529 = arith.constant 512 : index
      %get3A_530 = tpu.vector_load %arg9[%get3A_528, %get3A_529] {strides = array<i32>} : memref<32x1024xf32, #tpu.memory_space<vmem>>, vector<1x16xf32>,
      %get3A_531 = vector.shape_cast %get3A_530 : vector<1x16xf32> to vector<16xf32>
      %add3A_532 = arith.addf %get3A_527, %get3A_531 : vector<16xf32>
      %swap3A_533 = arith.index_cast %scan3A_76 : i32 to index
      %swap3A_534 = arith.constant 512 : index
      %swap3A_535 = tpu.vector_load %arg8[%swap3A_533, %swap3A_534] {strides = array<i32>} : memref<32x1024xf32, #tpu.memory_space<vmem>>, vector<1x16xf32>,
      %swap3A_536 = vector.shape_cast %swap3A_535 : vector<1x16xf32> to vector<16xf32>
      %swap3A_537 = vector.shape_cast %add3A_532 : vector<16xf32> to vector<1x16xf32>
      tpu.vector_store %arg8[%swap3A_533, %swap3A_534], %swap3A_537 {strides = array<i32>} : memref<32x1024xf32, #tpu.memory_space<vmem>>, vector<1x16xf32>,
      %get3A_538 = arith.index_cast %scan3A_76 : i32 to index
      %get3A_539 = arith.constant 528 : index
      %get3A_540 = tpu.vector_load %arg8[%get3A_538, %get3A_539] {strides = array<i32>} : memref<32x1024xf32, #tpu.memory_space<vmem>>, vector<1x16xf32>,
      %get3A_541 = vector.shape_cast %get3A_540 : vector<1x16xf32> to vector<16xf32>
      %get3A_542 = arith.index_cast %scan3A_76 : i32 to index
      %get3A_543 = arith.constant 528 : index
      %get3A_544 = tpu.vector_load %arg9[%get3A_542, %get3A_543] {strides = array<i32>} : memref<32x1024xf32, #tpu.memory_space<vmem>>, vector<1x16xf32>,
      %get3A_545 = vector.shape_cast %get3A_544 : vector<1x16xf32> to vector<16xf32>
      %add3A_546 = arith.addf %get3A_541, %get3A_545 : vector<16xf32>
      %swap3A_547 = arith.index_cast %scan3A_76 : i32 to index
      %swap3A_548 = arith.constant 528 : index
      %swap3A_549 = tpu.vector_load %arg8[%swap3A_547, %swap3A_548] {strides = array<i32>} : memref<32x1024xf32, #tpu.memory_space<vmem>>, vector<1x16xf32>,
      %swap3A_550 = vector.shape_cast %swap3A_549 : vector<1x16xf32> to vector<16xf32>
      %swap3A_551 = vector.shape_cast %add3A_546 : vector<16xf32> to vector<1x16xf32>
      tpu.vector_store %arg8[%swap3A_547, %swap3A_548], %swap3A_551 {strides = array<i32>} : memref<32x1024xf32, #tpu.memory_space<vmem>>, vector<1x16xf32>,
      %get3A_552 = arith.index_cast %scan3A_76 : i32 to index
      %get3A_553 = arith.constant 544 : index
      %get3A_554 = tpu.vector_load %arg8[%get3A_552, %get3A_553] {strides = array<i32>} : memref<32x1024xf32, #tpu.memory_space<vmem>>, vector<1x16xf32>,
      %get3A_555 = vector.shape_cast %get3A_554 : vector<1x16xf32> to vector<16xf32>
      %get3A_556 = arith.index_cast %scan3A_76 : i32 to index
      %get3A_557 = arith.constant 544 : index
      %get3A_558 = tpu.vector_load %arg9[%get3A_556, %get3A_557] {strides = array<i32>} : memref<32x1024xf32, #tpu.memory_space<vmem>>, vector<1x16xf32>,
      %get3A_559 = vector.shape_cast %get3A_558 : vector<1x16xf32> to vector<16xf32>
      %add3A_560 = arith.addf %get3A_555, %get3A_559 : vector<16xf32>
      %swap3A_561 = arith.index_cast %scan3A_76 : i32 to index
      %swap3A_562 = arith.constant 544 : index
      %swap3A_563 = tpu.vector_load %arg8[%swap3A_561, %swap3A_562] {strides = array<i32>} : memref<32x1024xf32, #tpu.memory_space<vmem>>, vector<1x16xf32>,
      %swap3A_564 = vector.shape_cast %swap3A_563 : vector<1x16xf32> to vector<16xf32>
      %swap3A_565 = vector.shape_cast %add3A_560 : vector<16xf32> to vector<1x16xf32>
      tpu.vector_store %arg8[%swap3A_561, %swap3A_562], %swap3A_565 {strides = array<i32>} : memref<32x1024xf32, #tpu.memory_space<vmem>>, vector<1x16xf32>,
      %get3A_566 = arith.index_cast %scan3A_76 : i32 to index
      %get3A_567 = arith.constant 560 : index
      %get3A_568 = tpu.vector_load %arg8[%get3A_566, %get3A_567] {strides = array<i32>} : memref<32x1024xf32, #tpu.memory_space<vmem>>, vector<1x16xf32>,
      %get3A_569 = vector.shape_cast %get3A_568 : vector<1x16xf32> to vector<16xf32>
      %get3A_570 = arith.index_cast %scan3A_76 : i32 to index
      %get3A_571 = arith.constant 560 : index
      %get3A_572 = tpu.vector_load %arg9[%get3A_570, %get3A_571] {strides = array<i32>} : memref<32x1024xf32, #tpu.memory_space<vmem>>, vector<1x16xf32>,
      %get3A_573 = vector.shape_cast %get3A_572 : vector<1x16xf32> to vector<16xf32>
      %add3A_574 = arith.addf %get3A_569, %get3A_573 : vector<16xf32>
      %swap3A_575 = arith.index_cast %scan3A_76 : i32 to index
      %swap3A_576 = arith.constant 560 : index
      %swap3A_577 = tpu.vector_load %arg8[%swap3A_575, %swap3A_576] {strides = array<i32>} : memref<32x1024xf32, #tpu.memory_space<vmem>>, vector<1x16xf32>,
      %swap3A_578 = vector.shape_cast %swap3A_577 : vector<1x16xf32> to vector<16xf32>
      %swap3A_579 = vector.shape_cast %add3A_574 : vector<16xf32> to vector<1x16xf32>
      tpu.vector_store %arg8[%swap3A_575, %swap3A_576], %swap3A_579 {strides = array<i32>} : memref<32x1024xf32, #tpu.memory_space<vmem>>, vector<1x16xf32>,
      %get3A_580 = arith.index_cast %scan3A_76 : i32 to index
      %get3A_581 = arith.constant 576 : index
      %get3A_582 = tpu.vector_load %arg8[%get3A_580, %get3A_581] {strides = array<i32>} : memref<32x1024xf32, #tpu.memory_space<vmem>>, vector<1x16xf32>,
      %get3A_583 = vector.shape_cast %get3A_582 : vector<1x16xf32> to vector<16xf32>
      %get3A_584 = arith.index_cast %scan3A_76 : i32 to index
      %get3A_585 = arith.constant 576 : index
      %get3A_586 = tpu.vector_load %arg9[%get3A_584, %get3A_585] {strides = array<i32>} : memref<32x1024xf32, #tpu.memory_space<vmem>>, vector<1x16xf32>,
      %get3A_587 = vector.shape_cast %get3A_586 : vector<1x16xf32> to vector<16xf32>
      %add3A_588 = arith.addf %get3A_583, %get3A_587 : vector<16xf32>
      %swap3A_589 = arith.index_cast %scan3A_76 : i32 to index
      %swap3A_590 = arith.constant 576 : index
      %swap3A_591 = tpu.vector_load %arg8[%swap3A_589, %swap3A_590] {strides = array<i32>} : memref<32x1024xf32, #tpu.memory_space<vmem>>, vector<1x16xf32>,
      %swap3A_592 = vector.shape_cast %swap3A_591 : vector<1x16xf32> to vector<16xf32>
      %swap3A_593 = vector.shape_cast %add3A_588 : vector<16xf32> to vector<1x16xf32>
      tpu.vector_store %arg8[%swap3A_589, %swap3A_590], %swap3A_593 {strides = array<i32>} : memref<32x1024xf32, #tpu.memory_space<vmem>>, vector<1x16xf32>,
      %get3A_594 = arith.index_cast %scan3A_76 : i32 to index
      %get3A_595 = arith.constant 592 : index
      %get3A_596 = tpu.vector_load %arg8[%get3A_594, %get3A_595] {strides = array<i32>} : memref<32x1024xf32, #tpu.memory_space<vmem>>, vector<1x16xf32>,
      %get3A_597 = vector.shape_cast %get3A_596 : vector<1x16xf32> to vector<16xf32>
      %get3A_598 = arith.index_cast %scan3A_76 : i32 to index
      %get3A_599 = arith.constant 592 : index
      %get3A_600 = tpu.vector_load %arg9[%get3A_598, %get3A_599] {strides = array<i32>} : memref<32x1024xf32, #tpu.memory_space<vmem>>, vector<1x16xf32>,
      %get3A_601 = vector.shape_cast %get3A_600 : vector<1x16xf32> to vector<16xf32>
      %add3A_602 = arith.addf %get3A_597, %get3A_601 : vector<16xf32>
      %swap3A_603 = arith.index_cast %scan3A_76 : i32 to index
      %swap3A_604 = arith.constant 592 : index
      %swap3A_605 = tpu.vector_load %arg8[%swap3A_603, %swap3A_604] {strides = array<i32>} : memref<32x1024xf32, #tpu.memory_space<vmem>>, vector<1x16xf32>,
      %swap3A_606 = vector.shape_cast %swap3A_605 : vector<1x16xf32> to vector<16xf32>
      %swap3A_607 = vector.shape_cast %add3A_602 : vector<16xf32> to vector<1x16xf32>
      tpu.vector_store %arg8[%swap3A_603, %swap3A_604], %swap3A_607 {strides = array<i32>} : memref<32x1024xf32, #tpu.memory_space<vmem>>, vector<1x16xf32>,
      %get3A_608 = arith.index_cast %scan3A_76 : i32 to index
      %get3A_609 = arith.constant 608 : index
      %get3A_610 = tpu.vector_load %arg8[%get3A_608, %get3A_609] {strides = array<i32>} : memref<32x1024xf32, #tpu.memory_space<vmem>>, vector<1x16xf32>,
      %get3A_611 = vector.shape_cast %get3A_610 : vector<1x16xf32> to vector<16xf32>
      %get3A_612 = arith.index_cast %scan3A_76 : i32 to index
      %get3A_613 = arith.constant 608 : index
      %get3A_614 = tpu.vector_load %arg9[%get3A_612, %get3A_613] {strides = array<i32>} : memref<32x1024xf32, #tpu.memory_space<vmem>>, vector<1x16xf32>,
      %get3A_615 = vector.shape_cast %get3A_614 : vector<1x16xf32> to vector<16xf32>
      %add3A_616 = arith.addf %get3A_611, %get3A_615 : vector<16xf32>
      %swap3A_617 = arith.index_cast %scan3A_76 : i32 to index
      %swap3A_618 = arith.constant 608 : index
      %swap3A_619 = tpu.vector_load %arg8[%swap3A_617, %swap3A_618] {strides = array<i32>} : memref<32x1024xf32, #tpu.memory_space<vmem>>, vector<1x16xf32>,
      %swap3A_620 = vector.shape_cast %swap3A_619 : vector<1x16xf32> to vector<16xf32>
      %swap3A_621 = vector.shape_cast %add3A_616 : vector<16xf32> to vector<1x16xf32>
      tpu.vector_store %arg8[%swap3A_617, %swap3A_618], %swap3A_621 {strides = array<i32>} : memref<32x1024xf32, #tpu.memory_space<vmem>>, vector<1x16xf32>,
      %get3A_622 = arith.index_cast %scan3A_76 : i32 to index
      %get3A_623 = arith.constant 624 : index
      %get3A_624 = tpu.vector_load %arg8[%get3A_622, %get3A_623] {strides = array<i32>} : memref<32x1024xf32, #tpu.memory_space<vmem>>, vector<1x16xf32>,
      %get3A_625 = vector.shape_cast %get3A_624 : vector<1x16xf32> to vector<16xf32>
      %get3A_626 = arith.index_cast %scan3A_76 : i32 to index
      %get3A_627 = arith.constant 624 : index
      %get3A_628 = tpu.vector_load %arg9[%get3A_626, %get3A_627] {strides = array<i32>} : memref<32x1024xf32, #tpu.memory_space<vmem>>, vector<1x16xf32>,
      %get3A_629 = vector.shape_cast %get3A_628 : vector<1x16xf32> to vector<16xf32>
      %add3A_630 = arith.addf %get3A_625, %get3A_629 : vector<16xf32>
      %swap3A_631 = arith.index_cast %scan3A_76 : i32 to index
      %swap3A_632 = arith.constant 624 : index
      %swap3A_633 = tpu.vector_load %arg8[%swap3A_631, %swap3A_632] {strides = array<i32>} : memref<32x1024xf32, #tpu.memory_space<vmem>>, vector<1x16xf32>,
      %swap3A_634 = vector.shape_cast %swap3A_633 : vector<1x16xf32> to vector<16xf32>
      %swap3A_635 = vector.shape_cast %add3A_630 : vector<16xf32> to vector<1x16xf32>
      tpu.vector_store %arg8[%swap3A_631, %swap3A_632], %swap3A_635 {strides = array<i32>} : memref<32x1024xf32, #tpu.memory_space<vmem>>, vector<1x16xf32>,
      %get3A_636 = arith.index_cast %scan3A_76 : i32 to index
      %get3A_637 = arith.constant 640 : index
      %get3A_638 = tpu.vector_load %arg8[%get3A_636, %get3A_637] {strides = array<i32>} : memref<32x1024xf32, #tpu.memory_space<vmem>>, vector<1x16xf32>,
      %get3A_639 = vector.shape_cast %get3A_638 : vector<1x16xf32> to vector<16xf32>
      %get3A_640 = arith.index_cast %scan3A_76 : i32 to index
      %get3A_641 = arith.constant 640 : index
      %get3A_642 = tpu.vector_load %arg9[%get3A_640, %get3A_641] {strides = array<i32>} : memref<32x1024xf32, #tpu.memory_space<vmem>>, vector<1x16xf32>,
      %get3A_643 = vector.shape_cast %get3A_642 : vector<1x16xf32> to vector<16xf32>
      %add3A_644 = arith.addf %get3A_639, %get3A_643 : vector<16xf32>
      %swap3A_645 = arith.index_cast %scan3A_76 : i32 to index
      %swap3A_646 = arith.constant 640 : index
      %swap3A_647 = tpu.vector_load %arg8[%swap3A_645, %swap3A_646] {strides = array<i32>} : memref<32x1024xf32, #tpu.memory_space<vmem>>, vector<1x16xf32>,
      %swap3A_648 = vector.shape_cast %swap3A_647 : vector<1x16xf32> to vector<16xf32>
      %swap3A_649 = vector.shape_cast %add3A_644 : vector<16xf32> to vector<1x16xf32>
      tpu.vector_store %arg8[%swap3A_645, %swap3A_646], %swap3A_649 {strides = array<i32>} : memref<32x1024xf32, #tpu.memory_space<vmem>>, vector<1x16xf32>,
      %get3A_650 = arith.index_cast %scan3A_76 : i32 to index
      %get3A_651 = arith.constant 656 : index
      %get3A_652 = tpu.vector_load %arg8[%get3A_650, %get3A_651] {strides = array<i32>} : memref<32x1024xf32, #tpu.memory_space<vmem>>, vector<1x16xf32>,
      %get3A_653 = vector.shape_cast %get3A_652 : vector<1x16xf32> to vector<16xf32>
      %get3A_654 = arith.index_cast %scan3A_76 : i32 to index
      %get3A_655 = arith.constant 656 : index
      %get3A_656 = tpu.vector_load %arg9[%get3A_654, %get3A_655] {strides = array<i32>} : memref<32x1024xf32, #tpu.memory_space<vmem>>, vector<1x16xf32>,
      %get3A_657 = vector.shape_cast %get3A_656 : vector<1x16xf32> to vector<16xf32>
      %add3A_658 = arith.addf %get3A_653, %get3A_657 : vector<16xf32>
      %swap3A_659 = arith.index_cast %scan3A_76 : i32 to index
      %swap3A_660 = arith.constant 656 : index
      %swap3A_661 = tpu.vector_load %arg8[%swap3A_659, %swap3A_660] {strides = array<i32>} : memref<32x1024xf32, #tpu.memory_space<vmem>>, vector<1x16xf32>,
      %swap3A_662 = vector.shape_cast %swap3A_661 : vector<1x16xf32> to vector<16xf32>
      %swap3A_663 = vector.shape_cast %add3A_658 : vector<16xf32> to vector<1x16xf32>
      tpu.vector_store %arg8[%swap3A_659, %swap3A_660], %swap3A_663 {strides = array<i32>} : memref<32x1024xf32, #tpu.memory_space<vmem>>, vector<1x16xf32>,
      %get3A_664 = arith.index_cast %scan3A_76 : i32 to index
      %get3A_665 = arith.constant 672 : index
      %get3A_666 = tpu.vector_load %arg8[%get3A_664, %get3A_665] {strides = array<i32>} : memref<32x1024xf32, #tpu.memory_space<vmem>>, vector<1x16xf32>,
      %get3A_667 = vector.shape_cast %get3A_666 : vector<1x16xf32> to vector<16xf32>
      %get3A_668 = arith.index_cast %scan3A_76 : i32 to index
      %get3A_669 = arith.constant 672 : index
      %get3A_670 = tpu.vector_load %arg9[%get3A_668, %get3A_669] {strides = array<i32>} : memref<32x1024xf32, #tpu.memory_space<vmem>>, vector<1x16xf32>,
      %get3A_671 = vector.shape_cast %get3A_670 : vector<1x16xf32> to vector<16xf32>
      %add3A_672 = arith.addf %get3A_667, %get3A_671 : vector<16xf32>
      %swap3A_673 = arith.index_cast %scan3A_76 : i32 to index
      %swap3A_674 = arith.constant 672 : index
      %swap3A_675 = tpu.vector_load %arg8[%swap3A_673, %swap3A_674] {strides = array<i32>} : memref<32x1024xf32, #tpu.memory_space<vmem>>, vector<1x16xf32>,
      %swap3A_676 = vector.shape_cast %swap3A_675 : vector<1x16xf32> to vector<16xf32>
      %swap3A_677 = vector.shape_cast %add3A_672 : vector<16xf32> to vector<1x16xf32>
      tpu.vector_store %arg8[%swap3A_673, %swap3A_674], %swap3A_677 {strides = array<i32>} : memref<32x1024xf32, #tpu.memory_space<vmem>>, vector<1x16xf32>,
      %get3A_678 = arith.index_cast %scan3A_76 : i32 to index
      %get3A_679 = arith.constant 688 : index
      %get3A_680 = tpu.vector_load %arg8[%get3A_678, %get3A_679] {strides = array<i32>} : memref<32x1024xf32, #tpu.memory_space<vmem>>, vector<1x16xf32>,
      %get3A_681 = vector.shape_cast %get3A_680 : vector<1x16xf32> to vector<16xf32>
      %get3A_682 = arith.index_cast %scan3A_76 : i32 to index
      %get3A_683 = arith.constant 688 : index
      %get3A_684 = tpu.vector_load %arg9[%get3A_682, %get3A_683] {strides = array<i32>} : memref<32x1024xf32, #tpu.memory_space<vmem>>, vector<1x16xf32>,
      %get3A_685 = vector.shape_cast %get3A_684 : vector<1x16xf32> to vector<16xf32>
      %add3A_686 = arith.addf %get3A_681, %get3A_685 : vector<16xf32>
      %swap3A_687 = arith.index_cast %scan3A_76 : i32 to index
      %swap3A_688 = arith.constant 688 : index
      %swap3A_689 = tpu.vector_load %arg8[%swap3A_687, %swap3A_688] {strides = array<i32>} : memref<32x1024xf32, #tpu.memory_space<vmem>>, vector<1x16xf32>,
      %swap3A_690 = vector.shape_cast %swap3A_689 : vector<1x16xf32> to vector<16xf32>
      %swap3A_691 = vector.shape_cast %add3A_686 : vector<16xf32> to vector<1x16xf32>
      tpu.vector_store %arg8[%swap3A_687, %swap3A_688], %swap3A_691 {strides = array<i32>} : memref<32x1024xf32, #tpu.memory_space<vmem>>, vector<1x16xf32>,
      %get3A_692 = arith.index_cast %scan3A_76 : i32 to index
      %get3A_693 = arith.constant 704 : index
      %get3A_694 = tpu.vector_load %arg8[%get3A_692, %get3A_693] {strides = array<i32>} : memref<32x1024xf32, #tpu.memory_space<vmem>>, vector<1x16xf32>,
      %get3A_695 = vector.shape_cast %get3A_694 : vector<1x16xf32> to vector<16xf32>
      %get3A_696 = arith.index_cast %scan3A_76 : i32 to index
      %get3A_697 = arith.constant 704 : index
      %get3A_698 = tpu.vector_load %arg9[%get3A_696, %get3A_697] {strides = array<i32>} : memref<32x1024xf32, #tpu.memory_space<vmem>>, vector<1x16xf32>,
      %get3A_699 = vector.shape_cast %get3A_698 : vector<1x16xf32> to vector<16xf32>
      %add3A_700 = arith.addf %get3A_695, %get3A_699 : vector<16xf32>
      %swap3A_701 = arith.index_cast %scan3A_76 : i32 to index
      %swap3A_702 = arith.constant 704 : index
      %swap3A_703 = tpu.vector_load %arg8[%swap3A_701, %swap3A_702] {strides = array<i32>} : memref<32x1024xf32, #tpu.memory_space<vmem>>, vector<1x16xf32>,
      %swap3A_704 = vector.shape_cast %swap3A_703 : vector<1x16xf32> to vector<16xf32>
      %swap3A_705 = vector.shape_cast %add3A_700 : vector<16xf32> to vector<1x16xf32>
      tpu.vector_store %arg8[%swap3A_701, %swap3A_702], %swap3A_705 {strides = array<i32>} : memref<32x1024xf32, #tpu.memory_space<vmem>>, vector<1x16xf32>,
      %get3A_706 = arith.index_cast %scan3A_76 : i32 to index
      %get3A_707 = arith.constant 720 : index
      %get3A_708 = tpu.vector_load %arg8[%get3A_706, %get3A_707] {strides = array<i32>} : memref<32x1024xf32, #tpu.memory_space<vmem>>, vector<1x16xf32>,
      %get3A_709 = vector.shape_cast %get3A_708 : vector<1x16xf32> to vector<16xf32>
      %get3A_710 = arith.index_cast %scan3A_76 : i32 to index
      %get3A_711 = arith.constant 720 : index
      %get3A_712 = tpu.vector_load %arg9[%get3A_710, %get3A_711] {strides = array<i32>} : memref<32x1024xf32, #tpu.memory_space<vmem>>, vector<1x16xf32>,
      %get3A_713 = vector.shape_cast %get3A_712 : vector<1x16xf32> to vector<16xf32>
      %add3A_714 = arith.addf %get3A_709, %get3A_713 : vector<16xf32>
      %swap3A_715 = arith.index_cast %scan3A_76 : i32 to index
      %swap3A_716 = arith.constant 720 : index
      %swap3A_717 = tpu.vector_load %arg8[%swap3A_715, %swap3A_716] {strides = array<i32>} : memref<32x1024xf32, #tpu.memory_space<vmem>>, vector<1x16xf32>,
      %swap3A_718 = vector.shape_cast %swap3A_717 : vector<1x16xf32> to vector<16xf32>
      %swap3A_719 = vector.shape_cast %add3A_714 : vector<16xf32> to vector<1x16xf32>
      tpu.vector_store %arg8[%swap3A_715, %swap3A_716], %swap3A_719 {strides = array<i32>} : memref<32x1024xf32, #tpu.memory_space<vmem>>, vector<1x16xf32>,
      %get3A_720 = arith.index_cast %scan3A_76 : i32 to index
      %get3A_721 = arith.constant 736 : index
      %get3A_722 = tpu.vector_load %arg8[%get3A_720, %get3A_721] {strides = array<i32>} : memref<32x1024xf32, #tpu.memory_space<vmem>>, vector<1x16xf32>,
      %get3A_723 = vector.shape_cast %get3A_722 : vector<1x16xf32> to vector<16xf32>
      %get3A_724 = arith.index_cast %scan3A_76 : i32 to index
      %get3A_725 = arith.constant 736 : index
      %get3A_726 = tpu.vector_load %arg9[%get3A_724, %get3A_725] {strides = array<i32>} : memref<32x1024xf32, #tpu.memory_space<vmem>>, vector<1x16xf32>,
      %get3A_727 = vector.shape_cast %get3A_726 : vector<1x16xf32> to vector<16xf32>
      %add3A_728 = arith.addf %get3A_723, %get3A_727 : vector<16xf32>
      %swap3A_729 = arith.index_cast %scan3A_76 : i32 to index
      %swap3A_730 = arith.constant 736 : index
      %swap3A_731 = tpu.vector_load %arg8[%swap3A_729, %swap3A_730] {strides = array<i32>} : memref<32x1024xf32, #tpu.memory_space<vmem>>, vector<1x16xf32>,
      %swap3A_732 = vector.shape_cast %swap3A_731 : vector<1x16xf32> to vector<16xf32>
      %swap3A_733 = vector.shape_cast %add3A_728 : vector<16xf32> to vector<1x16xf32>
      tpu.vector_store %arg8[%swap3A_729, %swap3A_730], %swap3A_733 {strides = array<i32>} : memref<32x1024xf32, #tpu.memory_space<vmem>>, vector<1x16xf32>,
      %get3A_734 = arith.index_cast %scan3A_76 : i32 to index
      %get3A_735 = arith.constant 752 : index
      %get3A_736 = tpu.vector_load %arg8[%get3A_734, %get3A_735] {strides = array<i32>} : memref<32x1024xf32, #tpu.memory_space<vmem>>, vector<1x16xf32>,
      %get3A_737 = vector.shape_cast %get3A_736 : vector<1x16xf32> to vector<16xf32>
      %get3A_738 = arith.index_cast %scan3A_76 : i32 to index
      %get3A_739 = arith.constant 752 : index
      %get3A_740 = tpu.vector_load %arg9[%get3A_738, %get3A_739] {strides = array<i32>} : memref<32x1024xf32, #tpu.memory_space<vmem>>, vector<1x16xf32>,
      %get3A_741 = vector.shape_cast %get3A_740 : vector<1x16xf32> to vector<16xf32>
      %add3A_742 = arith.addf %get3A_737, %get3A_741 : vector<16xf32>
      %swap3A_743 = arith.index_cast %scan3A_76 : i32 to index
      %swap3A_744 = arith.constant 752 : index
      %swap3A_745 = tpu.vector_load %arg8[%swap3A_743, %swap3A_744] {strides = array<i32>} : memref<32x1024xf32, #tpu.memory_space<vmem>>, vector<1x16xf32>,
      %swap3A_746 = vector.shape_cast %swap3A_745 : vector<1x16xf32> to vector<16xf32>
      %swap3A_747 = vector.shape_cast %add3A_742 : vector<16xf32> to vector<1x16xf32>
      tpu.vector_store %arg8[%swap3A_743, %swap3A_744], %swap3A_747 {strides = array<i32>} : memref<32x1024xf32, #tpu.memory_space<vmem>>, vector<1x16xf32>,
      %get3A_748 = arith.index_cast %scan3A_76 : i32 to index
      %get3A_749 = arith.constant 768 : index
      %get3A_750 = tpu.vector_load %arg8[%get3A_748, %get3A_749] {strides = array<i32>} : memref<32x1024xf32, #tpu.memory_space<vmem>>, vector<1x16xf32>,
      %get3A_751 = vector.shape_cast %get3A_750 : vector<1x16xf32> to vector<16xf32>
      %get3A_752 = arith.index_cast %scan3A_76 : i32 to index
      %get3A_753 = arith.constant 768 : index
      %get3A_754 = tpu.vector_load %arg9[%get3A_752, %get3A_753] {strides = array<i32>} : memref<32x1024xf32, #tpu.memory_space<vmem>>, vector<1x16xf32>,
      %get3A_755 = vector.shape_cast %get3A_754 : vector<1x16xf32> to vector<16xf32>
      %add3A_756 = arith.addf %get3A_751, %get3A_755 : vector<16xf32>
      %swap3A_757 = arith.index_cast %scan3A_76 : i32 to index
      %swap3A_758 = arith.constant 768 : index
      %swap3A_759 = tpu.vector_load %arg8[%swap3A_757, %swap3A_758] {strides = array<i32>} : memref<32x1024xf32, #tpu.memory_space<vmem>>, vector<1x16xf32>,
      %swap3A_760 = vector.shape_cast %swap3A_759 : vector<1x16xf32> to vector<16xf32>
      %swap3A_761 = vector.shape_cast %add3A_756 : vector<16xf32> to vector<1x16xf32>
      tpu.vector_store %arg8[%swap3A_757, %swap3A_758], %swap3A_761 {strides = array<i32>} : memref<32x1024xf32, #tpu.memory_space<vmem>>, vector<1x16xf32>,
      %get3A_762 = arith.index_cast %scan3A_76 : i32 to index
      %get3A_763 = arith.constant 784 : index
      %get3A_764 = tpu.vector_load %arg8[%get3A_762, %get3A_763] {strides = array<i32>} : memref<32x1024xf32, #tpu.memory_space<vmem>>, vector<1x16xf32>,
      %get3A_765 = vector.shape_cast %get3A_764 : vector<1x16xf32> to vector<16xf32>
      %get3A_766 = arith.index_cast %scan3A_76 : i32 to index
      %get3A_767 = arith.constant 784 : index
      %get3A_768 = tpu.vector_load %arg9[%get3A_766, %get3A_767] {strides = array<i32>} : memref<32x1024xf32, #tpu.memory_space<vmem>>, vector<1x16xf32>,
      %get3A_769 = vector.shape_cast %get3A_768 : vector<1x16xf32> to vector<16xf32>
      %add3A_770 = arith.addf %get3A_765, %get3A_769 : vector<16xf32>
      %swap3A_771 = arith.index_cast %scan3A_76 : i32 to index
      %swap3A_772 = arith.constant 784 : index
      %swap3A_773 = tpu.vector_load %arg8[%swap3A_771, %swap3A_772] {strides = array<i32>} : memref<32x1024xf32, #tpu.memory_space<vmem>>, vector<1x16xf32>,
      %swap3A_774 = vector.shape_cast %swap3A_773 : vector<1x16xf32> to vector<16xf32>
      %swap3A_775 = vector.shape_cast %add3A_770 : vector<16xf32> to vector<1x16xf32>
      tpu.vector_store %arg8[%swap3A_771, %swap3A_772], %swap3A_775 {strides = array<i32>} : memref<32x1024xf32, #tpu.memory_space<vmem>>, vector<1x16xf32>,
      %get3A_776 = arith.index_cast %scan3A_76 : i32 to index
      %get3A_777 = arith.constant 800 : index
      %get3A_778 = tpu.vector_load %arg8[%get3A_776, %get3A_777] {strides = array<i32>} : memref<32x1024xf32, #tpu.memory_space<vmem>>, vector<1x16xf32>,
      %get3A_779 = vector.shape_cast %get3A_778 : vector<1x16xf32> to vector<16xf32>
      %get3A_780 = arith.index_cast %scan3A_76 : i32 to index
      %get3A_781 = arith.constant 800 : index
      %get3A_782 = tpu.vector_load %arg9[%get3A_780, %get3A_781] {strides = array<i32>} : memref<32x1024xf32, #tpu.memory_space<vmem>>, vector<1x16xf32>,
      %get3A_783 = vector.shape_cast %get3A_782 : vector<1x16xf32> to vector<16xf32>
      %add3A_784 = arith.addf %get3A_779, %get3A_783 : vector<16xf32>
      %swap3A_785 = arith.index_cast %scan3A_76 : i32 to index
      %swap3A_786 = arith.constant 800 : index
      %swap3A_787 = tpu.vector_load %arg8[%swap3A_785, %swap3A_786] {strides = array<i32>} : memref<32x1024xf32, #tpu.memory_space<vmem>>, vector<1x16xf32>,
      %swap3A_788 = vector.shape_cast %swap3A_787 : vector<1x16xf32> to vector<16xf32>
      %swap3A_789 = vector.shape_cast %add3A_784 : vector<16xf32> to vector<1x16xf32>
      tpu.vector_store %arg8[%swap3A_785, %swap3A_786], %swap3A_789 {strides = array<i32>} : memref<32x1024xf32, #tpu.memory_space<vmem>>, vector<1x16xf32>,
      %get3A_790 = arith.index_cast %scan3A_76 : i32 to index
      %get3A_791 = arith.constant 816 : index
      %get3A_792 = tpu.vector_load %arg8[%get3A_790, %get3A_791] {strides = array<i32>} : memref<32x1024xf32, #tpu.memory_space<vmem>>, vector<1x16xf32>,
      %get3A_793 = vector.shape_cast %get3A_792 : vector<1x16xf32> to vector<16xf32>
      %get3A_794 = arith.index_cast %scan3A_76 : i32 to index
      %get3A_795 = arith.constant 816 : index
      %get3A_796 = tpu.vector_load %arg9[%get3A_794, %get3A_795] {strides = array<i32>} : memref<32x1024xf32, #tpu.memory_space<vmem>>, vector<1x16xf32>,
      %get3A_797 = vector.shape_cast %get3A_796 : vector<1x16xf32> to vector<16xf32>
      %add3A_798 = arith.addf %get3A_793, %get3A_797 : vector<16xf32>
      %swap3A_799 = arith.index_cast %scan3A_76 : i32 to index
      %swap3A_800 = arith.constant 816 : index
      %swap3A_801 = tpu.vector_load %arg8[%swap3A_799, %swap3A_800] {strides = array<i32>} : memref<32x1024xf32, #tpu.memory_space<vmem>>, vector<1x16xf32>,
      %swap3A_802 = vector.shape_cast %swap3A_801 : vector<1x16xf32> to vector<16xf32>
      %swap3A_803 = vector.shape_cast %add3A_798 : vector<16xf32> to vector<1x16xf32>
      tpu.vector_store %arg8[%swap3A_799, %swap3A_800], %swap3A_803 {strides = array<i32>} : memref<32x1024xf32, #tpu.memory_space<vmem>>, vector<1x16xf32>,
      %get3A_804 = arith.index_cast %scan3A_76 : i32 to index
      %get3A_805 = arith.constant 832 : index
      %get3A_806 = tpu.vector_load %arg8[%get3A_804, %get3A_805] {strides = array<i32>} : memref<32x1024xf32, #tpu.memory_space<vmem>>, vector<1x16xf32>,
      %get3A_807 = vector.shape_cast %get3A_806 : vector<1x16xf32> to vector<16xf32>
      %get3A_808 = arith.index_cast %scan3A_76 : i32 to index
      %get3A_809 = arith.constant 832 : index
      %get3A_810 = tpu.vector_load %arg9[%get3A_808, %get3A_809] {strides = array<i32>} : memref<32x1024xf32, #tpu.memory_space<vmem>>, vector<1x16xf32>,
      %get3A_811 = vector.shape_cast %get3A_810 : vector<1x16xf32> to vector<16xf32>
      %add3A_812 = arith.addf %get3A_807, %get3A_811 : vector<16xf32>
      %swap3A_813 = arith.index_cast %scan3A_76 : i32 to index
      %swap3A_814 = arith.constant 832 : index
      %swap3A_815 = tpu.vector_load %arg8[%swap3A_813, %swap3A_814] {strides = array<i32>} : memref<32x1024xf32, #tpu.memory_space<vmem>>, vector<1x16xf32>,
      %swap3A_816 = vector.shape_cast %swap3A_815 : vector<1x16xf32> to vector<16xf32>
      %swap3A_817 = vector.shape_cast %add3A_812 : vector<16xf32> to vector<1x16xf32>
      tpu.vector_store %arg8[%swap3A_813, %swap3A_814], %swap3A_817 {strides = array<i32>} : memref<32x1024xf32, #tpu.memory_space<vmem>>, vector<1x16xf32>,
      %get3A_818 = arith.index_cast %scan3A_76 : i32 to index
      %get3A_819 = arith.constant 848 : index
      %get3A_820 = tpu.vector_load %arg8[%get3A_818, %get3A_819] {strides = array<i32>} : memref<32x1024xf32, #tpu.memory_space<vmem>>, vector<1x16xf32>,
      %get3A_821 = vector.shape_cast %get3A_820 : vector<1x16xf32> to vector<16xf32>
      %get3A_822 = arith.index_cast %scan3A_76 : i32 to index
      %get3A_823 = arith.constant 848 : index
      %get3A_824 = tpu.vector_load %arg9[%get3A_822, %get3A_823] {strides = array<i32>} : memref<32x1024xf32, #tpu.memory_space<vmem>>, vector<1x16xf32>,
      %get3A_825 = vector.shape_cast %get3A_824 : vector<1x16xf32> to vector<16xf32>
      %add3A_826 = arith.addf %get3A_821, %get3A_825 : vector<16xf32>
      %swap3A_827 = arith.index_cast %scan3A_76 : i32 to index
      %swap3A_828 = arith.constant 848 : index
      %swap3A_829 = tpu.vector_load %arg8[%swap3A_827, %swap3A_828] {strides = array<i32>} : memref<32x1024xf32, #tpu.memory_space<vmem>>, vector<1x16xf32>,
      %swap3A_830 = vector.shape_cast %swap3A_829 : vector<1x16xf32> to vector<16xf32>
      %swap3A_831 = vector.shape_cast %add3A_826 : vector<16xf32> to vector<1x16xf32>
      tpu.vector_store %arg8[%swap3A_827, %swap3A_828], %swap3A_831 {strides = array<i32>} : memref<32x1024xf32, #tpu.memory_space<vmem>>, vector<1x16xf32>,
      %get3A_832 = arith.index_cast %scan3A_76 : i32 to index
      %get3A_833 = arith.constant 864 : index
      %get3A_834 = tpu.vector_load %arg8[%get3A_832, %get3A_833] {strides = array<i32>} : memref<32x1024xf32, #tpu.memory_space<vmem>>, vector<1x16xf32>,
      %get3A_835 = vector.shape_cast %get3A_834 : vector<1x16xf32> to vector<16xf32>
      %get3A_836 = arith.index_cast %scan3A_76 : i32 to index
      %get3A_837 = arith.constant 864 : index
      %get3A_838 = tpu.vector_load %arg9[%get3A_836, %get3A_837] {strides = array<i32>} : memref<32x1024xf32, #tpu.memory_space<vmem>>, vector<1x16xf32>,
      %get3A_839 = vector.shape_cast %get3A_838 : vector<1x16xf32> to vector<16xf32>
      %add3A_840 = arith.addf %get3A_835, %get3A_839 : vector<16xf32>
      %swap3A_841 = arith.index_cast %scan3A_76 : i32 to index
      %swap3A_842 = arith.constant 864 : index
      %swap3A_843 = tpu.vector_load %arg8[%swap3A_841, %swap3A_842] {strides = array<i32>} : memref<32x1024xf32, #tpu.memory_space<vmem>>, vector<1x16xf32>,
      %swap3A_844 = vector.shape_cast %swap3A_843 : vector<1x16xf32> to vector<16xf32>
      %swap3A_845 = vector.shape_cast %add3A_840 : vector<16xf32> to vector<1x16xf32>
      tpu.vector_store %arg8[%swap3A_841, %swap3A_842], %swap3A_845 {strides = array<i32>} : memref<32x1024xf32, #tpu.memory_space<vmem>>, vector<1x16xf32>,
      %get3A_846 = arith.index_cast %scan3A_76 : i32 to index
      %get3A_847 = arith.constant 880 : index
      %get3A_848 = tpu.vector_load %arg8[%get3A_846, %get3A_847] {strides = array<i32>} : memref<32x1024xf32, #tpu.memory_space<vmem>>, vector<1x16xf32>,
      %get3A_849 = vector.shape_cast %get3A_848 : vector<1x16xf32> to vector<16xf32>
      %get3A_850 = arith.index_cast %scan3A_76 : i32 to index
      %get3A_851 = arith.constant 880 : index
      %get3A_852 = tpu.vector_load %arg9[%get3A_850, %get3A_851] {strides = array<i32>} : memref<32x1024xf32, #tpu.memory_space<vmem>>, vector<1x16xf32>,
      %get3A_853 = vector.shape_cast %get3A_852 : vector<1x16xf32> to vector<16xf32>
      %add3A_854 = arith.addf %get3A_849, %get3A_853 : vector<16xf32>
      %swap3A_855 = arith.index_cast %scan3A_76 : i32 to index
      %swap3A_856 = arith.constant 880 : index
      %swap3A_857 = tpu.vector_load %arg8[%swap3A_855, %swap3A_856] {strides = array<i32>} : memref<32x1024xf32, #tpu.memory_space<vmem>>, vector<1x16xf32>,
      %swap3A_858 = vector.shape_cast %swap3A_857 : vector<1x16xf32> to vector<16xf32>
      %swap3A_859 = vector.shape_cast %add3A_854 : vector<16xf32> to vector<1x16xf32>
      tpu.vector_store %arg8[%swap3A_855, %swap3A_856], %swap3A_859 {strides = array<i32>} : memref<32x1024xf32, #tpu.memory_space<vmem>>, vector<1x16xf32>,
      %get3A_860 = arith.index_cast %scan3A_76 : i32 to index
      %get3A_861 = arith.constant 896 : index
      %get3A_862 = tpu.vector_load %arg8[%get3A_860, %get3A_861] {strides = array<i32>} : memref<32x1024xf32, #tpu.memory_space<vmem>>, vector<1x16xf32>,
      %get3A_863 = vector.shape_cast %get3A_862 : vector<1x16xf32> to vector<16xf32>
      %get3A_864 = arith.index_cast %scan3A_76 : i32 to index
      %get3A_865 = arith.constant 896 : index
      %get3A_866 = tpu.vector_load %arg9[%get3A_864, %get3A_865] {strides = array<i32>} : memref<32x1024xf32, #tpu.memory_space<vmem>>, vector<1x16xf32>,
      %get3A_867 = vector.shape_cast %get3A_866 : vector<1x16xf32> to vector<16xf32>
      %add3A_868 = arith.addf %get3A_863, %get3A_867 : vector<16xf32>
      %swap3A_869 = arith.index_cast %scan3A_76 : i32 to index
      %swap3A_870 = arith.constant 896 : index
      %swap3A_871 = tpu.vector_load %arg8[%swap3A_869, %swap3A_870] {strides = array<i32>} : memref<32x1024xf32, #tpu.memory_space<vmem>>, vector<1x16xf32>,
      %swap3A_872 = vector.shape_cast %swap3A_871 : vector<1x16xf32> to vector<16xf32>
      %swap3A_873 = vector.shape_cast %add3A_868 : vector<16xf32> to vector<1x16xf32>
      tpu.vector_store %arg8[%swap3A_869, %swap3A_870], %swap3A_873 {strides = array<i32>} : memref<32x1024xf32, #tpu.memory_space<vmem>>, vector<1x16xf32>,
      %get3A_874 = arith.index_cast %scan3A_76 : i32 to index
      %get3A_875 = arith.constant 912 : index
      %get3A_876 = tpu.vector_load %arg8[%get3A_874, %get3A_875] {strides = array<i32>} : memref<32x1024xf32, #tpu.memory_space<vmem>>, vector<1x16xf32>,
      %get3A_877 = vector.shape_cast %get3A_876 : vector<1x16xf32> to vector<16xf32>
      %get3A_878 = arith.index_cast %scan3A_76 : i32 to index
      %get3A_879 = arith.constant 912 : index
      %get3A_880 = tpu.vector_load %arg9[%get3A_878, %get3A_879] {strides = array<i32>} : memref<32x1024xf32, #tpu.memory_space<vmem>>, vector<1x16xf32>,
      %get3A_881 = vector.shape_cast %get3A_880 : vector<1x16xf32> to vector<16xf32>
      %add3A_882 = arith.addf %get3A_877, %get3A_881 : vector<16xf32>
      %swap3A_883 = arith.index_cast %scan3A_76 : i32 to index
      %swap3A_884 = arith.constant 912 : index
      %swap3A_885 = tpu.vector_load %arg8[%swap3A_883, %swap3A_884] {strides = array<i32>} : memref<32x1024xf32, #tpu.memory_space<vmem>>, vector<1x16xf32>,
      %swap3A_886 = vector.shape_cast %swap3A_885 : vector<1x16xf32> to vector<16xf32>
      %swap3A_887 = vector.shape_cast %add3A_882 : vector<16xf32> to vector<1x16xf32>
      tpu.vector_store %arg8[%swap3A_883, %swap3A_884], %swap3A_887 {strides = array<i32>} : memref<32x1024xf32, #tpu.memory_space<vmem>>, vector<1x16xf32>,
      %get3A_888 = arith.index_cast %scan3A_76 : i32 to index
      %get3A_889 = arith.constant 928 : index
      %get3A_890 = tpu.vector_load %arg8[%get3A_888, %get3A_889] {strides = array<i32>} : memref<32x1024xf32, #tpu.memory_space<vmem>>, vector<1x16xf32>,
      %get3A_891 = vector.shape_cast %get3A_890 : vector<1x16xf32> to vector<16xf32>
      %get3A_892 = arith.index_cast %scan3A_76 : i32 to index
      %get3A_893 = arith.constant 928 : index
      %get3A_894 = tpu.vector_load %arg9[%get3A_892, %get3A_893] {strides = array<i32>} : memref<32x1024xf32, #tpu.memory_space<vmem>>, vector<1x16xf32>,
      %get3A_895 = vector.shape_cast %get3A_894 : vector<1x16xf32> to vector<16xf32>
      %add3A_896 = arith.addf %get3A_891, %get3A_895 : vector<16xf32>
      %swap3A_897 = arith.index_cast %scan3A_76 : i32 to index
      %swap3A_898 = arith.constant 928 : index
      %swap3A_899 = tpu.vector_load %arg8[%swap3A_897, %swap3A_898] {strides = array<i32>} : memref<32x1024xf32, #tpu.memory_space<vmem>>, vector<1x16xf32>,
      %swap3A_900 = vector.shape_cast %swap3A_899 : vector<1x16xf32> to vector<16xf32>
      %swap3A_901 = vector.shape_cast %add3A_896 : vector<16xf32> to vector<1x16xf32>
      tpu.vector_store %arg8[%swap3A_897, %swap3A_898], %swap3A_901 {strides = array<i32>} : memref<32x1024xf32, #tpu.memory_space<vmem>>, vector<1x16xf32>,
      %get3A_902 = arith.index_cast %scan3A_76 : i32 to index
      %get3A_903 = arith.constant 944 : index
      %get3A_904 = tpu.vector_load %arg8[%get3A_902, %get3A_903] {strides = array<i32>} : memref<32x1024xf32, #tpu.memory_space<vmem>>, vector<1x16xf32>,
      %get3A_905 = vector.shape_cast %get3A_904 : vector<1x16xf32> to vector<16xf32>
      %get3A_906 = arith.index_cast %scan3A_76 : i32 to index
      %get3A_907 = arith.constant 944 : index
      %get3A_908 = tpu.vector_load %arg9[%get3A_906, %get3A_907] {strides = array<i32>} : memref<32x1024xf32, #tpu.memory_space<vmem>>, vector<1x16xf32>,
      %get3A_909 = vector.shape_cast %get3A_908 : vector<1x16xf32> to vector<16xf32>
      %add3A_910 = arith.addf %get3A_905, %get3A_909 : vector<16xf32>
      %swap3A_911 = arith.index_cast %scan3A_76 : i32 to index
      %swap3A_912 = arith.constant 944 : index
      %swap3A_913 = tpu.vector_load %arg8[%swap3A_911, %swap3A_912] {strides = array<i32>} : memref<32x1024xf32, #tpu.memory_space<vmem>>, vector<1x16xf32>,
      %swap3A_914 = vector.shape_cast %swap3A_913 : vector<1x16xf32> to vector<16xf32>
      %swap3A_915 = vector.shape_cast %add3A_910 : vector<16xf32> to vector<1x16xf32>
      tpu.vector_store %arg8[%swap3A_911, %swap3A_912], %swap3A_915 {strides = array<i32>} : memref<32x1024xf32, #tpu.memory_space<vmem>>, vector<1x16xf32>,
      %get3A_916 = arith.index_cast %scan3A_76 : i32 to index
      %get3A_917 = arith.constant 960 : index
      %get3A_918 = tpu.vector_load %arg8[%get3A_916, %get3A_917] {strides = array<i32>} : memref<32x1024xf32, #tpu.memory_space<vmem>>, vector<1x16xf32>,
      %get3A_919 = vector.shape_cast %get3A_918 : vector<1x16xf32> to vector<16xf32>
      %get3A_920 = arith.index_cast %scan3A_76 : i32 to index
      %get3A_921 = arith.constant 960 : index
      %get3A_922 = tpu.vector_load %arg9[%get3A_920, %get3A_921] {strides = array<i32>} : memref<32x1024xf32, #tpu.memory_space<vmem>>, vector<1x16xf32>,
      %get3A_923 = vector.shape_cast %get3A_922 : vector<1x16xf32> to vector<16xf32>
      %add3A_924 = arith.addf %get3A_919, %get3A_923 : vector<16xf32>
      %swap3A_925 = arith.index_cast %scan3A_76 : i32 to index
      %swap3A_926 = arith.constant 960 : index
      %swap3A_927 = tpu.vector_load %arg8[%swap3A_925, %swap3A_926] {strides = array<i32>} : memref<32x1024xf32, #tpu.memory_space<vmem>>, vector<1x16xf32>,
      %swap3A_928 = vector.shape_cast %swap3A_927 : vector<1x16xf32> to vector<16xf32>
      %swap3A_929 = vector.shape_cast %add3A_924 : vector<16xf32> to vector<1x16xf32>
      tpu.vector_store %arg8[%swap3A_925, %swap3A_926], %swap3A_929 {strides = array<i32>} : memref<32x1024xf32, #tpu.memory_space<vmem>>, vector<1x16xf32>,
      %get3A_930 = arith.index_cast %scan3A_76 : i32 to index
      %get3A_931 = arith.constant 976 : index
      %get3A_932 = tpu.vector_load %arg8[%get3A_930, %get3A_931] {strides = array<i32>} : memref<32x1024xf32, #tpu.memory_space<vmem>>, vector<1x16xf32>,
      %get3A_933 = vector.shape_cast %get3A_932 : vector<1x16xf32> to vector<16xf32>
      %get3A_934 = arith.index_cast %scan3A_76 : i32 to index
      %get3A_935 = arith.constant 976 : index
      %get3A_936 = tpu.vector_load %arg9[%get3A_934, %get3A_935] {strides = array<i32>} : memref<32x1024xf32, #tpu.memory_space<vmem>>, vector<1x16xf32>,
      %get3A_937 = vector.shape_cast %get3A_936 : vector<1x16xf32> to vector<16xf32>
      %add3A_938 = arith.addf %get3A_933, %get3A_937 : vector<16xf32>
      %swap3A_939 = arith.index_cast %scan3A_76 : i32 to index
      %swap3A_940 = arith.constant 976 : index
      %swap3A_941 = tpu.vector_load %arg8[%swap3A_939, %swap3A_940] {strides = array<i32>} : memref<32x1024xf32, #tpu.memory_space<vmem>>, vector<1x16xf32>,
      %swap3A_942 = vector.shape_cast %swap3A_941 : vector<1x16xf32> to vector<16xf32>
      %swap3A_943 = vector.shape_cast %add3A_938 : vector<16xf32> to vector<1x16xf32>
      tpu.vector_store %arg8[%swap3A_939, %swap3A_940], %swap3A_943 {strides = array<i32>} : memref<32x1024xf32, #tpu.memory_space<vmem>>, vector<1x16xf32>,
      %get3A_944 = arith.index_cast %scan3A_76 : i32 to index
      %get3A_945 = arith.constant 992 : index
      %get3A_946 = tpu.vector_load %arg8[%get3A_944, %get3A_945] {strides = array<i32>} : memref<32x1024xf32, #tpu.memory_space<vmem>>, vector<1x16xf32>,
      %get3A_947 = vector.shape_cast %get3A_946 : vector<1x16xf32> to vector<16xf32>
      %get3A_948 = arith.index_cast %scan3A_76 : i32 to index
      %get3A_949 = arith.constant 992 : index
      %get3A_950 = tpu.vector_load %arg9[%get3A_948, %get3A_949] {strides = array<i32>} : memref<32x1024xf32, #tpu.memory_space<vmem>>, vector<1x16xf32>,
      %get3A_951 = vector.shape_cast %get3A_950 : vector<1x16xf32> to vector<16xf32>
      %add3A_952 = arith.addf %get3A_947, %get3A_951 : vector<16xf32>
      %swap3A_953 = arith.index_cast %scan3A_76 : i32 to index
      %swap3A_954 = arith.constant 992 : index
      %swap3A_955 = tpu.vector_load %arg8[%swap3A_953, %swap3A_954] {strides = array<i32>} : memref<32x1024xf32, #tpu.memory_space<vmem>>, vector<1x16xf32>,
      %swap3A_956 = vector.shape_cast %swap3A_955 : vector<1x16xf32> to vector<16xf32>
      %swap3A_957 = vector.shape_cast %add3A_952 : vector<16xf32> to vector<1x16xf32>
      tpu.vector_store %arg8[%swap3A_953, %swap3A_954], %swap3A_957 {strides = array<i32>} : memref<32x1024xf32, #tpu.memory_space<vmem>>, vector<1x16xf32>,
      %get3A_958 = arith.index_cast %scan3A_76 : i32 to index
      %get3A_959 = arith.constant 1008 : index
      %get3A_960 = tpu.vector_load %arg8[%get3A_958, %get3A_959] {strides = array<i32>} : memref<32x1024xf32, #tpu.memory_space<vmem>>, vector<1x16xf32>,
      %get3A_961 = vector.shape_cast %get3A_960 : vector<1x16xf32> to vector<16xf32>
      %get3A_962 = arith.index_cast %scan3A_76 : i32 to index
      %get3A_963 = arith.constant 1008 : index
      %get3A_964 = tpu.vector_load %arg9[%get3A_962, %get3A_963] {strides = array<i32>} : memref<32x1024xf32, #tpu.memory_space<vmem>>, vector<1x16xf32>,
      %get3A_965 = vector.shape_cast %get3A_964 : vector<1x16xf32> to vector<16xf32>
      %add3A_966 = arith.addf %get3A_961, %get3A_965 : vector<16xf32>
      %swap3A_967 = arith.index_cast %scan3A_76 : i32 to index
      %swap3A_968 = arith.constant 1008 : index
      %swap3A_969 = tpu.vector_load %arg8[%swap3A_967, %swap3A_968] {strides = array<i32>} : memref<32x1024xf32, #tpu.memory_space<vmem>>, vector<1x16xf32>,
      %swap3A_970 = vector.shape_cast %swap3A_969 : vector<1x16xf32> to vector<16xf32>
      %swap3A_971 = vector.shape_cast %add3A_966 : vector<16xf32> to vector<1x16xf32>
      tpu.vector_store %arg8[%swap3A_967, %swap3A_968], %swap3A_971 {strides = array<i32>} : memref<32x1024xf32, #tpu.memory_space<vmem>>, vector<1x16xf32>,
      %scan3A_972 = arith.constant 0 : i32
      scf.yield %scan3A_972 : i32
    }
    %scan3A_71 = arith.constant 32 : i32
    %mul3A_72 = arith.constant 64 : i32
    %mul3A_73 = arith.muli %add3A, %mul3A_72 : i32
    %add3A_74 = arith.constant 32 : i32
    %add3A_75 = arith.addi %mul3A_73, %add3A_74 : i32
    "tpu.region"() ({
      %run_scoped3A = tpu.sem_alloc : memref<!tpu.dma_semaphore, #tpu.memory_space<semaphore_mem>>
      %dma_start3A_76 = arith.constant 0 : i32
      %dma_start3A_77 = tpu.memref_slice %arg5[%add3A_75, %dma_start3A_76] : memref<2048x1024xf32, #tpu.memory_space<hbm>> -> memref<32x1024xf32, #tpu.memory_space<hbm>>
      %dma_start3A_78 = arith.constant 0 : i32
      %dma_start3A_79 = tpu.memref_slice %arg5[%add3A_75, %dma_start3A_78] : memref<2048x1024xf32, #tpu.memory_space<hbm>> -> memref<32x1024xf32, #tpu.memory_space<hbm>>
      tpu.enqueue_dma source(%arg8 : memref<32x1024xf32, #tpu.memory_space<vmem>>) target(%dma_start3A_79 : memref<32x1024xf32, #tpu.memory_space<hbm>>) target_semaphore(%run_scoped3A : memref<!tpu.dma_semaphore, #tpu.memory_space<semaphore_mem>>)
      %dma_wait3A_80 = arith.constant 0 : i32
      %dma_wait3A_81 = tpu.memref_slice %arg5[%add3A_75, %dma_wait3A_80] : memref<2048x1024xf32, #tpu.memory_space<hbm>> -> memref<32x1024xf32, #tpu.memory_space<hbm>>
      %dma_wait3A_82 = arith.constant 0 : i32
      %dma_wait3A_83 = tpu.memref_slice %arg5[%add3A_75, %dma_wait3A_82] : memref<2048x1024xf32, #tpu.memory_space<hbm>> -> memref<32x1024xf32, #tpu.memory_space<hbm>>
      tpu.wait_dma2 semaphore(%run_scoped3A : memref<!tpu.dma_semaphore, #tpu.memory_space<semaphore_mem>>) src(%arg8 : memref<32x1024xf32, #tpu.memory_space<vmem>>) dst(%dma_wait3A_83 : memref<32x1024xf32, #tpu.memory_space<hbm>>)
      tpu.yield
    }) : () -> ()
    return
  }
}

module attributes {stable_mosaic.version = 14 : i64} {
  func.func @body(%arg0: i32, %arg1: i32, %arg2: memref<16xi32, #tpu.memory_space<smem>>, %arg3: memref<16xi32, #tpu.memory_space<smem>>, %arg4: memref<512x1024xf32, #tpu.memory_space<vmem>>, %arg5: memref<512x1xf32, #tpu.memory_space<vmem>>, %arg6: memref<1x1024x1024xf32, #tpu.memory_space<vmem>>, %arg7: memref<1x1024x1024xf32, #tpu.memory_space<vmem>>, %arg8: memref<512x1024xf32, #tpu.memory_space<vmem>>) attributes {dimension_semantics = [#tpu.dimension_semantics<arbitrary>, #tpu.dimension_semantics<arbitrary>], iteration_bounds = array<i64: 16, 4>, scalar_prefetch = 2 : i64, scratch_operands = 0 : i64, tpu.core_type = #tpu.core_type<tc>, window_params = [{transform_indices = @transform_0, window_bounds = array<i64: 512, 1024>}, {transform_indices = @transform_1, window_bounds = array<i64: 512, 1>}, {transform_indices = @transform_2, window_bounds = array<i64: 1, 1024, 1024>}, {transform_indices = @transform_3, window_bounds = array<i64: 1, 1024, 1024>}, {transform_indices = @transform_4, window_bounds = array<i64: 512, 1024>}]} {
    %get3A = arith.index_cast %arg0 : i32 to index
    %get3A_0 = memref.load %arg3[%get3A] : memref<16xi32, #tpu.memory_space<smem>>
    %eq3A = arith.constant 1 : i32
    %eq3A_1 = arith.cmpi eq, %get3A_0, %eq3A : i32
    %convert_element_type3A = arith.extui %eq3A_1 : i1 to i32
    %cond3A = arith.constant 0 : i32
    %cond3A_2 = arith.cmpi ne, %convert_element_type3A, %cond3A : i32
    scf.if %cond3A_2 {
      %get3A_3 = arith.constant 0 : index
      %get3A_4 = arith.constant 0 : index
      %get3A_5 = vector.load %arg4[%get3A_3, %get3A_4] : memref<512x1024xf32, #tpu.memory_space<vmem>>, vector<512x1024xf32>
      %get3A_6 = arith.constant 0 : index
      %get3A_7 = arith.constant 0 : index
      %get3A_8 = vector.load %arg5[%get3A_6, %get3A_7] : memref<512x1xf32, #tpu.memory_space<vmem>>, vector<512x1xf32>
      %mul3A = vector.broadcast %get3A_8 : vector<512x1xf32> to vector<512x1024xf32>
      %mul3A_9 = arith.mulf %get3A_5, %mul3A : vector<512x1024xf32>
      %convert_element_type3A_10 = arith.truncf %mul3A_9 : vector<512x1024xf32> to vector<512x1024xbf16>
      %get3A_11 = arith.constant 0 : index
      %get3A_12 = arith.constant 0 : index
      %get3A_13 = arith.constant 0 : index
      %get3A_14 = vector.load %arg6[%get3A_11, %get3A_12, %get3A_13] : memref<1x1024x1024xf32, #tpu.memory_space<vmem>>, vector<1x1024x1024xf32>
      %get3A_15 = vector.shape_cast %get3A_14 : vector<1x1024x1024xf32> to vector<1024x1024xf32>
      %convert_element_type3A_16 = arith.truncf %get3A_15 : vector<1024x1024xf32> to vector<1024x1024xbf16>
      %dot_general3A = arith.constant dense<0.000000e+00> : vector<512x1024xf32>
      %dot_general3A_17 = tpu.matmul %convert_element_type3A_10, %convert_element_type3A_16, %dot_general3A {dimension_numbers = #tpu.dot_dimension_numbers<[1], [0], [0], [1], [0, 0, 1, 1], [], []>, transpose_lhs_hint = false} : vector<512x1024xbf16>, vector<1024x1024xbf16>, vector<512x1024xf32> -> vector<512x1024xf32>
      %max3A = arith.constant 0.000000e+00 : f32
      %max3A_18 = vector.broadcast %max3A : f32 to vector<512x1024xf32>
      %max3A_19 = arith.maximumf %dot_general3A_17, %max3A_18 : vector<512x1024xf32>
      %convert_element_type3A_20 = arith.truncf %max3A_19 : vector<512x1024xf32> to vector<512x1024xbf16>
      %get3A_21 = arith.constant 0 : index
      %get3A_22 = arith.constant 0 : index
      %get3A_23 = arith.constant 0 : index
      %get3A_24 = vector.load %arg7[%get3A_21, %get3A_22, %get3A_23] : memref<1x1024x1024xf32, #tpu.memory_space<vmem>>, vector<1x1024x1024xf32>
      %get3A_25 = vector.shape_cast %get3A_24 : vector<1x1024x1024xf32> to vector<1024x1024xf32>
      %convert_element_type3A_26 = arith.truncf %get3A_25 : vector<1024x1024xf32> to vector<1024x1024xbf16>
      %dot_general3A_27 = arith.constant dense<0.000000e+00> : vector<512x1024xf32>
      %dot_general3A_28 = tpu.matmul %convert_element_type3A_20, %convert_element_type3A_26, %dot_general3A_27 {dimension_numbers = #tpu.dot_dimension_numbers<[1], [0], [0], [1], [0, 0, 1, 1], [], []>, transpose_lhs_hint = false} : vector<512x1024xbf16>, vector<1024x1024xbf16>, vector<512x1024xf32> -> vector<512x1024xf32>
      %eq3A_29 = arith.constant 0 : i32
      %eq3A_30 = arith.cmpi eq, %arg1, %eq3A_29 : i32
      %convert_element_type3A_31 = arith.extui %eq3A_30 : i1 to i32
      %cond3A_32 = arith.constant 0 : i32
      %cond3A_33 = arith.cmpi ne, %convert_element_type3A_31, %cond3A_32 : i32
      scf.if %cond3A_33 {
        %swap3A = arith.constant 0 : index
        %swap3A_38 = arith.constant 0 : index
        %swap3A_39 = vector.load %arg8[%swap3A, %swap3A_38] : memref<512x1024xf32, #tpu.memory_space<vmem>>, vector<512x1024xf32>
        tpu.vector_store %arg8[%swap3A, %swap3A_38], %dot_general3A_28 {strides = array<i32>} : memref<512x1024xf32, #tpu.memory_space<vmem>>, vector<512x1024xf32>,
      } else {
      }
      %ne3A = arith.constant 0 : i32
      %ne3A_34 = arith.cmpi ne, %arg1, %ne3A : i32
      %convert_element_type3A_35 = arith.extui %ne3A_34 : i1 to i32
      %cond3A_36 = arith.constant 0 : i32
      %cond3A_37 = arith.cmpi ne, %convert_element_type3A_35, %cond3A_36 : i32
      scf.if %cond3A_37 {
        %get3A_38 = arith.constant 0 : index
        %get3A_39 = arith.constant 0 : index
        %get3A_40 = vector.load %arg8[%get3A_38, %get3A_39] : memref<512x1024xf32, #tpu.memory_space<vmem>>, vector<512x1024xf32>
        %add3A = arith.addf %get3A_40, %dot_general3A_28 : vector<512x1024xf32>
        %swap3A = arith.constant 0 : index
        %swap3A_41 = arith.constant 0 : index
        %swap3A_42 = vector.load %arg8[%swap3A, %swap3A_41] : memref<512x1024xf32, #tpu.memory_space<vmem>>, vector<512x1024xf32>
        tpu.vector_store %arg8[%swap3A, %swap3A_41], %add3A {strides = array<i32>} : memref<512x1024xf32, #tpu.memory_space<vmem>>, vector<512x1024xf32>,
      } else {
      }
    } else {
    }
    return
  }
  func.func @transform_0(%arg0: i32, %arg1: i32, %arg2: memref<16xi32, #tpu.memory_space<smem>>, %arg3: memref<16xi32, #tpu.memory_space<smem>>) -> (i32, i32) {
    %c0_i32 = arith.constant 0 : i32
    %c0_i32_0 = arith.constant 0 : i32
    return %arg0, %c0_i32 : i32, i32
  }
  func.func @transform_1(%arg0: i32, %arg1: i32, %arg2: memref<16xi32, #tpu.memory_space<smem>>, %arg3: memref<16xi32, #tpu.memory_space<smem>>) -> (i32, i32) {
    %c0_i32 = arith.constant 0 : i32
    %c0_i32_0 = arith.constant 0 : i32
    return %arg0, %c0_i32 : i32, i32
  }
  func.func @transform_2(%arg0: i32, %arg1: i32, %arg2: memref<16xi32, #tpu.memory_space<smem>>, %arg3: memref<16xi32, #tpu.memory_space<smem>>) -> (i32, i32, i32) {
    %get3A = arith.index_cast %arg0 : i32 to index
    %get3A_0 = memref.load %arg2[%get3A] : memref<16xi32, #tpu.memory_space<smem>>
    %jit3A = arith.constant 2 : i32
    %eq3A = arith.constant 0 : i32
    %eq3A_1 = arith.cmpi eq, %jit3A, %eq3A : i32
    %jit3A_2 = arith.constant 1 : i32
    %select_n3A = arith.select %eq3A_1, %jit3A_2, %jit3A : i32
    %rem3A = arith.remsi %arg0, %select_n3A : i32
    %ne3A = arith.constant 0 : i32
    %ne3A_3 = arith.cmpi ne, %rem3A, %ne3A : i32
    %lt3A = arith.constant 0 : i32
    %lt3A_4 = arith.cmpi slt, %rem3A, %lt3A : i32
    %lt3A_5 = arith.constant 0 : i32
    %lt3A_6 = arith.cmpi slt, %select_n3A, %lt3A_5 : i32
    %ne3A_7 = arith.xori %lt3A_4, %lt3A_6 : i1
    %and3A = arith.andi %ne3A_7, %ne3A_3 : i1
    %add3A = arith.addi %rem3A, %select_n3A : i32
    %select_n3A_8 = arith.select %and3A, %add3A, %rem3A : i32
    %eq3A_9 = arith.constant 0 : i32
    %eq3A_10 = arith.cmpi eq, %select_n3A_8, %eq3A_9 : i32
    %sub3A = arith.constant 3 : i32
    %sub3A_11 = arith.subi %sub3A, %arg1 : i32
    %select_n3A_12 = arith.select %eq3A_10, %arg1, %sub3A_11 : i32
    %c0_i32 = arith.constant 0 : i32
    %c0_i32_13 = arith.constant 0 : i32
    return %get3A_0, %c0_i32, %select_n3A_12 : i32, i32, i32
  }
  func.func @transform_3(%arg0: i32, %arg1: i32, %arg2: memref<16xi32, #tpu.memory_space<smem>>, %arg3: memref<16xi32, #tpu.memory_space<smem>>) -> (i32, i32, i32) {
    %get3A = arith.index_cast %arg0 : i32 to index
    %get3A_0 = memref.load %arg2[%get3A] : memref<16xi32, #tpu.memory_space<smem>>
    %jit3A = arith.constant 2 : i32
    %eq3A = arith.constant 0 : i32
    %eq3A_1 = arith.cmpi eq, %jit3A, %eq3A : i32
    %jit3A_2 = arith.constant 1 : i32
    %select_n3A = arith.select %eq3A_1, %jit3A_2, %jit3A : i32
    %rem3A = arith.remsi %arg0, %select_n3A : i32
    %ne3A = arith.constant 0 : i32
    %ne3A_3 = arith.cmpi ne, %rem3A, %ne3A : i32
    %lt3A = arith.constant 0 : i32
    %lt3A_4 = arith.cmpi slt, %rem3A, %lt3A : i32
    %lt3A_5 = arith.constant 0 : i32
    %lt3A_6 = arith.cmpi slt, %select_n3A, %lt3A_5 : i32
    %ne3A_7 = arith.xori %lt3A_4, %lt3A_6 : i1
    %and3A = arith.andi %ne3A_7, %ne3A_3 : i1
    %add3A = arith.addi %rem3A, %select_n3A : i32
    %select_n3A_8 = arith.select %and3A, %add3A, %rem3A : i32
    %eq3A_9 = arith.constant 0 : i32
    %eq3A_10 = arith.cmpi eq, %select_n3A_8, %eq3A_9 : i32
    %sub3A = arith.constant 3 : i32
    %sub3A_11 = arith.subi %sub3A, %arg1 : i32
    %select_n3A_12 = arith.select %eq3A_10, %arg1, %sub3A_11 : i32
    %c0_i32 = arith.constant 0 : i32
    %c0_i32_13 = arith.constant 0 : i32
    return %get3A_0, %select_n3A_12, %c0_i32 : i32, i32, i32
  }
  func.func @transform_4(%arg0: i32, %arg1: i32, %arg2: memref<16xi32, #tpu.memory_space<smem>>, %arg3: memref<16xi32, #tpu.memory_space<smem>>) -> (i32, i32) {
    %c0_i32 = arith.constant 0 : i32
    %c0_i32_0 = arith.constant 0 : i32
    return %arg0, %c0_i32 : i32, i32
  }
}

</mosaic_0001>

<sc_bundles>
// kernel: kernel.5.cloned.1.call-start
scs
__scs_entry_jumppad:
0x0: {  	(pc) =	sbr.rel $0x88, $3  }
0x1: {  	(tag) =	ssettag $0x0;
	lr =	simm.s32 $0x1  }
0x2: {  	[smem:$0x3F9C] =	sst lr;
	_ =	strace $0xD0000000  }
0x3: {  	_ = 	snop  }
0x4: {  	_ = 	snop  }
0x5: {  	_ = 	snop  }
0x6: {  	_ = 	snop  }
0x7: {  	_ = 	snop  }
__scs_overlays_trampoline_lowered:
0x8: {  	[smem:$0x3FAB] =	sst s0  }
0x9: {  	[smem:$0x3FAC] =	sst s1  }
0xa: {  	[smem:$0x3FAD] =	sst s2  }
0xb: {  	[smem:$0x3FAE] =	sst s3  }
0xc: {  	[smem:$0x3FAF] =	sst s4  }
0xd: {  	[smem:$0x3FB0] =	sst s5  }
0xe: {  	[smem:$0x3FB1] =	sst s6  }
0xf: {  	[smem:$0x3FB2] =	sst s7  }
0x10: {  	[smem:$0x3FB3] =	sst s8  }
0x11: {  	[smem:$0x3FB4] =	sst s9;
	s0 =	simm.s32 @!p0 $0x0  }
0x12: {  	s1 =	sld [smem:$0x3F9A];
	s0 =	simm.s32 @p0 $0x1  }
0x13: {  	[smem:$0x3FB5] =	sst s0;
	s0 =	simm.s32 @!p1 $0x0  }
0x14: {  	s2 =	sld [smem:$0x3F99];
	s0 =	simm.s32 @p1 $0x1  }
0x15: {  	[smem:$0x3FB6] =	sst s0;
	s0 =	simm.s32 @!p2 $0x0  }
0x16: {  	s3 =	sld [smem:$0x3FDB];
	s0 =	simm.s32 @p2 $0x1  }
0x17: {  	s4 =	simm.s32 $0x1BF5;
	[smem:$0x3FB8] =	sst s0  }
0x18: {  	s0 =	sld [smem:$0x3F9B];
	_ =	swait.ge [sflag:s4], $0x0  }
0x19: {  	s7 =	sld [smem:$0x3F9C]  }
0x1a: {  	s8 =	sadd.s32 $0xFFFFE003, lr  }
0x1b: {  	s9 =	sadd.s32 $0xFFFFFEF7, lr;
	s5 =	simm.s32 $0xFFFFFFFF;
	p2 =	slt.u32 s8, $0xFFFFF086  }
0x1c: {  	p1 =	slt.u32 s9, $0xF7A;
	s5 =	simm.s32 @!p2 $0x0  }
0x1d: {  	s5 =	simm.s32 @p1 $0x1;
	p0 =	seq.s32 s7, s2  }
0x1e: {  	s7 =	smul.u32 @!p0 $0xF7A, s2;
	p2 =	seq.s32 @!p0 s5, $0x0  }
0x1f: {  	s9 =	smul.u32 $0xF7A, s1;
	s8 =	simm.s32 @!p0 $0x1BF5;
	p2 =	por !p2, p0  }
0x20: {  	[sflag:s8] =	ssyncset.s32 @!p0 $0xFFFFF086;
	s6 =	sadd.s32 @!p0 s3, s7;
	s7 =	simm.s32 @!p0 $0x108  }
0x21: {  	s3 =	sadd.s32 s3, s9;
	s6 =	sadd.s32 @!p0 $0x88, s6;
	s7 =	simm.s32 @p2 $0x1082  }
0x22: {  	[simem:s7], [sflag:s8] =	dma.local @!p0 [hbm:s6], $0xF7A  }
0x23: {  	s9 =	sor.u32 $0xD0000000, s2;
	s6 =	simm.s32 $0x108;
	_ =	swait.ge @!p0 [sflag:s8], $0x0  }
0x24: {  	s3 =	sadd.s32 $0x88, s3;
	s6 =	simm.s32 @!p1 $0x1082;
	[sflag:s4] =	ssyncset.s32 $0xFFFFF086  }
0x25: {  	[simem:s6], [sflag:s4] =	dma.local [hbm:s3], $0xF7A  }
0x26: {  	[smem:$0x3F9C] =	sst s1;
	(tag) =	ssettag s2;
	_ =	strace s9  }
0x27: {  	s1 =	sld [smem:$0x3FAC]  }
0x28: {  	s2 =	sld [smem:$0x3FAD]  }
0x29: {  	s4 =	sld [smem:$0x3FAF]  }
0x2a: {  	p0 =	seq.s32 s5, $0x0;
	s5 =	sld [smem:$0x3FB0]  }
0x2b: {  	s6 =	sld [smem:$0x3FB1]  }
0x2c: {  	s7 =	sld [smem:$0x3FB2]  }
0x2d: {  	s3 =	simm.s32 $0x108;
	s8 =	sld [smem:$0x3FB3]  }
0x2e: {  	s3 =	simm.s32 @!p0 $0x1082;
	s9 =	sld [smem:$0x3FB4]  }
0x2f: {  	lr =	sadd.s32 s0, s3;
	s0 =	sld [smem:$0x3FAB]  }
0x30: {  	s3 =	sld [smem:$0x3FAE]  }
0x31: {  	[smem:$0x3FB7] =	sst s10  }
0x32: {  	s10 =	sld [smem:$0x3FB5];
	_ =	sdelay $0x3  }
0x33: {  	p0 =	seq.s32 s10, $0x1;
	s10 =	sld [smem:$0x3FB7];
	_ =	sdelay $0x3  }
0x34: {  	[smem:$0x3FB7] =	sst s10  }
0x35: {  	s10 =	sld [smem:$0x3FB6];
	_ =	sdelay $0x3  }
0x36: {  	p1 =	seq.s32 s10, $0x1;
	s10 =	sld [smem:$0x3FB7];
	_ =	sdelay $0x3  }
0x37: {  	[smem:$0x3FB7] =	sst s10  }
0x38: {  	s10 =	sld [smem:$0x3FB8]  }
0x39: {  	_ = 	snop;
	(pc) =	sbr.ind lr, $3  }
0x3a: {  	_ = 	snop  }
0x3b: {  	_ = 	snop  }
0x3c: {  	p2 =	seq.s32 s10, $0x1;
	s10 =	sld [smem:$0x3FB7]  }
0x3d: {  	_ =	shalt  }
0x3e: {  	_ =	shalt  }
0x3f: {  	_ =	shalt  }
0x40: {  	_ =	shalt  }
0x41: {  	_ =	shalt  }
0x42: {  	_ =	shalt  }
0x43: {  	_ =	shalt  }
0x44: {  	_ =	shalt  }
0x45: {  	_ =	shalt  }
0x46: {  	_ =	shalt  }
0x47: {  	_ =	shalt  }
0x48: {  	_ =	shalt  }
0x49: {  	_ =	shalt  }
0x4a: {  	_ =	shalt  }
0x4b: {  	_ =	shalt  }
0x4c: {  	_ =	shalt  }
0x4d: {  	_ =	shalt  }
0x4e: {  	_ =	shalt  }
0x4f: {  	_ =	shalt  }
0x50: {  	_ =	shalt  }
0x51: {  	_ =	shalt  }
0x52: {  	_ =	shalt  }
0x53: {  	_ =	shalt  }
0x54: {  	_ =	shalt  }
0x55: {  	_ =	shalt  }
0x56: {  	_ =	shalt  }
0x57: {  	_ =	shalt  }
0x58: {  	_ =	shalt  }
0x59: {  	_ =	shalt  }
0x5a: {  	_ =	shalt  }
0x5b: {  	_ =	shalt  }
0x5c: {  	_ =	shalt  }
0x5d: {  	_ =	shalt  }
0x5e: {  	_ =	shalt  }
0x5f: {  	_ =	shalt  }
0x60: {  	_ =	shalt  }
0x61: {  	_ =	shalt  }
0x62: {  	_ =	shalt  }
0x63: {  	_ =	shalt  }
0x64: {  	_ =	shalt  }
0x65: {  	_ =	shalt  }
0x66: {  	_ =	shalt  }
0x67: {  	_ =	shalt  }
0x68: {  	_ =	shalt  }
0x69: {  	_ =	shalt  }
0x6a: {  	_ =	shalt  }
0x6b: {  	_ =	shalt  }
0x6c: {  	_ =	shalt  }
0x6d: {  	_ =	shalt  }
0x6e: {  	_ =	shalt  }
0x6f: {  	_ =	shalt  }
0x70: {  	_ =	shalt  }
0x71: {  	_ =	shalt  }
0x72: {  	_ =	shalt  }
0x73: {  	_ =	shalt  }
0x74: {  	_ =	shalt  }
0x75: {  	_ =	shalt  }
0x76: {  	_ =	shalt  }
0x77: {  	_ =	shalt  }
0x78: {  	_ =	shalt  }
0x79: {  	_ =	shalt  }
0x7a: {  	_ =	shalt  }
0x7b: {  	_ =	shalt  }
0x7c: {  	_ =	shalt  }
0x7d: {  	_ =	shalt  }
0x7e: {  	_ =	shalt  }
0x7f: {  	_ =	shalt  }
0x80: {  	_ =	shalt  }
0x81: {  	_ =	shalt  }
0x82: {  	_ =	shalt  }
0x83: {  	_ =	shalt  }
0x84: {  	_ =	shalt  }
0x85: {  	_ =	shalt  }
0x86: {  	_ =	shalt  }
0x87: {  	_ =	shalt  }
.Lfunc_end0:
.L_simem_size_0:
called_computation_lowered:
.L_overlay_start_0:
0x88: {  	s2 =	sld [smem:$0x3FD9]  }
0x89: {  	s3 =	sld [smem:$0x3FFE];
	_ =	sdelay $0x1  }
0x8a: {  	s1 =	srdreg.scid  }
0x8b: {  	s0 =	sand.u32 $0x1, s1  }
0x8c: {  	s14 =	sshll.u32 s0, $0xA;
	s2 =	sadd.s32 s3, s2  }
0x8d: {  	s2 =	sadd.s32 s2, s14  }
0x8e: {  	[smem:$0x3FC3] =	sst s2  }
0x8f: {  	_ = 	snop  }
0x90: {  	s2 =	sld [smem:$0x3FD0];
	_ =	sdelay $0x2  }
0x91: {  	s4 =	simm.s32 $0xA;
	s5 =	simm.s32 $0x10;
	s15 =	sld [smem:$0x3FC9]  }
0x92: {  	[smem:s5], [sflag:s4] =	dma.local [hbm:s2], $0x1  }
0x93: {  	_ =	swait.eq [sflag:s4], $0x1  }
0x94: {  	[sflag:s4] =	ssyncset.done $0x0  }
0x95: {  	[sflag:s4] =	ssyncadd.s32 $0xFFFFFFFF  }
0x96: {  	s16 =	sld [smem:$0x10];
	(tm) =	ssettm $0x1  }
0x97: {  	s17 =	sld [smem:$0x3FFB];
	_ =	sdelay $0x3  }
0x98: {  	_ =	strace s17  }
0x99: {  	s4 =	sld [smem:$0x3FFC];
	_ =	sdelay $0x3  }
0x9a: {  	_ =	strace s4  }
0x9b: {  	s4 =	sld [smem:$0x3FFD];
	_ =	sdelay $0x3  }
0x9c: {  	_ =	strace s4  }
0x9d: {  	_ =	strace $0x8FFFFFFF  }
0x9e: {  	s18 =	sld [smem:$0x3FDB];
	_ =	sdelay $0x1  }
0x9f: {  	s19 =	simm.s32 $_scs_section_size  }
0xa0: {  	s6 =	simm.s32 $_size__tile_overlayer_lowered;
	s7 =	simm.s32 $_tile_overlayer_lowered  }
0xa1: {  	s22 =	simm.s32 $0x1BFF;
	s21 =	sshll.u32 s7, $0x1;
	s4 =	sadd.s32 s19, s18  }
0xa2: {  	s8 =	simm.s32 $0x0;
	s20 =	sshll.u32 s6, $0x1;
	s6 =	sadd.s32 s21, s4  }
0xa3: {  	[timem:s8], [sflag:s22] =	dma.local [hbm:s6], s20  }
0xa4: {  	_ =	swait.ge [sflag:s22], s20  }
0xa5: {  	s5 =	ssub.s32 $0x0, s20;
	[sflag:s22] =	ssyncset.done $0x0  }
0xa6: {  	[sflag:s22] =	ssyncadd.s32 s5;
	_ =	sdelay $0x1  }
0xa7: {  	s23 =	simm.s32 $0x1B8B  }
0xa8: {  	_ =	swait.ge [sflag:s23], $0x1  }
0xa9: {  	[sflag:s23] =	ssyncset.done $0x0  }
0xaa: {  	s25 =	simm.s32 $0x1B8E;
	s24 =	sld [smem:$0x3FFE];
	[sflag:s23] =	ssyncadd.s32 $0xFFFFFFFF  }
0xab: {  	s26 =	simm.s32 $execute0_lowered;
	[smem:$0x3FD2] =	sst s25  }
0xac: {  	s6 =	sshll.u32 s26, $0x1;
	_ =	strace $0x80000046;
	[dreg:$0x1] =	wrdreg $0xFFFFFFFF  }
0xad: {  	s28 =	simm.s32 $_size_execute0_lowered;
	s4 =	sadd.s32 s4, s6;
	[dreg:$0x0] =	wrdreg $0x0  }
0xae: {  	s6 =	sshll.u32 s28, $0x1;
	[dreg:$0x2] =	wrdreg s4  }
0xaf: {  	[dreg:$0x3] =	wrdreg s6  }
0xb0: {  	[dreg:$0x4] =	wrdreg $0xC0  }
0xb1: {  	_ =	task [dreg:s8], $0x5FFFF  }
0xb2: {  	[dreg:$0x1] =	wrdreg $0xFFFFFFFF  }
0xb3: {  	[dreg:$0x0] =	wrdreg $0x60  }
0xb4: {  	[dreg:$0x2] =	wrdreg s16  }
0xb5: {  	[dreg:$0x3] =	wrdreg s15  }
0xb6: {  	[dreg:$0x4] =	wrdreg s24  }
0xb7: {  	[dreg:$0x5] =	wrdreg $0x9  }
0xb8: {  	_ =	task.clear_ibuf [dreg:s8], $0x6FFFF;
	_ =	strace $0x90000046  }
0xb9: {  	s29 =	simm.s32 $0x9;
	_ =	strace $0x80000048  }
0xba: {  	_ =	swait.ge [sflag:s29], $0x1  }
0xbb: {  	[sflag:s29] =	ssyncadd.s32 $0xFFFFFFFF  }
0xbc: {  	_ =	strace $0x90000048  }
0xbd: {  	_ =	sfence  }
0xbe: {  	s30 =	sld [smem:$0x0];
	_ =	sdelay $0x2  }
0xbf: {  	s31 =	sshll.u32 s1, $0xD;
	s1 =	sshrl.u32 s1, $0x2  }
0xc0: {  	s3 =	sand.u32 $0x4000, s31;
	s1 =	sadd.s32 s1, s30  }
0xc1: {  	s0 =	sor.u32 s3, s0;
	s1 =	sshll.u32 s1, $0x11  }
0xc2: {  	s0 =	sor.u32 s1, s0  }
0xc3: {  	s0 =	sadd.s32 $0x8F2B, s0  }
0xc4: {  	[sflag:s0] =	ssyncadd.remote.s32 $0x1  }
0xc5: {  	_ =	sfence.sel $0xFFFF  }
0xc6: {  	[dreg:$0x0] =	wrdreg $0xFFFFFFFF;
	(pc) =	sbr.abs _section_cstart, $3  }
0xc7: {  	[dreg:$0x1] =	wrdreg $0xFFFFFFFF  }
0xc8: {  	_ =	task.clear_ibuf [dreg:s8], $0x2FFFF;
	_ =	strace $0x9FFFFFFF  }
0xc9: {  	(tm) =	ssettm $0x7FFFFFFF  }
tec
execute0_lowered:
.L_overlay_start_1:
0x0: {  	(tag) =	ssettag $0x1  }
0x1: {  	s0 =	rddreg [dreg:$0x0]  }
0x2: {  	s1 =	rddreg [dreg:$0x1]  }
0x3: {  	s2 =	rddreg [dreg:$0x2]  }
0x4: {  	s3 =	simm.s32 $0x0;
	s4 =	srdreg.scid;
	s5 =	stileid.u32  }
0x5: {  	s9 =	simm.s32 $0x2;
	s4 =	sand.u32 $0x1, s4;
	s5 =	sshll.u32 s5, $0x1  }
0x6: {  	s24 =	simm.s32 $0x200;
	s6 =	ssub.s32 $0x2, s4;
	s4 =	sor.u32 s4, s5  }
0x7: {  	s19 =	simm.s32 $0x1;
	[smem:$0x7FF] =	sst s3;
	s7 =	sshll.u32 s4, $0x6  }
0x8: {  	_ =	strace $0x80000047;
	s4 =	sshll.u32 s4, $0xF;
	s0 =	sadd.s32 s0, s7  }
0x9: {  	s5 =	sadd.s32 $0x100, s1;
	s2 =	sadd.s32 s2, s4;
	[dreg:$0x4] =	wrdreg s0  }
0xa: {  	s28 =	sshrl.u32 s6, $0x1;
	s29 =	sadd.s32 $0x2000, s2;
	[dreg:$0x8] =	wrdreg s2  }
0xb: {  	v2 =	vlaneseq.u32;
	s8 =	ssub.s32 s6, s28;
	s30 =	sadd.s32 $0x4000, s2;
	[dreg:$0x5] =	wrdreg s29  }
0xc: {  	vm0 =	vmmov $0xffff;
	v1 =	vshrl.u32 v2, $0x3;
	s6 =	sadd.s32 $0x200, s1;
	s31 =	sadd.s32 $0x6000, s2;
	[dreg:$0x6] =	wrdreg s30  }
0xd: {  	v0 =	vand.u32 $0x7, v2;
	v2 =	vor.u32 $0x8, v2;
	v1 =	vmul.u32 $0x8, v1;
	s7 =	sadd.s32 $0x300, s1;
	s8 =	smax.u32 s8, $0x1;
	[dreg:$0x7] =	wrdreg s31  }
.LBB2_1:
0xe: {  	s20 =	rddreg [dreg:$0x4]  }
0xf: {  	[tilespmem:s3], [sflag:$0x2] =	stream.linear.gather [hbm4b:s20+s3], $0x200, $0x38;
	[tilespmem:$0x10200] =	vst v63  }
0x10: {  	_ =	swait.ge [sflag:s9], $0x200  }
0x11: {  	[sflag:s9] =	ssyncset.done $0x0  }
0x12: {  	[sflag:s9] =	ssyncadd.s32 $0xFFFFFE00  }
0x13: {  	v3 =	vld [tilespmem:$0x0];
	_ =	sdelay $0x4  }
0x14: {  	v4 =	vshll.u32 v3, $0x3  }
0x15: {  	v3 =	vand.u32 $0x7, v3;
	v4 =	vand.u32 $0xFFFFFFC0, v4  }
0x16: {  	v3 =	vor.u32 v3, v4  }
0x17: {  	v4 =	vperm.xlane v3, v0;
	_ =	sdelay $0x1  }
0x18: {  	v4 =	vadd.s32 v1, v4;
	_ =	sdelay $0x4  }
0x19: {  	[tilespmem:s24], [sflag:$0x1] =	stream.indirect_vreg.gather [hbm4b:s1+s3], $0x80, v4, vm0, $0xb8;
	[tilespmem:$0x10200] =	vst v63  }
0x1a: {  	s0 =	simm.s32 $0xA00;
	v3 =	vperm.xlane v3, v2  }
0x1b: {  	[tilespmem:s0], [sflag:$0x1] =	stream.indirect_vreg.gather [hbm4b:s5+s3], $0x80, v4, vm0, $0xb8;
	[tilespmem:$0x10200] =	vst v63  }
0x1c: {  	s4 =	simm.s32 $0x1200;
	v3 =	vadd.s32 v1, v3  }
0x1d: {  	[tilespmem:s4], [sflag:$0x1] =	stream.indirect_vreg.gather [hbm4b:s6+s3], $0x80, v4, vm0, $0xb8;
	[tilespmem:$0x10200] =	vst v63  }
0x1e: {  	s10 =	simm.s32 $0x1A00  }
0x1f: {  	[tilespmem:s10], [sflag:$0x1] =	stream.indirect_vreg.gather [hbm4b:s7+s3], $0x80, v4, vm0, $0xb8;
	[tilespmem:$0x10200] =	vst v63  }
0x20: {  	s11 =	simm.s32 $0x2200  }
0x21: {  	[tilespmem:s11], [sflag:$0x1] =	stream.indirect_vreg.gather [hbm4b:s1+s3], $0x80, v3, vm0, $0xb8;
	[tilespmem:$0x10200] =	vst v63  }
0x22: {  	s12 =	simm.s32 $0x2A00  }
0x23: {  	[tilespmem:s12], [sflag:$0x1] =	stream.indirect_vreg.gather [hbm4b:s5+s3], $0x80, v3, vm0, $0xb8;
	[tilespmem:$0x10200] =	vst v63  }
0x24: {  	s13 =	simm.s32 $0x3200  }
0x25: {  	[tilespmem:s13], [sflag:$0x1] =	stream.indirect_vreg.gather [hbm4b:s6+s3], $0x80, v3, vm0, $0xb8;
	[tilespmem:$0x10200] =	vst v63  }
0x26: {  	s15 =	simm.s32 $0x3A00  }
0x27: {  	[tilespmem:s15], [sflag:$0x1] =	stream.indirect_vreg.gather [hbm4b:s7+s3], $0x80, v3, vm0, $0xb8;
	[tilespmem:$0x10200] =	vst v63  }
0x28: {  	v3 =	vld [tilespmem:$0x10];
	_ =	sdelay $0x4  }
0x29: {  	v49 =	vshll.u32 v3, $0x3  }
0x2a: {  	v3 =	vand.u32 $0x7, v3;
	v4 =	vand.u32 $0xFFFFFFC0, v49  }
0x2b: {  	v3 =	vor.u32 v3, v4  }
0x2c: {  	v4 =	vperm.xlane v3, v0;
	_ =	sdelay $0x1  }
0x2d: {  	v4 =	vadd.s32 v1, v4;
	_ =	sdelay $0x3  }
0x2e: {  	s16 =	simm.s32 $0x4200  }
0x2f: {  	[tilespmem:s16], [sflag:$0x1] =	stream.indirect_vreg.gather [hbm4b:s1+s3], $0x80, v4, vm0, $0xb8;
	[tilespmem:$0x10200] =	vst v63  }
0x30: {  	s17 =	simm.s32 $0x4A00;
	v3 =	vperm.xlane v3, v2  }
0x31: {  	[tilespmem:s17], [sflag:$0x1] =	stream.indirect_vreg.gather [hbm4b:s5+s3], $0x80, v4, vm0, $0xb8;
	[tilespmem:$0x10200] =	vst v63  }
0x32: {  	s18 =	simm.s32 $0x5200;
	v3 =	vadd.s32 v1, v3  }
0x33: {  	[tilespmem:s18], [sflag:$0x1] =	stream.indirect_vreg.gather [hbm4b:s6+s3], $0x80, v4, vm0, $0xb8;
	[tilespmem:$0x10200] =	vst v63  }
0x34: {  	s20 =	simm.s32 $0x5A00  }
0x35: {  	[tilespmem:s20], [sflag:$0x1] =	stream.indirect_vreg.gather [hbm4b:s7+s3], $0x80, v4, vm0, $0xb8;
	[tilespmem:$0x10200] =	vst v63  }
0x36: {  	s21 =	simm.s32 $0x6200  }
0x37: {  	[tilespmem:s21], [sflag:$0x1] =	stream.indirect_vreg.gather [hbm4b:s1+s3], $0x80, v3, vm0, $0xb8;
	[tilespmem:$0x10200] =	vst v63  }
0x38: {  	s22 =	simm.s32 $0x6A00  }
0x39: {  	[tilespmem:s22], [sflag:$0x1] =	stream.indirect_vreg.gather [hbm4b:s5+s3], $0x80, v3, vm0, $0xb8;
	[tilespmem:$0x10200] =	vst v63  }
0x3a: {  	s23 =	simm.s32 $0x7200  }
0x3b: {  	[tilespmem:s23], [sflag:$0x1] =	stream.indirect_vreg.gather [hbm4b:s6+s3], $0x80, v3, vm0, $0xb8;
	[tilespmem:$0x10200] =	vst v63  }
0x3c: {  	s25 =	simm.s32 $0x7A00  }
0x3d: {  	[tilespmem:s25], [sflag:$0x1] =	stream.indirect_vreg.gather [hbm4b:s7+s3], $0x80, v3, vm0, $0xb8;
	[tilespmem:$0x10200] =	vst v63  }
0x3e: {  	v3 =	vld [tilespmem:$0x20];
	_ =	sdelay $0x4  }
0x3f: {  	v50 =	vshll.u32 v3, $0x3  }
0x40: {  	v3 =	vand.u32 $0x7, v3;
	v4 =	vand.u32 $0xFFFFFFC0, v50  }
0x41: {  	v3 =	vor.u32 v3, v4  }
0x42: {  	v4 =	vperm.xlane v3, v0;
	_ =	sdelay $0x1  }
0x43: {  	v4 =	vadd.s32 v1, v4;
	_ =	sdelay $0x3  }
0x44: {  	s26 =	simm.s32 $0x8200  }
0x45: {  	[tilespmem:s26], [sflag:$0x1] =	stream.indirect_vreg.gather [hbm4b:s1+s3], $0x80, v4, vm0, $0xb8;
	[tilespmem:$0x10200] =	vst v63  }
0x46: {  	s28 =	simm.s32 $0x8A00;
	v3 =	vperm.xlane v3, v2  }
0x47: {  	[tilespmem:s28], [sflag:$0x1] =	stream.indirect_vreg.gather [hbm4b:s5+s3], $0x80, v4, vm0, $0xb8;
	[tilespmem:$0x10200] =	vst v63  }
0x48: {  	s29 =	simm.s32 $0x9200;
	v3 =	vadd.s32 v1, v3  }
0x49: {  	[tilespmem:s29], [sflag:$0x1] =	stream.indirect_vreg.gather [hbm4b:s6+s3], $0x80, v4, vm0, $0xb8;
	[tilespmem:$0x10200] =	vst v63  }
0x4a: {  	s30 =	simm.s32 $0x9A00  }
0x4b: {  	[tilespmem:s30], [sflag:$0x1] =	stream.indirect_vreg.gather [hbm4b:s7+s3], $0x80, v4, vm0, $0xb8;
	[tilespmem:$0x10200] =	vst v63  }
0x4c: {  	s31 =	simm.s32 $0xA200  }
0x4d: {  	[tilespmem:s31], [sflag:$0x1] =	stream.indirect_vreg.gather [hbm4b:s1+s3], $0x80, v3, vm0, $0xb8;
	[tilespmem:$0x10200] =	vst v63  }
0x4e: {  	s16 =	simm.s32 $0xAA00  }
0x4f: {  	[tilespmem:s16], [sflag:$0x1] =	stream.indirect_vreg.gather [hbm4b:s5+s3], $0x80, v3, vm0, $0xb8;
	[tilespmem:$0x10200] =	vst v63  }
0x50: {  	s18 =	simm.s32 $0xB200  }
0x51: {  	[tilespmem:s18], [sflag:$0x1] =	stream.indirect_vreg.gather [hbm4b:s6+s3], $0x80, v3, vm0, $0xb8;
	[tilespmem:$0x10200] =	vst v63  }
0x52: {  	s21 =	simm.s32 $0xBA00  }
0x53: {  	[tilespmem:s21], [sflag:$0x1] =	stream.indirect_vreg.gather [hbm4b:s7+s3], $0x80, v3, vm0, $0xb8;
	[tilespmem:$0x10200] =	vst v63  }
0x54: {  	v3 =	vld [tilespmem:$0x30];
	_ =	sdelay $0x4  }
0x55: {  	v51 =	vshll.u32 v3, $0x3  }
0x56: {  	v3 =	vand.u32 $0x7, v3;
	v4 =	vand.u32 $0xFFFFFFC0, v51  }
0x57: {  	v3 =	vor.u32 v3, v4  }
0x58: {  	v4 =	vperm.xlane v3, v0;
	_ =	sdelay $0x1  }
0x59: {  	v4 =	vadd.s32 v1, v4;
	_ =	sdelay $0x3  }
0x5a: {  	s22 =	simm.s32 $0xC200  }
0x5b: {  	[tilespmem:s22], [sflag:$0x1] =	stream.indirect_vreg.gather [hbm4b:s1+s3], $0x80, v4, vm0, $0xb8;
	[tilespmem:$0x10200] =	vst v63  }
0x5c: {  	s23 =	simm.s32 $0xCA00;
	v3 =	vperm.xlane v3, v2  }
0x5d: {  	[tilespmem:s23], [sflag:$0x1] =	stream.indirect_vreg.gather [hbm4b:s5+s3], $0x80, v4, vm0, $0xb8;
	[tilespmem:$0x10200] =	vst v63  }
0x5e: {  	s25 =	simm.s32 $0xD200;
	v3 =	vadd.s32 v1, v3  }
0x5f: {  	[tilespmem:s25], [sflag:$0x1] =	stream.indirect_vreg.gather [hbm4b:s6+s3], $0x80, v4, vm0, $0xb8;
	[tilespmem:$0x10200] =	vst v63  }
0x60: {  	s26 =	simm.s32 $0xDA00  }
0x61: {  	[tilespmem:s26], [sflag:$0x1] =	stream.indirect_vreg.gather [hbm4b:s7+s3], $0x80, v4, vm0, $0xb8;
	[tilespmem:$0x10200] =	vst v63  }
0x62: {  	s28 =	simm.s32 $0xE200  }
0x63: {  	[tilespmem:s28], [sflag:$0x1] =	stream.indirect_vreg.gather [hbm4b:s1+s3], $0x80, v3, vm0, $0xb8;
	[tilespmem:$0x10200] =	vst v63  }
0x64: {  	s29 =	simm.s32 $0xEA00  }
0x65: {  	[tilespmem:s29], [sflag:$0x1] =	stream.indirect_vreg.gather [hbm4b:s5+s3], $0x80, v3, vm0, $0xb8;
	[tilespmem:$0x10200] =	vst v63  }
0x66: {  	s30 =	simm.s32 $0xF200  }
0x67: {  	[tilespmem:s30], [sflag:$0x1] =	stream.indirect_vreg.gather [hbm4b:s6+s3], $0x80, v3, vm0, $0xb8;
	[tilespmem:$0x10200] =	vst v63  }
0x68: {  	s0 =	simm.s32 $0xFA00  }
0x69: {  	[tilespmem:s0], [sflag:$0x1] =	stream.indirect_vreg.gather [hbm4b:s7+s3], $0x80, v3, vm0, $0xb8;
	[tilespmem:$0x10200] =	vst v63  }
0x6a: {  	_ =	swait.ge [sflag:s19], $0x10000  }
0x6b: {  	[sflag:s19] =	ssyncset.done $0x0  }
0x6c: {  	s16 =	rddreg [dreg:$0x8];
	[sflag:s19] =	ssyncadd.s32 $0xFFFF0000  }
0x6d: {  	[hbm4b:s16+s3] =	stream.linear.scatter [tilespmem:s24], [sflag:$0x2], $0x10000, $0x38;
	[tilespmem:$0x10200] =	vst v63  }
0x6e: {  	_ =	swait.ge [sflag:s9], $0x10000  }
0x6f: {  	[sflag:s9] =	ssyncset.done $0x0  }
0x70: {  	[sflag:s9] =	ssyncadd.s32 $0xFFFF0000  }
0x71: {  	v3 =	vld [tilespmem:$0x80];
	_ =	sdelay $0x4  }
0x72: {  	v52 =	vshll.u32 v3, $0x3  }
0x73: {  	v3 =	vand.u32 $0x7, v3;
	v4 =	vand.u32 $0xFFFFFFC0, v52  }
0x74: {  	v3 =	vor.u32 v3, v4  }
0x75: {  	v4 =	vperm.xlane v3, v0;
	_ =	sdelay $0x1  }
0x76: {  	v4 =	vadd.s32 v1, v4;
	_ =	sdelay $0x4  }
0x77: {  	[tilespmem:s24], [sflag:$0x1] =	stream.indirect_vreg.gather [hbm4b:s1+s3], $0x80, v4, vm0, $0xb8;
	[tilespmem:$0x10200] =	vst v63  }
0x78: {  	s14 =	simm.s32 $0xA00;
	v3 =	vperm.xlane v3, v2  }
0x79: {  	[tilespmem:s14], [sflag:$0x1] =	stream.indirect_vreg.gather [hbm4b:s5+s3], $0x80, v4, vm0, $0xb8;
	[tilespmem:$0x10200] =	vst v63  }
0x7a: {  	s2 =	simm.s32 $0x1200;
	v3 =	vadd.s32 v1, v3  }
0x7b: {  	[tilespmem:s2], [sflag:$0x1] =	stream.indirect_vreg.gather [hbm4b:s6+s3], $0x80, v4, vm0, $0xb8;
	[tilespmem:$0x10200] =	vst v63  }
0x7c: {  	s4 =	simm.s32 $0x1A00  }
0x7d: {  	[tilespmem:s4], [sflag:$0x1] =	stream.indirect_vreg.gather [hbm4b:s7+s3], $0x80, v4, vm0, $0xb8;
	[tilespmem:$0x10200] =	vst v63  }
0x7e: {  	s10 =	simm.s32 $0x2200  }
0x7f: {  	[tilespmem:s10], [sflag:$0x1] =	stream.indirect_vreg.gather [hbm4b:s1+s3], $0x80, v3, vm0, $0xb8;
	[tilespmem:$0x10200] =	vst v63  }
0x80: {  	s11 =	simm.s32 $0x2A00  }
0x81: {  	[tilespmem:s11], [sflag:$0x1] =	stream.indirect_vreg.gather [hbm4b:s5+s3], $0x80, v3, vm0, $0xb8;
	[tilespmem:$0x10200] =	vst v63  }
0x82: {  	s12 =	simm.s32 $0x3200  }
0x83: {  	[tilespmem:s12], [sflag:$0x1] =	stream.indirect_vreg.gather [hbm4b:s6+s3], $0x80, v3, vm0, $0xb8;
	[tilespmem:$0x10200] =	vst v63  }
0x84: {  	s15 =	simm.s32 $0x3A00  }
0x85: {  	[tilespmem:s15], [sflag:$0x1] =	stream.indirect_vreg.gather [hbm4b:s7+s3], $0x80, v3, vm0, $0xb8;
	[tilespmem:$0x10200] =	vst v63  }
0x86: {  	v3 =	vld [tilespmem:$0x90];
	_ =	sdelay $0x4  }
0x87: {  	v53 =	vshll.u32 v3, $0x3  }
0x88: {  	v3 =	vand.u32 $0x7, v3;
	v4 =	vand.u32 $0xFFFFFFC0, v53  }
0x89: {  	v3 =	vor.u32 v3, v4  }
0x8a: {  	v4 =	vperm.xlane v3, v0;
	_ =	sdelay $0x1  }
0x8b: {  	v4 =	vadd.s32 v1, v4;
	_ =	sdelay $0x3  }
0x8c: {  	s16 =	simm.s32 $0x4200  }
0x8d: {  	[tilespmem:s16], [sflag:$0x1] =	stream.indirect_vreg.gather [hbm4b:s1+s3], $0x80, v4, vm0, $0xb8;
	[tilespmem:$0x10200] =	vst v63  }
0x8e: {  	s17 =	simm.s32 $0x4A00;
	v3 =	vperm.xlane v3, v2  }
0x8f: {  	[tilespmem:s17], [sflag:$0x1] =	stream.indirect_vreg.gather [hbm4b:s5+s3], $0x80, v4, vm0, $0xb8;
	[tilespmem:$0x10200] =	vst v63  }
0x90: {  	v3 =	vadd.s32 v1, v3;
	s17 =	simm.s32 $0x5200  }
0x91: {  	[tilespmem:s17], [sflag:$0x1] =	stream.indirect_vreg.gather [hbm4b:s6+s3], $0x80, v4, vm0, $0xb8;
	[tilespmem:$0x10200] =	vst v63  }
0x92: {  	s0 =	simm.s32 $0x5A00  }
0x93: {  	[tilespmem:s0], [sflag:$0x1] =	stream.indirect_vreg.gather [hbm4b:s7+s3], $0x80, v4, vm0, $0xb8;
	[tilespmem:$0x10200] =	vst v63  }
0x94: {  	s2 =	simm.s32 $0x6200  }
0x95: {  	[tilespmem:s2], [sflag:$0x1] =	stream.indirect_vreg.gather [hbm4b:s1+s3], $0x80, v3, vm0, $0xb8;
	[tilespmem:$0x10200] =	vst v63  }
0x96: {  	s4 =	simm.s32 $0x6A00  }
0x97: {  	[tilespmem:s4], [sflag:$0x1] =	stream.indirect_vreg.gather [hbm4b:s5+s3], $0x80, v3, vm0, $0xb8;
	[tilespmem:$0x10200] =	vst v63  }
0x98: {  	s10 =	simm.s32 $0x7200  }
0x99: {  	[tilespmem:s10], [sflag:$0x1] =	stream.indirect_vreg.gather [hbm4b:s6+s3], $0x80, v3, vm0, $0xb8;
	[tilespmem:$0x10200] =	vst v63  }
0x9a: {  	s13 =	simm.s32 $0x7A00  }
0x9b: {  	[tilespmem:s13], [sflag:$0x1] =	stream.indirect_vreg.gather [hbm4b:s7+s3], $0x80, v3, vm0, $0xb8;
	[tilespmem:$0x10200] =	vst v63  }
0x9c: {  	v3 =	vld [tilespmem:$0xA0];
	_ =	sdelay $0x4  }
0x9d: {  	v54 =	vshll.u32 v3, $0x3  }
0x9e: {  	v3 =	vand.u32 $0x7, v3;
	v4 =	vand.u32 $0xFFFFFFC0, v54  }
0x9f: {  	v3 =	vor.u32 v3, v4  }
0xa0: {  	v4 =	vperm.xlane v3, v0;
	_ =	sdelay $0x1  }
0xa1: {  	v4 =	vadd.s32 v1, v4;
	_ =	sdelay $0x3  }
0xa2: {  	s14 =	simm.s32 $0x8200  }
0xa3: {  	[tilespmem:s14], [sflag:$0x1] =	stream.indirect_vreg.gather [hbm4b:s1+s3], $0x80, v4, vm0, $0xb8;
	[tilespmem:$0x10200] =	vst v63  }
0xa4: {  	s15 =	simm.s32 $0x8A00;
	v3 =	vperm.xlane v3, v2  }
0xa5: {  	[tilespmem:s15], [sflag:$0x1] =	stream.indirect_vreg.gather [hbm4b:s5+s3], $0x80, v4, vm0, $0xb8;
	[tilespmem:$0x10200] =	vst v63  }
0xa6: {  	s11 =	simm.s32 $0x9200;
	v3 =	vadd.s32 v1, v3  }
0xa7: {  	[tilespmem:s11], [sflag:$0x1] =	stream.indirect_vreg.gather [hbm4b:s6+s3], $0x80, v4, vm0, $0xb8;
	[tilespmem:$0x10200] =	vst v63  }
0xa8: {  	s12 =	simm.s32 $0x9A00  }
0xa9: {  	[tilespmem:s12], [sflag:$0x1] =	stream.indirect_vreg.gather [hbm4b:s7+s3], $0x80, v4, vm0, $0xb8;
	[tilespmem:$0x10200] =	vst v63  }
0xaa: {  	s13 =	simm.s32 $0xA200  }
0xab: {  	[tilespmem:s13], [sflag:$0x1] =	stream.indirect_vreg.gather [hbm4b:s1+s3], $0x80, v3, vm0, $0xb8;
	[tilespmem:$0x10200] =	vst v63  }
0xac: {  	s31 =	simm.s32 $0xAA00  }
0xad: {  	[tilespmem:s31], [sflag:$0x1] =	stream.indirect_vreg.gather [hbm4b:s5+s3], $0x80, v3, vm0, $0xb8;
	[tilespmem:$0x10200] =	vst v63  }
0xae: {  	s31 =	simm.s32 $0xB200  }
0xaf: {  	[tilespmem:s31], [sflag:$0x1] =	stream.indirect_vreg.gather [hbm4b:s6+s3], $0x80, v3, vm0, $0xb8;
	[tilespmem:$0x10200] =	vst v63  }
0xb0: {  	s21 =	simm.s32 $0xBA00  }
0xb1: {  	[tilespmem:s21], [sflag:$0x1] =	stream.indirect_vreg.gather [hbm4b:s7+s3], $0x80, v3, vm0, $0xb8;
	[tilespmem:$0x10200] =	vst v63  }
0xb2: {  	v3 =	vld [tilespmem:$0xB0];
	_ =	sdelay $0x4  }
0xb3: {  	v55 =	vshll.u32 v3, $0x3  }
0xb4: {  	v3 =	vand.u32 $0x7, v3;
	v4 =	vand.u32 $0xFFFFFFC0, v55  }
0xb5: {  	v3 =	vor.u32 v3, v4  }
0xb6: {  	v4 =	vperm.xlane v3, v0;
	_ =	sdelay $0x1  }
0xb7: {  	v4 =	vadd.s32 v1, v4;
	_ =	sdelay $0x3  }
0xb8: {  	s22 =	simm.s32 $0xC200  }
0xb9: {  	[tilespmem:s22], [sflag:$0x1] =	stream.indirect_vreg.gather [hbm4b:s1+s3], $0x80, v4, vm0, $0xb8;
	[tilespmem:$0x10200] =	vst v63  }
0xba: {  	s23 =	simm.s32 $0xCA00;
	v3 =	vperm.xlane v3, v2  }
0xbb: {  	[tilespmem:s23], [sflag:$0x1] =	stream.indirect_vreg.gather [hbm4b:s5+s3], $0x80, v4, vm0, $0xb8;
	[tilespmem:$0x10200] =	vst v63  }
0xbc: {  	s25 =	simm.s32 $0xD200;
	v3 =	vadd.s32 v1, v3  }
0xbd: {  	[tilespmem:s25], [sflag:$0x1] =	stream.indirect_vreg.gather [hbm4b:s6+s3], $0x80, v4, vm0, $0xb8;
	[tilespmem:$0x10200] =	vst v63  }
0xbe: {  	s26 =	simm.s32 $0xDA00  }
0xbf: {  	[tilespmem:s26], [sflag:$0x1] =	stream.indirect_vreg.gather [hbm4b:s7+s3], $0x80, v4, vm0, $0xb8;
	[tilespmem:$0x10200] =	vst v63  }
0xc0: {  	s28 =	simm.s32 $0xE200  }
0xc1: {  	[tilespmem:s28], [sflag:$0x1] =	stream.indirect_vreg.gather [hbm4b:s1+s3], $0x80, v3, vm0, $0xb8;
	[tilespmem:$0x10200] =	vst v63  }
0xc2: {  	s29 =	simm.s32 $0xEA00  }
0xc3: {  	[tilespmem:s29], [sflag:$0x1] =	stream.indirect_vreg.gather [hbm4b:s5+s3], $0x80, v3, vm0, $0xb8;
	[tilespmem:$0x10200] =	vst v63  }
0xc4: {  	s30 =	simm.s32 $0xF200  }
0xc5: {  	[tilespmem:s30], [sflag:$0x1] =	stream.indirect_vreg.gather [hbm4b:s6+s3], $0x80, v3, vm0, $0xb8;
	[tilespmem:$0x10200] =	vst v63  }
0xc6: {  	s18 =	simm.s32 $0xFA00  }
0xc7: {  	[tilespmem:s18], [sflag:$0x1] =	stream.indirect_vreg.gather [hbm4b:s7+s3], $0x80, v3, vm0, $0xb8;
	[tilespmem:$0x10200] =	vst v63  }
0xc8: {  	_ =	swait.ge [sflag:s19], $0x10000  }
0xc9: {  	[sflag:s19] =	ssyncset.done $0x0  }
0xca: {  	s18 =	rddreg [dreg:$0x5];
	[sflag:s19] =	ssyncadd.s32 $0xFFFF0000  }
0xcb: {  	[hbm4b:s18+s3] =	stream.linear.scatter [tilespmem:s24], [sflag:$0x2], $0x10000, $0x38;
	[tilespmem:$0x10200] =	vst v63  }
0xcc: {  	_ =	swait.ge [sflag:s9], $0x10000  }
0xcd: {  	[sflag:s9] =	ssyncset.done $0x0  }
0xce: {  	[sflag:s9] =	ssyncadd.s32 $0xFFFF0000  }
0xcf: {  	v3 =	vld [tilespmem:$0x100];
	_ =	sdelay $0x4  }
0xd0: {  	v56 =	vshll.u32 v3, $0x3  }
0xd1: {  	v3 =	vand.u32 $0x7, v3;
	v4 =	vand.u32 $0xFFFFFFC0, v56  }
0xd2: {  	v3 =	vor.u32 v3, v4  }
0xd3: {  	v4 =	vperm.xlane v3, v0;
	_ =	sdelay $0x1  }
0xd4: {  	v4 =	vadd.s32 v1, v4;
	_ =	sdelay $0x4  }
0xd5: {  	[tilespmem:s24], [sflag:$0x1] =	stream.indirect_vreg.gather [hbm4b:s1+s3], $0x80, v4, vm0, $0xb8;
	[tilespmem:$0x10200] =	vst v63  }
0xd6: {  	s20 =	simm.s32 $0xA00;
	v3 =	vperm.xlane v3, v2  }
0xd7: {  	[tilespmem:s20], [sflag:$0x1] =	stream.indirect_vreg.gather [hbm4b:s5+s3], $0x80, v4, vm0, $0xb8;
	[tilespmem:$0x10200] =	vst v63  }
0xd8: {  	s21 =	simm.s32 $0x1200;
	v3 =	vadd.s32 v1, v3  }
0xd9: {  	[tilespmem:s21], [sflag:$0x1] =	stream.indirect_vreg.gather [hbm4b:s6+s3], $0x80, v4, vm0, $0xb8;
	[tilespmem:$0x10200] =	vst v63  }
0xda: {  	s22 =	simm.s32 $0x1A00  }
0xdb: {  	[tilespmem:s22], [sflag:$0x1] =	stream.indirect_vreg.gather [hbm4b:s7+s3], $0x80, v4, vm0, $0xb8;
	[tilespmem:$0x10200] =	vst v63  }
0xdc: {  	s29 =	simm.s32 $0x2200  }
0xdd: {  	[tilespmem:s29], [sflag:$0x1] =	stream.indirect_vreg.gather [hbm4b:s1+s3], $0x80, v3, vm0, $0xb8;
	[tilespmem:$0x10200] =	vst v63  }
0xde: {  	s20 =	simm.s32 $0x2A00  }
0xdf: {  	[tilespmem:s20], [sflag:$0x1] =	stream.indirect_vreg.gather [hbm4b:s5+s3], $0x80, v3, vm0, $0xb8;
	[tilespmem:$0x10200] =	vst v63  }
0xe0: {  	s29 =	simm.s32 $0x3200  }
0xe1: {  	[tilespmem:s29], [sflag:$0x1] =	stream.indirect_vreg.gather [hbm4b:s6+s3], $0x80, v3, vm0, $0xb8;
	[tilespmem:$0x10200] =	vst v63  }
0xe2: {  	s20 =	simm.s32 $0x3A00  }
0xe3: {  	[tilespmem:s20], [sflag:$0x1] =	stream.indirect_vreg.gather [hbm4b:s7+s3], $0x80, v3, vm0, $0xb8;
	[tilespmem:$0x10200] =	vst v63  }
0xe4: {  	v3 =	vld [tilespmem:$0x110];
	_ =	sdelay $0x4  }
0xe5: {  	v57 =	vshll.u32 v3, $0x3  }
0xe6: {  	v3 =	vand.u32 $0x7, v3;
	v4 =	vand.u32 $0xFFFFFFC0, v57  }
0xe7: {  	v3 =	vor.u32 v3, v4  }
0xe8: {  	v4 =	vperm.xlane v3, v0;
	_ =	sdelay $0x1  }
0xe9: {  	v4 =	vadd.s32 v1, v4;
	_ =	sdelay $0x4  }
0xea: {  	[tilespmem:s16], [sflag:$0x1] =	stream.indirect_vreg.gather [hbm4b:s1+s3], $0x80, v4, vm0, $0xb8;
	[tilespmem:$0x10200] =	vst v63  }
0xeb: {  	s29 =	simm.s32 $0x4A00;
	v3 =	vperm.xlane v3, v2  }
0xec: {  	[tilespmem:s29], [sflag:$0x1] =	stream.indirect_vreg.gather [hbm4b:s5+s3], $0x80, v4, vm0, $0xb8;
	[tilespmem:$0x10200] =	vst v63  }
0xed: {  	v3 =	vadd.s32 v1, v3  }
0xee: {  	[tilespmem:s17], [sflag:$0x1] =	stream.indirect_vreg.gather [hbm4b:s6+s3], $0x80, v4, vm0, $0xb8;
	[tilespmem:$0x10200] =	vst v63  }
0xef: {  	_ = 	snop  }
0xf0: {  	[tilespmem:s0], [sflag:$0x1] =	stream.indirect_vreg.gather [hbm4b:s7+s3], $0x80, v4, vm0, $0xb8;
	[tilespmem:$0x10200] =	vst v63  }
0xf1: {  	_ = 	snop  }
0xf2: {  	[tilespmem:s2], [sflag:$0x1] =	stream.indirect_vreg.gather [hbm4b:s1+s3], $0x80, v3, vm0, $0xb8;
	[tilespmem:$0x10200] =	vst v63  }
0xf3: {  	_ = 	snop  }
0xf4: {  	[tilespmem:s4], [sflag:$0x1] =	stream.indirect_vreg.gather [hbm4b:s5+s3], $0x80, v3, vm0, $0xb8;
	[tilespmem:$0x10200] =	vst v63  }
0xf5: {  	_ = 	snop  }
0xf6: {  	[tilespmem:s10], [sflag:$0x1] =	stream.indirect_vreg.gather [hbm4b:s6+s3], $0x80, v3, vm0, $0xb8;
	[tilespmem:$0x10200] =	vst v63  }
0xf7: {  	s20 =	simm.s32 $0x7A00  }
0xf8: {  	[tilespmem:s20], [sflag:$0x1] =	stream.indirect_vreg.gather [hbm4b:s7+s3], $0x80, v3, vm0, $0xb8;
	[tilespmem:$0x10200] =	vst v63  }
0xf9: {  	v3 =	vld [tilespmem:$0x120];
	_ =	sdelay $0x4  }
0xfa: {  	v58 =	vshll.u32 v3, $0x3  }
0xfb: {  	v3 =	vand.u32 $0x7, v3;
	v4 =	vand.u32 $0xFFFFFFC0, v58  }
0xfc: {  	v3 =	vor.u32 v3, v4  }
0xfd: {  	v4 =	vperm.xlane v3, v0;
	_ =	sdelay $0x1  }
0xfe: {  	v4 =	vadd.s32 v1, v4;
	_ =	sdelay $0x4  }
0xff: {  	[tilespmem:s14], [sflag:$0x1] =	stream.indirect_vreg.gather [hbm4b:s1+s3], $0x80, v4, vm0, $0xb8;
	[tilespmem:$0x10200] =	vst v63  }
0x100: {  	v3 =	vperm.xlane v3, v2  }
0x101: {  	[tilespmem:s15], [sflag:$0x1] =	stream.indirect_vreg.gather [hbm4b:s5+s3], $0x80, v4, vm0, $0xb8;
	[tilespmem:$0x10200] =	vst v63  }
0x102: {  	v3 =	vadd.s32 v1, v3  }
0x103: {  	[tilespmem:s11], [sflag:$0x1] =	stream.indirect_vreg.gather [hbm4b:s6+s3], $0x80, v4, vm0, $0xb8;
	[tilespmem:$0x10200] =	vst v63  }
0x104: {  	_ = 	snop  }
0x105: {  	[tilespmem:s12], [sflag:$0x1] =	stream.indirect_vreg.gather [hbm4b:s7+s3], $0x80, v4, vm0, $0xb8;
	[tilespmem:$0x10200] =	vst v63  }
0x106: {  	_ = 	snop  }
0x107: {  	[tilespmem:s13], [sflag:$0x1] =	stream.indirect_vreg.gather [hbm4b:s1+s3], $0x80, v3, vm0, $0xb8;
	[tilespmem:$0x10200] =	vst v63  }
0x108: {  	s29 =	simm.s32 $0xAA00  }
0x109: {  	[tilespmem:s29], [sflag:$0x1] =	stream.indirect_vreg.gather [hbm4b:s5+s3], $0x80, v3, vm0, $0xb8;
	[tilespmem:$0x10200] =	vst v63  }
0x10a: {  	s31 =	simm.s32 $0xB200  }
0x10b: {  	[tilespmem:s31], [sflag:$0x1] =	stream.indirect_vreg.gather [hbm4b:s6+s3], $0x80, v3, vm0, $0xb8;
	[tilespmem:$0x10200] =	vst v63  }
0x10c: {  	s31 =	simm.s32 $0xBA00  }
0x10d: {  	[tilespmem:s31], [sflag:$0x1] =	stream.indirect_vreg.gather [hbm4b:s7+s3], $0x80, v3, vm0, $0xb8;
	[tilespmem:$0x10200] =	vst v63  }
0x10e: {  	v3 =	vld [tilespmem:$0x130];
	_ =	sdelay $0x4  }
0x10f: {  	v59 =	vshll.u32 v3, $0x3  }
0x110: {  	v3 =	vand.u32 $0x7, v3;
	v4 =	vand.u32 $0xFFFFFFC0, v59  }
0x111: {  	v3 =	vor.u32 v3, v4  }
0x112: {  	v4 =	vperm.xlane v3, v0;
	_ =	sdelay $0x1  }
0x113: {  	v4 =	vadd.s32 v1, v4;
	_ =	sdelay $0x3  }
0x114: {  	s20 =	simm.s32 $0xC200  }
0x115: {  	[tilespmem:s20], [sflag:$0x1] =	stream.indirect_vreg.gather [hbm4b:s1+s3], $0x80, v4, vm0, $0xb8;
	[tilespmem:$0x10200] =	vst v63  }
0x116: {  	v3 =	vperm.xlane v3, v2;
	s20 =	simm.s32 $0xCA00  }
0x117: {  	[tilespmem:s20], [sflag:$0x1] =	stream.indirect_vreg.gather [hbm4b:s5+s3], $0x80, v4, vm0, $0xb8;
	[tilespmem:$0x10200] =	vst v63  }
0x118: {  	s25 =	simm.s32 $0xD200;
	v3 =	vadd.s32 v1, v3  }
0x119: {  	[tilespmem:s25], [sflag:$0x1] =	stream.indirect_vreg.gather [hbm4b:s6+s3], $0x80, v4, vm0, $0xb8;
	[tilespmem:$0x10200] =	vst v63  }
0x11a: {  	s26 =	simm.s32 $0xDA00  }
0x11b: {  	[tilespmem:s26], [sflag:$0x1] =	stream.indirect_vreg.gather [hbm4b:s7+s3], $0x80, v4, vm0, $0xb8;
	[tilespmem:$0x10200] =	vst v63  }
0x11c: {  	s28 =	simm.s32 $0xE200  }
0x11d: {  	[tilespmem:s28], [sflag:$0x1] =	stream.indirect_vreg.gather [hbm4b:s1+s3], $0x80, v3, vm0, $0xb8;
	[tilespmem:$0x10200] =	vst v63  }
0x11e: {  	s20 =	simm.s32 $0xEA00  }
0x11f: {  	[tilespmem:s20], [sflag:$0x1] =	stream.indirect_vreg.gather [hbm4b:s5+s3], $0x80, v3, vm0, $0xb8;
	[tilespmem:$0x10200] =	vst v63  }
0x120: {  	s23 =	simm.s32 $0xF200  }
0x121: {  	[tilespmem:s23], [sflag:$0x1] =	stream.indirect_vreg.gather [hbm4b:s6+s3], $0x80, v3, vm0, $0xb8;
	[tilespmem:$0x10200] =	vst v63  }
0x122: {  	s20 =	simm.s32 $0xFA00  }
0x123: {  	[tilespmem:s20], [sflag:$0x1] =	stream.indirect_vreg.gather [hbm4b:s7+s3], $0x80, v3, vm0, $0xb8;
	[tilespmem:$0x10200] =	vst v63  }
0x124: {  	_ =	swait.ge [sflag:s19], $0x10000  }
0x125: {  	[sflag:s19] =	ssyncset.done $0x0  }
0x126: {  	s20 =	rddreg [dreg:$0x6];
	[sflag:s19] =	ssyncadd.s32 $0xFFFF0000  }
0x127: {  	[hbm4b:s20+s3] =	stream.linear.scatter [tilespmem:s24], [sflag:$0x2], $0x10000, $0x38;
	[tilespmem:$0x10200] =	vst v63  }
0x128: {  	_ =	swait.ge [sflag:s9], $0x10000  }
0x129: {  	[sflag:s9] =	ssyncset.done $0x0  }
0x12a: {  	[sflag:s9] =	ssyncadd.s32 $0xFFFF0000  }
0x12b: {  	v3 =	vld [tilespmem:$0x180];
	_ =	sdelay $0x4  }
0x12c: {  	v60 =	vshll.u32 v3, $0x3  }
0x12d: {  	v3 =	vand.u32 $0x7, v3;
	v4 =	vand.u32 $0xFFFFFFC0, v60  }
0x12e: {  	v3 =	vor.u32 v3, v4  }
0x12f: {  	v4 =	vperm.xlane v3, v0;
	_ =	sdelay $0x1  }
0x130: {  	v4 =	vadd.s32 v1, v4;
	_ =	sdelay $0x4  }
0x131: {  	[tilespmem:s24], [sflag:$0x1] =	stream.indirect_vreg.gather [hbm4b:s1+s3], $0x80, v4, vm0, $0xb8;
	[tilespmem:$0x10200] =	vst v63  }
0x132: {  	s20 =	simm.s32 $0xA00;
	v3 =	vperm.xlane v3, v2  }
0x133: {  	[tilespmem:s20], [sflag:$0x1] =	stream.indirect_vreg.gather [hbm4b:s5+s3], $0x80, v4, vm0, $0xb8;
	[tilespmem:$0x10200] =	vst v63  }
0x134: {  	s30 =	simm.s32 $0x1200;
	v3 =	vadd.s32 v1, v3  }
0x135: {  	[tilespmem:s30], [sflag:$0x1] =	stream.indirect_vreg.gather [hbm4b:s6+s3], $0x80, v4, vm0, $0xb8;
	[tilespmem:$0x10200] =	vst v63  }
0x136: {  	s21 =	simm.s32 $0x1A00  }
0x137: {  	[tilespmem:s21], [sflag:$0x1] =	stream.indirect_vreg.gather [hbm4b:s7+s3], $0x80, v4, vm0, $0xb8;
	[tilespmem:$0x10200] =	vst v63  }
0x138: {  	s22 =	simm.s32 $0x2200  }
0x139: {  	[tilespmem:s22], [sflag:$0x1] =	stream.indirect_vreg.gather [hbm4b:s1+s3], $0x80, v3, vm0, $0xb8;
	[tilespmem:$0x10200] =	vst v63  }
0x13a: {  	s30 =	simm.s32 $0x2A00  }
0x13b: {  	[tilespmem:s30], [sflag:$0x1] =	stream.indirect_vreg.gather [hbm4b:s5+s3], $0x80, v3, vm0, $0xb8;
	[tilespmem:$0x10200] =	vst v63  }
0x13c: {  	s21 =	simm.s32 $0x3200  }
0x13d: {  	[tilespmem:s21], [sflag:$0x1] =	stream.indirect_vreg.gather [hbm4b:s6+s3], $0x80, v3, vm0, $0xb8;
	[tilespmem:$0x10200] =	vst v63  }
0x13e: {  	s22 =	simm.s32 $0x3A00  }
0x13f: {  	[tilespmem:s22], [sflag:$0x1] =	stream.indirect_vreg.gather [hbm4b:s7+s3], $0x80, v3, vm0, $0xb8;
	[tilespmem:$0x10200] =	vst v63  }
0x140: {  	v3 =	vld [tilespmem:$0x190];
	_ =	sdelay $0x4  }
0x141: {  	v61 =	vshll.u32 v3, $0x3  }
0x142: {  	v3 =	vand.u32 $0x7, v3;
	v4 =	vand.u32 $0xFFFFFFC0, v61  }
0x143: {  	v3 =	vor.u32 v3, v4  }
0x144: {  	v4 =	vperm.xlane v3, v0;
	_ =	sdelay $0x1  }
0x145: {  	v4 =	vadd.s32 v1, v4;
	_ =	sdelay $0x3  }
0x146: {  	s16 =	simm.s32 $0x4200  }
0x147: {  	[tilespmem:s16], [sflag:$0x1] =	stream.indirect_vreg.gather [hbm4b:s1+s3], $0x80, v4, vm0, $0xb8;
	[tilespmem:$0x10200] =	vst v63  }
0x148: {  	s30 =	simm.s32 $0x4A00;
	v3 =	vperm.xlane v3, v2  }
0x149: {  	[tilespmem:s30], [sflag:$0x1] =	stream.indirect_vreg.gather [hbm4b:s5+s3], $0x80, v4, vm0, $0xb8;
	[tilespmem:$0x10200] =	vst v63  }
0x14a: {  	s17 =	simm.s32 $0x5200;
	v3 =	vadd.s32 v1, v3  }
0x14b: {  	[tilespmem:s17], [sflag:$0x1] =	stream.indirect_vreg.gather [hbm4b:s6+s3], $0x80, v4, vm0, $0xb8;
	[tilespmem:$0x10200] =	vst v63  }
0x14c: {  	s0 =	simm.s32 $0x5A00  }
0x14d: {  	[tilespmem:s0], [sflag:$0x1] =	stream.indirect_vreg.gather [hbm4b:s7+s3], $0x80, v4, vm0, $0xb8;
	[tilespmem:$0x10200] =	vst v63  }
0x14e: {  	s2 =	simm.s32 $0x6200  }
0x14f: {  	[tilespmem:s2], [sflag:$0x1] =	stream.indirect_vreg.gather [hbm4b:s1+s3], $0x80, v3, vm0, $0xb8;
	[tilespmem:$0x10200] =	vst v63  }
0x150: {  	s4 =	simm.s32 $0x6A00  }
0x151: {  	[tilespmem:s4], [sflag:$0x1] =	stream.indirect_vreg.gather [hbm4b:s5+s3], $0x80, v3, vm0, $0xb8;
	[tilespmem:$0x10200] =	vst v63  }
0x152: {  	s10 =	simm.s32 $0x7200  }
0x153: {  	[tilespmem:s10], [sflag:$0x1] =	stream.indirect_vreg.gather [hbm4b:s6+s3], $0x80, v3, vm0, $0xb8;
	[tilespmem:$0x10200] =	vst v63  }
0x154: {  	s20 =	simm.s32 $0x7A00  }
0x155: {  	[tilespmem:s20], [sflag:$0x1] =	stream.indirect_vreg.gather [hbm4b:s7+s3], $0x80, v3, vm0, $0xb8;
	[tilespmem:$0x10200] =	vst v63  }
0x156: {  	v3 =	vld [tilespmem:$0x1A0];
	_ =	sdelay $0x4  }
0x157: {  	v62 =	vshll.u32 v3, $0x3  }
0x158: {  	v3 =	vand.u32 $0x7, v3;
	v4 =	vand.u32 $0xFFFFFFC0, v62  }
0x159: {  	v3 =	vor.u32 v3, v4  }
0x15a: {  	v4 =	vperm.xlane v3, v0;
	_ =	sdelay $0x1  }
0x15b: {  	v4 =	vadd.s32 v1, v4;
	_ =	sdelay $0x3  }
0x15c: {  	s14 =	simm.s32 $0x8200  }
0x15d: {  	[tilespmem:s14], [sflag:$0x1] =	stream.indirect_vreg.gather [hbm4b:s1+s3], $0x80, v4, vm0, $0xb8;
	[tilespmem:$0x10200] =	vst v63  }
0x15e: {  	s15 =	simm.s32 $0x8A00;
	v3 =	vperm.xlane v3, v2  }
0x15f: {  	[tilespmem:s15], [sflag:$0x1] =	stream.indirect_vreg.gather [hbm4b:s5+s3], $0x80, v4, vm0, $0xb8;
	[tilespmem:$0x10200] =	vst v63  }
0x160: {  	s11 =	simm.s32 $0x9200;
	v3 =	vadd.s32 v1, v3  }
0x161: {  	[tilespmem:s11], [sflag:$0x1] =	stream.indirect_vreg.gather [hbm4b:s6+s3], $0x80, v4, vm0, $0xb8;
	[tilespmem:$0x10200] =	vst v63  }
0x162: {  	s12 =	simm.s32 $0x9A00  }
0x163: {  	[tilespmem:s12], [sflag:$0x1] =	stream.indirect_vreg.gather [hbm4b:s7+s3], $0x80, v4, vm0, $0xb8;
	[tilespmem:$0x10200] =	vst v63  }
0x164: {  	s13 =	simm.s32 $0xA200  }
0x165: {  	[tilespmem:s13], [sflag:$0x1] =	stream.indirect_vreg.gather [hbm4b:s1+s3], $0x80, v3, vm0, $0xb8;
	[tilespmem:$0x10200] =	vst v63  }
0x166: {  	s29 =	simm.s32 $0xAA00  }
0x167: {  	[tilespmem:s29], [sflag:$0x1] =	stream.indirect_vreg.gather [hbm4b:s5+s3], $0x80, v3, vm0, $0xb8;
	[tilespmem:$0x10200] =	vst v63  }
0x168: {  	s18 =	simm.s32 $0xB200  }
0x169: {  	[tilespmem:s18], [sflag:$0x1] =	stream.indirect_vreg.gather [hbm4b:s6+s3], $0x80, v3, vm0, $0xb8;
	[tilespmem:$0x10200] =	vst v63  }
0x16a: {  	s31 =	simm.s32 $0xBA00  }
0x16b: {  	[tilespmem:s31], [sflag:$0x1] =	stream.indirect_vreg.gather [hbm4b:s7+s3], $0x80, v3, vm0, $0xb8;
	[tilespmem:$0x10200] =	vst v63  }
0x16c: {  	v3 =	vld [tilespmem:$0x1B0];
	_ =	sdelay $0x4  }
0x16d: {  	v63 =	vshll.u32 v3, $0x3  }
0x16e: {  	v3 =	vand.u32 $0x7, v3;
	v4 =	vand.u32 $0xFFFFFFC0, v63  }
0x16f: {  	v3 =	vor.u32 v3, v4  }
0x170: {  	v4 =	vperm.xlane v3, v0;
	_ =	sdelay $0x1  }
0x171: {  	v4 =	vadd.s32 v1, v4;
	_ =	sdelay $0x3  }
0x172: {  	s21 =	simm.s32 $0xC200  }
0x173: {  	[tilespmem:s21], [sflag:$0x1] =	stream.indirect_vreg.gather [hbm4b:s1+s3], $0x80, v4, vm0, $0xb8;
	[tilespmem:$0x10200] =	vst v63  }
0x174: {  	s22 =	simm.s32 $0xCA00;
	v3 =	vperm.xlane v3, v2  }
0x175: {  	[tilespmem:s22], [sflag:$0x1] =	stream.indirect_vreg.gather [hbm4b:s5+s3], $0x80, v4, vm0, $0xb8;
	[tilespmem:$0x10200] =	vst v63  }
0x176: {  	s25 =	simm.s32 $0xD200;
	v3 =	vadd.s32 v1, v3  }
0x177: {  	[tilespmem:s25], [sflag:$0x1] =	stream.indirect_vreg.gather [hbm4b:s6+s3], $0x80, v4, vm0, $0xb8;
	[tilespmem:$0x10200] =	vst v63  }
0x178: {  	s26 =	simm.s32 $0xDA00  }
0x179: {  	[tilespmem:s26], [sflag:$0x1] =	stream.indirect_vreg.gather [hbm4b:s7+s3], $0x80, v4, vm0, $0xb8;
	[tilespmem:$0x10200] =	vst v63  }
0x17a: {  	s28 =	simm.s32 $0xE200  }
0x17b: {  	[tilespmem:s28], [sflag:$0x1] =	stream.indirect_vreg.gather [hbm4b:s1+s3], $0x80, v3, vm0, $0xb8;
	[tilespmem:$0x10200] =	vst v63  }
0x17c: {  	s29 =	simm.s32 $0xEA00  }
0x17d: {  	[tilespmem:s29], [sflag:$0x1] =	stream.indirect_vreg.gather [hbm4b:s5+s3], $0x80, v3, vm0, $0xb8;
	[tilespmem:$0x10200] =	vst v63  }
0x17e: {  	s23 =	simm.s32 $0xF200  }
0x17f: {  	[tilespmem:s23], [sflag:$0x1] =	stream.indirect_vreg.gather [hbm4b:s6+s3], $0x80, v3, vm0, $0xb8;
	[tilespmem:$0x10200] =	vst v63  }
0x180: {  	s30 =	simm.s32 $0xFA00  }
0x181: {  	[tilespmem:s30], [sflag:$0x1] =	stream.indirect_vreg.gather [hbm4b:s7+s3], $0x80, v3, vm0, $0xb8;
	[tilespmem:$0x10200] =	vst v63  }
0x182: {  	_ =	swait.ge [sflag:s19], $0x10000  }
0x183: {  	p0 =	sne.s32 s8, $0x1;
	[sflag:s19] =	ssyncset.done $0x0  }
.Ltmp0:
0x184: {  	s31 =	rddreg [dreg:$0x7];
	[sflag:s19] =	ssyncadd.s32 $0xFFFF0000;
	(pc) =	sbr.rel @p0 .LBB2_1-.Ltmp0, $4  }
0x185: {  	[hbm4b:s31+s3] =	stream.linear.scatter [tilespmem:s24], [sflag:$0x2], $0x10000, $0x38;
	[tilespmem:$0x10200] =	vst v63  }
0x186: {  	_ =	swait.ge [sflag:s9], $0x10000  }
0x187: {  	[sflag:s9] =	ssyncset.done $0x0  }
0x188: {  	s8 =	sadd.s32 $0xFFFFFFFF, s8;
	[sflag:s9] =	ssyncadd.s32 $0xFFFF0000  }
0x189: {  	_ =	sfence.sel $0x180000  }
0x18a: {  	[bflag:$0x0] =	sbarrier.arrive $0xFFFF  }
0x18b: {  	_ =	strace $0x90000047  }
0x18c: {  	s0 =	stileid.u32;
	[bflag:$0x2] =	sbarrier.arrive $0xFFFF  }
0x18d: {  	p0 =	sne.s32 s0, $0x0;
	s0 =	rddreg [dreg:$0x3]  }
0x18e: {  	s0 =	sadd.s32 @!p0 $0x100000, s0  }
0x18f: {  	[sflag:s0] =	ssyncadd.tile.s32 @!p0 $0x1;
	_ =	shalt  }
.Lfunc_end2:
_tile_overlayer_lowered:
.L_overlay_start_2:
0x190: {  	(tag) =	ssettag $0x2  }
0x191: {  	s0 =	rddreg [dreg:$0x0];
	s2 =	stileid.u32  }
0x192: {  	s1 =	rddreg [dreg:$0x1];
	p0 =	sne.s32 s2, $0x0  }
0x193: {  	s3 =	rddreg [dreg:$0x2];
	[bflag:$0x3] =	sbarrier.arrive $0xFFFF;
	s2 =	simm.s32 @!p0 $0x1C02  }
0x194: {  	[timem:s3], [sflag:s2] =	dma.local @!p0 [hbm:s0], s1  }
0x195: {  	s0 =	simm.s32 @!p0 $0x2  }
0x196: {  	_ =	swait.ge @!p0 [sflag:s0], s1  }
0x197: {  	s1 =	ssub.s32 @!p0 $0x0, s1;
	[sflag:s0] =	ssyncset.done @!p0 $0x0  }
0x198: {  	[sflag:s0] =	ssyncadd.s32 @!p0 s1  }
0x199: {  	[bflag:$0x3] =	sbarrier.arrive $0xFFFF  }
0x19a: {  	_ =	shalt  }

// kernel: kernel.8.cloned.1.call-start
scs
__scs_entry_jumppad:
0x0: {  	(pc) =	sbr.rel $0x88, $3  }
0x1: {  	(tag) =	ssettag $0x0;
	lr =	simm.s32 $0x1  }
0x2: {  	[smem:$0x3F9C] =	sst lr;
	_ =	strace $0xD0000000  }
0x3: {  	_ = 	snop  }
0x4: {  	_ = 	snop  }
0x5: {  	_ = 	snop  }
0x6: {  	_ = 	snop  }
0x7: {  	_ = 	snop  }
__scs_overlays_trampoline_lowered:
0x8: {  	[smem:$0x3FAB] =	sst s0  }
0x9: {  	[smem:$0x3FAC] =	sst s1  }
0xa: {  	[smem:$0x3FAD] =	sst s2  }
0xb: {  	[smem:$0x3FAE] =	sst s3  }
0xc: {  	[smem:$0x3FAF] =	sst s4  }
0xd: {  	[smem:$0x3FB0] =	sst s5  }
0xe: {  	[smem:$0x3FB1] =	sst s6  }
0xf: {  	[smem:$0x3FB2] =	sst s7  }
0x10: {  	[smem:$0x3FB3] =	sst s8  }
0x11: {  	[smem:$0x3FB4] =	sst s9;
	s0 =	simm.s32 @!p0 $0x0  }
0x12: {  	s1 =	sld [smem:$0x3F9A];
	s0 =	simm.s32 @p0 $0x1  }
0x13: {  	[smem:$0x3FB5] =	sst s0;
	s0 =	simm.s32 @!p1 $0x0  }
0x14: {  	s2 =	sld [smem:$0x3F99];
	s0 =	simm.s32 @p1 $0x1  }
0x15: {  	[smem:$0x3FB6] =	sst s0;
	s0 =	simm.s32 @!p2 $0x0  }
0x16: {  	s3 =	sld [smem:$0x3FDB];
	s0 =	simm.s32 @p2 $0x1  }
0x17: {  	s4 =	simm.s32 $0x1BF5;
	[smem:$0x3FB8] =	sst s0  }
0x18: {  	s0 =	sld [smem:$0x3F9B];
	_ =	swait.ge [sflag:s4], $0x0  }
0x19: {  	s7 =	sld [smem:$0x3F9C]  }
0x1a: {  	s8 =	sadd.s32 $0xFFFFE003, lr  }
0x1b: {  	s9 =	sadd.s32 $0xFFFFFEF7, lr;
	s5 =	simm.s32 $0xFFFFFFFF;
	p2 =	slt.u32 s8, $0xFFFFF086  }
0x1c: {  	p1 =	slt.u32 s9, $0xF7A;
	s5 =	simm.s32 @!p2 $0x0  }
0x1d: {  	s5 =	simm.s32 @p1 $0x1;
	p0 =	seq.s32 s7, s2  }
0x1e: {  	s7 =	smul.u32 @!p0 $0xF7A, s2;
	p2 =	seq.s32 @!p0 s5, $0x0  }
0x1f: {  	s9 =	smul.u32 $0xF7A, s1;
	s8 =	simm.s32 @!p0 $0x1BF5;
	p2 =	por !p2, p0  }
0x20: {  	[sflag:s8] =	ssyncset.s32 @!p0 $0xFFFFF086;
	s6 =	sadd.s32 @!p0 s3, s7;
	s7 =	simm.s32 @!p0 $0x108  }
0x21: {  	s3 =	sadd.s32 s3, s9;
	s6 =	sadd.s32 @!p0 $0x88, s6;
	s7 =	simm.s32 @p2 $0x1082  }
0x22: {  	[simem:s7], [sflag:s8] =	dma.local @!p0 [hbm:s6], $0xF7A  }
0x23: {  	s9 =	sor.u32 $0xD0000000, s2;
	s6 =	simm.s32 $0x108;
	_ =	swait.ge @!p0 [sflag:s8], $0x0  }
0x24: {  	s3 =	sadd.s32 $0x88, s3;
	s6 =	simm.s32 @!p1 $0x1082;
	[sflag:s4] =	ssyncset.s32 $0xFFFFF086  }
0x25: {  	[simem:s6], [sflag:s4] =	dma.local [hbm:s3], $0xF7A  }
0x26: {  	[smem:$0x3F9C] =	sst s1;
	(tag) =	ssettag s2;
	_ =	strace s9  }
0x27: {  	s1 =	sld [smem:$0x3FAC]  }
0x28: {  	s2 =	sld [smem:$0x3FAD]  }
0x29: {  	s4 =	sld [smem:$0x3FAF]  }
0x2a: {  	p0 =	seq.s32 s5, $0x0;
	s5 =	sld [smem:$0x3FB0]  }
0x2b: {  	s6 =	sld [smem:$0x3FB1]  }
0x2c: {  	s7 =	sld [smem:$0x3FB2]  }
0x2d: {  	s3 =	simm.s32 $0x108;
	s8 =	sld [smem:$0x3FB3]  }
0x2e: {  	s3 =	simm.s32 @!p0 $0x1082;
	s9 =	sld [smem:$0x3FB4]  }
0x2f: {  	lr =	sadd.s32 s0, s3;
	s0 =	sld [smem:$0x3FAB]  }
0x30: {  	s3 =	sld [smem:$0x3FAE]  }
0x31: {  	[smem:$0x3FB7] =	sst s10  }
0x32: {  	s10 =	sld [smem:$0x3FB5];
	_ =	sdelay $0x3  }
0x33: {  	p0 =	seq.s32 s10, $0x1;
	s10 =	sld [smem:$0x3FB7];
	_ =	sdelay $0x3  }
0x34: {  	[smem:$0x3FB7] =	sst s10  }
0x35: {  	s10 =	sld [smem:$0x3FB6];
	_ =	sdelay $0x3  }
0x36: {  	p1 =	seq.s32 s10, $0x1;
	s10 =	sld [smem:$0x3FB7];
	_ =	sdelay $0x3  }
0x37: {  	[smem:$0x3FB7] =	sst s10  }
0x38: {  	s10 =	sld [smem:$0x3FB8]  }
0x39: {  	_ = 	snop;
	(pc) =	sbr.ind lr, $3  }
0x3a: {  	_ = 	snop  }
0x3b: {  	_ = 	snop  }
0x3c: {  	p2 =	seq.s32 s10, $0x1;
	s10 =	sld [smem:$0x3FB7]  }
0x3d: {  	_ =	shalt  }
0x3e: {  	_ =	shalt  }
0x3f: {  	_ =	shalt  }
0x40: {  	_ =	shalt  }
0x41: {  	_ =	shalt  }
0x42: {  	_ =	shalt  }
0x43: {  	_ =	shalt  }
0x44: {  	_ =	shalt  }
0x45: {  	_ =	shalt  }
0x46: {  	_ =	shalt  }
0x47: {  	_ =	shalt  }
0x48: {  	_ =	shalt  }
0x49: {  	_ =	shalt  }
0x4a: {  	_ =	shalt  }
0x4b: {  	_ =	shalt  }
0x4c: {  	_ =	shalt  }
0x4d: {  	_ =	shalt  }
0x4e: {  	_ =	shalt  }
0x4f: {  	_ =	shalt  }
0x50: {  	_ =	shalt  }
0x51: {  	_ =	shalt  }
0x52: {  	_ =	shalt  }
0x53: {  	_ =	shalt  }
0x54: {  	_ =	shalt  }
0x55: {  	_ =	shalt  }
0x56: {  	_ =	shalt  }
0x57: {  	_ =	shalt  }
0x58: {  	_ =	shalt  }
0x59: {  	_ =	shalt  }
0x5a: {  	_ =	shalt  }
0x5b: {  	_ =	shalt  }
0x5c: {  	_ =	shalt  }
0x5d: {  	_ =	shalt  }
0x5e: {  	_ =	shalt  }
0x5f: {  	_ =	shalt  }
0x60: {  	_ =	shalt  }
0x61: {  	_ =	shalt  }
0x62: {  	_ =	shalt  }
0x63: {  	_ =	shalt  }
0x64: {  	_ =	shalt  }
0x65: {  	_ =	shalt  }
0x66: {  	_ =	shalt  }
0x67: {  	_ =	shalt  }
0x68: {  	_ =	shalt  }
0x69: {  	_ =	shalt  }
0x6a: {  	_ =	shalt  }
0x6b: {  	_ =	shalt  }
0x6c: {  	_ =	shalt  }
0x6d: {  	_ =	shalt  }
0x6e: {  	_ =	shalt  }
0x6f: {  	_ =	shalt  }
0x70: {  	_ =	shalt  }
0x71: {  	_ =	shalt  }
0x72: {  	_ =	shalt  }
0x73: {  	_ =	shalt  }
0x74: {  	_ =	shalt  }
0x75: {  	_ =	shalt  }
0x76: {  	_ =	shalt  }
0x77: {  	_ =	shalt  }
0x78: {  	_ =	shalt  }
0x79: {  	_ =	shalt  }
0x7a: {  	_ =	shalt  }
0x7b: {  	_ =	shalt  }
0x7c: {  	_ =	shalt  }
0x7d: {  	_ =	shalt  }
0x7e: {  	_ =	shalt  }
0x7f: {  	_ =	shalt  }
0x80: {  	_ =	shalt  }
0x81: {  	_ =	shalt  }
0x82: {  	_ =	shalt  }
0x83: {  	_ =	shalt  }
0x84: {  	_ =	shalt  }
0x85: {  	_ =	shalt  }
0x86: {  	_ =	shalt  }
0x87: {  	_ =	shalt  }
.Lfunc_end0:
.L_simem_size_0:
called_computation.1_lowered:
.L_overlay_start_0:
0x88: {  	s2 =	sld [smem:$0x3FD9]  }
0x89: {  	s3 =	sld [smem:$0x3FFE];
	_ =	sdelay $0x1  }
0x8a: {  	s1 =	srdreg.scid  }
0x8b: {  	s0 =	sand.u32 $0x1, s1  }
0x8c: {  	s14 =	sshll.u32 s0, $0xA;
	s2 =	sadd.s32 s3, s2  }
0x8d: {  	s2 =	sadd.s32 s2, s14  }
0x8e: {  	[smem:$0x3FC3] =	sst s2  }
0x8f: {  	_ = 	snop  }
0x90: {  	s2 =	sld [smem:$0x3FD0];
	_ =	sdelay $0x2  }
0x91: {  	s15 =	simm.s32 $0xA;
	s4 =	simm.s32 $0x10  }
0x92: {  	[smem:s4], [sflag:s15] =	dma.local [hbm:s2], $0x1  }
0x93: {  	_ =	swait.eq [sflag:s15], $0x1  }
0x94: {  	[sflag:s15] =	ssyncset.done $0x0  }
0x95: {  	[sflag:s15] =	ssyncadd.s32 $0xFFFFFFFF  }
0x96: {  	s16 =	sld [smem:$0x10];
	(tm) =	ssettm $0x1  }
0x97: {  	s17 =	sld [smem:$0x3FFB];
	_ =	sdelay $0x3  }
0x98: {  	_ =	strace s17  }
0x99: {  	s3 =	sld [smem:$0x3FFC];
	_ =	sdelay $0x3  }
0x9a: {  	_ =	strace s3  }
0x9b: {  	s3 =	sld [smem:$0x3FFD];
	_ =	sdelay $0x3  }
0x9c: {  	_ =	strace s3  }
0x9d: {  	_ =	strace $0x8FFFFFFF  }
0x9e: {  	s18 =	sld [smem:$0x3FDB];
	_ =	sdelay $0x1  }
0x9f: {  	s19 =	simm.s32 $_scs_section_size  }
0xa0: {  	s5 =	simm.s32 $_size__tile_overlayer_lowered;
	s6 =	simm.s32 $_tile_overlayer_lowered  }
0xa1: {  	s22 =	simm.s32 $0x1BFF;
	s21 =	sshll.u32 s6, $0x1;
	s3 =	sadd.s32 s19, s18  }
0xa2: {  	s7 =	simm.s32 $0x0;
	s20 =	sshll.u32 s5, $0x1;
	s5 =	sadd.s32 s21, s3  }
0xa3: {  	[timem:s7], [sflag:s22] =	dma.local [hbm:s5], s20  }
0xa4: {  	_ =	swait.ge [sflag:s22], s20  }
0xa5: {  	s4 =	ssub.s32 $0x0, s20;
	[sflag:s22] =	ssyncset.done $0x0  }
0xa6: {  	[sflag:s22] =	ssyncadd.s32 s4;
	_ =	sdelay $0x1  }
0xa7: {  	s23 =	simm.s32 $0x1B8B  }
0xa8: {  	_ =	swait.ge [sflag:s23], $0x1  }
0xa9: {  	[sflag:s23] =	ssyncset.done $0x0  }
0xaa: {  	s25 =	simm.s32 $0x1B8E;
	s24 =	sld [smem:$0x3FFE];
	[sflag:s23] =	ssyncadd.s32 $0xFFFFFFFF  }
0xab: {  	s26 =	simm.s32 $execute0_lowered;
	[smem:$0x3FD2] =	sst s25  }
0xac: {  	s5 =	sshll.u32 s26, $0x1;
	_ =	strace $0x80000049;
	[dreg:$0x1] =	wrdreg $0xFFFFFFFF  }
0xad: {  	s28 =	simm.s32 $_size_execute0_lowered;
	s3 =	sadd.s32 s3, s5;
	[dreg:$0x0] =	wrdreg $0x0  }
0xae: {  	s5 =	sshll.u32 s28, $0x1;
	[dreg:$0x2] =	wrdreg s3  }
0xaf: {  	[dreg:$0x3] =	wrdreg s5  }
0xb0: {  	[dreg:$0x4] =	wrdreg $0xC0  }
0xb1: {  	_ =	task [dreg:s7], $0x5FFFF  }
0xb2: {  	[dreg:$0x1] =	wrdreg $0xFFFFFFFF  }
0xb3: {  	[dreg:$0x0] =	wrdreg $0x60  }
0xb4: {  	[dreg:$0x2] =	wrdreg s24  }
0xb5: {  	[dreg:$0x3] =	wrdreg s16  }
0xb6: {  	[dreg:$0x4] =	wrdreg $0x9  }
0xb7: {  	_ =	task.clear_ibuf [dreg:s7], $0x5FFFF;
	_ =	strace $0x90000049  }
0xb8: {  	s29 =	simm.s32 $0x9;
	_ =	strace $0x8000004B  }
0xb9: {  	_ =	swait.ge [sflag:s29], $0x1  }
0xba: {  	[sflag:s29] =	ssyncadd.s32 $0xFFFFFFFF  }
0xbb: {  	_ =	strace $0x9000004B  }
0xbc: {  	_ =	sfence  }
0xbd: {  	s30 =	sld [smem:$0x0];
	_ =	sdelay $0x2  }
0xbe: {  	s31 =	sshll.u32 s1, $0xD;
	s1 =	sshrl.u32 s1, $0x2  }
0xbf: {  	s3 =	sand.u32 $0x4000, s31;
	s1 =	sadd.s32 s1, s30  }
0xc0: {  	s0 =	sor.u32 s3, s0;
	s1 =	sshll.u32 s1, $0x11  }
0xc1: {  	s0 =	sor.u32 s1, s0  }
0xc2: {  	s0 =	sadd.s32 $0x8F2B, s0  }
0xc3: {  	[sflag:s0] =	ssyncadd.remote.s32 $0x1  }
0xc4: {  	_ =	sfence.sel $0xFFFF  }
0xc5: {  	[dreg:$0x0] =	wrdreg $0xFFFFFFFF;
	(pc) =	sbr.abs _section_cstart, $3  }
0xc6: {  	[dreg:$0x1] =	wrdreg $0xFFFFFFFF  }
0xc7: {  	_ =	task.clear_ibuf [dreg:s7], $0x2FFFF;
	_ =	strace $0x9FFFFFFF  }
0xc8: {  	(tm) =	ssettm $0x7FFFFFFF  }
0xc9: {  	_ =	shalt  }
tec
execute0_lowered:
.L_overlay_start_1:
0x0: {  	(tag) =	ssettag $0x1  }
0x1: {  	s0 =	rddreg [dreg:$0x0];
	s1 =	srdreg.scid  }
0x2: {  	s2 =	stileid.u32;
	s4 =	rddreg [dreg:$0x1];
	s12 =	simm.s32 $0x3  }
0x3: {  	s14 =	simm.s32 $0x200;
	s13 =	simm.s32 $0x9A00;
	s15 =	simm.s32 $0xA200  }
0x4: {  	s16 =	simm.s32 $0xB200;
	s17 =	simm.s32 $0xC200;
	s18 =	simm.s32 $0xCA00  }
0x5: {  	s19 =	simm.s32 $0xD200;
	s20 =	simm.s32 $0xDA00;
	s21 =	simm.s32 $0xE200  }
0x6: {  	s22 =	simm.s32 $0xEA00;
	s10 =	simm.s32 $0xF200;
	s23 =	simm.s32 $0xFA00  }
0x7: {  	s11 =	simm.s32 $0x1;
	s24 =	simm.s32 $0x2;
	s25 =	simm.s32 $0x0  }
0x8: {  	s1 =	sand.u32 $0x1, s1;
	s3 =	sshll.u32 s2, $0x1;
	s2 =	simm.s32 $0x0  }
0x9: {  	s8 =	sadd.s32 $0x100B00, s0;
	s5 =	sor.u32 s1, s3;
	[smem:$0x7FF] =	sst s2  }
0xa: {  	s1 =	ssub.s32 $0x2, s1;
	s3 =	sshll.u32 s5, $0x5;
	_ =	strace $0x8000004A  }
0xb: {  	s7 =	sshrl.u32 s1, $0x1;
	s5 =	sshll.u32 s5, $0xD;
	s6 =	sadd.s32 s3, s0  }
0xc: {  	s3 =	sadd.s32 $0x100800, s0;
	s1 =	ssub.s32 s1, s7;
	s29 =	sadd.s32 $0x100400, s6  }
0xd: {  	s9 =	sadd.s32 s4, s5;
	s6 =	sadd.s32 $0x100000, s6;
	[dreg:$0x3] =	wrdreg s29  }
0xe: {  	v2 =	vlaneseq.u32;
	s7 =	sadd.s32 $0x100A00, s0;
	s30 =	sadd.s32 $0x1000, s9;
	[dreg:$0x4] =	wrdreg s6  }
0xf: {  	vm0 =	vmmov $0xffff;
	v1 =	vshrl.u32 v2, $0x3;
	s4 =	simm.s32 $0xAA00;
	s31 =	smax.u32 s1, $0x1;
	[dreg:$0x5] =	wrdreg s30  }
0x10: {  	v0 =	vand.u32 $0x7, v2;
	v2 =	vor.u32 $0x8, v2;
	v1 =	vmul.u32 $0x8, v1;
	s5 =	simm.s32 $0xBA00;
	s6 =	sadd.s32 $0x100900, s0;
	[dreg:$0x6] =	wrdreg s31  }
.LBB2_1:
0x11: {  	s0 =	rddreg [dreg:$0x4]  }
0x12: {  	[tilespmem:s2], [sflag:$0x3] =	stream.linear.gather [hbm4b:s0+s2], $0x100, $0x38;
	[tilespmem:$0x10200] =	vst v63  }
0x13: {  	_ =	swait.ge [sflag:s12], $0x100  }
0x14: {  	[sflag:s12] =	ssyncset.done $0x0  }
0x15: {  	s1 =	simm.s32 $0x100;
	s31 =	rddreg [dreg:$0x3];
	[sflag:s12] =	ssyncadd.s32 $0xFFFFFF00  }
0x16: {  	[tilespmem:s1], [sflag:$0x3] =	stream.linear.gather [hbm4b:s31+s2], $0x100, $0x38;
	[tilespmem:$0x10200] =	vst v63  }
0x17: {  	_ =	swait.ge [sflag:s12], $0x100  }
0x18: {  	[sflag:s12] =	ssyncset.done $0x0  }
0x19: {  	[sflag:s12] =	ssyncadd.s32 $0xFFFFFF00  }
0x1a: {  	v3 =	vld [tilespmem:$0x0];
	_ =	sdelay $0x4  }
0x1b: {  	v4 =	vshll.u32 v3, $0x3  }
0x1c: {  	v3 =	vand.u32 $0x7, v3;
	v4 =	vand.u32 $0xFFFFFFC0, v4  }
0x1d: {  	v3 =	vor.u32 v3, v4  }
0x1e: {  	v4 =	vperm.xlane v3, v0;
	_ =	sdelay $0x1  }
0x1f: {  	v4 =	vadd.s32 v1, v4;
	_ =	sdelay $0x4  }
0x20: {  	[tilespmem:s14], [sflag:$0x1] =	stream.indirect_vreg.gather [hbm4b:s3+s2], $0x80, v4, vm0, $0xb8;
	[tilespmem:$0x10200] =	vst v63  }
0x21: {  	s1 =	simm.s32 $0xA00;
	v3 =	vperm.xlane v3, v2  }
0x22: {  	[tilespmem:s1], [sflag:$0x1] =	stream.indirect_vreg.gather [hbm4b:s6+s2], $0x80, v4, vm0, $0xb8;
	[tilespmem:$0x10200] =	vst v63  }
0x23: {  	s26 =	simm.s32 $0x1200;
	v3 =	vadd.s32 v1, v3  }
0x24: {  	[tilespmem:s26], [sflag:$0x1] =	stream.indirect_vreg.gather [hbm4b:s7+s2], $0x80, v4, vm0, $0xb8;
	[tilespmem:$0x10200] =	vst v63  }
0x25: {  	s31 =	simm.s32 $0x1A00  }
0x26: {  	[tilespmem:s31], [sflag:$0x1] =	stream.indirect_vreg.gather [hbm4b:s8+s2], $0x80, v4, vm0, $0xb8;
	[tilespmem:$0x10200] =	vst v63  }
0x27: {  	s1 =	simm.s32 $0x2200  }
0x28: {  	[tilespmem:s1], [sflag:$0x1] =	stream.indirect_vreg.gather [hbm4b:s3+s2], $0x80, v3, vm0, $0xb8;
	[tilespmem:$0x10200] =	vst v63  }
0x29: {  	s26 =	simm.s32 $0x2A00  }
0x2a: {  	[tilespmem:s26], [sflag:$0x1] =	stream.indirect_vreg.gather [hbm4b:s6+s2], $0x80, v3, vm0, $0xb8;
	[tilespmem:$0x10200] =	vst v63  }
0x2b: {  	s31 =	simm.s32 $0x3200  }
0x2c: {  	[tilespmem:s31], [sflag:$0x1] =	stream.indirect_vreg.gather [hbm4b:s7+s2], $0x80, v3, vm0, $0xb8;
	[tilespmem:$0x10200] =	vst v63  }
0x2d: {  	s1 =	simm.s32 $0x3A00  }
0x2e: {  	[tilespmem:s1], [sflag:$0x1] =	stream.indirect_vreg.gather [hbm4b:s8+s2], $0x80, v3, vm0, $0xb8;
	[tilespmem:$0x10200] =	vst v63  }
0x2f: {  	v3 =	vld [tilespmem:$0x10];
	_ =	sdelay $0x4  }
0x30: {  	v61 =	vshll.u32 v3, $0x3  }
0x31: {  	v3 =	vand.u32 $0x7, v3;
	v4 =	vand.u32 $0xFFFFFFC0, v61  }
0x32: {  	v3 =	vor.u32 v3, v4  }
0x33: {  	v4 =	vperm.xlane v3, v0;
	_ =	sdelay $0x1  }
0x34: {  	v4 =	vadd.s32 v1, v4;
	_ =	sdelay $0x3  }
0x35: {  	s26 =	simm.s32 $0x4200  }
0x36: {  	[tilespmem:s26], [sflag:$0x1] =	stream.indirect_vreg.gather [hbm4b:s3+s2], $0x80, v4, vm0, $0xb8;
	[tilespmem:$0x10200] =	vst v63  }
0x37: {  	s31 =	simm.s32 $0x4A00;
	v3 =	vperm.xlane v3, v2  }
0x38: {  	[tilespmem:s31], [sflag:$0x1] =	stream.indirect_vreg.gather [hbm4b:s6+s2], $0x80, v4, vm0, $0xb8;
	[tilespmem:$0x10200] =	vst v63  }
0x39: {  	s1 =	simm.s32 $0x5200;
	v3 =	vadd.s32 v1, v3  }
0x3a: {  	[tilespmem:s1], [sflag:$0x1] =	stream.indirect_vreg.gather [hbm4b:s7+s2], $0x80, v4, vm0, $0xb8;
	[tilespmem:$0x10200] =	vst v63  }
0x3b: {  	s26 =	simm.s32 $0x5A00  }
0x3c: {  	[tilespmem:s26], [sflag:$0x1] =	stream.indirect_vreg.gather [hbm4b:s8+s2], $0x80, v4, vm0, $0xb8;
	[tilespmem:$0x10200] =	vst v63  }
0x3d: {  	s31 =	simm.s32 $0x6200  }
0x3e: {  	[tilespmem:s31], [sflag:$0x1] =	stream.indirect_vreg.gather [hbm4b:s3+s2], $0x80, v3, vm0, $0xb8;
	[tilespmem:$0x10200] =	vst v63  }
0x3f: {  	s1 =	simm.s32 $0x6A00  }
0x40: {  	[tilespmem:s1], [sflag:$0x1] =	stream.indirect_vreg.gather [hbm4b:s6+s2], $0x80, v3, vm0, $0xb8;
	[tilespmem:$0x10200] =	vst v63  }
0x41: {  	s26 =	simm.s32 $0x7200  }
0x42: {  	[tilespmem:s26], [sflag:$0x1] =	stream.indirect_vreg.gather [hbm4b:s7+s2], $0x80, v3, vm0, $0xb8;
	[tilespmem:$0x10200] =	vst v63  }
0x43: {  	s31 =	simm.s32 $0x7A00  }
0x44: {  	[tilespmem:s31], [sflag:$0x1] =	stream.indirect_vreg.gather [hbm4b:s8+s2], $0x80, v3, vm0, $0xb8;
	[tilespmem:$0x10200] =	vst v63  }
0x45: {  	v3 =	vld [tilespmem:$0x100];
	_ =	sdelay $0x4  }
0x46: {  	v62 =	vshll.u32 v3, $0x3  }
0x47: {  	v3 =	vand.u32 $0x7, v3;
	v4 =	vand.u32 $0xFFFFFFC0, v62  }
0x48: {  	v3 =	vor.u32 v3, v4  }
0x49: {  	v4 =	vperm.xlane v3, v0;
	_ =	sdelay $0x1  }
0x4a: {  	v4 =	vadd.s32 v1, v4;
	_ =	sdelay $0x3  }
0x4b: {  	s1 =	simm.s32 $0x8200  }
0x4c: {  	[tilespmem:s1], [sflag:$0x2] =	stream.indirect_vreg.gather [hbm4b:s3+s2], $0x80, v4, vm0, $0xb8;
	[tilespmem:$0x10200] =	vst v63  }
0x4d: {  	s26 =	simm.s32 $0x8A00;
	v3 =	vperm.xlane v3, v2  }
0x4e: {  	[tilespmem:s26], [sflag:$0x2] =	stream.indirect_vreg.gather [hbm4b:s6+s2], $0x80, v4, vm0, $0xb8;
	[tilespmem:$0x10200] =	vst v63  }
0x4f: {  	s31 =	simm.s32 $0x9200;
	v3 =	vadd.s32 v1, v3  }
0x50: {  	[tilespmem:s31], [sflag:$0x2] =	stream.indirect_vreg.gather [hbm4b:s7+s2], $0x80, v4, vm0, $0xb8;
	[tilespmem:$0x10200] =	vst v63  }
0x51: {  	_ = 	snop  }
0x52: {  	[tilespmem:s13], [sflag:$0x2] =	stream.indirect_vreg.gather [hbm4b:s8+s2], $0x80, v4, vm0, $0xb8;
	[tilespmem:$0x10200] =	vst v63  }
0x53: {  	_ = 	snop  }
0x54: {  	[tilespmem:s15], [sflag:$0x2] =	stream.indirect_vreg.gather [hbm4b:s3+s2], $0x80, v3, vm0, $0xb8;
	[tilespmem:$0x10200] =	vst v63  }
0x55: {  	_ = 	snop  }
0x56: {  	[tilespmem:s4], [sflag:$0x2] =	stream.indirect_vreg.gather [hbm4b:s6+s2], $0x80, v3, vm0, $0xb8;
	[tilespmem:$0x10200] =	vst v63  }
0x57: {  	_ = 	snop  }
0x58: {  	[tilespmem:s16], [sflag:$0x2] =	stream.indirect_vreg.gather [hbm4b:s7+s2], $0x80, v3, vm0, $0xb8;
	[tilespmem:$0x10200] =	vst v63  }
0x59: {  	_ = 	snop  }
0x5a: {  	[tilespmem:s5], [sflag:$0x2] =	stream.indirect_vreg.gather [hbm4b:s8+s2], $0x80, v3, vm0, $0xb8;
	[tilespmem:$0x10200] =	vst v63  }
0x5b: {  	v3 =	vld [tilespmem:$0x110];
	_ =	sdelay $0x4  }
0x5c: {  	v63 =	vshll.u32 v3, $0x3  }
0x5d: {  	v3 =	vand.u32 $0x7, v3;
	v4 =	vand.u32 $0xFFFFFFC0, v63  }
0x5e: {  	v3 =	vor.u32 v3, v4  }
0x5f: {  	v4 =	vperm.xlane v3, v0;
	_ =	sdelay $0x1  }
0x60: {  	v4 =	vadd.s32 v1, v4;
	_ =	sdelay $0x4  }
0x61: {  	[tilespmem:s17], [sflag:$0x2] =	stream.indirect_vreg.gather [hbm4b:s3+s2], $0x80, v4, vm0, $0xb8;
	[tilespmem:$0x10200] =	vst v63  }
0x62: {  	v3 =	vperm.xlane v3, v2  }
0x63: {  	[tilespmem:s18], [sflag:$0x2] =	stream.indirect_vreg.gather [hbm4b:s6+s2], $0x80, v4, vm0, $0xb8;
	[tilespmem:$0x10200] =	vst v63  }
0x64: {  	v3 =	vadd.s32 v1, v3  }
0x65: {  	[tilespmem:s19], [sflag:$0x2] =	stream.indirect_vreg.gather [hbm4b:s7+s2], $0x80, v4, vm0, $0xb8;
	[tilespmem:$0x10200] =	vst v63  }
0x66: {  	_ = 	snop  }
0x67: {  	[tilespmem:s20], [sflag:$0x2] =	stream.indirect_vreg.gather [hbm4b:s8+s2], $0x80, v4, vm0, $0xb8;
	[tilespmem:$0x10200] =	vst v63  }
0x68: {  	_ = 	snop  }
0x69: {  	[tilespmem:s21], [sflag:$0x2] =	stream.indirect_vreg.gather [hbm4b:s3+s2], $0x80, v3, vm0, $0xb8;
	[tilespmem:$0x10200] =	vst v63  }
0x6a: {  	_ = 	snop  }
0x6b: {  	[tilespmem:s22], [sflag:$0x2] =	stream.indirect_vreg.gather [hbm4b:s6+s2], $0x80, v3, vm0, $0xb8;
	[tilespmem:$0x10200] =	vst v63  }
0x6c: {  	_ = 	snop  }
0x6d: {  	[tilespmem:s10], [sflag:$0x2] =	stream.indirect_vreg.gather [hbm4b:s7+s2], $0x80, v3, vm0, $0xb8;
	[tilespmem:$0x10200] =	vst v63  }
0x6e: {  	_ = 	snop  }
0x6f: {  	[tilespmem:s23], [sflag:$0x2] =	stream.indirect_vreg.gather [hbm4b:s8+s2], $0x80, v3, vm0, $0xb8;
	[tilespmem:$0x10200] =	vst v63  }
0x70: {  	_ =	swait.ge [sflag:s11], $0x8000  }
0x71: {  	[sflag:s11] =	ssyncset.done $0x0  }
0x72: {  	[sflag:s11] =	ssyncadd.s32 $0xFFFF8000  }
0x73: {  	_ =	swait.ge [sflag:s24], $0x8000  }
0x74: {  	s28 =	simm.s32 $0x0;
	s29 =	simm.s32 $0x0;
	[sflag:s24] =	ssyncset.done $0x0  }
0x75: {  	s30 =	simm.s32 $0x0;
	s26 =	simm.s32 $0xFFFF8000;
	[sflag:s24] =	ssyncadd.s32 $0xFFFF8000  }
.LBB2_2:
0x76: {  	s31 =	sadd.s32 $0x8000, s26  }
0x77: {  	s1 =	sand.u32 $0x380, s30;
	s31 =	sand.u32 $0x6000, s31  }
0x78: {  	s31 =	sor.u32 s1, s31  }
0x79: {  	v3 =	vld [tilespmem:s31+$0x200]  }
0x7a: {  	v4 =	vld [tilespmem:s31+$0x8200]  }
0x7b: {  	v5 =	vld [tilespmem:s31+$0x210]  }
0x7c: {  	v6 =	vld [tilespmem:s31+$0x8210]  }
0x7d: {  	v7 =	vld [tilespmem:s31+$0x220]  }
0x7e: {  	v8 =	vld [tilespmem:s31+$0x8220]  }
0x7f: {  	v9 =	vld [tilespmem:s31+$0x230]  }
0x80: {  	v10 =	vld [tilespmem:s31+$0x8230]  }
0x81: {  	v11 =	vld [tilespmem:s31+$0x240]  }
0x82: {  	v12 =	vld [tilespmem:s31+$0x8240]  }
0x83: {  	v13 =	vld [tilespmem:s31+$0x250]  }
0x84: {  	v14 =	vld [tilespmem:s31+$0x8250]  }
0x85: {  	v15 =	vld [tilespmem:s31+$0x260]  }
0x86: {  	v16 =	vld [tilespmem:s31+$0x8260]  }
0x87: {  	v17 =	vld [tilespmem:s31+$0x270]  }
0x88: {  	v18 =	vld [tilespmem:s31+$0x8270]  }
0x89: {  	v19 =	vld [tilespmem:s31+$0x600]  }
0x8a: {  	v20 =	vld [tilespmem:s31+$0x8600]  }
0x8b: {  	v21 =	vld [tilespmem:s31+$0x610]  }
0x8c: {  	v22 =	vld [tilespmem:s31+$0x8610]  }
0x8d: {  	v23 =	vld [tilespmem:s31+$0x620]  }
0x8e: {  	v24 =	vld [tilespmem:s31+$0x8620]  }
0x8f: {  	v25 =	vld [tilespmem:s31+$0x630]  }
0x90: {  	v26 =	vld [tilespmem:s31+$0x8630]  }
0x91: {  	v27 =	vld [tilespmem:s31+$0x640]  }
0x92: {  	v28 =	vld [tilespmem:s31+$0x8640]  }
0x93: {  	v29 =	vld [tilespmem:s31+$0x650]  }
0x94: {  	v30 =	vld [tilespmem:s31+$0x8650]  }
0x95: {  	v31 =	vld [tilespmem:s31+$0x660]  }
0x96: {  	v32 =	vld [tilespmem:s31+$0x8660]  }
0x97: {  	v33 =	vld [tilespmem:s31+$0x670]  }
0x98: {  	v34 =	vld [tilespmem:s31+$0x8670]  }
0x99: {  	v35 =	vld [tilespmem:s31+$0xA00]  }
0x9a: {  	v36 =	vld [tilespmem:s31+$0x8A00]  }
0x9b: {  	v37 =	vld [tilespmem:s31+$0xA10]  }
0x9c: {  	v38 =	vld [tilespmem:s31+$0x8A10]  }
0x9d: {  	v39 =	vld [tilespmem:s31+$0xA20]  }
0x9e: {  	v40 =	vld [tilespmem:s31+$0x8A20]  }
0x9f: {  	v41 =	vld [tilespmem:s31+$0xA30]  }
0xa0: {  	v42 =	vld [tilespmem:s31+$0x8A30]  }
0xa1: {  	v43 =	vld [tilespmem:s31+$0xA40]  }
0xa2: {  	v44 =	vld [tilespmem:s31+$0x8A40]  }
0xa3: {  	v45 =	vld [tilespmem:s31+$0xA50]  }
0xa4: {  	v46 =	vld [tilespmem:s31+$0x8A50]  }
0xa5: {  	v47 =	vld [tilespmem:s31+$0xA60]  }
0xa6: {  	v48 =	vld [tilespmem:s31+$0x8A60]  }
0xa7: {  	v49 =	vld [tilespmem:s31+$0xA70]  }
0xa8: {  	v50 =	vld [tilespmem:s31+$0x8A70]  }
0xa9: {  	v51 =	vld [tilespmem:s31+$0xE00]  }
0xaa: {  	v52 =	vld [tilespmem:s31+$0x8E00]  }
0xab: {  	v53 =	vld [tilespmem:s31+$0xE10]  }
0xac: {  	v54 =	vld [tilespmem:s31+$0x8E10]  }
0xad: {  	v55 =	vld [tilespmem:s31+$0xE20]  }
0xae: {  	v56 =	vld [tilespmem:s31+$0x8E20]  }
0xaf: {  	v57 =	vld [tilespmem:s31+$0xE30]  }
0xb0: {  	v58 =	vld [tilespmem:s31+$0x8E30]  }
0xb1: {  	v59 =	vld [tilespmem:s31+$0xE40]  }
0xb2: {  	v60 =	vld [tilespmem:s31+$0x8E40]  }
0xb3: {  	v61 =	vld [tilespmem:s31+$0xE50]  }
0xb4: {  	v62 =	vld [tilespmem:s31+$0x8E50]  }
0xb5: {  	v63 =	vld [tilespmem:s31+$0xE60]  }
0xb6: {  	v3 =	vadd.f32 v4, v3;
	v4 =	vld [tilespmem:s31+$0x8E60]  }
0xb7: {  	v5 =	vadd.f32 v6, v5;
	v6 =	vld [tilespmem:s31+$0xE70]  }
0xb8: {  	v14 =	vadd.f32 v14, v13;
	v13 =	vld [tilespmem:s31+$0x9220];
	[tilespmem:s31+$0x200] =	vst v3;
	v3 =	vadd.f32 v8, v7  }
0xb9: {  	v18 =	vadd.f32 v18, v17;
	v17 =	vld [tilespmem:s31+$0x9240];
	[tilespmem:s31+$0x210] =	vst v5  }
0xba: {  	v22 =	vadd.f32 v22, v21;
	v21 =	vld [tilespmem:s31+$0x9260];
	[tilespmem:s31+$0x220] =	vst v3;
	v3 =	vadd.f32 v12, v11  }
0xbb: {  	v7 =	vld [tilespmem:s31+$0x8E70];
	[tilespmem:s31+$0x250] =	vst v14  }
0xbc: {  	v8 =	vld [tilespmem:s31+$0x1200];
	[tilespmem:s31+$0x240] =	vst v3;
	v3 =	vadd.f32 v16, v15  }
0xbd: {  	v5 =	vadd.f32 v10, v9;
	v9 =	vld [tilespmem:s31+$0x9200];
	[tilespmem:s31+$0x270] =	vst v18  }
0xbe: {  	v10 =	vld [tilespmem:s31+$0x1210];
	[tilespmem:s31+$0x260] =	vst v3;
	v3 =	vadd.f32 v20, v19  }
0xbf: {  	v26 =	vadd.f32 v26, v25;
	v14 =	vld [tilespmem:s31+$0x1230];
	[tilespmem:s31+$0x610] =	vst v22  }
0xc0: {  	v18 =	vld [tilespmem:s31+$0x1250];
	[tilespmem:s31+$0x600] =	vst v3;
	v3 =	vadd.f32 v24, v23  }
0xc1: {  	v30 =	vadd.f32 v30, v29;
	[tilespmem:s31+$0x630] =	vst v26;
	v22 =	vld [tilespmem:s31+$0x1270]  }
0xc2: {  	v19 =	vld [tilespmem:s31+$0x9250];
	[tilespmem:s31+$0x620] =	vst v3;
	v3 =	vadd.f32 v28, v27  }
0xc3: {  	v34 =	vadd.f32 v34, v33;
	[tilespmem:s31+$0x650] =	vst v30;
	v11 =	vld [tilespmem:s31+$0x9210]  }
0xc4: {  	v12 =	vld [tilespmem:s31+$0x1220];
	[tilespmem:s31+$0x640] =	vst v3;
	v3 =	vadd.f32 v32, v31  }
0xc5: {  	[tilespmem:s31+$0x670] =	vst v34;
	v15 =	vld [tilespmem:s31+$0x9230]  }
0xc6: {  	v16 =	vld [tilespmem:s31+$0x1240];
	[tilespmem:s31+$0x660] =	vst v3;
	v3 =	vadd.f32 v36, v35  }
0xc7: {  	[tilespmem:s31+$0x230] =	vst v5;
	v20 =	vld [tilespmem:s31+$0x1260];
	v19 =	vadd.f32 v19, v18  }
0xc8: {  	v24 =	vld [tilespmem:s31+$0x1600];
	[tilespmem:s31+$0xA00] =	vst v3;
	v3 =	vadd.f32 v40, v39  }
0xc9: {  	[tilespmem:s31+$0x1250] =	vst v19;
	v36 =	vadd.f32 v38, v37;
	v37 =	vld [tilespmem:s31+$0x9270]  }
0xca: {  	v38 =	vadd.f32 v42, v41;
	v41 =	vld [tilespmem:s31+$0x1610];
	[tilespmem:s31+$0xA20] =	vst v3;
	v3 =	vadd.f32 v44, v43  }
0xcb: {  	v42 =	vld [tilespmem:s31+$0x9610];
	[tilespmem:s31+$0xA10] =	vst v36  }
0xcc: {  	v35 =	vld [tilespmem:s31+$0x1A10];
	[tilespmem:s31+$0xA40] =	vst v3;
	v3 =	vadd.f32 v48, v47  }
0xcd: {  	v39 =	vld [tilespmem:s31+$0x9600];
	[tilespmem:s31+$0xA30] =	vst v38;
	v40 =	vadd.f32 v46, v45  }
0xce: {  	v45 =	vld [tilespmem:s31+$0x9620];
	[tilespmem:s31+$0xA60] =	vst v3;
	v3 =	vadd.f32 v52, v51  }
0xcf: {  	v46 =	vadd.f32 v54, v53;
	v53 =	vld [tilespmem:s31+$0x1650];
	[tilespmem:s31+$0xA50] =	vst v40  }
0xd0: {  	v54 =	vld [tilespmem:s31+$0x9650];
	[tilespmem:s31+$0xE00] =	vst v3;
	v3 =	vadd.f32 v56, v55  }
0xd1: {  	v36 =	vld [tilespmem:s31+$0x9A10];
	v43 =	vadd.f32 v50, v49;
	[tilespmem:s31+$0xE10] =	vst v46  }
0xd2: {  	v38 =	vld [tilespmem:s31+$0x1A20];
	[tilespmem:s31+$0xE20] =	vst v3;
	v3 =	vadd.f32 v60, v59  }
0xd3: {  	v44 =	vld [tilespmem:s31+$0x1620];
	v49 =	vadd.f32 v58, v57;
	[tilespmem:s31+$0xA70] =	vst v43  }
0xd4: {  	v50 =	vld [tilespmem:s31+$0x1640];
	[tilespmem:s31+$0xE40] =	vst v3;
	v3 =	vadd.f32 v4, v63  }
0xd5: {  	v57 =	vld [tilespmem:s31+$0x9660];
	v58 =	vadd.f32 v11, v10;
	[tilespmem:s31+$0xE30] =	vst v49  }
0xd6: {  	v46 =	vld [tilespmem:s31+$0x9A50];
	[tilespmem:s31+$0xE60] =	vst v3;
	v3 =	vadd.f32 v9, v8  }
0xd7: {  	v37 =	vadd.f32 v37, v22;
	v40 =	vadd.f32 v42, v41;
	v41 =	vld [tilespmem:s31+$0x1A30];
	[tilespmem:s31+$0x1210] =	vst v58  }
0xd8: {  	v42 =	vld [tilespmem:s31+$0x9A30];
	[tilespmem:s31+$0x1200] =	vst v3;
	v3 =	vadd.f32 v13, v12  }
0xd9: {  	v47 =	vld [tilespmem:s31+$0x1630];
	[tilespmem:s31+$0x1270] =	vst v37  }
0xda: {  	v48 =	vld [tilespmem:s31+$0x9630];
	[tilespmem:s31+$0x1220] =	vst v3;
	v3 =	vadd.f32 v17, v16  }
0xdb: {  	v49 =	vld [tilespmem:s31+$0x9A60];
	[tilespmem:s31+$0x1610] =	vst v40;
	v52 =	vadd.f32 v62, v61  }
0xdc: {  	v51 =	vld [tilespmem:s31+$0x9640];
	[tilespmem:s31+$0x1240] =	vst v3;
	v3 =	vadd.f32 v21, v20  }
0xdd: {  	v61 =	vadd.f32 v15, v14;
	v62 =	vld [tilespmem:s31+$0x1A00];
	[tilespmem:s31+$0xE50] =	vst v52  }
0xde: {  	v56 =	vld [tilespmem:s31+$0x1660];
	[tilespmem:s31+$0x1260] =	vst v3;
	v3 =	vadd.f32 v39, v24  }
0xdf: {  	v55 =	vadd.f32 v7, v6;
	[tilespmem:s31+$0x1230] =	vst v61;
	v52 =	vld [tilespmem:s31+$0x9A70]  }
0xe0: {  	v43 =	vadd.f32 v48, v47;
	v47 =	vld [tilespmem:s31+$0x1A60];
	[tilespmem:s31+$0x1600] =	vst v3;
	v3 =	vadd.f32 v45, v44  }
0xe1: {  	[tilespmem:s31+$0xE70] =	vst v55;
	v63 =	vld [tilespmem:s31+$0x9A00]  }
0xe2: {  	v59 =	vld [tilespmem:s31+$0x1670];
	[tilespmem:s31+$0x1620] =	vst v3;
	v3 =	vadd.f32 v51, v50  }
0xe3: {  	[tilespmem:s31+$0x1630] =	vst v43;
	v4 =	vadd.f32 v54, v53;
	v39 =	vld [tilespmem:s31+$0x9A20]  }
0xe4: {  	v60 =	vld [tilespmem:s31+$0x9670];
	[tilespmem:s31+$0x1640] =	vst v3;
	v3 =	vadd.f32 v57, v56  }
0xe5: {  	v54 =	vadd.f32 v42, v41;
	[tilespmem:s31+$0x1650] =	vst v4;
	v45 =	vld [tilespmem:s31+$0x1A50]  }
0xe6: {  	v53 =	vld [tilespmem:s31+$0x9A40];
	[tilespmem:s31+$0x1660] =	vst v3;
	v3 =	vadd.f32 v63, v62  }
0xe7: {  	[tilespmem:s31+$0x1A30] =	vst v54;
	v55 =	vadd.f32 v49, v47;
	v50 =	vld [tilespmem:s31+$0x1A70]  }
0xe8: {  	v44 =	vld [tilespmem:s31+$0x1A40];
	[tilespmem:s31+$0x1A00] =	vst v3;
	v3 =	vadd.f32 v39, v38  }
0xe9: {  	v48 =	vadd.f32 v60, v59;
	[tilespmem:s31+$0x1A60] =	vst v55  }
0xea: {  	[tilespmem:s31+$0x1A20] =	vst v3;
	v3 =	vadd.f32 v46, v45  }
0xeb: {  	s0 =	sand.u32 $0x7, s28;
	[tilespmem:s31+$0x1670] =	vst v48;
	v51 =	vadd.f32 v36, v35  }
0xec: {  	s1 =	sshll.u32 s0, $0x7;
	[tilespmem:s31+$0x1A50] =	vst v3;
	v3 =	vadd.f32 v52, v50  }
0xed: {  	s1 =	sadd.s32 s1, s29;
	[tilespmem:s31+$0x1A10] =	vst v51;
	v56 =	vadd.f32 v53, v44  }
0xee: {  	s0 =	sor.u32 $0x1C00, s1;
	[tilespmem:s31+$0x1A70] =	vst v3  }
0xef: {  	[tilespmem:s31+$0x1A40] =	vst v56;
	v3 =	vld [tilespmem:s0+$0x200]  }
0xf0: {  	v4 =	vld [tilespmem:s0+$0x8200];
	_ =	sdelay $0x4  }
0xf1: {  	v3 =	vadd.f32 v4, v3;
	_ =	sdelay $0x1  }
0xf2: {  	s31 =	sor.u32 $0x1C10, s1;
	[tilespmem:s0+$0x200] =	vst v3  }
0xf3: {  	v3 =	vld [tilespmem:s31+$0x200]  }
0xf4: {  	v57 =	vld [tilespmem:s31+$0x8200];
	_ =	sdelay $0x4  }
0xf5: {  	v3 =	vadd.f32 v57, v3;
	_ =	sdelay $0x1  }
0xf6: {  	[tilespmem:s31+$0x200] =	vst v3;
	s31 =	sor.u32 $0x1C20, s1  }
0xf7: {  	v3 =	vld [tilespmem:s31+$0x200]  }
0xf8: {  	v58 =	vld [tilespmem:s31+$0x8200];
	_ =	sdelay $0x4  }
0xf9: {  	v3 =	vadd.f32 v58, v3;
	_ =	sdelay $0x1  }
0xfa: {  	[tilespmem:s31+$0x200] =	vst v3;
	s31 =	sor.u32 $0x1C30, s1  }
0xfb: {  	v3 =	vld [tilespmem:s31+$0x200]  }
0xfc: {  	v59 =	vld [tilespmem:s31+$0x8200];
	_ =	sdelay $0x4  }
0xfd: {  	v3 =	vadd.f32 v59, v3;
	_ =	sdelay $0x1  }
0xfe: {  	[tilespmem:s31+$0x200] =	vst v3;
	s31 =	sor.u32 $0x1C40, s1  }
0xff: {  	v3 =	vld [tilespmem:s31+$0x200]  }
0x100: {  	v60 =	vld [tilespmem:s31+$0x8200];
	_ =	sdelay $0x4  }
0x101: {  	v3 =	vadd.f32 v60, v3;
	_ =	sdelay $0x1  }
0x102: {  	[tilespmem:s31+$0x200] =	vst v3;
	s31 =	sor.u32 $0x1C50, s1  }
0x103: {  	v3 =	vld [tilespmem:s31+$0x200]  }
0x104: {  	v61 =	vld [tilespmem:s31+$0x8200];
	_ =	sdelay $0x4  }
0x105: {  	v3 =	vadd.f32 v61, v3;
	_ =	sdelay $0x1  }
0x106: {  	[tilespmem:s31+$0x200] =	vst v3;
	s31 =	sor.u32 $0x1C60, s1  }
0x107: {  	v3 =	vld [tilespmem:s31+$0x200]  }
0x108: {  	v62 =	vld [tilespmem:s31+$0x8200];
	_ =	sdelay $0x4  }
0x109: {  	v3 =	vadd.f32 v62, v3;
	_ =	sdelay $0x1  }
0x10a: {  	[tilespmem:s31+$0x200] =	vst v3;
	s31 =	sor.u32 $0x1C70, s1  }
0x10b: {  	v3 =	vld [tilespmem:s31+$0x200]  }
0x10c: {  	v63 =	vld [tilespmem:s31+$0x8200];
	_ =	sdelay $0x1  }
0x10d: {  	p0 =	sne.s32 s30, $0xF80  }
.Ltmp0:
0x10e: {  	_ = 	snop;
	(pc) =	sbr.rel @p0 .LBB2_2-.Ltmp0, $4  }
0x10f: {  	_ = 	snop  }
0x110: {  	v3 =	vadd.f32 v63, v3  }
0x111: {  	s28 =	sadd.s32 $0x1, s28  }
0x112: {  	s26 =	sadd.s32 $0x400, s26;
	s30 =	sadd.s32 $0x80, s30;
	s29 =	sadd.s32 $0x400, s29;
	[tilespmem:s31+$0x200] =	vst v3  }
0x113: {  	s26 =	simm.s32 $0x0  }
0x114: {  	[hbm4b:s9+s26] =	stream.linear.scatter [tilespmem:s14], [sflag:$0x3], $0x8000, $0x38;
	[tilespmem:$0x10200] =	vst v63  }
0x115: {  	_ =	swait.ge [sflag:s12], $0x8000  }
0x116: {  	[sflag:s12] =	ssyncset.done $0x0  }
0x117: {  	[sflag:s12] =	ssyncadd.s32 $0xFFFF8000  }
0x118: {  	v3 =	vld [tilespmem:$0x80];
	_ =	sdelay $0x4  }
0x119: {  	v4 =	vshll.u32 v3, $0x3  }
0x11a: {  	v3 =	vand.u32 $0x7, v3;
	v4 =	vand.u32 $0xFFFFFFC0, v4  }
0x11b: {  	v3 =	vor.u32 v3, v4  }
0x11c: {  	v4 =	vperm.xlane v3, v0;
	_ =	sdelay $0x1  }
0x11d: {  	v4 =	vadd.s32 v1, v4;
	_ =	sdelay $0x4  }
0x11e: {  	[tilespmem:s14], [sflag:$0x1] =	stream.indirect_vreg.gather [hbm4b:s3+s26], $0x80, v4, vm0, $0xb8;
	[tilespmem:$0x10200] =	vst v63  }
0x11f: {  	s0 =	simm.s32 $0xA00;
	v3 =	vperm.xlane v3, v2  }
0x120: {  	[tilespmem:s0], [sflag:$0x1] =	stream.indirect_vreg.gather [hbm4b:s6+s26], $0x80, v4, vm0, $0xb8;
	[tilespmem:$0x10200] =	vst v63  }
0x121: {  	s31 =	simm.s32 $0x1200;
	v3 =	vadd.s32 v1, v3  }
0x122: {  	[tilespmem:s31], [sflag:$0x1] =	stream.indirect_vreg.gather [hbm4b:s7+s26], $0x80, v4, vm0, $0xb8;
	[tilespmem:$0x10200] =	vst v63  }
0x123: {  	s1 =	simm.s32 $0x1A00  }
0x124: {  	[tilespmem:s1], [sflag:$0x1] =	stream.indirect_vreg.gather [hbm4b:s8+s26], $0x80, v4, vm0, $0xb8;
	[tilespmem:$0x10200] =	vst v63  }
0x125: {  	s31 =	simm.s32 $0x2200  }
0x126: {  	[tilespmem:s31], [sflag:$0x1] =	stream.indirect_vreg.gather [hbm4b:s3+s26], $0x80, v3, vm0, $0xb8;
	[tilespmem:$0x10200] =	vst v63  }
0x127: {  	s1 =	simm.s32 $0x2A00  }
0x128: {  	[tilespmem:s1], [sflag:$0x1] =	stream.indirect_vreg.gather [hbm4b:s6+s26], $0x80, v3, vm0, $0xb8;
	[tilespmem:$0x10200] =	vst v63  }
0x129: {  	s31 =	simm.s32 $0x3200  }
0x12a: {  	[tilespmem:s31], [sflag:$0x1] =	stream.indirect_vreg.gather [hbm4b:s7+s26], $0x80, v3, vm0, $0xb8;
	[tilespmem:$0x10200] =	vst v63  }
0x12b: {  	s1 =	simm.s32 $0x3A00  }
0x12c: {  	[tilespmem:s1], [sflag:$0x1] =	stream.indirect_vreg.gather [hbm4b:s8+s26], $0x80, v3, vm0, $0xb8;
	[tilespmem:$0x10200] =	vst v63  }
0x12d: {  	v3 =	vld [tilespmem:$0x90];
	_ =	sdelay $0x4  }
0x12e: {  	v61 =	vshll.u32 v3, $0x3  }
0x12f: {  	v3 =	vand.u32 $0x7, v3;
	v4 =	vand.u32 $0xFFFFFFC0, v61  }
0x130: {  	v3 =	vor.u32 v3, v4  }
0x131: {  	v4 =	vperm.xlane v3, v0;
	_ =	sdelay $0x1  }
0x132: {  	v4 =	vadd.s32 v1, v4;
	_ =	sdelay $0x3  }
0x133: {  	s31 =	simm.s32 $0x4200  }
0x134: {  	[tilespmem:s31], [sflag:$0x1] =	stream.indirect_vreg.gather [hbm4b:s3+s26], $0x80, v4, vm0, $0xb8;
	[tilespmem:$0x10200] =	vst v63  }
0x135: {  	s1 =	simm.s32 $0x4A00;
	v3 =	vperm.xlane v3, v2  }
0x136: {  	[tilespmem:s1], [sflag:$0x1] =	stream.indirect_vreg.gather [hbm4b:s6+s26], $0x80, v4, vm0, $0xb8;
	[tilespmem:$0x10200] =	vst v63  }
0x137: {  	v3 =	vadd.s32 v1, v3;
	s31 =	simm.s32 $0x5200  }
0x138: {  	[tilespmem:s31], [sflag:$0x1] =	stream.indirect_vreg.gather [hbm4b:s7+s26], $0x80, v4, vm0, $0xb8;
	[tilespmem:$0x10200] =	vst v63  }
0x139: {  	s1 =	simm.s32 $0x5A00  }
0x13a: {  	[tilespmem:s1], [sflag:$0x1] =	stream.indirect_vreg.gather [hbm4b:s8+s26], $0x80, v4, vm0, $0xb8;
	[tilespmem:$0x10200] =	vst v63  }
0x13b: {  	s31 =	simm.s32 $0x6200  }
0x13c: {  	[tilespmem:s31], [sflag:$0x1] =	stream.indirect_vreg.gather [hbm4b:s3+s26], $0x80, v3, vm0, $0xb8;
	[tilespmem:$0x10200] =	vst v63  }
0x13d: {  	s1 =	simm.s32 $0x6A00  }
0x13e: {  	[tilespmem:s1], [sflag:$0x1] =	stream.indirect_vreg.gather [hbm4b:s6+s26], $0x80, v3, vm0, $0xb8;
	[tilespmem:$0x10200] =	vst v63  }
0x13f: {  	s31 =	simm.s32 $0x7200  }
0x140: {  	[tilespmem:s31], [sflag:$0x1] =	stream.indirect_vreg.gather [hbm4b:s7+s26], $0x80, v3, vm0, $0xb8;
	[tilespmem:$0x10200] =	vst v63  }
0x141: {  	s1 =	simm.s32 $0x7A00  }
0x142: {  	[tilespmem:s1], [sflag:$0x1] =	stream.indirect_vreg.gather [hbm4b:s8+s26], $0x80, v3, vm0, $0xb8;
	[tilespmem:$0x10200] =	vst v63  }
0x143: {  	v3 =	vld [tilespmem:$0x180];
	_ =	sdelay $0x4  }
0x144: {  	v62 =	vshll.u32 v3, $0x3  }
0x145: {  	v3 =	vand.u32 $0x7, v3;
	v4 =	vand.u32 $0xFFFFFFC0, v62  }
0x146: {  	v3 =	vor.u32 v3, v4  }
0x147: {  	v4 =	vperm.xlane v3, v0;
	_ =	sdelay $0x1  }
0x148: {  	v4 =	vadd.s32 v1, v4;
	_ =	sdelay $0x3  }
0x149: {  	s31 =	simm.s32 $0x8200  }
0x14a: {  	[tilespmem:s31], [sflag:$0x2] =	stream.indirect_vreg.gather [hbm4b:s3+s26], $0x80, v4, vm0, $0xb8;
	[tilespmem:$0x10200] =	vst v63  }
0x14b: {  	s1 =	simm.s32 $0x8A00;
	v3 =	vperm.xlane v3, v2  }
0x14c: {  	[tilespmem:s1], [sflag:$0x2] =	stream.indirect_vreg.gather [hbm4b:s6+s26], $0x80, v4, vm0, $0xb8;
	[tilespmem:$0x10200] =	vst v63  }
0x14d: {  	v3 =	vadd.s32 v1, v3;
	s31 =	simm.s32 $0x9200  }
0x14e: {  	[tilespmem:s31], [sflag:$0x2] =	stream.indirect_vreg.gather [hbm4b:s7+s26], $0x80, v4, vm0, $0xb8;
	[tilespmem:$0x10200] =	vst v63  }
0x14f: {  	_ = 	snop  }
0x150: {  	[tilespmem:s13], [sflag:$0x2] =	stream.indirect_vreg.gather [hbm4b:s8+s26], $0x80, v4, vm0, $0xb8;
	[tilespmem:$0x10200] =	vst v63  }
0x151: {  	_ = 	snop  }
0x152: {  	[tilespmem:s15], [sflag:$0x2] =	stream.indirect_vreg.gather [hbm4b:s3+s26], $0x80, v3, vm0, $0xb8;
	[tilespmem:$0x10200] =	vst v63  }
0x153: {  	_ = 	snop  }
0x154: {  	[tilespmem:s4], [sflag:$0x2] =	stream.indirect_vreg.gather [hbm4b:s6+s26], $0x80, v3, vm0, $0xb8;
	[tilespmem:$0x10200] =	vst v63  }
0x155: {  	_ = 	snop  }
0x156: {  	[tilespmem:s16], [sflag:$0x2] =	stream.indirect_vreg.gather [hbm4b:s7+s26], $0x80, v3, vm0, $0xb8;
	[tilespmem:$0x10200] =	vst v63  }
0x157: {  	_ = 	snop  }
0x158: {  	[tilespmem:s5], [sflag:$0x2] =	stream.indirect_vreg.gather [hbm4b:s8+s26], $0x80, v3, vm0, $0xb8;
	[tilespmem:$0x10200] =	vst v63  }
0x159: {  	v3 =	vld [tilespmem:$0x190];
	_ =	sdelay $0x4  }
0x15a: {  	v63 =	vshll.u32 v3, $0x3  }
0x15b: {  	v3 =	vand.u32 $0x7, v3;
	v4 =	vand.u32 $0xFFFFFFC0, v63  }
0x15c: {  	v3 =	vor.u32 v3, v4  }
0x15d: {  	v4 =	vperm.xlane v3, v0;
	_ =	sdelay $0x1  }
0x15e: {  	v4 =	vadd.s32 v1, v4;
	_ =	sdelay $0x4  }
0x15f: {  	[tilespmem:s17], [sflag:$0x2] =	stream.indirect_vreg.gather [hbm4b:s3+s26], $0x80, v4, vm0, $0xb8;
	[tilespmem:$0x10200] =	vst v63  }
0x160: {  	v3 =	vperm.xlane v3, v2  }
0x161: {  	[tilespmem:s18], [sflag:$0x2] =	stream.indirect_vreg.gather [hbm4b:s6+s26], $0x80, v4, vm0, $0xb8;
	[tilespmem:$0x10200] =	vst v63  }
0x162: {  	v3 =	vadd.s32 v1, v3  }
0x163: {  	[tilespmem:s19], [sflag:$0x2] =	stream.indirect_vreg.gather [hbm4b:s7+s26], $0x80, v4, vm0, $0xb8;
	[tilespmem:$0x10200] =	vst v63  }
0x164: {  	_ = 	snop  }
0x165: {  	[tilespmem:s20], [sflag:$0x2] =	stream.indirect_vreg.gather [hbm4b:s8+s26], $0x80, v4, vm0, $0xb8;
	[tilespmem:$0x10200] =	vst v63  }
0x166: {  	_ = 	snop  }
0x167: {  	[tilespmem:s21], [sflag:$0x2] =	stream.indirect_vreg.gather [hbm4b:s3+s26], $0x80, v3, vm0, $0xb8;
	[tilespmem:$0x10200] =	vst v63  }
0x168: {  	_ = 	snop  }
0x169: {  	[tilespmem:s22], [sflag:$0x2] =	stream.indirect_vreg.gather [hbm4b:s6+s26], $0x80, v3, vm0, $0xb8;
	[tilespmem:$0x10200] =	vst v63  }
0x16a: {  	_ = 	snop  }
0x16b: {  	[tilespmem:s10], [sflag:$0x2] =	stream.indirect_vreg.gather [hbm4b:s7+s26], $0x80, v3, vm0, $0xb8;
	[tilespmem:$0x10200] =	vst v63  }
0x16c: {  	_ = 	snop  }
0x16d: {  	[tilespmem:s23], [sflag:$0x2] =	stream.indirect_vreg.gather [hbm4b:s8+s26], $0x80, v3, vm0, $0xb8;
	[tilespmem:$0x10200] =	vst v63  }
0x16e: {  	_ =	swait.ge [sflag:s11], $0x8000  }
0x16f: {  	[sflag:s11] =	ssyncset.done $0x0  }
0x170: {  	[sflag:s11] =	ssyncadd.s32 $0xFFFF8000  }
0x171: {  	_ =	swait.ge [sflag:s24], $0x8000  }
0x172: {  	s28 =	simm.s32 $0xFFFF8000;
	[sflag:s24] =	ssyncset.done $0x0  }
0x173: {  	s29 =	simm.s32 $0x0;
	s30 =	simm.s32 $0x0;
	[sflag:s24] =	ssyncadd.s32 $0xFFFF8000  }
.LBB2_4:
0x174: {  	s0 =	sadd.s32 $0x8000, s28  }
0x175: {  	s1 =	sand.u32 $0x380, s30;
	s0 =	sand.u32 $0x6000, s0  }
0x176: {  	s31 =	sor.u32 s1, s0  }
0x177: {  	v3 =	vld [tilespmem:s31+$0x200]  }
0x178: {  	v4 =	vld [tilespmem:s31+$0x8200]  }
0x179: {  	v5 =	vld [tilespmem:s31+$0x210]  }
0x17a: {  	v6 =	vld [tilespmem:s31+$0x8210]  }
0x17b: {  	v7 =	vld [tilespmem:s31+$0x220]  }
0x17c: {  	v8 =	vld [tilespmem:s31+$0x8220]  }
0x17d: {  	v9 =	vld [tilespmem:s31+$0x230]  }
0x17e: {  	v10 =	vld [tilespmem:s31+$0x8230]  }
0x17f: {  	v11 =	vld [tilespmem:s31+$0x240]  }
0x180: {  	v12 =	vld [tilespmem:s31+$0x8240]  }
0x181: {  	v13 =	vld [tilespmem:s31+$0x250]  }
0x182: {  	v14 =	vld [tilespmem:s31+$0x8250]  }
0x183: {  	v15 =	vld [tilespmem:s31+$0x260]  }
0x184: {  	v16 =	vld [tilespmem:s31+$0x8260]  }
0x185: {  	v17 =	vld [tilespmem:s31+$0x270]  }
0x186: {  	v18 =	vld [tilespmem:s31+$0x8270]  }
0x187: {  	v19 =	vld [tilespmem:s31+$0x600]  }
0x188: {  	v20 =	vld [tilespmem:s31+$0x8600]  }
0x189: {  	v21 =	vld [tilespmem:s31+$0x610]  }
0x18a: {  	v22 =	vld [tilespmem:s31+$0x8610]  }
0x18b: {  	v23 =	vld [tilespmem:s31+$0x620]  }
0x18c: {  	v24 =	vld [tilespmem:s31+$0x8620]  }
0x18d: {  	v25 =	vld [tilespmem:s31+$0x630]  }
0x18e: {  	v26 =	vld [tilespmem:s31+$0x8630]  }
0x18f: {  	v27 =	vld [tilespmem:s31+$0x640]  }
0x190: {  	v28 =	vld [tilespmem:s31+$0x8640]  }
0x191: {  	v29 =	vld [tilespmem:s31+$0x650]  }
0x192: {  	v30 =	vld [tilespmem:s31+$0x8650]  }
0x193: {  	v31 =	vld [tilespmem:s31+$0x660]  }
0x194: {  	v32 =	vld [tilespmem:s31+$0x8660]  }
0x195: {  	v33 =	vld [tilespmem:s31+$0x670]  }
0x196: {  	v34 =	vld [tilespmem:s31+$0x8670]  }
0x197: {  	v35 =	vld [tilespmem:s31+$0xA00]  }
0x198: {  	v36 =	vld [tilespmem:s31+$0x8A00]  }
0x199: {  	v37 =	vld [tilespmem:s31+$0xA10]  }
0x19a: {  	v38 =	vld [tilespmem:s31+$0x8A10]  }
0x19b: {  	v39 =	vld [tilespmem:s31+$0xA20]  }
0x19c: {  	v40 =	vld [tilespmem:s31+$0x8A20]  }
0x19d: {  	v41 =	vld [tilespmem:s31+$0xA30]  }
0x19e: {  	v42 =	vld [tilespmem:s31+$0x8A30]  }
0x19f: {  	v43 =	vld [tilespmem:s31+$0xA40]  }
0x1a0: {  	v44 =	vld [tilespmem:s31+$0x8A40]  }
0x1a1: {  	v45 =	vld [tilespmem:s31+$0xA50]  }
0x1a2: {  	v46 =	vld [tilespmem:s31+$0x8A50]  }
0x1a3: {  	v47 =	vld [tilespmem:s31+$0xA60]  }
0x1a4: {  	v48 =	vld [tilespmem:s31+$0x8A60]  }
0x1a5: {  	v49 =	vld [tilespmem:s31+$0xA70]  }
0x1a6: {  	v50 =	vld [tilespmem:s31+$0x8A70]  }
0x1a7: {  	v51 =	vld [tilespmem:s31+$0xE00]  }
0x1a8: {  	v52 =	vld [tilespmem:s31+$0x8E00]  }
0x1a9: {  	v53 =	vld [tilespmem:s31+$0xE10]  }
0x1aa: {  	v54 =	vld [tilespmem:s31+$0x8E10]  }
0x1ab: {  	v55 =	vld [tilespmem:s31+$0xE20]  }
0x1ac: {  	v56 =	vld [tilespmem:s31+$0x8E20]  }
0x1ad: {  	v57 =	vld [tilespmem:s31+$0xE30]  }
0x1ae: {  	v58 =	vld [tilespmem:s31+$0x8E30]  }
0x1af: {  	v59 =	vld [tilespmem:s31+$0xE40]  }
0x1b0: {  	v60 =	vld [tilespmem:s31+$0x8E40]  }
0x1b1: {  	v61 =	vld [tilespmem:s31+$0xE50]  }
0x1b2: {  	v62 =	vld [tilespmem:s31+$0x8E50]  }
0x1b3: {  	v63 =	vld [tilespmem:s31+$0xE60]  }
0x1b4: {  	v3 =	vadd.f32 v4, v3;
	v4 =	vld [tilespmem:s31+$0x8E60]  }
0x1b5: {  	v5 =	vadd.f32 v6, v5;
	v6 =	vld [tilespmem:s31+$0xE70]  }
0x1b6: {  	v14 =	vadd.f32 v14, v13;
	v13 =	vld [tilespmem:s31+$0x9220];
	[tilespmem:s31+$0x200] =	vst v3;
	v3 =	vadd.f32 v8, v7  }
0x1b7: {  	v18 =	vadd.f32 v18, v17;
	v17 =	vld [tilespmem:s31+$0x9240];
	[tilespmem:s31+$0x210] =	vst v5  }
0x1b8: {  	v22 =	vadd.f32 v22, v21;
	v21 =	vld [tilespmem:s31+$0x9260];
	[tilespmem:s31+$0x220] =	vst v3;
	v3 =	vadd.f32 v12, v11  }
0x1b9: {  	v7 =	vld [tilespmem:s31+$0x8E70];
	[tilespmem:s31+$0x250] =	vst v14  }
0x1ba: {  	v8 =	vld [tilespmem:s31+$0x1200];
	[tilespmem:s31+$0x240] =	vst v3;
	v3 =	vadd.f32 v16, v15  }
0x1bb: {  	v5 =	vadd.f32 v10, v9;
	v9 =	vld [tilespmem:s31+$0x9200];
	[tilespmem:s31+$0x270] =	vst v18  }
0x1bc: {  	v10 =	vld [tilespmem:s31+$0x1210];
	[tilespmem:s31+$0x260] =	vst v3;
	v3 =	vadd.f32 v20, v19  }
0x1bd: {  	v26 =	vadd.f32 v26, v25;
	v14 =	vld [tilespmem:s31+$0x1230];
	[tilespmem:s31+$0x610] =	vst v22  }
0x1be: {  	v18 =	vld [tilespmem:s31+$0x1250];
	[tilespmem:s31+$0x600] =	vst v3;
	v3 =	vadd.f32 v24, v23  }
0x1bf: {  	v30 =	vadd.f32 v30, v29;
	[tilespmem:s31+$0x630] =	vst v26;
	v22 =	vld [tilespmem:s31+$0x1270]  }
0x1c0: {  	v19 =	vld [tilespmem:s31+$0x9250];
	[tilespmem:s31+$0x620] =	vst v3;
	v3 =	vadd.f32 v28, v27  }
0x1c1: {  	v34 =	vadd.f32 v34, v33;
	[tilespmem:s31+$0x650] =	vst v30;
	v11 =	vld [tilespmem:s31+$0x9210]  }
0x1c2: {  	v12 =	vld [tilespmem:s31+$0x1220];
	[tilespmem:s31+$0x640] =	vst v3;
	v3 =	vadd.f32 v32, v31  }
0x1c3: {  	[tilespmem:s31+$0x670] =	vst v34;
	v15 =	vld [tilespmem:s31+$0x9230]  }
0x1c4: {  	v16 =	vld [tilespmem:s31+$0x1240];
	[tilespmem:s31+$0x660] =	vst v3;
	v3 =	vadd.f32 v36, v35  }
0x1c5: {  	[tilespmem:s31+$0x230] =	vst v5;
	v20 =	vld [tilespmem:s31+$0x1260];
	v19 =	vadd.f32 v19, v18  }
0x1c6: {  	v24 =	vld [tilespmem:s31+$0x1600];
	[tilespmem:s31+$0xA00] =	vst v3;
	v3 =	vadd.f32 v40, v39  }
0x1c7: {  	[tilespmem:s31+$0x1250] =	vst v19;
	v36 =	vadd.f32 v38, v37;
	v37 =	vld [tilespmem:s31+$0x9270]  }
0x1c8: {  	v38 =	vadd.f32 v42, v41;
	v41 =	vld [tilespmem:s31+$0x1610];
	[tilespmem:s31+$0xA20] =	vst v3;
	v3 =	vadd.f32 v44, v43  }
0x1c9: {  	v42 =	vld [tilespmem:s31+$0x9610];
	[tilespmem:s31+$0xA10] =	vst v36  }
0x1ca: {  	v35 =	vld [tilespmem:s31+$0x1A10];
	[tilespmem:s31+$0xA40] =	vst v3;
	v3 =	vadd.f32 v48, v47  }
0x1cb: {  	v39 =	vld [tilespmem:s31+$0x9600];
	[tilespmem:s31+$0xA30] =	vst v38;
	v40 =	vadd.f32 v46, v45  }
0x1cc: {  	v45 =	vld [tilespmem:s31+$0x9620];
	[tilespmem:s31+$0xA60] =	vst v3;
	v3 =	vadd.f32 v52, v51  }
0x1cd: {  	v46 =	vadd.f32 v54, v53;
	v53 =	vld [tilespmem:s31+$0x1650];
	[tilespmem:s31+$0xA50] =	vst v40  }
0x1ce: {  	v54 =	vld [tilespmem:s31+$0x9650];
	[tilespmem:s31+$0xE00] =	vst v3;
	v3 =	vadd.f32 v56, v55  }
0x1cf: {  	v36 =	vld [tilespmem:s31+$0x9A10];
	v43 =	vadd.f32 v50, v49;
	[tilespmem:s31+$0xE10] =	vst v46  }
0x1d0: {  	v38 =	vld [tilespmem:s31+$0x1A20];
	[tilespmem:s31+$0xE20] =	vst v3;
	v3 =	vadd.f32 v60, v59  }
0x1d1: {  	v44 =	vld [tilespmem:s31+$0x1620];
	v49 =	vadd.f32 v58, v57;
	[tilespmem:s31+$0xA70] =	vst v43  }
0x1d2: {  	v50 =	vld [tilespmem:s31+$0x1640];
	[tilespmem:s31+$0xE40] =	vst v3;
	v3 =	vadd.f32 v4, v63  }
0x1d3: {  	v57 =	vld [tilespmem:s31+$0x9660];
	v58 =	vadd.f32 v11, v10;
	[tilespmem:s31+$0xE30] =	vst v49  }
0x1d4: {  	v46 =	vld [tilespmem:s31+$0x9A50];
	[tilespmem:s31+$0xE60] =	vst v3;
	v3 =	vadd.f32 v9, v8  }
0x1d5: {  	v37 =	vadd.f32 v37, v22;
	v40 =	vadd.f32 v42, v41;
	v41 =	vld [tilespmem:s31+$0x1A30];
	[tilespmem:s31+$0x1210] =	vst v58  }
0x1d6: {  	v42 =	vld [tilespmem:s31+$0x9A30];
	[tilespmem:s31+$0x1200] =	vst v3;
	v3 =	vadd.f32 v13, v12  }
0x1d7: {  	v47 =	vld [tilespmem:s31+$0x1630];
	[tilespmem:s31+$0x1270] =	vst v37  }
0x1d8: {  	v48 =	vld [tilespmem:s31+$0x9630];
	[tilespmem:s31+$0x1220] =	vst v3;
	v3 =	vadd.f32 v17, v16  }
0x1d9: {  	v49 =	vld [tilespmem:s31+$0x9A60];
	[tilespmem:s31+$0x1610] =	vst v40;
	v52 =	vadd.f32 v62, v61  }
0x1da: {  	v51 =	vld [tilespmem:s31+$0x9640];
	[tilespmem:s31+$0x1240] =	vst v3;
	v3 =	vadd.f32 v21, v20  }
0x1db: {  	v61 =	vadd.f32 v15, v14;
	v62 =	vld [tilespmem:s31+$0x1A00];
	[tilespmem:s31+$0xE50] =	vst v52  }
0x1dc: {  	v56 =	vld [tilespmem:s31+$0x1660];
	[tilespmem:s31+$0x1260] =	vst v3;
	v3 =	vadd.f32 v39, v24  }
0x1dd: {  	v55 =	vadd.f32 v7, v6;
	[tilespmem:s31+$0x1230] =	vst v61;
	v52 =	vld [tilespmem:s31+$0x9A70]  }
0x1de: {  	v43 =	vadd.f32 v48, v47;
	v47 =	vld [tilespmem:s31+$0x1A60];
	[tilespmem:s31+$0x1600] =	vst v3;
	v3 =	vadd.f32 v45, v44  }
0x1df: {  	[tilespmem:s31+$0xE70] =	vst v55;
	v63 =	vld [tilespmem:s31+$0x9A00]  }
0x1e0: {  	v59 =	vld [tilespmem:s31+$0x1670];
	[tilespmem:s31+$0x1620] =	vst v3;
	v3 =	vadd.f32 v51, v50  }
0x1e1: {  	[tilespmem:s31+$0x1630] =	vst v43;
	v4 =	vadd.f32 v54, v53;
	v39 =	vld [tilespmem:s31+$0x9A20]  }
0x1e2: {  	v60 =	vld [tilespmem:s31+$0x9670];
	[tilespmem:s31+$0x1640] =	vst v3;
	v3 =	vadd.f32 v57, v56  }
0x1e3: {  	v54 =	vadd.f32 v42, v41;
	[tilespmem:s31+$0x1650] =	vst v4;
	v45 =	vld [tilespmem:s31+$0x1A50]  }
0x1e4: {  	v53 =	vld [tilespmem:s31+$0x9A40];
	[tilespmem:s31+$0x1660] =	vst v3;
	v3 =	vadd.f32 v63, v62  }
0x1e5: {  	[tilespmem:s31+$0x1A30] =	vst v54;
	v55 =	vadd.f32 v49, v47;
	v50 =	vld [tilespmem:s31+$0x1A70]  }
0x1e6: {  	v44 =	vld [tilespmem:s31+$0x1A40];
	[tilespmem:s31+$0x1A00] =	vst v3;
	v3 =	vadd.f32 v39, v38  }
0x1e7: {  	v48 =	vadd.f32 v60, v59;
	[tilespmem:s31+$0x1A60] =	vst v55  }
0x1e8: {  	[tilespmem:s31+$0x1A20] =	vst v3;
	v3 =	vadd.f32 v46, v45  }
0x1e9: {  	s1 =	sand.u32 $0x7, s26;
	[tilespmem:s31+$0x1670] =	vst v48;
	v51 =	vadd.f32 v36, v35  }
0x1ea: {  	s0 =	sshll.u32 s1, $0x7;
	[tilespmem:s31+$0x1A50] =	vst v3;
	v3 =	vadd.f32 v52, v50  }
0x1eb: {  	s0 =	sadd.s32 s0, s29;
	[tilespmem:s31+$0x1A10] =	vst v51;
	v56 =	vadd.f32 v53, v44  }
0x1ec: {  	s1 =	sor.u32 $0x1C00, s0;
	[tilespmem:s31+$0x1A70] =	vst v3  }
0x1ed: {  	[tilespmem:s31+$0x1A40] =	vst v56;
	v3 =	vld [tilespmem:s1+$0x200]  }
0x1ee: {  	v4 =	vld [tilespmem:s1+$0x8200];
	_ =	sdelay $0x4  }
0x1ef: {  	v3 =	vadd.f32 v4, v3;
	_ =	sdelay $0x1  }
0x1f0: {  	s31 =	sor.u32 $0x1C10, s0;
	[tilespmem:s1+$0x200] =	vst v3  }
0x1f1: {  	v3 =	vld [tilespmem:s31+$0x200]  }
0x1f2: {  	v57 =	vld [tilespmem:s31+$0x8200];
	_ =	sdelay $0x4  }
0x1f3: {  	v3 =	vadd.f32 v57, v3;
	_ =	sdelay $0x1  }
0x1f4: {  	[tilespmem:s31+$0x200] =	vst v3;
	s31 =	sor.u32 $0x1C20, s0  }
0x1f5: {  	v3 =	vld [tilespmem:s31+$0x200]  }
0x1f6: {  	v58 =	vld [tilespmem:s31+$0x8200];
	_ =	sdelay $0x4  }
0x1f7: {  	v3 =	vadd.f32 v58, v3;
	_ =	sdelay $0x1  }
0x1f8: {  	[tilespmem:s31+$0x200] =	vst v3;
	s31 =	sor.u32 $0x1C30, s0  }
0x1f9: {  	v3 =	vld [tilespmem:s31+$0x200]  }
0x1fa: {  	v59 =	vld [tilespmem:s31+$0x8200];
	_ =	sdelay $0x4  }
0x1fb: {  	v3 =	vadd.f32 v59, v3;
	_ =	sdelay $0x1  }
0x1fc: {  	[tilespmem:s31+$0x200] =	vst v3;
	s31 =	sor.u32 $0x1C40, s0  }
0x1fd: {  	v3 =	vld [tilespmem:s31+$0x200]  }
0x1fe: {  	v60 =	vld [tilespmem:s31+$0x8200];
	_ =	sdelay $0x4  }
0x1ff: {  	v3 =	vadd.f32 v60, v3;
	_ =	sdelay $0x1  }
0x200: {  	[tilespmem:s31+$0x200] =	vst v3;
	s31 =	sor.u32 $0x1C50, s0  }
0x201: {  	v3 =	vld [tilespmem:s31+$0x200]  }
0x202: {  	v61 =	vld [tilespmem:s31+$0x8200];
	_ =	sdelay $0x4  }
0x203: {  	v3 =	vadd.f32 v61, v3;
	_ =	sdelay $0x1  }
0x204: {  	[tilespmem:s31+$0x200] =	vst v3;
	s31 =	sor.u32 $0x1C60, s0  }
0x205: {  	v3 =	vld [tilespmem:s31+$0x200]  }
0x206: {  	v62 =	vld [tilespmem:s31+$0x8200];
	_ =	sdelay $0x4  }
0x207: {  	v3 =	vadd.f32 v62, v3;
	_ =	sdelay $0x1  }
0x208: {  	s0 =	sor.u32 $0x1C70, s0;
	[tilespmem:s31+$0x200] =	vst v3  }
0x209: {  	v3 =	vld [tilespmem:s0+$0x200]  }
0x20a: {  	v63 =	vld [tilespmem:s0+$0x8200];
	_ =	sdelay $0x1  }
0x20b: {  	p0 =	sne.s32 s30, $0xF80  }
.Ltmp1:
0x20c: {  	_ = 	snop;
	(pc) =	sbr.rel @p0 .LBB2_4-.Ltmp1, $4  }
0x20d: {  	_ = 	snop  }
0x20e: {  	v3 =	vadd.f32 v63, v3  }
0x20f: {  	s28 =	sadd.s32 $0x400, s28  }
0x210: {  	s30 =	sadd.s32 $0x80, s30;
	s26 =	sadd.s32 $0x1, s26;
	s29 =	sadd.s32 $0x400, s29;
	[tilespmem:s0+$0x200] =	vst v3  }
0x211: {  	s0 =	rddreg [dreg:$0x5]  }
0x212: {  	[hbm4b:s0+s2] =	stream.linear.scatter [tilespmem:s14], [sflag:$0x3], $0x8000, $0x38;
	[tilespmem:$0x10200] =	vst v63  }
0x213: {  	_ =	swait.ge [sflag:s12], $0x8000  }
0x214: {  	s25 =	sadd.s32 $0x1, s25;
	s31 =	rddreg [dreg:$0x6]  }
0x215: {  	p0 =	sne.s32 s25, s31  }
.Ltmp2:
0x216: {  	_ = 	snop;
	(pc) =	sbr.rel @p0 .LBB2_1-.Ltmp2, $3  }
0x217: {  	_ =	sdelay $0x1  }
0x218: {  	[sflag:s12] =	ssyncset.done $0x0  }
0x219: {  	[sflag:s12] =	ssyncadd.s32 $0xFFFF8000  }
0x21a: {  	_ =	sfence.sel $0x180000  }
0x21b: {  	[bflag:$0x0] =	sbarrier.arrive $0xFFFF  }
0x21c: {  	_ =	strace $0x9000004A  }
0x21d: {  	s0 =	stileid.u32;
	[bflag:$0x2] =	sbarrier.arrive $0xFFFF  }
0x21e: {  	p0 =	sne.s32 s0, $0x0;
	s0 =	rddreg [dreg:$0x2]  }
0x21f: {  	s0 =	sadd.s32 @!p0 $0x100000, s0  }
0x220: {  	[sflag:s0] =	ssyncadd.tile.s32 @!p0 $0x1;
	_ =	shalt  }
.Lfunc_end2:
_tile_overlayer_lowered:
.L_overlay_start_2:
0x221: {  	(tag) =	ssettag $0x2  }
0x222: {  	s0 =	rddreg [dreg:$0x0];
	s2 =	stileid.u32  }
0x223: {  	s1 =	rddreg [dreg:$0x1];
	p0 =	sne.s32 s2, $0x0  }
0x224: {  	s3 =	rddreg [dreg:$0x2];
	[bflag:$0x3] =	sbarrier.arrive $0xFFFF;
	s2 =	simm.s32 @!p0 $0x1C03  }
0x225: {  	[timem:s3], [sflag:s2] =	dma.local @!p0 [hbm:s0], s1  }
0x226: {  	s0 =	simm.s32 @!p0 $0x3  }
0x227: {  	_ =	swait.ge @!p0 [sflag:s0], s1  }
0x228: {  	s1 =	ssub.s32 @!p0 $0x0, s1;
	[sflag:s0] =	ssyncset.done @!p0 $0x0  }
0x229: {  	[sflag:s0] =	ssyncadd.s32 @!p0 s1  }
0x22a: {  	[bflag:$0x3] =	sbarrier.arrive $0xFFFF  }
0x22b: {  	_ =	shalt  }

</sc_bundles>
